<compile_context>
chip_gen: v7x
topology: tpu7x:2x2x1
jax: 0.10.2.dev20260603
libtpu: 0.0.44.dev20260713+nightly
codegen_flags: <defaults>
</compile_context>

<pallas_src>
import functools

import jax
import jax.numpy as jnp
from jax import lax
from jax.experimental import pallas as pl
from jax.experimental.pallas import tpu as pltpu
from jax.experimental.pallas import tpu_sc as plsc

N = 10000
D = 128
F = 16
E = 320000
NC, NS = 2, 16
NW = NC * NS
BK = 128
NB = 80
KG = 8
NG = NB // KG
EPT = NB * BK
EPAD = NW * EPT
NPAD = 10240
RPT = NPAD // NS

_mesh = plsc.VectorSubcoreMesh(core_axis_name="c", subcore_axis_name="s")
_sc_params = pltpu.CompilerParams(use_tc_tiling_on_sc=False)



@functools.partial(
    pl.kernel,
    out_type=jax.ShapeDtypeStruct((NC, NPAD), jnp.float32),
    mesh=_mesh,
    compiler_params=_sc_params,
    scratch_types=[
        pltpu.VMEM_SHARED((NPAD,), jnp.float32),
        pltpu.VMEM((NB, BK), jnp.int32),
        pltpu.VMEM((BK,), jnp.float32),
        pltpu.VMEM((RPT,), jnp.float32),
    ],
)
def _sc_degree(dstg_hbm, out_hbm, accum, dst_v, ones_v, buf_v):
    c = lax.axis_index("c")
    s = lax.axis_index("s")
    tid = c * NS + s
    z16 = jnp.zeros((16,), jnp.float32)
    for j in range(RPT // 16):
        buf_v[pl.ds(j * 16, 16)] = z16
    o16 = jnp.full((16,), 1.0, jnp.float32)
    for j in range(BK // 16):
        ones_v[pl.ds(j * 16, 16)] = o16
    pltpu.sync_copy(buf_v, accum.at[pl.ds(s * RPT, RPT)])
    pltpu.sync_copy(dstg_hbm.at[tid], dst_v)
    plsc.subcore_barrier()

    def step(b, carry):
        pltpu.sync_copy(ones_v, accum.at[dst_v.at[b]], add=True)
        return carry

    lax.fori_loop(0, NB, step, 0)
    plsc.subcore_barrier()
    pltpu.sync_copy(accum.at[pl.ds(s * RPT, RPT)], buf_v)
    pltpu.sync_copy(buf_v, out_hbm.at[c, pl.ds(s * RPT, RPT)])



_AGG_SCRATCH = [
    pltpu.VMEM_SHARED((NPAD, F), jnp.float32),
    pltpu.VMEM_SHARED((NPAD, F), jnp.float32),
    pltpu.VMEM((RPT, F), jnp.float32),
    pltpu.VMEM((2, KG, BK, F), jnp.float32),
    pltpu.VMEM((NB, BK), jnp.int32),
    pltpu.VMEM((NB, BK), jnp.int32),
    pltpu.SemaphoreType.DMA((2,)),
    pltpu.SemaphoreType.DMA((2,)),
]


def _edge_pipeline(u_sp, accum, buf, src_v, dst_v, gsem, ssem):
    for j in range(KG):
        pltpu.async_copy(u_sp.at[src_v.at[j]], buf.at[0, j], gsem.at[0])

    def body(g, carry):
        cur = g % 2
        nxt = (g + 1) % 2

        @pl.when(g >= 1)
        def _():
            for j in range(KG):
                pltpu.make_async_copy(
                    buf.at[nxt, j],
                    accum.at[dst_v.at[(g - 1) * KG + j]],
                    ssem.at[nxt]).wait()

        @pl.when(g + 1 < NG)
        def _():
            for j in range(KG):
                pltpu.async_copy(u_sp.at[src_v.at[(g + 1) * KG + j]],
                                 buf.at[nxt, j], gsem.at[nxt])

        for j in range(KG):
            pltpu.make_async_copy(u_sp.at[src_v.at[g * KG + j]],
                                  buf.at[cur, j], gsem.at[cur]).wait()
        for j in range(KG):
            pltpu.async_copy(buf.at[cur, j], accum.at[dst_v.at[g * KG + j]],
                             ssem.at[cur], add=True)
        return carry

    lax.fori_loop(0, NG, body, 0)
    last = (NG - 1) % 2
    for j in range(KG):
        pltpu.make_async_copy(buf.at[last, j],
                              accum.at[dst_v.at[(NG - 1) * KG + j]],
                              ssem.at[last]).wait()


@functools.partial(
    pl.kernel,
    out_type=(jax.ShapeDtypeStruct((NC, NPAD, F), jnp.float32),
              jax.ShapeDtypeStruct((NPAD, F), jnp.float32)),
    mesh=_mesh,
    compiler_params=_sc_params,
    scratch_types=_AGG_SCRATCH + [
        pltpu.VMEM((RPT, F), jnp.float32),
        pltpu.VMEM((RPT, F), jnp.float32),
    ],
)
def _sc_agg_first(disr_hbm, y_hbm, srcg_hbm, dstg_hbm,
                  out_hbm, u0_hbm,
                  accum, u_sp, row_buf, buf, src_v, dst_v, gsem, ssem,
                  y_buf, disr_buf):
    c = lax.axis_index("c")
    s = lax.axis_index("s")
    tid = c * NS + s
    pltpu.sync_copy(disr_hbm.at[pl.ds(s * RPT, RPT)], disr_buf)
    pltpu.sync_copy(y_hbm.at[pl.ds(s * RPT, RPT)], y_buf)
    pltpu.sync_copy(srcg_hbm.at[tid], src_v)
    pltpu.sync_copy(dstg_hbm.at[tid], dst_v)

    def rows16(r, carry):
        base = r * 16
        for j in range(16):
            row = base + j
            row_buf[row] = disr_buf[row] * y_buf[row]
        return carry

    lax.fori_loop(0, RPT // 16, rows16, 0)
    pltpu.sync_copy(row_buf, accum.at[pl.ds(s * RPT, RPT)])
    pltpu.sync_copy(row_buf, u_sp.at[pl.ds(s * RPT, RPT)])

    @pl.when(c == 0)
    def _():
        pltpu.sync_copy(row_buf, u0_hbm.at[pl.ds(s * RPT, RPT)])

    plsc.subcore_barrier()
    _edge_pipeline(u_sp, accum, buf, src_v, dst_v, gsem, ssem)
    plsc.subcore_barrier()
    pltpu.sync_copy(accum.at[pl.ds(s * RPT, RPT)], row_buf)
    pltpu.sync_copy(row_buf, out_hbm.at[c, pl.ds(s * RPT, RPT)])


@functools.partial(
    pl.kernel,
    out_type=(jax.ShapeDtypeStruct((NC, NPAD, F), jnp.float32),
              jax.ShapeDtypeStruct((NPAD, F), jnp.float32)),
    mesh=_mesh,
    compiler_params=_sc_params,
    scratch_types=_AGG_SCRATCH + [pltpu.VMEM((RPT, F), jnp.float32)] * 3,
)
def _sc_agg_fused(p_hbm, u0_hbm, disr_hbm, srcg_hbm, dstg_hbm,
                  out_hbm, u1_hbm,
                  accum, u_sp, row_buf, buf, src_v, dst_v, gsem, ssem,
                  pa_buf, pb_buf, d_buf):
    c = lax.axis_index("c")
    s = lax.axis_index("s")
    tid = c * NS + s
    pltpu.sync_copy(p_hbm.at[0, pl.ds(s * RPT, RPT)], pa_buf)
    pltpu.sync_copy(p_hbm.at[1, pl.ds(s * RPT, RPT)], pb_buf)
    pltpu.sync_copy(u0_hbm.at[pl.ds(s * RPT, RPT)], row_buf)
    pltpu.sync_copy(disr_hbm.at[pl.ds(s * RPT, RPT)], d_buf)
    pltpu.sync_copy(srcg_hbm.at[tid], src_v)
    pltpu.sync_copy(dstg_hbm.at[tid], dst_v)

    def rows16(r, carry):
        base = r * 16
        for j in range(16):
            row = base + j
            d = d_buf[row]
            row_buf[row] = d * d * (pa_buf[row] + pb_buf[row]
                                    - row_buf[row])
        return carry

    lax.fori_loop(0, RPT // 16, rows16, 0)
    pltpu.sync_copy(row_buf, accum.at[pl.ds(s * RPT, RPT)])
    pltpu.sync_copy(row_buf, u_sp.at[pl.ds(s * RPT, RPT)])

    @pl.when(c == 0)
    def _():
        pltpu.sync_copy(row_buf, u1_hbm.at[pl.ds(s * RPT, RPT)])

    plsc.subcore_barrier()
    _edge_pipeline(u_sp, accum, buf, src_v, dst_v, gsem, ssem)
    plsc.subcore_barrier()
    pltpu.sync_copy(accum.at[pl.ds(s * RPT, RPT)], row_buf)
    pltpu.sync_copy(row_buf, out_hbm.at[c, pl.ds(s * RPT, RPT)])



def _tc_matmul(x, W1, W2):
    def body(x_ref, w1_ref, w2_ref, y_ref):
        w = lax.dot(w1_ref[...], w2_ref[...],
                    preferred_element_type=jnp.float32)
        y_ref[pl.ds(0, N)] = lax.dot(x_ref[...], w,
                                     preferred_element_type=jnp.float32)
        y_ref[pl.ds(N, NPAD - N)] = jnp.zeros((NPAD - N, F), jnp.float32)
    return pl.pallas_call(
        body, out_shape=jax.ShapeDtypeStruct((NPAD, F), jnp.float32),
    )(x, W1, W2)


def _tc_rsqrt(degP):
    def body(deg_ref, dis_ref):
        dis_ref[...] = lax.rsqrt(deg_ref[0] + deg_ref[1] + 1.0)
    return pl.pallas_call(
        body, out_shape=jax.ShapeDtypeStruct((NPAD // BK, BK), jnp.float32),
    )(degP.reshape(NC, NPAD // BK, BK))


def _tc_final(disr, Q, u1):
    def body(disr_ref, q_ref, u_ref, o_ref):
        o_ref[...] = disr_ref[pl.ds(0, N)] * (
            q_ref[0, pl.ds(0, N)] + q_ref[1, pl.ds(0, N)]
            - u_ref[pl.ds(0, N)])
    return pl.pallas_call(
        body, out_shape=jax.ShapeDtypeStruct((N, F), jnp.float32),
    )(disr, Q, u1)



def kernel(x, edge_index, W1, W2):
    src = edge_index[0].astype(jnp.int32)
    dst = edge_index[1].astype(jnp.int32)
    srcg = jnp.full((EPAD,), N, jnp.int32).at[:E].set(src).reshape(NW, NB, BK)
    dstg = jnp.full((EPAD,), N, jnp.int32).at[:E].set(dst).reshape(NW, NB, BK)

    Y = _tc_matmul(x, W1, W2)
    degP = _sc_degree(dstg)
    dis = _tc_rsqrt(degP)
    disr = jnp.broadcast_to(dis.reshape(NPAD, 1), (NPAD, F))
    P, u0 = _sc_agg_first(disr, Y, srcg, dstg)
    Q, u1 = _sc_agg_fused(P, u0, disr, srcg, dstg)
    return _tc_final(disr, Q, u1)

# --- scband reference (transcript-rebuilt; emitter-appended) ---
"""Pipeline reference for scband-net-57810259804201 (READ-ONLY COPY).

The authoritative reference and input builder live on the scoring server;
editing this copy changes nothing except your own understanding.
"""

import jax, jax.numpy as jnp
import numpy as np

N_NODES = 10000
D_FEAT = 128
HIDDEN = 16
NUM_CLASSES = 16
N_EDGES = 320000


def setup_inputs(seed: int = 0) -> dict:
    key = jax.random.key(seed)
    k_x, k_e, k_w1, k_w2 = jax.random.split(key, 4)
    x = jax.random.normal(k_x, (N_NODES, D_FEAT), dtype=jnp.float32)
    edge_index = jax.random.randint(k_e, (2, N_EDGES), 0, N_NODES, dtype=jnp.int64)
    # Glorot-style init like GCNConv (bias=False in both layers)
    W1 = jax.random.normal(k_w1, (D_FEAT, HIDDEN), dtype=jnp.float32) * (1.0 / np.sqrt(D_FEAT))
    W2 = jax.random.normal(k_w2, (HIDDEN, NUM_CLASSES), dtype=jnp.float32) * (1.0 / np.sqrt(HIDDEN))
    return {"x": x, "edge_index": edge_index, "W1": W1, "W2": W2}


def _gcn_norm(edge_index, num_nodes):
    # add self-loops (GCNConv default add_self_loops=True)
    loop = jnp.arange(num_nodes, dtype=edge_index.dtype)
    src = jnp.concatenate([edge_index[0], loop])
    dst = jnp.concatenate([edge_index[1], loop])
    ones = jnp.ones(src.shape[0], dtype=jnp.float32)
    deg = jax.ops.segment_sum(ones, dst, num_segments=num_nodes)
    deg_inv_sqrt = jnp.where(deg > 0, 1.0 / jnp.sqrt(deg), 0.0)
    norm = deg_inv_sqrt[src] * deg_inv_sqrt[dst]
    return src, dst, norm


def _gcn_conv(x, W, src, dst, norm, num_nodes):
    h = x @ W                      # linear transform (no bias)
    msg = h[src] * norm[:, None]   # gather + scale
    out = jax.ops.segment_sum(msg, dst, num_segments=num_nodes)  # scatter-add
    return out


def reference(x, edge_index, W1, W2):
    num_nodes = x.shape[0]
    src, dst, norm = _gcn_norm(edge_index, num_nodes)  # cached=True -> same norm both layers
    h = _gcn_conv(x, W1, src, dst, norm, num_nodes)
    out = _gcn_conv(h, W2, src, dst, norm, num_nodes)
    return out

if __name__ == "__main__":
    import jax
    _d = setup_inputs()
    print(jax.jit(kernel)(*tuple(_d.values())))

</pallas_src>

<mosaic_0001>
#map = affine_map<(d0, d1) -> (0, 0, 0)>
#map1 = affine_map<(d0, d1) -> (0, 0)>
module attributes {stable_mosaic.version = 14 : i64} {
  func.func @_sc_degree(%arg0: i32, %arg1: i32, %arg2: memref<32x80x128xi32, #tpu.memory_space<hbm>>, %arg3: memref<2x10240xf32, #tpu.memory_space<hbm>>, %arg4: memref<10240xf32, #tpu.memory_space<vmem_shared>>, %arg5: memref<80x128xi32, #tpu.memory_space<vmem>>, %arg6: memref<128xf32, #tpu.memory_space<vmem>>, %arg7: memref<640xf32, #tpu.memory_space<vmem>>) attributes {dimension_semantics = [#tpu.dimension_semantics<core_parallel>, #tpu.dimension_semantics<subcore_parallel>], iteration_bounds = array<i64: 2, 16>, scalar_prefetch = 0 : i64, scratch_operands = 4 : i64, tpu.core_type = #tpu.core_type<sc_vector_subcore>, window_params = [{transform_indices = #map}, {transform_indices = #map1}]} {
    %mul3A = arith.constant 16 : i32
    %mul3A_0 = arith.muli %arg0, %mul3A : i32
    %add3A = arith.addi %mul3A_0, %arg1 : i32
    %broadcast_in_dim3A = arith.constant 0.000000e+00 : f32
    %broadcast_in_dim3A_1 = vector.broadcast %broadcast_in_dim3A : f32 to vector<16xf32>
    %swap3A = arith.constant 0 : index
    %swap3A_2 = tpu.vector_load %arg7[%swap3A] {strides = array<i32>} : memref<640xf32, #tpu.memory_space<vmem>>, vector<16xf32>,
    %swap3A_3 = vector.shape_cast %swap3A_2 : vector<16xf32> to vector<16xf32>
    %swap3A_4 = vector.shape_cast %broadcast_in_dim3A_1 : vector<16xf32> to vector<16xf32>
    tpu.vector_store %arg7[%swap3A], %swap3A_4 {strides = array<i32>} : memref<640xf32, #tpu.memory_space<vmem>>, vector<16xf32>,
    %swap3A_5 = arith.constant 16 : index
    %swap3A_6 = tpu.vector_load %arg7[%swap3A_5] {strides = array<i32>} : memref<640xf32, #tpu.memory_space<vmem>>, vector<16xf32>,
    %swap3A_7 = vector.shape_cast %swap3A_6 : vector<16xf32> to vector<16xf32>
    %swap3A_8 = vector.shape_cast %broadcast_in_dim3A_1 : vector<16xf32> to vector<16xf32>
    tpu.vector_store %arg7[%swap3A_5], %swap3A_8 {strides = array<i32>} : memref<640xf32, #tpu.memory_space<vmem>>, vector<16xf32>,
    %swap3A_9 = arith.constant 32 : index
    %swap3A_10 = tpu.vector_load %arg7[%swap3A_9] {strides = array<i32>} : memref<640xf32, #tpu.memory_space<vmem>>, vector<16xf32>,
    %swap3A_11 = vector.shape_cast %swap3A_10 : vector<16xf32> to vector<16xf32>
    %swap3A_12 = vector.shape_cast %broadcast_in_dim3A_1 : vector<16xf32> to vector<16xf32>
    tpu.vector_store %arg7[%swap3A_9], %swap3A_12 {strides = array<i32>} : memref<640xf32, #tpu.memory_space<vmem>>, vector<16xf32>,
    %swap3A_13 = arith.constant 48 : index
    %swap3A_14 = tpu.vector_load %arg7[%swap3A_13] {strides = array<i32>} : memref<640xf32, #tpu.memory_space<vmem>>, vector<16xf32>,
    %swap3A_15 = vector.shape_cast %swap3A_14 : vector<16xf32> to vector<16xf32>
    %swap3A_16 = vector.shape_cast %broadcast_in_dim3A_1 : vector<16xf32> to vector<16xf32>
    tpu.vector_store %arg7[%swap3A_13], %swap3A_16 {strides = array<i32>} : memref<640xf32, #tpu.memory_space<vmem>>, vector<16xf32>,
    %swap3A_17 = arith.constant 64 : index
    %swap3A_18 = tpu.vector_load %arg7[%swap3A_17] {strides = array<i32>} : memref<640xf32, #tpu.memory_space<vmem>>, vector<16xf32>,
    %swap3A_19 = vector.shape_cast %swap3A_18 : vector<16xf32> to vector<16xf32>
    %swap3A_20 = vector.shape_cast %broadcast_in_dim3A_1 : vector<16xf32> to vector<16xf32>
    tpu.vector_store %arg7[%swap3A_17], %swap3A_20 {strides = array<i32>} : memref<640xf32, #tpu.memory_space<vmem>>, vector<16xf32>,
    %swap3A_21 = arith.constant 80 : index
    %swap3A_22 = tpu.vector_load %arg7[%swap3A_21] {strides = array<i32>} : memref<640xf32, #tpu.memory_space<vmem>>, vector<16xf32>,
    %swap3A_23 = vector.shape_cast %swap3A_22 : vector<16xf32> to vector<16xf32>
    %swap3A_24 = vector.shape_cast %broadcast_in_dim3A_1 : vector<16xf32> to vector<16xf32>
    tpu.vector_store %arg7[%swap3A_21], %swap3A_24 {strides = array<i32>} : memref<640xf32, #tpu.memory_space<vmem>>, vector<16xf32>,
    %swap3A_25 = arith.constant 96 : index
    %swap3A_26 = tpu.vector_load %arg7[%swap3A_25] {strides = array<i32>} : memref<640xf32, #tpu.memory_space<vmem>>, vector<16xf32>,
    %swap3A_27 = vector.shape_cast %swap3A_26 : vector<16xf32> to vector<16xf32>
    %swap3A_28 = vector.shape_cast %broadcast_in_dim3A_1 : vector<16xf32> to vector<16xf32>
    tpu.vector_store %arg7[%swap3A_25], %swap3A_28 {strides = array<i32>} : memref<640xf32, #tpu.memory_space<vmem>>, vector<16xf32>,
    %swap3A_29 = arith.constant 112 : index
    %swap3A_30 = tpu.vector_load %arg7[%swap3A_29] {strides = array<i32>} : memref<640xf32, #tpu.memory_space<vmem>>, vector<16xf32>,
    %swap3A_31 = vector.shape_cast %swap3A_30 : vector<16xf32> to vector<16xf32>
    %swap3A_32 = vector.shape_cast %broadcast_in_dim3A_1 : vector<16xf32> to vector<16xf32>
    tpu.vector_store %arg7[%swap3A_29], %swap3A_32 {strides = array<i32>} : memref<640xf32, #tpu.memory_space<vmem>>, vector<16xf32>,
    %swap3A_33 = arith.constant 128 : index
    %swap3A_34 = tpu.vector_load %arg7[%swap3A_33] {strides = array<i32>} : memref<640xf32, #tpu.memory_space<vmem>>, vector<16xf32>,
    %swap3A_35 = vector.shape_cast %swap3A_34 : vector<16xf32> to vector<16xf32>
    %swap3A_36 = vector.shape_cast %broadcast_in_dim3A_1 : vector<16xf32> to vector<16xf32>
    tpu.vector_store %arg7[%swap3A_33], %swap3A_36 {strides = array<i32>} : memref<640xf32, #tpu.memory_space<vmem>>, vector<16xf32>,
    %swap3A_37 = arith.constant 144 : index
    %swap3A_38 = tpu.vector_load %arg7[%swap3A_37] {strides = array<i32>} : memref<640xf32, #tpu.memory_space<vmem>>, vector<16xf32>,
    %swap3A_39 = vector.shape_cast %swap3A_38 : vector<16xf32> to vector<16xf32>
    %swap3A_40 = vector.shape_cast %broadcast_in_dim3A_1 : vector<16xf32> to vector<16xf32>
    tpu.vector_store %arg7[%swap3A_37], %swap3A_40 {strides = array<i32>} : memref<640xf32, #tpu.memory_space<vmem>>, vector<16xf32>,
    %swap3A_41 = arith.constant 160 : index
    %swap3A_42 = tpu.vector_load %arg7[%swap3A_41] {strides = array<i32>} : memref<640xf32, #tpu.memory_space<vmem>>, vector<16xf32>,
    %swap3A_43 = vector.shape_cast %swap3A_42 : vector<16xf32> to vector<16xf32>
    %swap3A_44 = vector.shape_cast %broadcast_in_dim3A_1 : vector<16xf32> to vector<16xf32>
    tpu.vector_store %arg7[%swap3A_41], %swap3A_44 {strides = array<i32>} : memref<640xf32, #tpu.memory_space<vmem>>, vector<16xf32>,
    %swap3A_45 = arith.constant 176 : index
    %swap3A_46 = tpu.vector_load %arg7[%swap3A_45] {strides = array<i32>} : memref<640xf32, #tpu.memory_space<vmem>>, vector<16xf32>,
    %swap3A_47 = vector.shape_cast %swap3A_46 : vector<16xf32> to vector<16xf32>
    %swap3A_48 = vector.shape_cast %broadcast_in_dim3A_1 : vector<16xf32> to vector<16xf32>
    tpu.vector_store %arg7[%swap3A_45], %swap3A_48 {strides = array<i32>} : memref<640xf32, #tpu.memory_space<vmem>>, vector<16xf32>,
    %swap3A_49 = arith.constant 192 : index
    %swap3A_50 = tpu.vector_load %arg7[%swap3A_49] {strides = array<i32>} : memref<640xf32, #tpu.memory_space<vmem>>, vector<16xf32>,
    %swap3A_51 = vector.shape_cast %swap3A_50 : vector<16xf32> to vector<16xf32>
    %swap3A_52 = vector.shape_cast %broadcast_in_dim3A_1 : vector<16xf32> to vector<16xf32>
    tpu.vector_store %arg7[%swap3A_49], %swap3A_52 {strides = array<i32>} : memref<640xf32, #tpu.memory_space<vmem>>, vector<16xf32>,
    %swap3A_53 = arith.constant 208 : index
    %swap3A_54 = tpu.vector_load %arg7[%swap3A_53] {strides = array<i32>} : memref<640xf32, #tpu.memory_space<vmem>>, vector<16xf32>,
    %swap3A_55 = vector.shape_cast %swap3A_54 : vector<16xf32> to vector<16xf32>
    %swap3A_56 = vector.shape_cast %broadcast_in_dim3A_1 : vector<16xf32> to vector<16xf32>
    tpu.vector_store %arg7[%swap3A_53], %swap3A_56 {strides = array<i32>} : memref<640xf32, #tpu.memory_space<vmem>>, vector<16xf32>,
    %swap3A_57 = arith.constant 224 : index
    %swap3A_58 = tpu.vector_load %arg7[%swap3A_57] {strides = array<i32>} : memref<640xf32, #tpu.memory_space<vmem>>, vector<16xf32>,
    %swap3A_59 = vector.shape_cast %swap3A_58 : vector<16xf32> to vector<16xf32>
    %swap3A_60 = vector.shape_cast %broadcast_in_dim3A_1 : vector<16xf32> to vector<16xf32>
    tpu.vector_store %arg7[%swap3A_57], %swap3A_60 {strides = array<i32>} : memref<640xf32, #tpu.memory_space<vmem>>, vector<16xf32>,
    %swap3A_61 = arith.constant 240 : index
    %swap3A_62 = tpu.vector_load %arg7[%swap3A_61] {strides = array<i32>} : memref<640xf32, #tpu.memory_space<vmem>>, vector<16xf32>,
    %swap3A_63 = vector.shape_cast %swap3A_62 : vector<16xf32> to vector<16xf32>
    %swap3A_64 = vector.shape_cast %broadcast_in_dim3A_1 : vector<16xf32> to vector<16xf32>
    tpu.vector_store %arg7[%swap3A_61], %swap3A_64 {strides = array<i32>} : memref<640xf32, #tpu.memory_space<vmem>>, vector<16xf32>,
    %swap3A_65 = arith.constant 256 : index
    %swap3A_66 = tpu.vector_load %arg7[%swap3A_65] {strides = array<i32>} : memref<640xf32, #tpu.memory_space<vmem>>, vector<16xf32>,
    %swap3A_67 = vector.shape_cast %swap3A_66 : vector<16xf32> to vector<16xf32>
    %swap3A_68 = vector.shape_cast %broadcast_in_dim3A_1 : vector<16xf32> to vector<16xf32>
    tpu.vector_store %arg7[%swap3A_65], %swap3A_68 {strides = array<i32>} : memref<640xf32, #tpu.memory_space<vmem>>, vector<16xf32>,
    %swap3A_69 = arith.constant 272 : index
    %swap3A_70 = tpu.vector_load %arg7[%swap3A_69] {strides = array<i32>} : memref<640xf32, #tpu.memory_space<vmem>>, vector<16xf32>,
    %swap3A_71 = vector.shape_cast %swap3A_70 : vector<16xf32> to vector<16xf32>
    %swap3A_72 = vector.shape_cast %broadcast_in_dim3A_1 : vector<16xf32> to vector<16xf32>
    tpu.vector_store %arg7[%swap3A_69], %swap3A_72 {strides = array<i32>} : memref<640xf32, #tpu.memory_space<vmem>>, vector<16xf32>,
    %swap3A_73 = arith.constant 288 : index
    %swap3A_74 = tpu.vector_load %arg7[%swap3A_73] {strides = array<i32>} : memref<640xf32, #tpu.memory_space<vmem>>, vector<16xf32>,
    %swap3A_75 = vector.shape_cast %swap3A_74 : vector<16xf32> to vector<16xf32>
    %swap3A_76 = vector.shape_cast %broadcast_in_dim3A_1 : vector<16xf32> to vector<16xf32>
    tpu.vector_store %arg7[%swap3A_73], %swap3A_76 {strides = array<i32>} : memref<640xf32, #tpu.memory_space<vmem>>, vector<16xf32>,
    %swap3A_77 = arith.constant 304 : index
    %swap3A_78 = tpu.vector_load %arg7[%swap3A_77] {strides = array<i32>} : memref<640xf32, #tpu.memory_space<vmem>>, vector<16xf32>,
    %swap3A_79 = vector.shape_cast %swap3A_78 : vector<16xf32> to vector<16xf32>
    %swap3A_80 = vector.shape_cast %broadcast_in_dim3A_1 : vector<16xf32> to vector<16xf32>
    tpu.vector_store %arg7[%swap3A_77], %swap3A_80 {strides = array<i32>} : memref<640xf32, #tpu.memory_space<vmem>>, vector<16xf32>,
    %swap3A_81 = arith.constant 320 : index
    %swap3A_82 = tpu.vector_load %arg7[%swap3A_81] {strides = array<i32>} : memref<640xf32, #tpu.memory_space<vmem>>, vector<16xf32>,
    %swap3A_83 = vector.shape_cast %swap3A_82 : vector<16xf32> to vector<16xf32>
    %swap3A_84 = vector.shape_cast %broadcast_in_dim3A_1 : vector<16xf32> to vector<16xf32>
    tpu.vector_store %arg7[%swap3A_81], %swap3A_84 {strides = array<i32>} : memref<640xf32, #tpu.memory_space<vmem>>, vector<16xf32>,
    %swap3A_85 = arith.constant 336 : index
    %swap3A_86 = tpu.vector_load %arg7[%swap3A_85] {strides = array<i32>} : memref<640xf32, #tpu.memory_space<vmem>>, vector<16xf32>,
    %swap3A_87 = vector.shape_cast %swap3A_86 : vector<16xf32> to vector<16xf32>
    %swap3A_88 = vector.shape_cast %broadcast_in_dim3A_1 : vector<16xf32> to vector<16xf32>
    tpu.vector_store %arg7[%swap3A_85], %swap3A_88 {strides = array<i32>} : memref<640xf32, #tpu.memory_space<vmem>>, vector<16xf32>,
    %swap3A_89 = arith.constant 352 : index
    %swap3A_90 = tpu.vector_load %arg7[%swap3A_89] {strides = array<i32>} : memref<640xf32, #tpu.memory_space<vmem>>, vector<16xf32>,
    %swap3A_91 = vector.shape_cast %swap3A_90 : vector<16xf32> to vector<16xf32>
    %swap3A_92 = vector.shape_cast %broadcast_in_dim3A_1 : vector<16xf32> to vector<16xf32>
    tpu.vector_store %arg7[%swap3A_89], %swap3A_92 {strides = array<i32>} : memref<640xf32, #tpu.memory_space<vmem>>, vector<16xf32>,
    %swap3A_93 = arith.constant 368 : index
    %swap3A_94 = tpu.vector_load %arg7[%swap3A_93] {strides = array<i32>} : memref<640xf32, #tpu.memory_space<vmem>>, vector<16xf32>,
    %swap3A_95 = vector.shape_cast %swap3A_94 : vector<16xf32> to vector<16xf32>
    %swap3A_96 = vector.shape_cast %broadcast_in_dim3A_1 : vector<16xf32> to vector<16xf32>
    tpu.vector_store %arg7[%swap3A_93], %swap3A_96 {strides = array<i32>} : memref<640xf32, #tpu.memory_space<vmem>>, vector<16xf32>,
    %swap3A_97 = arith.constant 384 : index
    %swap3A_98 = tpu.vector_load %arg7[%swap3A_97] {strides = array<i32>} : memref<640xf32, #tpu.memory_space<vmem>>, vector<16xf32>,
    %swap3A_99 = vector.shape_cast %swap3A_98 : vector<16xf32> to vector<16xf32>
    %swap3A_100 = vector.shape_cast %broadcast_in_dim3A_1 : vector<16xf32> to vector<16xf32>
    tpu.vector_store %arg7[%swap3A_97], %swap3A_100 {strides = array<i32>} : memref<640xf32, #tpu.memory_space<vmem>>, vector<16xf32>,
    %swap3A_101 = arith.constant 400 : index
    %swap3A_102 = tpu.vector_load %arg7[%swap3A_101] {strides = array<i32>} : memref<640xf32, #tpu.memory_space<vmem>>, vector<16xf32>,
    %swap3A_103 = vector.shape_cast %swap3A_102 : vector<16xf32> to vector<16xf32>
    %swap3A_104 = vector.shape_cast %broadcast_in_dim3A_1 : vector<16xf32> to vector<16xf32>
    tpu.vector_store %arg7[%swap3A_101], %swap3A_104 {strides = array<i32>} : memref<640xf32, #tpu.memory_space<vmem>>, vector<16xf32>,
    %swap3A_105 = arith.constant 416 : index
    %swap3A_106 = tpu.vector_load %arg7[%swap3A_105] {strides = array<i32>} : memref<640xf32, #tpu.memory_space<vmem>>, vector<16xf32>,
    %swap3A_107 = vector.shape_cast %swap3A_106 : vector<16xf32> to vector<16xf32>
    %swap3A_108 = vector.shape_cast %broadcast_in_dim3A_1 : vector<16xf32> to vector<16xf32>
    tpu.vector_store %arg7[%swap3A_105], %swap3A_108 {strides = array<i32>} : memref<640xf32, #tpu.memory_space<vmem>>, vector<16xf32>,
    %swap3A_109 = arith.constant 432 : index
    %swap3A_110 = tpu.vector_load %arg7[%swap3A_109] {strides = array<i32>} : memref<640xf32, #tpu.memory_space<vmem>>, vector<16xf32>,
    %swap3A_111 = vector.shape_cast %swap3A_110 : vector<16xf32> to vector<16xf32>
    %swap3A_112 = vector.shape_cast %broadcast_in_dim3A_1 : vector<16xf32> to vector<16xf32>
    tpu.vector_store %arg7[%swap3A_109], %swap3A_112 {strides = array<i32>} : memref<640xf32, #tpu.memory_space<vmem>>, vector<16xf32>,
    %swap3A_113 = arith.constant 448 : index
    %swap3A_114 = tpu.vector_load %arg7[%swap3A_113] {strides = array<i32>} : memref<640xf32, #tpu.memory_space<vmem>>, vector<16xf32>,
    %swap3A_115 = vector.shape_cast %swap3A_114 : vector<16xf32> to vector<16xf32>
    %swap3A_116 = vector.shape_cast %broadcast_in_dim3A_1 : vector<16xf32> to vector<16xf32>
    tpu.vector_store %arg7[%swap3A_113], %swap3A_116 {strides = array<i32>} : memref<640xf32, #tpu.memory_space<vmem>>, vector<16xf32>,
    %swap3A_117 = arith.constant 464 : index
    %swap3A_118 = tpu.vector_load %arg7[%swap3A_117] {strides = array<i32>} : memref<640xf32, #tpu.memory_space<vmem>>, vector<16xf32>,
    %swap3A_119 = vector.shape_cast %swap3A_118 : vector<16xf32> to vector<16xf32>
    %swap3A_120 = vector.shape_cast %broadcast_in_dim3A_1 : vector<16xf32> to vector<16xf32>
    tpu.vector_store %arg7[%swap3A_117], %swap3A_120 {strides = array<i32>} : memref<640xf32, #tpu.memory_space<vmem>>, vector<16xf32>,
    %swap3A_121 = arith.constant 480 : index
    %swap3A_122 = tpu.vector_load %arg7[%swap3A_121] {strides = array<i32>} : memref<640xf32, #tpu.memory_space<vmem>>, vector<16xf32>,
    %swap3A_123 = vector.shape_cast %swap3A_122 : vector<16xf32> to vector<16xf32>
    %swap3A_124 = vector.shape_cast %broadcast_in_dim3A_1 : vector<16xf32> to vector<16xf32>
    tpu.vector_store %arg7[%swap3A_121], %swap3A_124 {strides = array<i32>} : memref<640xf32, #tpu.memory_space<vmem>>, vector<16xf32>,
    %swap3A_125 = arith.constant 496 : index
    %swap3A_126 = tpu.vector_load %arg7[%swap3A_125] {strides = array<i32>} : memref<640xf32, #tpu.memory_space<vmem>>, vector<16xf32>,
    %swap3A_127 = vector.shape_cast %swap3A_126 : vector<16xf32> to vector<16xf32>
    %swap3A_128 = vector.shape_cast %broadcast_in_dim3A_1 : vector<16xf32> to vector<16xf32>
    tpu.vector_store %arg7[%swap3A_125], %swap3A_128 {strides = array<i32>} : memref<640xf32, #tpu.memory_space<vmem>>, vector<16xf32>,
    %swap3A_129 = arith.constant 512 : index
    %swap3A_130 = tpu.vector_load %arg7[%swap3A_129] {strides = array<i32>} : memref<640xf32, #tpu.memory_space<vmem>>, vector<16xf32>,
    %swap3A_131 = vector.shape_cast %swap3A_130 : vector<16xf32> to vector<16xf32>
    %swap3A_132 = vector.shape_cast %broadcast_in_dim3A_1 : vector<16xf32> to vector<16xf32>
    tpu.vector_store %arg7[%swap3A_129], %swap3A_132 {strides = array<i32>} : memref<640xf32, #tpu.memory_space<vmem>>, vector<16xf32>,
    %swap3A_133 = arith.constant 528 : index
    %swap3A_134 = tpu.vector_load %arg7[%swap3A_133] {strides = array<i32>} : memref<640xf32, #tpu.memory_space<vmem>>, vector<16xf32>,
    %swap3A_135 = vector.shape_cast %swap3A_134 : vector<16xf32> to vector<16xf32>
    %swap3A_136 = vector.shape_cast %broadcast_in_dim3A_1 : vector<16xf32> to vector<16xf32>
    tpu.vector_store %arg7[%swap3A_133], %swap3A_136 {strides = array<i32>} : memref<640xf32, #tpu.memory_space<vmem>>, vector<16xf32>,
    %swap3A_137 = arith.constant 544 : index
    %swap3A_138 = tpu.vector_load %arg7[%swap3A_137] {strides = array<i32>} : memref<640xf32, #tpu.memory_space<vmem>>, vector<16xf32>,
    %swap3A_139 = vector.shape_cast %swap3A_138 : vector<16xf32> to vector<16xf32>
    %swap3A_140 = vector.shape_cast %broadcast_in_dim3A_1 : vector<16xf32> to vector<16xf32>
    tpu.vector_store %arg7[%swap3A_137], %swap3A_140 {strides = array<i32>} : memref<640xf32, #tpu.memory_space<vmem>>, vector<16xf32>,
    %swap3A_141 = arith.constant 560 : index
    %swap3A_142 = tpu.vector_load %arg7[%swap3A_141] {strides = array<i32>} : memref<640xf32, #tpu.memory_space<vmem>>, vector<16xf32>,
    %swap3A_143 = vector.shape_cast %swap3A_142 : vector<16xf32> to vector<16xf32>
    %swap3A_144 = vector.shape_cast %broadcast_in_dim3A_1 : vector<16xf32> to vector<16xf32>
    tpu.vector_store %arg7[%swap3A_141], %swap3A_144 {strides = array<i32>} : memref<640xf32, #tpu.memory_space<vmem>>, vector<16xf32>,
    %swap3A_145 = arith.constant 576 : index
    %swap3A_146 = tpu.vector_load %arg7[%swap3A_145] {strides = array<i32>} : memref<640xf32, #tpu.memory_space<vmem>>, vector<16xf32>,
    %swap3A_147 = vector.shape_cast %swap3A_146 : vector<16xf32> to vector<16xf32>
    %swap3A_148 = vector.shape_cast %broadcast_in_dim3A_1 : vector<16xf32> to vector<16xf32>
    tpu.vector_store %arg7[%swap3A_145], %swap3A_148 {strides = array<i32>} : memref<640xf32, #tpu.memory_space<vmem>>, vector<16xf32>,
    %swap3A_149 = arith.constant 592 : index
    %swap3A_150 = tpu.vector_load %arg7[%swap3A_149] {strides = array<i32>} : memref<640xf32, #tpu.memory_space<vmem>>, vector<16xf32>,
    %swap3A_151 = vector.shape_cast %swap3A_150 : vector<16xf32> to vector<16xf32>
    %swap3A_152 = vector.shape_cast %broadcast_in_dim3A_1 : vector<16xf32> to vector<16xf32>
    tpu.vector_store %arg7[%swap3A_149], %swap3A_152 {strides = array<i32>} : memref<640xf32, #tpu.memory_space<vmem>>, vector<16xf32>,
    %swap3A_153 = arith.constant 608 : index
    %swap3A_154 = tpu.vector_load %arg7[%swap3A_153] {strides = array<i32>} : memref<640xf32, #tpu.memory_space<vmem>>, vector<16xf32>,
    %swap3A_155 = vector.shape_cast %swap3A_154 : vector<16xf32> to vector<16xf32>
    %swap3A_156 = vector.shape_cast %broadcast_in_dim3A_1 : vector<16xf32> to vector<16xf32>
    tpu.vector_store %arg7[%swap3A_153], %swap3A_156 {strides = array<i32>} : memref<640xf32, #tpu.memory_space<vmem>>, vector<16xf32>,
    %swap3A_157 = arith.constant 624 : index
    %swap3A_158 = tpu.vector_load %arg7[%swap3A_157] {strides = array<i32>} : memref<640xf32, #tpu.memory_space<vmem>>, vector<16xf32>,
    %swap3A_159 = vector.shape_cast %swap3A_158 : vector<16xf32> to vector<16xf32>
    %swap3A_160 = vector.shape_cast %broadcast_in_dim3A_1 : vector<16xf32> to vector<16xf32>
    tpu.vector_store %arg7[%swap3A_157], %swap3A_160 {strides = array<i32>} : memref<640xf32, #tpu.memory_space<vmem>>, vector<16xf32>,
    %broadcast_in_dim3A_161 = arith.constant 1.000000e+00 : f32
    %broadcast_in_dim3A_162 = vector.broadcast %broadcast_in_dim3A_161 : f32 to vector<16xf32>
    %swap3A_163 = arith.constant 0 : index
    %swap3A_164 = tpu.vector_load %arg6[%swap3A_163] {strides = array<i32>} : memref<128xf32, #tpu.memory_space<vmem>>, vector<16xf32>,
    %swap3A_165 = vector.shape_cast %swap3A_164 : vector<16xf32> to vector<16xf32>
    %swap3A_166 = vector.shape_cast %broadcast_in_dim3A_162 : vector<16xf32> to vector<16xf32>
    tpu.vector_store %arg6[%swap3A_163], %swap3A_166 {strides = array<i32>} : memref<128xf32, #tpu.memory_space<vmem>>, vector<16xf32>,
    %swap3A_167 = arith.constant 16 : index
    %swap3A_168 = tpu.vector_load %arg6[%swap3A_167] {strides = array<i32>} : memref<128xf32, #tpu.memory_space<vmem>>, vector<16xf32>,
    %swap3A_169 = vector.shape_cast %swap3A_168 : vector<16xf32> to vector<16xf32>
    %swap3A_170 = vector.shape_cast %broadcast_in_dim3A_162 : vector<16xf32> to vector<16xf32>
    tpu.vector_store %arg6[%swap3A_167], %swap3A_170 {strides = array<i32>} : memref<128xf32, #tpu.memory_space<vmem>>, vector<16xf32>,
    %swap3A_171 = arith.constant 32 : index
    %swap3A_172 = tpu.vector_load %arg6[%swap3A_171] {strides = array<i32>} : memref<128xf32, #tpu.memory_space<vmem>>, vector<16xf32>,
    %swap3A_173 = vector.shape_cast %swap3A_172 : vector<16xf32> to vector<16xf32>
    %swap3A_174 = vector.shape_cast %broadcast_in_dim3A_162 : vector<16xf32> to vector<16xf32>
    tpu.vector_store %arg6[%swap3A_171], %swap3A_174 {strides = array<i32>} : memref<128xf32, #tpu.memory_space<vmem>>, vector<16xf32>,
    %swap3A_175 = arith.constant 48 : index
    %swap3A_176 = tpu.vector_load %arg6[%swap3A_175] {strides = array<i32>} : memref<128xf32, #tpu.memory_space<vmem>>, vector<16xf32>,
    %swap3A_177 = vector.shape_cast %swap3A_176 : vector<16xf32> to vector<16xf32>
    %swap3A_178 = vector.shape_cast %broadcast_in_dim3A_162 : vector<16xf32> to vector<16xf32>
    tpu.vector_store %arg6[%swap3A_175], %swap3A_178 {strides = array<i32>} : memref<128xf32, #tpu.memory_space<vmem>>, vector<16xf32>,
    %swap3A_179 = arith.constant 64 : index
    %swap3A_180 = tpu.vector_load %arg6[%swap3A_179] {strides = array<i32>} : memref<128xf32, #tpu.memory_space<vmem>>, vector<16xf32>,
    %swap3A_181 = vector.shape_cast %swap3A_180 : vector<16xf32> to vector<16xf32>
    %swap3A_182 = vector.shape_cast %broadcast_in_dim3A_162 : vector<16xf32> to vector<16xf32>
    tpu.vector_store %arg6[%swap3A_179], %swap3A_182 {strides = array<i32>} : memref<128xf32, #tpu.memory_space<vmem>>, vector<16xf32>,
    %swap3A_183 = arith.constant 80 : index
    %swap3A_184 = tpu.vector_load %arg6[%swap3A_183] {strides = array<i32>} : memref<128xf32, #tpu.memory_space<vmem>>, vector<16xf32>,
    %swap3A_185 = vector.shape_cast %swap3A_184 : vector<16xf32> to vector<16xf32>
    %swap3A_186 = vector.shape_cast %broadcast_in_dim3A_162 : vector<16xf32> to vector<16xf32>
    tpu.vector_store %arg6[%swap3A_183], %swap3A_186 {strides = array<i32>} : memref<128xf32, #tpu.memory_space<vmem>>, vector<16xf32>,
    %swap3A_187 = arith.constant 96 : index
    %swap3A_188 = tpu.vector_load %arg6[%swap3A_187] {strides = array<i32>} : memref<128xf32, #tpu.memory_space<vmem>>, vector<16xf32>,
    %swap3A_189 = vector.shape_cast %swap3A_188 : vector<16xf32> to vector<16xf32>
    %swap3A_190 = vector.shape_cast %broadcast_in_dim3A_162 : vector<16xf32> to vector<16xf32>
    tpu.vector_store %arg6[%swap3A_187], %swap3A_190 {strides = array<i32>} : memref<128xf32, #tpu.memory_space<vmem>>, vector<16xf32>,
    %swap3A_191 = arith.constant 112 : index
    %swap3A_192 = tpu.vector_load %arg6[%swap3A_191] {strides = array<i32>} : memref<128xf32, #tpu.memory_space<vmem>>, vector<16xf32>,
    %swap3A_193 = vector.shape_cast %swap3A_192 : vector<16xf32> to vector<16xf32>
    %swap3A_194 = vector.shape_cast %broadcast_in_dim3A_162 : vector<16xf32> to vector<16xf32>
    tpu.vector_store %arg6[%swap3A_191], %swap3A_194 {strides = array<i32>} : memref<128xf32, #tpu.memory_space<vmem>>, vector<16xf32>,
    %mul3A_195 = arith.constant 640 : i32
    %mul3A_196 = arith.muli %arg1, %mul3A_195 : i32
    "tpu.region"() ({
      %run_scoped3A = tpu.sem_alloc : memref<!tpu.dma_semaphore, #tpu.memory_space<semaphore_mem>>
      %dma_start3A = tpu.memref_slice %arg4[%mul3A_196] : memref<10240xf32, #tpu.memory_space<vmem_shared>> -> memref<640xf32, #tpu.memory_space<vmem_shared>>
      %dma_start3A_207 = tpu.memref_slice %arg4[%mul3A_196] : memref<10240xf32, #tpu.memory_space<vmem_shared>> -> memref<640xf32, #tpu.memory_space<vmem_shared>>
      tpu.enqueue_dma source(%arg7 : memref<640xf32, #tpu.memory_space<vmem>>) target(%dma_start3A_207 : memref<640xf32, #tpu.memory_space<vmem_shared>>) target_semaphore(%run_scoped3A : memref<!tpu.dma_semaphore, #tpu.memory_space<semaphore_mem>>)
      %dma_wait3A = tpu.memref_slice %arg4[%mul3A_196] : memref<10240xf32, #tpu.memory_space<vmem_shared>> -> memref<640xf32, #tpu.memory_space<vmem_shared>>
      %dma_wait3A_208 = tpu.memref_slice %arg4[%mul3A_196] : memref<10240xf32, #tpu.memory_space<vmem_shared>> -> memref<640xf32, #tpu.memory_space<vmem_shared>>
      tpu.wait_dma2 semaphore(%run_scoped3A : memref<!tpu.dma_semaphore, #tpu.memory_space<semaphore_mem>>) src(%arg7 : memref<640xf32, #tpu.memory_space<vmem>>) dst(%dma_wait3A_208 : memref<640xf32, #tpu.memory_space<vmem_shared>>)
      tpu.yield
    }) : () -> ()
    "tpu.region"() ({
      %run_scoped3A = tpu.sem_alloc : memref<!tpu.dma_semaphore, #tpu.memory_space<semaphore_mem>>
      %dma_start3A = arith.constant 0 : i32
      %dma_start3A_207 = arith.constant 0 : i32
      %dma_start3A_208 = tpu.memref_slice %arg2[%add3A, %dma_start3A, %dma_start3A_207] : memref<32x80x128xi32, #tpu.memory_space<hbm>> -> memref<1x80x128xi32, #tpu.memory_space<hbm>>
      %dma_start3A_209 = tpu.memref_squeeze %dma_start3A_208 : memref<1x80x128xi32, #tpu.memory_space<hbm>> -> memref<80x128xi32, #tpu.memory_space<hbm>>
      %dma_start3A_210 = arith.constant 0 : i32
      %dma_start3A_211 = arith.constant 0 : i32
      %dma_start3A_212 = tpu.memref_slice %arg2[%add3A, %dma_start3A_210, %dma_start3A_211] : memref<32x80x128xi32, #tpu.memory_space<hbm>> -> memref<1x80x128xi32, #tpu.memory_space<hbm>>
      %dma_start3A_213 = tpu.memref_squeeze %dma_start3A_212 : memref<1x80x128xi32, #tpu.memory_space<hbm>> -> memref<80x128xi32, #tpu.memory_space<hbm>>
      tpu.enqueue_dma source(%dma_start3A_213 : memref<80x128xi32, #tpu.memory_space<hbm>>) target(%arg5 : memref<80x128xi32, #tpu.memory_space<vmem>>) target_semaphore(%run_scoped3A : memref<!tpu.dma_semaphore, #tpu.memory_space<semaphore_mem>>)
      %dma_wait3A = arith.constant 0 : i32
      %dma_wait3A_214 = arith.constant 0 : i32
      %dma_wait3A_215 = tpu.memref_slice %arg2[%add3A, %dma_wait3A, %dma_wait3A_214] : memref<32x80x128xi32, #tpu.memory_space<hbm>> -> memref<1x80x128xi32, #tpu.memory_space<hbm>>
      %dma_wait3A_216 = tpu.memref_squeeze %dma_wait3A_215 : memref<1x80x128xi32, #tpu.memory_space<hbm>> -> memref<80x128xi32, #tpu.memory_space<hbm>>
      %dma_wait3A_217 = arith.constant 0 : i32
      %dma_wait3A_218 = arith.constant 0 : i32
      %dma_wait3A_219 = tpu.memref_slice %arg2[%add3A, %dma_wait3A_217, %dma_wait3A_218] : memref<32x80x128xi32, #tpu.memory_space<hbm>> -> memref<1x80x128xi32, #tpu.memory_space<hbm>>
      %dma_wait3A_220 = tpu.memref_squeeze %dma_wait3A_219 : memref<1x80x128xi32, #tpu.memory_space<hbm>> -> memref<80x128xi32, #tpu.memory_space<hbm>>
      tpu.wait_dma2 semaphore(%run_scoped3A : memref<!tpu.dma_semaphore, #tpu.memory_space<semaphore_mem>>) src(%dma_wait3A_220 : memref<80x128xi32, #tpu.memory_space<hbm>>) dst(%arg5 : memref<80x128xi32, #tpu.memory_space<vmem>>)
      tpu.yield
    }) : () -> ()
    %barrier3A = arith.constant 0 : index
    tpu.barrier barrier_id(%barrier3A)
    %scan3A = arith.constant 0 : i32
    %scan3A_197 = arith.constant 0 : i32
    %scan3A_198 = arith.constant 80 : i32
    %scan3A_199 = arith.addi %scan3A_197, %scan3A_198 : i32
    %scan3A_200 = arith.constant 1 : i32
    scf.for %scan3A_207 = %scan3A_197 to %scan3A_199 step %scan3A_200  : i32 {
      "tpu.region"() ({
        %run_scoped3A = tpu.sem_alloc : memref<!tpu.dma_semaphore, #tpu.memory_space<semaphore_mem>>
        %dma_start3A = arith.constant 0 : i32
        %dma_start3A_208 = tpu.memref_slice %arg5[%scan3A_207, %dma_start3A] : memref<80x128xi32, #tpu.memory_space<vmem>> -> memref<1x128xi32, #tpu.memory_space<vmem>>
        %dma_start3A_209 = tpu.memref_squeeze %dma_start3A_208 : memref<1x128xi32, #tpu.memory_space<vmem>> -> memref<128xi32, #tpu.memory_space<vmem>>
        %dma_start3A_210 = arith.constant 0 : i32
        %dma_start3A_211 = tpu.memref_slice %arg4[%dma_start3A_210] : memref<10240xf32, #tpu.memory_space<vmem_shared>> -> memref<10240xf32, #tpu.memory_space<vmem_shared>>
        tpu.enqueue_indirect_dma source(%arg6 : memref<128xf32, #tpu.memory_space<vmem>>) target(%dma_start3A_211 : memref<10240xf32, #tpu.memory_space<vmem_shared>>) offsets(%dma_start3A_209 : memref<128xi32, #tpu.memory_space<vmem>>) semaphore(%run_scoped3A : memref<!tpu.dma_semaphore, #tpu.memory_space<semaphore_mem>>) {add = true}
        %dma_wait3A = arith.constant 0 : i32
        %dma_wait3A_212 = tpu.memref_slice %arg5[%scan3A_207, %dma_wait3A] : memref<80x128xi32, #tpu.memory_space<vmem>> -> memref<1x128xi32, #tpu.memory_space<vmem>>
        %dma_wait3A_213 = tpu.memref_squeeze %dma_wait3A_212 : memref<1x128xi32, #tpu.memory_space<vmem>> -> memref<128xi32, #tpu.memory_space<vmem>>
        %dma_wait3A_214 = arith.constant 0 : i32
        %dma_wait3A_215 = tpu.memref_slice %arg4[%dma_wait3A_214] : memref<10240xf32, #tpu.memory_space<vmem_shared>> -> memref<10240xf32, #tpu.memory_space<vmem_shared>>
        tpu.wait_indirect_dma semaphore(%run_scoped3A : memref<!tpu.dma_semaphore, #tpu.memory_space<semaphore_mem>>) src(%arg6 : memref<128xf32, #tpu.memory_space<vmem>>) dst(%dma_wait3A_215 : memref<10240xf32, #tpu.memory_space<vmem_shared>>)
        tpu.yield
      }) : () -> ()
    }
    %scan3A_201 = arith.constant 80 : i32
    %barrier3A_202 = arith.constant 0 : index
    tpu.barrier barrier_id(%barrier3A_202)
    %mul3A_203 = arith.constant 640 : i32
    %mul3A_204 = arith.muli %arg1, %mul3A_203 : i32
    "tpu.region"() ({
      %run_scoped3A = tpu.sem_alloc : memref<!tpu.dma_semaphore, #tpu.memory_space<semaphore_mem>>
      %dma_start3A = tpu.memref_slice %arg4[%mul3A_204] : memref<10240xf32, #tpu.memory_space<vmem_shared>> -> memref<640xf32, #tpu.memory_space<vmem_shared>>
      %dma_start3A_207 = tpu.memref_slice %arg4[%mul3A_204] : memref<10240xf32, #tpu.memory_space<vmem_shared>> -> memref<640xf32, #tpu.memory_space<vmem_shared>>
      tpu.enqueue_dma source(%dma_start3A_207 : memref<640xf32, #tpu.memory_space<vmem_shared>>) target(%arg7 : memref<640xf32, #tpu.memory_space<vmem>>) target_semaphore(%run_scoped3A : memref<!tpu.dma_semaphore, #tpu.memory_space<semaphore_mem>>)
      %dma_wait3A = tpu.memref_slice %arg4[%mul3A_204] : memref<10240xf32, #tpu.memory_space<vmem_shared>> -> memref<640xf32, #tpu.memory_space<vmem_shared>>
      %dma_wait3A_208 = tpu.memref_slice %arg4[%mul3A_204] : memref<10240xf32, #tpu.memory_space<vmem_shared>> -> memref<640xf32, #tpu.memory_space<vmem_shared>>
      tpu.wait_dma2 semaphore(%run_scoped3A : memref<!tpu.dma_semaphore, #tpu.memory_space<semaphore_mem>>) src(%dma_wait3A_208 : memref<640xf32, #tpu.memory_space<vmem_shared>>) dst(%arg7 : memref<640xf32, #tpu.memory_space<vmem>>)
      tpu.yield
    }) : () -> ()
    %mul3A_205 = arith.constant 640 : i32
    %mul3A_206 = arith.muli %arg1, %mul3A_205 : i32
    "tpu.region"() ({
      %run_scoped3A = tpu.sem_alloc : memref<!tpu.dma_semaphore, #tpu.memory_space<semaphore_mem>>
      %dma_start3A = tpu.memref_slice %arg3[%arg0, %mul3A_206] : memref<2x10240xf32, #tpu.memory_space<hbm>> -> memref<1x640xf32, #tpu.memory_space<hbm>>
      %dma_start3A_207 = tpu.memref_squeeze %dma_start3A : memref<1x640xf32, #tpu.memory_space<hbm>> -> memref<640xf32, #tpu.memory_space<hbm>>
      %dma_start3A_208 = tpu.memref_slice %arg3[%arg0, %mul3A_206] : memref<2x10240xf32, #tpu.memory_space<hbm>> -> memref<1x640xf32, #tpu.memory_space<hbm>>
      %dma_start3A_209 = tpu.memref_squeeze %dma_start3A_208 : memref<1x640xf32, #tpu.memory_space<hbm>> -> memref<640xf32, #tpu.memory_space<hbm>>
      tpu.enqueue_dma source(%arg7 : memref<640xf32, #tpu.memory_space<vmem>>) target(%dma_start3A_209 : memref<640xf32, #tpu.memory_space<hbm>>) target_semaphore(%run_scoped3A : memref<!tpu.dma_semaphore, #tpu.memory_space<semaphore_mem>>)
      %dma_wait3A = tpu.memref_slice %arg3[%arg0, %mul3A_206] : memref<2x10240xf32, #tpu.memory_space<hbm>> -> memref<1x640xf32, #tpu.memory_space<hbm>>
      %dma_wait3A_210 = tpu.memref_squeeze %dma_wait3A : memref<1x640xf32, #tpu.memory_space<hbm>> -> memref<640xf32, #tpu.memory_space<hbm>>
      %dma_wait3A_211 = tpu.memref_slice %arg3[%arg0, %mul3A_206] : memref<2x10240xf32, #tpu.memory_space<hbm>> -> memref<1x640xf32, #tpu.memory_space<hbm>>
      %dma_wait3A_212 = tpu.memref_squeeze %dma_wait3A_211 : memref<1x640xf32, #tpu.memory_space<hbm>> -> memref<640xf32, #tpu.memory_space<hbm>>
      tpu.wait_dma2 semaphore(%run_scoped3A : memref<!tpu.dma_semaphore, #tpu.memory_space<semaphore_mem>>) src(%arg7 : memref<640xf32, #tpu.memory_space<vmem>>) dst(%dma_wait3A_212 : memref<640xf32, #tpu.memory_space<hbm>>)
      tpu.yield
    }) : () -> ()
    return
  }
}

#map = affine_map<(d0, d1) -> (0, 0, 0)>
#map1 = affine_map<(d0, d1) -> (0, 0)>
module attributes {stable_mosaic.version = 14 : i64} {
  func.func @_sc_agg_fused(%arg0: i32, %arg1: i32, %arg2: memref<2x10240x16xf32, #tpu.memory_space<hbm>>, %arg3: memref<10240x16xf32, #tpu.memory_space<hbm>>, %arg4: memref<10240x16xf32, #tpu.memory_space<hbm>>, %arg5: memref<32x80x128xi32, #tpu.memory_space<hbm>>, %arg6: memref<32x80x128xi32, #tpu.memory_space<hbm>>, %arg7: memref<2x10240x16xf32, #tpu.memory_space<hbm>>, %arg8: memref<10240x16xf32, #tpu.memory_space<hbm>>, %arg9: memref<10240x16xf32, #tpu.memory_space<vmem_shared>>, %arg10: memref<10240x16xf32, #tpu.memory_space<vmem_shared>>, %arg11: memref<640x16xf32, #tpu.memory_space<vmem>>, %arg12: memref<2x8x128x16xf32, #tpu.memory_space<vmem>>, %arg13: memref<80x128xi32, #tpu.memory_space<vmem>>, %arg14: memref<80x128xi32, #tpu.memory_space<vmem>>, %arg15: memref<2x!tpu.dma_semaphore, #tpu.memory_space<semaphore_mem>>, %arg16: memref<2x!tpu.dma_semaphore, #tpu.memory_space<semaphore_mem>>, %arg17: memref<640x16xf32, #tpu.memory_space<vmem>>, %arg18: memref<640x16xf32, #tpu.memory_space<vmem>>, %arg19: memref<640x16xf32, #tpu.memory_space<vmem>>) attributes {dimension_semantics = [#tpu.dimension_semantics<core_parallel>, #tpu.dimension_semantics<subcore_parallel>], iteration_bounds = array<i64: 2, 16>, scalar_prefetch = 0 : i64, scratch_operands = 11 : i64, tpu.core_type = #tpu.core_type<sc_vector_subcore>, window_params = [{transform_indices = #map}, {transform_indices = #map1}, {transform_indices = #map1}, {transform_indices = #map}, {transform_indices = #map}, {transform_indices = #map}, {transform_indices = #map1}]} {
    %mul3A = arith.constant 16 : i32
    %mul3A_0 = arith.muli %arg0, %mul3A : i32
    %add3A = arith.addi %mul3A_0, %arg1 : i32
    %mul3A_1 = arith.constant 640 : i32
    %mul3A_2 = arith.muli %arg1, %mul3A_1 : i32
    %run_scoped3A = arith.constant 0 : i32
    "tpu.region"() ({
      %run_scoped3A_286 = tpu.sem_alloc : memref<!tpu.dma_semaphore, #tpu.memory_space<semaphore_mem>>
      %dma_start3A_287 = arith.constant 0 : i32
      %dma_start3A_288 = tpu.memref_slice %arg2[%run_scoped3A, %mul3A_2, %dma_start3A_287] : memref<2x10240x16xf32, #tpu.memory_space<hbm>> -> memref<1x640x16xf32, #tpu.memory_space<hbm>>
      %dma_start3A_289 = tpu.memref_squeeze %dma_start3A_288 : memref<1x640x16xf32, #tpu.memory_space<hbm>> -> memref<640x16xf32, #tpu.memory_space<hbm>>
      %dma_start3A_290 = arith.constant 0 : i32
      %dma_start3A_291 = tpu.memref_slice %arg2[%run_scoped3A, %mul3A_2, %dma_start3A_290] : memref<2x10240x16xf32, #tpu.memory_space<hbm>> -> memref<1x640x16xf32, #tpu.memory_space<hbm>>
      %dma_start3A_292 = tpu.memref_squeeze %dma_start3A_291 : memref<1x640x16xf32, #tpu.memory_space<hbm>> -> memref<640x16xf32, #tpu.memory_space<hbm>>
      tpu.enqueue_dma source(%dma_start3A_292 : memref<640x16xf32, #tpu.memory_space<hbm>>) target(%arg17 : memref<640x16xf32, #tpu.memory_space<vmem>>) target_semaphore(%run_scoped3A_286 : memref<!tpu.dma_semaphore, #tpu.memory_space<semaphore_mem>>)
      %dma_wait3A_293 = arith.constant 0 : i32
      %dma_wait3A_294 = tpu.memref_slice %arg2[%run_scoped3A, %mul3A_2, %dma_wait3A_293] : memref<2x10240x16xf32, #tpu.memory_space<hbm>> -> memref<1x640x16xf32, #tpu.memory_space<hbm>>
      %dma_wait3A_295 = tpu.memref_squeeze %dma_wait3A_294 : memref<1x640x16xf32, #tpu.memory_space<hbm>> -> memref<640x16xf32, #tpu.memory_space<hbm>>
      %dma_wait3A_296 = arith.constant 0 : i32
      %dma_wait3A_297 = tpu.memref_slice %arg2[%run_scoped3A, %mul3A_2, %dma_wait3A_296] : memref<2x10240x16xf32, #tpu.memory_space<hbm>> -> memref<1x640x16xf32, #tpu.memory_space<hbm>>
      %dma_wait3A_298 = tpu.memref_squeeze %dma_wait3A_297 : memref<1x640x16xf32, #tpu.memory_space<hbm>> -> memref<640x16xf32, #tpu.memory_space<hbm>>
      tpu.wait_dma2 semaphore(%run_scoped3A_286 : memref<!tpu.dma_semaphore, #tpu.memory_space<semaphore_mem>>) src(%dma_wait3A_298 : memref<640x16xf32, #tpu.memory_space<hbm>>) dst(%arg17 : memref<640x16xf32, #tpu.memory_space<vmem>>)
      tpu.yield
    }) : () -> ()
    %mul3A_3 = arith.constant 640 : i32
    %mul3A_4 = arith.muli %arg1, %mul3A_3 : i32
    %run_scoped3A_5 = arith.constant 1 : i32
    "tpu.region"() ({
      %run_scoped3A_286 = tpu.sem_alloc : memref<!tpu.dma_semaphore, #tpu.memory_space<semaphore_mem>>
      %dma_start3A_287 = arith.constant 0 : i32
      %dma_start3A_288 = tpu.memref_slice %arg2[%run_scoped3A_5, %mul3A_4, %dma_start3A_287] : memref<2x10240x16xf32, #tpu.memory_space<hbm>> -> memref<1x640x16xf32, #tpu.memory_space<hbm>>
      %dma_start3A_289 = tpu.memref_squeeze %dma_start3A_288 : memref<1x640x16xf32, #tpu.memory_space<hbm>> -> memref<640x16xf32, #tpu.memory_space<hbm>>
      %dma_start3A_290 = arith.constant 0 : i32
      %dma_start3A_291 = tpu.memref_slice %arg2[%run_scoped3A_5, %mul3A_4, %dma_start3A_290] : memref<2x10240x16xf32, #tpu.memory_space<hbm>> -> memref<1x640x16xf32, #tpu.memory_space<hbm>>
      %dma_start3A_292 = tpu.memref_squeeze %dma_start3A_291 : memref<1x640x16xf32, #tpu.memory_space<hbm>> -> memref<640x16xf32, #tpu.memory_space<hbm>>
      tpu.enqueue_dma source(%dma_start3A_292 : memref<640x16xf32, #tpu.memory_space<hbm>>) target(%arg18 : memref<640x16xf32, #tpu.memory_space<vmem>>) target_semaphore(%run_scoped3A_286 : memref<!tpu.dma_semaphore, #tpu.memory_space<semaphore_mem>>)
      %dma_wait3A_293 = arith.constant 0 : i32
      %dma_wait3A_294 = tpu.memref_slice %arg2[%run_scoped3A_5, %mul3A_4, %dma_wait3A_293] : memref<2x10240x16xf32, #tpu.memory_space<hbm>> -> memref<1x640x16xf32, #tpu.memory_space<hbm>>
      %dma_wait3A_295 = tpu.memref_squeeze %dma_wait3A_294 : memref<1x640x16xf32, #tpu.memory_space<hbm>> -> memref<640x16xf32, #tpu.memory_space<hbm>>
      %dma_wait3A_296 = arith.constant 0 : i32
      %dma_wait3A_297 = tpu.memref_slice %arg2[%run_scoped3A_5, %mul3A_4, %dma_wait3A_296] : memref<2x10240x16xf32, #tpu.memory_space<hbm>> -> memref<1x640x16xf32, #tpu.memory_space<hbm>>
      %dma_wait3A_298 = tpu.memref_squeeze %dma_wait3A_297 : memref<1x640x16xf32, #tpu.memory_space<hbm>> -> memref<640x16xf32, #tpu.memory_space<hbm>>
      tpu.wait_dma2 semaphore(%run_scoped3A_286 : memref<!tpu.dma_semaphore, #tpu.memory_space<semaphore_mem>>) src(%dma_wait3A_298 : memref<640x16xf32, #tpu.memory_space<hbm>>) dst(%arg18 : memref<640x16xf32, #tpu.memory_space<vmem>>)
      tpu.yield
    }) : () -> ()
    %mul3A_6 = arith.constant 640 : i32
    %mul3A_7 = arith.muli %arg1, %mul3A_6 : i32
    "tpu.region"() ({
      %run_scoped3A_286 = tpu.sem_alloc : memref<!tpu.dma_semaphore, #tpu.memory_space<semaphore_mem>>
      %dma_start3A_287 = arith.constant 0 : i32
      %dma_start3A_288 = tpu.memref_slice %arg3[%mul3A_7, %dma_start3A_287] : memref<10240x16xf32, #tpu.memory_space<hbm>> -> memref<640x16xf32, #tpu.memory_space<hbm>>
      %dma_start3A_289 = arith.constant 0 : i32
      %dma_start3A_290 = tpu.memref_slice %arg3[%mul3A_7, %dma_start3A_289] : memref<10240x16xf32, #tpu.memory_space<hbm>> -> memref<640x16xf32, #tpu.memory_space<hbm>>
      tpu.enqueue_dma source(%dma_start3A_290 : memref<640x16xf32, #tpu.memory_space<hbm>>) target(%arg11 : memref<640x16xf32, #tpu.memory_space<vmem>>) target_semaphore(%run_scoped3A_286 : memref<!tpu.dma_semaphore, #tpu.memory_space<semaphore_mem>>)
      %dma_wait3A_291 = arith.constant 0 : i32
      %dma_wait3A_292 = tpu.memref_slice %arg3[%mul3A_7, %dma_wait3A_291] : memref<10240x16xf32, #tpu.memory_space<hbm>> -> memref<640x16xf32, #tpu.memory_space<hbm>>
      %dma_wait3A_293 = arith.constant 0 : i32
      %dma_wait3A_294 = tpu.memref_slice %arg3[%mul3A_7, %dma_wait3A_293] : memref<10240x16xf32, #tpu.memory_space<hbm>> -> memref<640x16xf32, #tpu.memory_space<hbm>>
      tpu.wait_dma2 semaphore(%run_scoped3A_286 : memref<!tpu.dma_semaphore, #tpu.memory_space<semaphore_mem>>) src(%dma_wait3A_294 : memref<640x16xf32, #tpu.memory_space<hbm>>) dst(%arg11 : memref<640x16xf32, #tpu.memory_space<vmem>>)
      tpu.yield
    }) : () -> ()
    %mul3A_8 = arith.constant 640 : i32
    %mul3A_9 = arith.muli %arg1, %mul3A_8 : i32
    "tpu.region"() ({
      %run_scoped3A_286 = tpu.sem_alloc : memref<!tpu.dma_semaphore, #tpu.memory_space<semaphore_mem>>
      %dma_start3A_287 = arith.constant 0 : i32
      %dma_start3A_288 = tpu.memref_slice %arg4[%mul3A_9, %dma_start3A_287] : memref<10240x16xf32, #tpu.memory_space<hbm>> -> memref<640x16xf32, #tpu.memory_space<hbm>>
      %dma_start3A_289 = arith.constant 0 : i32
      %dma_start3A_290 = tpu.memref_slice %arg4[%mul3A_9, %dma_start3A_289] : memref<10240x16xf32, #tpu.memory_space<hbm>> -> memref<640x16xf32, #tpu.memory_space<hbm>>
      tpu.enqueue_dma source(%dma_start3A_290 : memref<640x16xf32, #tpu.memory_space<hbm>>) target(%arg19 : memref<640x16xf32, #tpu.memory_space<vmem>>) target_semaphore(%run_scoped3A_286 : memref<!tpu.dma_semaphore, #tpu.memory_space<semaphore_mem>>)
      %dma_wait3A_291 = arith.constant 0 : i32
      %dma_wait3A_292 = tpu.memref_slice %arg4[%mul3A_9, %dma_wait3A_291] : memref<10240x16xf32, #tpu.memory_space<hbm>> -> memref<640x16xf32, #tpu.memory_space<hbm>>
      %dma_wait3A_293 = arith.constant 0 : i32
      %dma_wait3A_294 = tpu.memref_slice %arg4[%mul3A_9, %dma_wait3A_293] : memref<10240x16xf32, #tpu.memory_space<hbm>> -> memref<640x16xf32, #tpu.memory_space<hbm>>
      tpu.wait_dma2 semaphore(%run_scoped3A_286 : memref<!tpu.dma_semaphore, #tpu.memory_space<semaphore_mem>>) src(%dma_wait3A_294 : memref<640x16xf32, #tpu.memory_space<hbm>>) dst(%arg19 : memref<640x16xf32, #tpu.memory_space<vmem>>)
      tpu.yield
    }) : () -> ()
    "tpu.region"() ({
      %run_scoped3A_286 = tpu.sem_alloc : memref<!tpu.dma_semaphore, #tpu.memory_space<semaphore_mem>>
      %dma_start3A_287 = arith.constant 0 : i32
      %dma_start3A_288 = arith.constant 0 : i32
      %dma_start3A_289 = tpu.memref_slice %arg5[%add3A, %dma_start3A_287, %dma_start3A_288] : memref<32x80x128xi32, #tpu.memory_space<hbm>> -> memref<1x80x128xi32, #tpu.memory_space<hbm>>
      %dma_start3A_290 = tpu.memref_squeeze %dma_start3A_289 : memref<1x80x128xi32, #tpu.memory_space<hbm>> -> memref<80x128xi32, #tpu.memory_space<hbm>>
      %dma_start3A_291 = arith.constant 0 : i32
      %dma_start3A_292 = arith.constant 0 : i32
      %dma_start3A_293 = tpu.memref_slice %arg5[%add3A, %dma_start3A_291, %dma_start3A_292] : memref<32x80x128xi32, #tpu.memory_space<hbm>> -> memref<1x80x128xi32, #tpu.memory_space<hbm>>
      %dma_start3A_294 = tpu.memref_squeeze %dma_start3A_293 : memref<1x80x128xi32, #tpu.memory_space<hbm>> -> memref<80x128xi32, #tpu.memory_space<hbm>>
      tpu.enqueue_dma source(%dma_start3A_294 : memref<80x128xi32, #tpu.memory_space<hbm>>) target(%arg13 : memref<80x128xi32, #tpu.memory_space<vmem>>) target_semaphore(%run_scoped3A_286 : memref<!tpu.dma_semaphore, #tpu.memory_space<semaphore_mem>>)
      %dma_wait3A_295 = arith.constant 0 : i32
      %dma_wait3A_296 = arith.constant 0 : i32
      %dma_wait3A_297 = tpu.memref_slice %arg5[%add3A, %dma_wait3A_295, %dma_wait3A_296] : memref<32x80x128xi32, #tpu.memory_space<hbm>> -> memref<1x80x128xi32, #tpu.memory_space<hbm>>
      %dma_wait3A_298 = tpu.memref_squeeze %dma_wait3A_297 : memref<1x80x128xi32, #tpu.memory_space<hbm>> -> memref<80x128xi32, #tpu.memory_space<hbm>>
      %dma_wait3A_299 = arith.constant 0 : i32
      %dma_wait3A_300 = arith.constant 0 : i32
      %dma_wait3A_301 = tpu.memref_slice %arg5[%add3A, %dma_wait3A_299, %dma_wait3A_300] : memref<32x80x128xi32, #tpu.memory_space<hbm>> -> memref<1x80x128xi32, #tpu.memory_space<hbm>>
      %dma_wait3A_302 = tpu.memref_squeeze %dma_wait3A_301 : memref<1x80x128xi32, #tpu.memory_space<hbm>> -> memref<80x128xi32, #tpu.memory_space<hbm>>
      tpu.wait_dma2 semaphore(%run_scoped3A_286 : memref<!tpu.dma_semaphore, #tpu.memory_space<semaphore_mem>>) src(%dma_wait3A_302 : memref<80x128xi32, #tpu.memory_space<hbm>>) dst(%arg13 : memref<80x128xi32, #tpu.memory_space<vmem>>)
      tpu.yield
    }) : () -> ()
    "tpu.region"() ({
      %run_scoped3A_286 = tpu.sem_alloc : memref<!tpu.dma_semaphore, #tpu.memory_space<semaphore_mem>>
      %dma_start3A_287 = arith.constant 0 : i32
      %dma_start3A_288 = arith.constant 0 : i32
      %dma_start3A_289 = tpu.memref_slice %arg6[%add3A, %dma_start3A_287, %dma_start3A_288] : memref<32x80x128xi32, #tpu.memory_space<hbm>> -> memref<1x80x128xi32, #tpu.memory_space<hbm>>
      %dma_start3A_290 = tpu.memref_squeeze %dma_start3A_289 : memref<1x80x128xi32, #tpu.memory_space<hbm>> -> memref<80x128xi32, #tpu.memory_space<hbm>>
      %dma_start3A_291 = arith.constant 0 : i32
      %dma_start3A_292 = arith.constant 0 : i32
      %dma_start3A_293 = tpu.memref_slice %arg6[%add3A, %dma_start3A_291, %dma_start3A_292] : memref<32x80x128xi32, #tpu.memory_space<hbm>> -> memref<1x80x128xi32, #tpu.memory_space<hbm>>
      %dma_start3A_294 = tpu.memref_squeeze %dma_start3A_293 : memref<1x80x128xi32, #tpu.memory_space<hbm>> -> memref<80x128xi32, #tpu.memory_space<hbm>>
      tpu.enqueue_dma source(%dma_start3A_294 : memref<80x128xi32, #tpu.memory_space<hbm>>) target(%arg14 : memref<80x128xi32, #tpu.memory_space<vmem>>) target_semaphore(%run_scoped3A_286 : memref<!tpu.dma_semaphore, #tpu.memory_space<semaphore_mem>>)
      %dma_wait3A_295 = arith.constant 0 : i32
      %dma_wait3A_296 = arith.constant 0 : i32
      %dma_wait3A_297 = tpu.memref_slice %arg6[%add3A, %dma_wait3A_295, %dma_wait3A_296] : memref<32x80x128xi32, #tpu.memory_space<hbm>> -> memref<1x80x128xi32, #tpu.memory_space<hbm>>
      %dma_wait3A_298 = tpu.memref_squeeze %dma_wait3A_297 : memref<1x80x128xi32, #tpu.memory_space<hbm>> -> memref<80x128xi32, #tpu.memory_space<hbm>>
      %dma_wait3A_299 = arith.constant 0 : i32
      %dma_wait3A_300 = arith.constant 0 : i32
      %dma_wait3A_301 = tpu.memref_slice %arg6[%add3A, %dma_wait3A_299, %dma_wait3A_300] : memref<32x80x128xi32, #tpu.memory_space<hbm>> -> memref<1x80x128xi32, #tpu.memory_space<hbm>>
      %dma_wait3A_302 = tpu.memref_squeeze %dma_wait3A_301 : memref<1x80x128xi32, #tpu.memory_space<hbm>> -> memref<80x128xi32, #tpu.memory_space<hbm>>
      tpu.wait_dma2 semaphore(%run_scoped3A_286 : memref<!tpu.dma_semaphore, #tpu.memory_space<semaphore_mem>>) src(%dma_wait3A_302 : memref<80x128xi32, #tpu.memory_space<hbm>>) dst(%arg14 : memref<80x128xi32, #tpu.memory_space<vmem>>)
      tpu.yield
    }) : () -> ()
    %scan3A = arith.constant 0 : i32
    %scan3A_10 = arith.constant 0 : i32
    %scan3A_11 = arith.constant 40 : i32
    %scan3A_12 = arith.addi %scan3A_10, %scan3A_11 : i32
    %scan3A_13 = arith.constant 1 : i32
    scf.for %scan3A_286 = %scan3A_10 to %scan3A_12 step %scan3A_13  : i32 {
      %mul3A_287 = arith.constant 16 : i32
      %mul3A_288 = arith.muli %scan3A_286, %mul3A_287 : i32
      %add3A_289 = arith.constant 0 : i32
      %add3A_290 = arith.addi %mul3A_288, %add3A_289 : i32
      %get3A = arith.index_cast %add3A_290 : i32 to index
      %get3A_291 = arith.constant 0 : index
      %get3A_292 = tpu.vector_load %arg19[%get3A, %get3A_291] {strides = array<i32>} : memref<640x16xf32, #tpu.memory_space<vmem>>, vector<1x16xf32>,
      %get3A_293 = vector.shape_cast %get3A_292 : vector<1x16xf32> to vector<16xf32>
      %mul3A_294 = arith.mulf %get3A_293, %get3A_293 : vector<16xf32>
      %get3A_295 = arith.index_cast %add3A_290 : i32 to index
      %get3A_296 = arith.constant 0 : index
      %get3A_297 = tpu.vector_load %arg17[%get3A_295, %get3A_296] {strides = array<i32>} : memref<640x16xf32, #tpu.memory_space<vmem>>, vector<1x16xf32>,
      %get3A_298 = vector.shape_cast %get3A_297 : vector<1x16xf32> to vector<16xf32>
      %get3A_299 = arith.index_cast %add3A_290 : i32 to index
      %get3A_300 = arith.constant 0 : index
      %get3A_301 = tpu.vector_load %arg18[%get3A_299, %get3A_300] {strides = array<i32>} : memref<640x16xf32, #tpu.memory_space<vmem>>, vector<1x16xf32>,
      %get3A_302 = vector.shape_cast %get3A_301 : vector<1x16xf32> to vector<16xf32>
      %add3A_303 = arith.addf %get3A_298, %get3A_302 : vector<16xf32>
      %get3A_304 = arith.index_cast %add3A_290 : i32 to index
      %get3A_305 = arith.constant 0 : index
      %get3A_306 = tpu.vector_load %arg11[%get3A_304, %get3A_305] {strides = array<i32>} : memref<640x16xf32, #tpu.memory_space<vmem>>, vector<1x16xf32>,
      %get3A_307 = vector.shape_cast %get3A_306 : vector<1x16xf32> to vector<16xf32>
      %sub3A = arith.subf %add3A_303, %get3A_307 : vector<16xf32>
      %mul3A_308 = arith.mulf %mul3A_294, %sub3A : vector<16xf32>
      %swap3A = arith.index_cast %add3A_290 : i32 to index
      %swap3A_309 = arith.constant 0 : index
      %swap3A_310 = tpu.vector_load %arg11[%swap3A, %swap3A_309] {strides = array<i32>} : memref<640x16xf32, #tpu.memory_space<vmem>>, vector<1x16xf32>,
      %swap3A_311 = vector.shape_cast %swap3A_310 : vector<1x16xf32> to vector<16xf32>
      %swap3A_312 = vector.shape_cast %mul3A_308 : vector<16xf32> to vector<1x16xf32>
      tpu.vector_store %arg11[%swap3A, %swap3A_309], %swap3A_312 {strides = array<i32>} : memref<640x16xf32, #tpu.memory_space<vmem>>, vector<1x16xf32>,
      %add3A_313 = arith.constant 1 : i32
      %add3A_314 = arith.addi %mul3A_288, %add3A_313 : i32
      %get3A_315 = arith.index_cast %add3A_314 : i32 to index
      %get3A_316 = arith.constant 0 : index
      %get3A_317 = tpu.vector_load %arg19[%get3A_315, %get3A_316] {strides = array<i32>} : memref<640x16xf32, #tpu.memory_space<vmem>>, vector<1x16xf32>,
      %get3A_318 = vector.shape_cast %get3A_317 : vector<1x16xf32> to vector<16xf32>
      %mul3A_319 = arith.mulf %get3A_318, %get3A_318 : vector<16xf32>
      %get3A_320 = arith.index_cast %add3A_314 : i32 to index
      %get3A_321 = arith.constant 0 : index
      %get3A_322 = tpu.vector_load %arg17[%get3A_320, %get3A_321] {strides = array<i32>} : memref<640x16xf32, #tpu.memory_space<vmem>>, vector<1x16xf32>,
      %get3A_323 = vector.shape_cast %get3A_322 : vector<1x16xf32> to vector<16xf32>
      %get3A_324 = arith.index_cast %add3A_314 : i32 to index
      %get3A_325 = arith.constant 0 : index
      %get3A_326 = tpu.vector_load %arg18[%get3A_324, %get3A_325] {strides = array<i32>} : memref<640x16xf32, #tpu.memory_space<vmem>>, vector<1x16xf32>,
      %get3A_327 = vector.shape_cast %get3A_326 : vector<1x16xf32> to vector<16xf32>
      %add3A_328 = arith.addf %get3A_323, %get3A_327 : vector<16xf32>
      %get3A_329 = arith.index_cast %add3A_314 : i32 to index
      %get3A_330 = arith.constant 0 : index
      %get3A_331 = tpu.vector_load %arg11[%get3A_329, %get3A_330] {strides = array<i32>} : memref<640x16xf32, #tpu.memory_space<vmem>>, vector<1x16xf32>,
      %get3A_332 = vector.shape_cast %get3A_331 : vector<1x16xf32> to vector<16xf32>
      %sub3A_333 = arith.subf %add3A_328, %get3A_332 : vector<16xf32>
      %mul3A_334 = arith.mulf %mul3A_319, %sub3A_333 : vector<16xf32>
      %swap3A_335 = arith.index_cast %add3A_314 : i32 to index
      %swap3A_336 = arith.constant 0 : index
      %swap3A_337 = tpu.vector_load %arg11[%swap3A_335, %swap3A_336] {strides = array<i32>} : memref<640x16xf32, #tpu.memory_space<vmem>>, vector<1x16xf32>,
      %swap3A_338 = vector.shape_cast %swap3A_337 : vector<1x16xf32> to vector<16xf32>
      %swap3A_339 = vector.shape_cast %mul3A_334 : vector<16xf32> to vector<1x16xf32>
      tpu.vector_store %arg11[%swap3A_335, %swap3A_336], %swap3A_339 {strides = array<i32>} : memref<640x16xf32, #tpu.memory_space<vmem>>, vector<1x16xf32>,
      %add3A_340 = arith.constant 2 : i32
      %add3A_341 = arith.addi %mul3A_288, %add3A_340 : i32
      %get3A_342 = arith.index_cast %add3A_341 : i32 to index
      %get3A_343 = arith.constant 0 : index
      %get3A_344 = tpu.vector_load %arg19[%get3A_342, %get3A_343] {strides = array<i32>} : memref<640x16xf32, #tpu.memory_space<vmem>>, vector<1x16xf32>,
      %get3A_345 = vector.shape_cast %get3A_344 : vector<1x16xf32> to vector<16xf32>
      %mul3A_346 = arith.mulf %get3A_345, %get3A_345 : vector<16xf32>
      %get3A_347 = arith.index_cast %add3A_341 : i32 to index
      %get3A_348 = arith.constant 0 : index
      %get3A_349 = tpu.vector_load %arg17[%get3A_347, %get3A_348] {strides = array<i32>} : memref<640x16xf32, #tpu.memory_space<vmem>>, vector<1x16xf32>,
      %get3A_350 = vector.shape_cast %get3A_349 : vector<1x16xf32> to vector<16xf32>
      %get3A_351 = arith.index_cast %add3A_341 : i32 to index
      %get3A_352 = arith.constant 0 : index
      %get3A_353 = tpu.vector_load %arg18[%get3A_351, %get3A_352] {strides = array<i32>} : memref<640x16xf32, #tpu.memory_space<vmem>>, vector<1x16xf32>,
      %get3A_354 = vector.shape_cast %get3A_353 : vector<1x16xf32> to vector<16xf32>
      %add3A_355 = arith.addf %get3A_350, %get3A_354 : vector<16xf32>
      %get3A_356 = arith.index_cast %add3A_341 : i32 to index
      %get3A_357 = arith.constant 0 : index
      %get3A_358 = tpu.vector_load %arg11[%get3A_356, %get3A_357] {strides = array<i32>} : memref<640x16xf32, #tpu.memory_space<vmem>>, vector<1x16xf32>,
      %get3A_359 = vector.shape_cast %get3A_358 : vector<1x16xf32> to vector<16xf32>
      %sub3A_360 = arith.subf %add3A_355, %get3A_359 : vector<16xf32>
      %mul3A_361 = arith.mulf %mul3A_346, %sub3A_360 : vector<16xf32>
      %swap3A_362 = arith.index_cast %add3A_341 : i32 to index
      %swap3A_363 = arith.constant 0 : index
      %swap3A_364 = tpu.vector_load %arg11[%swap3A_362, %swap3A_363] {strides = array<i32>} : memref<640x16xf32, #tpu.memory_space<vmem>>, vector<1x16xf32>,
      %swap3A_365 = vector.shape_cast %swap3A_364 : vector<1x16xf32> to vector<16xf32>
      %swap3A_366 = vector.shape_cast %mul3A_361 : vector<16xf32> to vector<1x16xf32>
      tpu.vector_store %arg11[%swap3A_362, %swap3A_363], %swap3A_366 {strides = array<i32>} : memref<640x16xf32, #tpu.memory_space<vmem>>, vector<1x16xf32>,
      %add3A_367 = arith.constant 3 : i32
      %add3A_368 = arith.addi %mul3A_288, %add3A_367 : i32
      %get3A_369 = arith.index_cast %add3A_368 : i32 to index
      %get3A_370 = arith.constant 0 : index
      %get3A_371 = tpu.vector_load %arg19[%get3A_369, %get3A_370] {strides = array<i32>} : memref<640x16xf32, #tpu.memory_space<vmem>>, vector<1x16xf32>,
      %get3A_372 = vector.shape_cast %get3A_371 : vector<1x16xf32> to vector<16xf32>
      %mul3A_373 = arith.mulf %get3A_372, %get3A_372 : vector<16xf32>
      %get3A_374 = arith.index_cast %add3A_368 : i32 to index
      %get3A_375 = arith.constant 0 : index
      %get3A_376 = tpu.vector_load %arg17[%get3A_374, %get3A_375] {strides = array<i32>} : memref<640x16xf32, #tpu.memory_space<vmem>>, vector<1x16xf32>,
      %get3A_377 = vector.shape_cast %get3A_376 : vector<1x16xf32> to vector<16xf32>
      %get3A_378 = arith.index_cast %add3A_368 : i32 to index
      %get3A_379 = arith.constant 0 : index
      %get3A_380 = tpu.vector_load %arg18[%get3A_378, %get3A_379] {strides = array<i32>} : memref<640x16xf32, #tpu.memory_space<vmem>>, vector<1x16xf32>,
      %get3A_381 = vector.shape_cast %get3A_380 : vector<1x16xf32> to vector<16xf32>
      %add3A_382 = arith.addf %get3A_377, %get3A_381 : vector<16xf32>
      %get3A_383 = arith.index_cast %add3A_368 : i32 to index
      %get3A_384 = arith.constant 0 : index
      %get3A_385 = tpu.vector_load %arg11[%get3A_383, %get3A_384] {strides = array<i32>} : memref<640x16xf32, #tpu.memory_space<vmem>>, vector<1x16xf32>,
      %get3A_386 = vector.shape_cast %get3A_385 : vector<1x16xf32> to vector<16xf32>
      %sub3A_387 = arith.subf %add3A_382, %get3A_386 : vector<16xf32>
      %mul3A_388 = arith.mulf %mul3A_373, %sub3A_387 : vector<16xf32>
      %swap3A_389 = arith.index_cast %add3A_368 : i32 to index
      %swap3A_390 = arith.constant 0 : index
      %swap3A_391 = tpu.vector_load %arg11[%swap3A_389, %swap3A_390] {strides = array<i32>} : memref<640x16xf32, #tpu.memory_space<vmem>>, vector<1x16xf32>,
      %swap3A_392 = vector.shape_cast %swap3A_391 : vector<1x16xf32> to vector<16xf32>
      %swap3A_393 = vector.shape_cast %mul3A_388 : vector<16xf32> to vector<1x16xf32>
      tpu.vector_store %arg11[%swap3A_389, %swap3A_390], %swap3A_393 {strides = array<i32>} : memref<640x16xf32, #tpu.memory_space<vmem>>, vector<1x16xf32>,
      %add3A_394 = arith.constant 4 : i32
      %add3A_395 = arith.addi %mul3A_288, %add3A_394 : i32
      %get3A_396 = arith.index_cast %add3A_395 : i32 to index
      %get3A_397 = arith.constant 0 : index
      %get3A_398 = tpu.vector_load %arg19[%get3A_396, %get3A_397] {strides = array<i32>} : memref<640x16xf32, #tpu.memory_space<vmem>>, vector<1x16xf32>,
      %get3A_399 = vector.shape_cast %get3A_398 : vector<1x16xf32> to vector<16xf32>
      %mul3A_400 = arith.mulf %get3A_399, %get3A_399 : vector<16xf32>
      %get3A_401 = arith.index_cast %add3A_395 : i32 to index
      %get3A_402 = arith.constant 0 : index
      %get3A_403 = tpu.vector_load %arg17[%get3A_401, %get3A_402] {strides = array<i32>} : memref<640x16xf32, #tpu.memory_space<vmem>>, vector<1x16xf32>,
      %get3A_404 = vector.shape_cast %get3A_403 : vector<1x16xf32> to vector<16xf32>
      %get3A_405 = arith.index_cast %add3A_395 : i32 to index
      %get3A_406 = arith.constant 0 : index
      %get3A_407 = tpu.vector_load %arg18[%get3A_405, %get3A_406] {strides = array<i32>} : memref<640x16xf32, #tpu.memory_space<vmem>>, vector<1x16xf32>,
      %get3A_408 = vector.shape_cast %get3A_407 : vector<1x16xf32> to vector<16xf32>
      %add3A_409 = arith.addf %get3A_404, %get3A_408 : vector<16xf32>
      %get3A_410 = arith.index_cast %add3A_395 : i32 to index
      %get3A_411 = arith.constant 0 : index
      %get3A_412 = tpu.vector_load %arg11[%get3A_410, %get3A_411] {strides = array<i32>} : memref<640x16xf32, #tpu.memory_space<vmem>>, vector<1x16xf32>,
      %get3A_413 = vector.shape_cast %get3A_412 : vector<1x16xf32> to vector<16xf32>
      %sub3A_414 = arith.subf %add3A_409, %get3A_413 : vector<16xf32>
      %mul3A_415 = arith.mulf %mul3A_400, %sub3A_414 : vector<16xf32>
      %swap3A_416 = arith.index_cast %add3A_395 : i32 to index
      %swap3A_417 = arith.constant 0 : index
      %swap3A_418 = tpu.vector_load %arg11[%swap3A_416, %swap3A_417] {strides = array<i32>} : memref<640x16xf32, #tpu.memory_space<vmem>>, vector<1x16xf32>,
      %swap3A_419 = vector.shape_cast %swap3A_418 : vector<1x16xf32> to vector<16xf32>
      %swap3A_420 = vector.shape_cast %mul3A_415 : vector<16xf32> to vector<1x16xf32>
      tpu.vector_store %arg11[%swap3A_416, %swap3A_417], %swap3A_420 {strides = array<i32>} : memref<640x16xf32, #tpu.memory_space<vmem>>, vector<1x16xf32>,
      %add3A_421 = arith.constant 5 : i32
      %add3A_422 = arith.addi %mul3A_288, %add3A_421 : i32
      %get3A_423 = arith.index_cast %add3A_422 : i32 to index
      %get3A_424 = arith.constant 0 : index
      %get3A_425 = tpu.vector_load %arg19[%get3A_423, %get3A_424] {strides = array<i32>} : memref<640x16xf32, #tpu.memory_space<vmem>>, vector<1x16xf32>,
      %get3A_426 = vector.shape_cast %get3A_425 : vector<1x16xf32> to vector<16xf32>
      %mul3A_427 = arith.mulf %get3A_426, %get3A_426 : vector<16xf32>
      %get3A_428 = arith.index_cast %add3A_422 : i32 to index
      %get3A_429 = arith.constant 0 : index
      %get3A_430 = tpu.vector_load %arg17[%get3A_428, %get3A_429] {strides = array<i32>} : memref<640x16xf32, #tpu.memory_space<vmem>>, vector<1x16xf32>,
      %get3A_431 = vector.shape_cast %get3A_430 : vector<1x16xf32> to vector<16xf32>
      %get3A_432 = arith.index_cast %add3A_422 : i32 to index
      %get3A_433 = arith.constant 0 : index
      %get3A_434 = tpu.vector_load %arg18[%get3A_432, %get3A_433] {strides = array<i32>} : memref<640x16xf32, #tpu.memory_space<vmem>>, vector<1x16xf32>,
      %get3A_435 = vector.shape_cast %get3A_434 : vector<1x16xf32> to vector<16xf32>
      %add3A_436 = arith.addf %get3A_431, %get3A_435 : vector<16xf32>
      %get3A_437 = arith.index_cast %add3A_422 : i32 to index
      %get3A_438 = arith.constant 0 : index
      %get3A_439 = tpu.vector_load %arg11[%get3A_437, %get3A_438] {strides = array<i32>} : memref<640x16xf32, #tpu.memory_space<vmem>>, vector<1x16xf32>,
      %get3A_440 = vector.shape_cast %get3A_439 : vector<1x16xf32> to vector<16xf32>
      %sub3A_441 = arith.subf %add3A_436, %get3A_440 : vector<16xf32>
      %mul3A_442 = arith.mulf %mul3A_427, %sub3A_441 : vector<16xf32>
      %swap3A_443 = arith.index_cast %add3A_422 : i32 to index
      %swap3A_444 = arith.constant 0 : index
      %swap3A_445 = tpu.vector_load %arg11[%swap3A_443, %swap3A_444] {strides = array<i32>} : memref<640x16xf32, #tpu.memory_space<vmem>>, vector<1x16xf32>,
      %swap3A_446 = vector.shape_cast %swap3A_445 : vector<1x16xf32> to vector<16xf32>
      %swap3A_447 = vector.shape_cast %mul3A_442 : vector<16xf32> to vector<1x16xf32>
      tpu.vector_store %arg11[%swap3A_443, %swap3A_444], %swap3A_447 {strides = array<i32>} : memref<640x16xf32, #tpu.memory_space<vmem>>, vector<1x16xf32>,
      %add3A_448 = arith.constant 6 : i32
      %add3A_449 = arith.addi %mul3A_288, %add3A_448 : i32
      %get3A_450 = arith.index_cast %add3A_449 : i32 to index
      %get3A_451 = arith.constant 0 : index
      %get3A_452 = tpu.vector_load %arg19[%get3A_450, %get3A_451] {strides = array<i32>} : memref<640x16xf32, #tpu.memory_space<vmem>>, vector<1x16xf32>,
      %get3A_453 = vector.shape_cast %get3A_452 : vector<1x16xf32> to vector<16xf32>
      %mul3A_454 = arith.mulf %get3A_453, %get3A_453 : vector<16xf32>
      %get3A_455 = arith.index_cast %add3A_449 : i32 to index
      %get3A_456 = arith.constant 0 : index
      %get3A_457 = tpu.vector_load %arg17[%get3A_455, %get3A_456] {strides = array<i32>} : memref<640x16xf32, #tpu.memory_space<vmem>>, vector<1x16xf32>,
      %get3A_458 = vector.shape_cast %get3A_457 : vector<1x16xf32> to vector<16xf32>
      %get3A_459 = arith.index_cast %add3A_449 : i32 to index
      %get3A_460 = arith.constant 0 : index
      %get3A_461 = tpu.vector_load %arg18[%get3A_459, %get3A_460] {strides = array<i32>} : memref<640x16xf32, #tpu.memory_space<vmem>>, vector<1x16xf32>,
      %get3A_462 = vector.shape_cast %get3A_461 : vector<1x16xf32> to vector<16xf32>
      %add3A_463 = arith.addf %get3A_458, %get3A_462 : vector<16xf32>
      %get3A_464 = arith.index_cast %add3A_449 : i32 to index
      %get3A_465 = arith.constant 0 : index
      %get3A_466 = tpu.vector_load %arg11[%get3A_464, %get3A_465] {strides = array<i32>} : memref<640x16xf32, #tpu.memory_space<vmem>>, vector<1x16xf32>,
      %get3A_467 = vector.shape_cast %get3A_466 : vector<1x16xf32> to vector<16xf32>
      %sub3A_468 = arith.subf %add3A_463, %get3A_467 : vector<16xf32>
      %mul3A_469 = arith.mulf %mul3A_454, %sub3A_468 : vector<16xf32>
      %swap3A_470 = arith.index_cast %add3A_449 : i32 to index
      %swap3A_471 = arith.constant 0 : index
      %swap3A_472 = tpu.vector_load %arg11[%swap3A_470, %swap3A_471] {strides = array<i32>} : memref<640x16xf32, #tpu.memory_space<vmem>>, vector<1x16xf32>,
      %swap3A_473 = vector.shape_cast %swap3A_472 : vector<1x16xf32> to vector<16xf32>
      %swap3A_474 = vector.shape_cast %mul3A_469 : vector<16xf32> to vector<1x16xf32>
      tpu.vector_store %arg11[%swap3A_470, %swap3A_471], %swap3A_474 {strides = array<i32>} : memref<640x16xf32, #tpu.memory_space<vmem>>, vector<1x16xf32>,
      %add3A_475 = arith.constant 7 : i32
      %add3A_476 = arith.addi %mul3A_288, %add3A_475 : i32
      %get3A_477 = arith.index_cast %add3A_476 : i32 to index
      %get3A_478 = arith.constant 0 : index
      %get3A_479 = tpu.vector_load %arg19[%get3A_477, %get3A_478] {strides = array<i32>} : memref<640x16xf32, #tpu.memory_space<vmem>>, vector<1x16xf32>,
      %get3A_480 = vector.shape_cast %get3A_479 : vector<1x16xf32> to vector<16xf32>
      %mul3A_481 = arith.mulf %get3A_480, %get3A_480 : vector<16xf32>
      %get3A_482 = arith.index_cast %add3A_476 : i32 to index
      %get3A_483 = arith.constant 0 : index
      %get3A_484 = tpu.vector_load %arg17[%get3A_482, %get3A_483] {strides = array<i32>} : memref<640x16xf32, #tpu.memory_space<vmem>>, vector<1x16xf32>,
      %get3A_485 = vector.shape_cast %get3A_484 : vector<1x16xf32> to vector<16xf32>
      %get3A_486 = arith.index_cast %add3A_476 : i32 to index
      %get3A_487 = arith.constant 0 : index
      %get3A_488 = tpu.vector_load %arg18[%get3A_486, %get3A_487] {strides = array<i32>} : memref<640x16xf32, #tpu.memory_space<vmem>>, vector<1x16xf32>,
      %get3A_489 = vector.shape_cast %get3A_488 : vector<1x16xf32> to vector<16xf32>
      %add3A_490 = arith.addf %get3A_485, %get3A_489 : vector<16xf32>
      %get3A_491 = arith.index_cast %add3A_476 : i32 to index
      %get3A_492 = arith.constant 0 : index
      %get3A_493 = tpu.vector_load %arg11[%get3A_491, %get3A_492] {strides = array<i32>} : memref<640x16xf32, #tpu.memory_space<vmem>>, vector<1x16xf32>,
      %get3A_494 = vector.shape_cast %get3A_493 : vector<1x16xf32> to vector<16xf32>
      %sub3A_495 = arith.subf %add3A_490, %get3A_494 : vector<16xf32>
      %mul3A_496 = arith.mulf %mul3A_481, %sub3A_495 : vector<16xf32>
      %swap3A_497 = arith.index_cast %add3A_476 : i32 to index
      %swap3A_498 = arith.constant 0 : index
      %swap3A_499 = tpu.vector_load %arg11[%swap3A_497, %swap3A_498] {strides = array<i32>} : memref<640x16xf32, #tpu.memory_space<vmem>>, vector<1x16xf32>,
      %swap3A_500 = vector.shape_cast %swap3A_499 : vector<1x16xf32> to vector<16xf32>
      %swap3A_501 = vector.shape_cast %mul3A_496 : vector<16xf32> to vector<1x16xf32>
      tpu.vector_store %arg11[%swap3A_497, %swap3A_498], %swap3A_501 {strides = array<i32>} : memref<640x16xf32, #tpu.memory_space<vmem>>, vector<1x16xf32>,
      %add3A_502 = arith.constant 8 : i32
      %add3A_503 = arith.addi %mul3A_288, %add3A_502 : i32
      %get3A_504 = arith.index_cast %add3A_503 : i32 to index
      %get3A_505 = arith.constant 0 : index
      %get3A_506 = tpu.vector_load %arg19[%get3A_504, %get3A_505] {strides = array<i32>} : memref<640x16xf32, #tpu.memory_space<vmem>>, vector<1x16xf32>,
      %get3A_507 = vector.shape_cast %get3A_506 : vector<1x16xf32> to vector<16xf32>
      %mul3A_508 = arith.mulf %get3A_507, %get3A_507 : vector<16xf32>
      %get3A_509 = arith.index_cast %add3A_503 : i32 to index
      %get3A_510 = arith.constant 0 : index
      %get3A_511 = tpu.vector_load %arg17[%get3A_509, %get3A_510] {strides = array<i32>} : memref<640x16xf32, #tpu.memory_space<vmem>>, vector<1x16xf32>,
      %get3A_512 = vector.shape_cast %get3A_511 : vector<1x16xf32> to vector<16xf32>
      %get3A_513 = arith.index_cast %add3A_503 : i32 to index
      %get3A_514 = arith.constant 0 : index
      %get3A_515 = tpu.vector_load %arg18[%get3A_513, %get3A_514] {strides = array<i32>} : memref<640x16xf32, #tpu.memory_space<vmem>>, vector<1x16xf32>,
      %get3A_516 = vector.shape_cast %get3A_515 : vector<1x16xf32> to vector<16xf32>
      %add3A_517 = arith.addf %get3A_512, %get3A_516 : vector<16xf32>
      %get3A_518 = arith.index_cast %add3A_503 : i32 to index
      %get3A_519 = arith.constant 0 : index
      %get3A_520 = tpu.vector_load %arg11[%get3A_518, %get3A_519] {strides = array<i32>} : memref<640x16xf32, #tpu.memory_space<vmem>>, vector<1x16xf32>,
      %get3A_521 = vector.shape_cast %get3A_520 : vector<1x16xf32> to vector<16xf32>
      %sub3A_522 = arith.subf %add3A_517, %get3A_521 : vector<16xf32>
      %mul3A_523 = arith.mulf %mul3A_508, %sub3A_522 : vector<16xf32>
      %swap3A_524 = arith.index_cast %add3A_503 : i32 to index
      %swap3A_525 = arith.constant 0 : index
      %swap3A_526 = tpu.vector_load %arg11[%swap3A_524, %swap3A_525] {strides = array<i32>} : memref<640x16xf32, #tpu.memory_space<vmem>>, vector<1x16xf32>,
      %swap3A_527 = vector.shape_cast %swap3A_526 : vector<1x16xf32> to vector<16xf32>
      %swap3A_528 = vector.shape_cast %mul3A_523 : vector<16xf32> to vector<1x16xf32>
      tpu.vector_store %arg11[%swap3A_524, %swap3A_525], %swap3A_528 {strides = array<i32>} : memref<640x16xf32, #tpu.memory_space<vmem>>, vector<1x16xf32>,
      %add3A_529 = arith.constant 9 : i32
      %add3A_530 = arith.addi %mul3A_288, %add3A_529 : i32
      %get3A_531 = arith.index_cast %add3A_530 : i32 to index
      %get3A_532 = arith.constant 0 : index
      %get3A_533 = tpu.vector_load %arg19[%get3A_531, %get3A_532] {strides = array<i32>} : memref<640x16xf32, #tpu.memory_space<vmem>>, vector<1x16xf32>,
      %get3A_534 = vector.shape_cast %get3A_533 : vector<1x16xf32> to vector<16xf32>
      %mul3A_535 = arith.mulf %get3A_534, %get3A_534 : vector<16xf32>
      %get3A_536 = arith.index_cast %add3A_530 : i32 to index
      %get3A_537 = arith.constant 0 : index
      %get3A_538 = tpu.vector_load %arg17[%get3A_536, %get3A_537] {strides = array<i32>} : memref<640x16xf32, #tpu.memory_space<vmem>>, vector<1x16xf32>,
      %get3A_539 = vector.shape_cast %get3A_538 : vector<1x16xf32> to vector<16xf32>
      %get3A_540 = arith.index_cast %add3A_530 : i32 to index
      %get3A_541 = arith.constant 0 : index
      %get3A_542 = tpu.vector_load %arg18[%get3A_540, %get3A_541] {strides = array<i32>} : memref<640x16xf32, #tpu.memory_space<vmem>>, vector<1x16xf32>,
      %get3A_543 = vector.shape_cast %get3A_542 : vector<1x16xf32> to vector<16xf32>
      %add3A_544 = arith.addf %get3A_539, %get3A_543 : vector<16xf32>
      %get3A_545 = arith.index_cast %add3A_530 : i32 to index
      %get3A_546 = arith.constant 0 : index
      %get3A_547 = tpu.vector_load %arg11[%get3A_545, %get3A_546] {strides = array<i32>} : memref<640x16xf32, #tpu.memory_space<vmem>>, vector<1x16xf32>,
      %get3A_548 = vector.shape_cast %get3A_547 : vector<1x16xf32> to vector<16xf32>
      %sub3A_549 = arith.subf %add3A_544, %get3A_548 : vector<16xf32>
      %mul3A_550 = arith.mulf %mul3A_535, %sub3A_549 : vector<16xf32>
      %swap3A_551 = arith.index_cast %add3A_530 : i32 to index
      %swap3A_552 = arith.constant 0 : index
      %swap3A_553 = tpu.vector_load %arg11[%swap3A_551, %swap3A_552] {strides = array<i32>} : memref<640x16xf32, #tpu.memory_space<vmem>>, vector<1x16xf32>,
      %swap3A_554 = vector.shape_cast %swap3A_553 : vector<1x16xf32> to vector<16xf32>
      %swap3A_555 = vector.shape_cast %mul3A_550 : vector<16xf32> to vector<1x16xf32>
      tpu.vector_store %arg11[%swap3A_551, %swap3A_552], %swap3A_555 {strides = array<i32>} : memref<640x16xf32, #tpu.memory_space<vmem>>, vector<1x16xf32>,
      %add3A_556 = arith.constant 10 : i32
      %add3A_557 = arith.addi %mul3A_288, %add3A_556 : i32
      %get3A_558 = arith.index_cast %add3A_557 : i32 to index
      %get3A_559 = arith.constant 0 : index
      %get3A_560 = tpu.vector_load %arg19[%get3A_558, %get3A_559] {strides = array<i32>} : memref<640x16xf32, #tpu.memory_space<vmem>>, vector<1x16xf32>,
      %get3A_561 = vector.shape_cast %get3A_560 : vector<1x16xf32> to vector<16xf32>
      %mul3A_562 = arith.mulf %get3A_561, %get3A_561 : vector<16xf32>
      %get3A_563 = arith.index_cast %add3A_557 : i32 to index
      %get3A_564 = arith.constant 0 : index
      %get3A_565 = tpu.vector_load %arg17[%get3A_563, %get3A_564] {strides = array<i32>} : memref<640x16xf32, #tpu.memory_space<vmem>>, vector<1x16xf32>,
      %get3A_566 = vector.shape_cast %get3A_565 : vector<1x16xf32> to vector<16xf32>
      %get3A_567 = arith.index_cast %add3A_557 : i32 to index
      %get3A_568 = arith.constant 0 : index
      %get3A_569 = tpu.vector_load %arg18[%get3A_567, %get3A_568] {strides = array<i32>} : memref<640x16xf32, #tpu.memory_space<vmem>>, vector<1x16xf32>,
      %get3A_570 = vector.shape_cast %get3A_569 : vector<1x16xf32> to vector<16xf32>
      %add3A_571 = arith.addf %get3A_566, %get3A_570 : vector<16xf32>
      %get3A_572 = arith.index_cast %add3A_557 : i32 to index
      %get3A_573 = arith.constant 0 : index
      %get3A_574 = tpu.vector_load %arg11[%get3A_572, %get3A_573] {strides = array<i32>} : memref<640x16xf32, #tpu.memory_space<vmem>>, vector<1x16xf32>,
      %get3A_575 = vector.shape_cast %get3A_574 : vector<1x16xf32> to vector<16xf32>
      %sub3A_576 = arith.subf %add3A_571, %get3A_575 : vector<16xf32>
      %mul3A_577 = arith.mulf %mul3A_562, %sub3A_576 : vector<16xf32>
      %swap3A_578 = arith.index_cast %add3A_557 : i32 to index
      %swap3A_579 = arith.constant 0 : index
      %swap3A_580 = tpu.vector_load %arg11[%swap3A_578, %swap3A_579] {strides = array<i32>} : memref<640x16xf32, #tpu.memory_space<vmem>>, vector<1x16xf32>,
      %swap3A_581 = vector.shape_cast %swap3A_580 : vector<1x16xf32> to vector<16xf32>
      %swap3A_582 = vector.shape_cast %mul3A_577 : vector<16xf32> to vector<1x16xf32>
      tpu.vector_store %arg11[%swap3A_578, %swap3A_579], %swap3A_582 {strides = array<i32>} : memref<640x16xf32, #tpu.memory_space<vmem>>, vector<1x16xf32>,
      %add3A_583 = arith.constant 11 : i32
      %add3A_584 = arith.addi %mul3A_288, %add3A_583 : i32
      %get3A_585 = arith.index_cast %add3A_584 : i32 to index
      %get3A_586 = arith.constant 0 : index
      %get3A_587 = tpu.vector_load %arg19[%get3A_585, %get3A_586] {strides = array<i32>} : memref<640x16xf32, #tpu.memory_space<vmem>>, vector<1x16xf32>,
      %get3A_588 = vector.shape_cast %get3A_587 : vector<1x16xf32> to vector<16xf32>
      %mul3A_589 = arith.mulf %get3A_588, %get3A_588 : vector<16xf32>
      %get3A_590 = arith.index_cast %add3A_584 : i32 to index
      %get3A_591 = arith.constant 0 : index
      %get3A_592 = tpu.vector_load %arg17[%get3A_590, %get3A_591] {strides = array<i32>} : memref<640x16xf32, #tpu.memory_space<vmem>>, vector<1x16xf32>,
      %get3A_593 = vector.shape_cast %get3A_592 : vector<1x16xf32> to vector<16xf32>
      %get3A_594 = arith.index_cast %add3A_584 : i32 to index
      %get3A_595 = arith.constant 0 : index
      %get3A_596 = tpu.vector_load %arg18[%get3A_594, %get3A_595] {strides = array<i32>} : memref<640x16xf32, #tpu.memory_space<vmem>>, vector<1x16xf32>,
      %get3A_597 = vector.shape_cast %get3A_596 : vector<1x16xf32> to vector<16xf32>
      %add3A_598 = arith.addf %get3A_593, %get3A_597 : vector<16xf32>
      %get3A_599 = arith.index_cast %add3A_584 : i32 to index
      %get3A_600 = arith.constant 0 : index
      %get3A_601 = tpu.vector_load %arg11[%get3A_599, %get3A_600] {strides = array<i32>} : memref<640x16xf32, #tpu.memory_space<vmem>>, vector<1x16xf32>,
      %get3A_602 = vector.shape_cast %get3A_601 : vector<1x16xf32> to vector<16xf32>
      %sub3A_603 = arith.subf %add3A_598, %get3A_602 : vector<16xf32>
      %mul3A_604 = arith.mulf %mul3A_589, %sub3A_603 : vector<16xf32>
      %swap3A_605 = arith.index_cast %add3A_584 : i32 to index
      %swap3A_606 = arith.constant 0 : index
      %swap3A_607 = tpu.vector_load %arg11[%swap3A_605, %swap3A_606] {strides = array<i32>} : memref<640x16xf32, #tpu.memory_space<vmem>>, vector<1x16xf32>,
      %swap3A_608 = vector.shape_cast %swap3A_607 : vector<1x16xf32> to vector<16xf32>
      %swap3A_609 = vector.shape_cast %mul3A_604 : vector<16xf32> to vector<1x16xf32>
      tpu.vector_store %arg11[%swap3A_605, %swap3A_606], %swap3A_609 {strides = array<i32>} : memref<640x16xf32, #tpu.memory_space<vmem>>, vector<1x16xf32>,
      %add3A_610 = arith.constant 12 : i32
      %add3A_611 = arith.addi %mul3A_288, %add3A_610 : i32
      %get3A_612 = arith.index_cast %add3A_611 : i32 to index
      %get3A_613 = arith.constant 0 : index
      %get3A_614 = tpu.vector_load %arg19[%get3A_612, %get3A_613] {strides = array<i32>} : memref<640x16xf32, #tpu.memory_space<vmem>>, vector<1x16xf32>,
      %get3A_615 = vector.shape_cast %get3A_614 : vector<1x16xf32> to vector<16xf32>
      %mul3A_616 = arith.mulf %get3A_615, %get3A_615 : vector<16xf32>
      %get3A_617 = arith.index_cast %add3A_611 : i32 to index
      %get3A_618 = arith.constant 0 : index
      %get3A_619 = tpu.vector_load %arg17[%get3A_617, %get3A_618] {strides = array<i32>} : memref<640x16xf32, #tpu.memory_space<vmem>>, vector<1x16xf32>,
      %get3A_620 = vector.shape_cast %get3A_619 : vector<1x16xf32> to vector<16xf32>
      %get3A_621 = arith.index_cast %add3A_611 : i32 to index
      %get3A_622 = arith.constant 0 : index
      %get3A_623 = tpu.vector_load %arg18[%get3A_621, %get3A_622] {strides = array<i32>} : memref<640x16xf32, #tpu.memory_space<vmem>>, vector<1x16xf32>,
      %get3A_624 = vector.shape_cast %get3A_623 : vector<1x16xf32> to vector<16xf32>
      %add3A_625 = arith.addf %get3A_620, %get3A_624 : vector<16xf32>
      %get3A_626 = arith.index_cast %add3A_611 : i32 to index
      %get3A_627 = arith.constant 0 : index
      %get3A_628 = tpu.vector_load %arg11[%get3A_626, %get3A_627] {strides = array<i32>} : memref<640x16xf32, #tpu.memory_space<vmem>>, vector<1x16xf32>,
      %get3A_629 = vector.shape_cast %get3A_628 : vector<1x16xf32> to vector<16xf32>
      %sub3A_630 = arith.subf %add3A_625, %get3A_629 : vector<16xf32>
      %mul3A_631 = arith.mulf %mul3A_616, %sub3A_630 : vector<16xf32>
      %swap3A_632 = arith.index_cast %add3A_611 : i32 to index
      %swap3A_633 = arith.constant 0 : index
      %swap3A_634 = tpu.vector_load %arg11[%swap3A_632, %swap3A_633] {strides = array<i32>} : memref<640x16xf32, #tpu.memory_space<vmem>>, vector<1x16xf32>,
      %swap3A_635 = vector.shape_cast %swap3A_634 : vector<1x16xf32> to vector<16xf32>
      %swap3A_636 = vector.shape_cast %mul3A_631 : vector<16xf32> to vector<1x16xf32>
      tpu.vector_store %arg11[%swap3A_632, %swap3A_633], %swap3A_636 {strides = array<i32>} : memref<640x16xf32, #tpu.memory_space<vmem>>, vector<1x16xf32>,
      %add3A_637 = arith.constant 13 : i32
      %add3A_638 = arith.addi %mul3A_288, %add3A_637 : i32
      %get3A_639 = arith.index_cast %add3A_638 : i32 to index
      %get3A_640 = arith.constant 0 : index
      %get3A_641 = tpu.vector_load %arg19[%get3A_639, %get3A_640] {strides = array<i32>} : memref<640x16xf32, #tpu.memory_space<vmem>>, vector<1x16xf32>,
      %get3A_642 = vector.shape_cast %get3A_641 : vector<1x16xf32> to vector<16xf32>
      %mul3A_643 = arith.mulf %get3A_642, %get3A_642 : vector<16xf32>
      %get3A_644 = arith.index_cast %add3A_638 : i32 to index
      %get3A_645 = arith.constant 0 : index
      %get3A_646 = tpu.vector_load %arg17[%get3A_644, %get3A_645] {strides = array<i32>} : memref<640x16xf32, #tpu.memory_space<vmem>>, vector<1x16xf32>,
      %get3A_647 = vector.shape_cast %get3A_646 : vector<1x16xf32> to vector<16xf32>
      %get3A_648 = arith.index_cast %add3A_638 : i32 to index
      %get3A_649 = arith.constant 0 : index
      %get3A_650 = tpu.vector_load %arg18[%get3A_648, %get3A_649] {strides = array<i32>} : memref<640x16xf32, #tpu.memory_space<vmem>>, vector<1x16xf32>,
      %get3A_651 = vector.shape_cast %get3A_650 : vector<1x16xf32> to vector<16xf32>
      %add3A_652 = arith.addf %get3A_647, %get3A_651 : vector<16xf32>
      %get3A_653 = arith.index_cast %add3A_638 : i32 to index
      %get3A_654 = arith.constant 0 : index
      %get3A_655 = tpu.vector_load %arg11[%get3A_653, %get3A_654] {strides = array<i32>} : memref<640x16xf32, #tpu.memory_space<vmem>>, vector<1x16xf32>,
      %get3A_656 = vector.shape_cast %get3A_655 : vector<1x16xf32> to vector<16xf32>
      %sub3A_657 = arith.subf %add3A_652, %get3A_656 : vector<16xf32>
      %mul3A_658 = arith.mulf %mul3A_643, %sub3A_657 : vector<16xf32>
      %swap3A_659 = arith.index_cast %add3A_638 : i32 to index
      %swap3A_660 = arith.constant 0 : index
      %swap3A_661 = tpu.vector_load %arg11[%swap3A_659, %swap3A_660] {strides = array<i32>} : memref<640x16xf32, #tpu.memory_space<vmem>>, vector<1x16xf32>,
      %swap3A_662 = vector.shape_cast %swap3A_661 : vector<1x16xf32> to vector<16xf32>
      %swap3A_663 = vector.shape_cast %mul3A_658 : vector<16xf32> to vector<1x16xf32>
      tpu.vector_store %arg11[%swap3A_659, %swap3A_660], %swap3A_663 {strides = array<i32>} : memref<640x16xf32, #tpu.memory_space<vmem>>, vector<1x16xf32>,
      %add3A_664 = arith.constant 14 : i32
      %add3A_665 = arith.addi %mul3A_288, %add3A_664 : i32
      %get3A_666 = arith.index_cast %add3A_665 : i32 to index
      %get3A_667 = arith.constant 0 : index
      %get3A_668 = tpu.vector_load %arg19[%get3A_666, %get3A_667] {strides = array<i32>} : memref<640x16xf32, #tpu.memory_space<vmem>>, vector<1x16xf32>,
      %get3A_669 = vector.shape_cast %get3A_668 : vector<1x16xf32> to vector<16xf32>
      %mul3A_670 = arith.mulf %get3A_669, %get3A_669 : vector<16xf32>
      %get3A_671 = arith.index_cast %add3A_665 : i32 to index
      %get3A_672 = arith.constant 0 : index
      %get3A_673 = tpu.vector_load %arg17[%get3A_671, %get3A_672] {strides = array<i32>} : memref<640x16xf32, #tpu.memory_space<vmem>>, vector<1x16xf32>,
      %get3A_674 = vector.shape_cast %get3A_673 : vector<1x16xf32> to vector<16xf32>
      %get3A_675 = arith.index_cast %add3A_665 : i32 to index
      %get3A_676 = arith.constant 0 : index
      %get3A_677 = tpu.vector_load %arg18[%get3A_675, %get3A_676] {strides = array<i32>} : memref<640x16xf32, #tpu.memory_space<vmem>>, vector<1x16xf32>,
      %get3A_678 = vector.shape_cast %get3A_677 : vector<1x16xf32> to vector<16xf32>
      %add3A_679 = arith.addf %get3A_674, %get3A_678 : vector<16xf32>
      %get3A_680 = arith.index_cast %add3A_665 : i32 to index
      %get3A_681 = arith.constant 0 : index
      %get3A_682 = tpu.vector_load %arg11[%get3A_680, %get3A_681] {strides = array<i32>} : memref<640x16xf32, #tpu.memory_space<vmem>>, vector<1x16xf32>,
      %get3A_683 = vector.shape_cast %get3A_682 : vector<1x16xf32> to vector<16xf32>
      %sub3A_684 = arith.subf %add3A_679, %get3A_683 : vector<16xf32>
      %mul3A_685 = arith.mulf %mul3A_670, %sub3A_684 : vector<16xf32>
      %swap3A_686 = arith.index_cast %add3A_665 : i32 to index
      %swap3A_687 = arith.constant 0 : index
      %swap3A_688 = tpu.vector_load %arg11[%swap3A_686, %swap3A_687] {strides = array<i32>} : memref<640x16xf32, #tpu.memory_space<vmem>>, vector<1x16xf32>,
      %swap3A_689 = vector.shape_cast %swap3A_688 : vector<1x16xf32> to vector<16xf32>
      %swap3A_690 = vector.shape_cast %mul3A_685 : vector<16xf32> to vector<1x16xf32>
      tpu.vector_store %arg11[%swap3A_686, %swap3A_687], %swap3A_690 {strides = array<i32>} : memref<640x16xf32, #tpu.memory_space<vmem>>, vector<1x16xf32>,
      %add3A_691 = arith.constant 15 : i32
      %add3A_692 = arith.addi %mul3A_288, %add3A_691 : i32
      %get3A_693 = arith.index_cast %add3A_692 : i32 to index
      %get3A_694 = arith.constant 0 : index
      %get3A_695 = tpu.vector_load %arg19[%get3A_693, %get3A_694] {strides = array<i32>} : memref<640x16xf32, #tpu.memory_space<vmem>>, vector<1x16xf32>,
      %get3A_696 = vector.shape_cast %get3A_695 : vector<1x16xf32> to vector<16xf32>
      %mul3A_697 = arith.mulf %get3A_696, %get3A_696 : vector<16xf32>
      %get3A_698 = arith.index_cast %add3A_692 : i32 to index
      %get3A_699 = arith.constant 0 : index
      %get3A_700 = tpu.vector_load %arg17[%get3A_698, %get3A_699] {strides = array<i32>} : memref<640x16xf32, #tpu.memory_space<vmem>>, vector<1x16xf32>,
      %get3A_701 = vector.shape_cast %get3A_700 : vector<1x16xf32> to vector<16xf32>
      %get3A_702 = arith.index_cast %add3A_692 : i32 to index
      %get3A_703 = arith.constant 0 : index
      %get3A_704 = tpu.vector_load %arg18[%get3A_702, %get3A_703] {strides = array<i32>} : memref<640x16xf32, #tpu.memory_space<vmem>>, vector<1x16xf32>,
      %get3A_705 = vector.shape_cast %get3A_704 : vector<1x16xf32> to vector<16xf32>
      %add3A_706 = arith.addf %get3A_701, %get3A_705 : vector<16xf32>
      %get3A_707 = arith.index_cast %add3A_692 : i32 to index
      %get3A_708 = arith.constant 0 : index
      %get3A_709 = tpu.vector_load %arg11[%get3A_707, %get3A_708] {strides = array<i32>} : memref<640x16xf32, #tpu.memory_space<vmem>>, vector<1x16xf32>,
      %get3A_710 = vector.shape_cast %get3A_709 : vector<1x16xf32> to vector<16xf32>
      %sub3A_711 = arith.subf %add3A_706, %get3A_710 : vector<16xf32>
      %mul3A_712 = arith.mulf %mul3A_697, %sub3A_711 : vector<16xf32>
      %swap3A_713 = arith.index_cast %add3A_692 : i32 to index
      %swap3A_714 = arith.constant 0 : index
      %swap3A_715 = tpu.vector_load %arg11[%swap3A_713, %swap3A_714] {strides = array<i32>} : memref<640x16xf32, #tpu.memory_space<vmem>>, vector<1x16xf32>,
      %swap3A_716 = vector.shape_cast %swap3A_715 : vector<1x16xf32> to vector<16xf32>
      %swap3A_717 = vector.shape_cast %mul3A_712 : vector<16xf32> to vector<1x16xf32>
      tpu.vector_store %arg11[%swap3A_713, %swap3A_714], %swap3A_717 {strides = array<i32>} : memref<640x16xf32, #tpu.memory_space<vmem>>, vector<1x16xf32>,
    }
    %scan3A_14 = arith.constant 40 : i32
    %mul3A_15 = arith.constant 640 : i32
    %mul3A_16 = arith.muli %arg1, %mul3A_15 : i32
    "tpu.region"() ({
      %run_scoped3A_286 = tpu.sem_alloc : memref<!tpu.dma_semaphore, #tpu.memory_space<semaphore_mem>>
      %dma_start3A_287 = arith.constant 0 : i32
      %dma_start3A_288 = tpu.memref_slice %arg9[%mul3A_16, %dma_start3A_287] : memref<10240x16xf32, #tpu.memory_space<vmem_shared>> -> memref<640x16xf32, #tpu.memory_space<vmem_shared>>
      %dma_start3A_289 = arith.constant 0 : i32
      %dma_start3A_290 = tpu.memref_slice %arg9[%mul3A_16, %dma_start3A_289] : memref<10240x16xf32, #tpu.memory_space<vmem_shared>> -> memref<640x16xf32, #tpu.memory_space<vmem_shared>>
      tpu.enqueue_dma source(%arg11 : memref<640x16xf32, #tpu.memory_space<vmem>>) target(%dma_start3A_290 : memref<640x16xf32, #tpu.memory_space<vmem_shared>>) target_semaphore(%run_scoped3A_286 : memref<!tpu.dma_semaphore, #tpu.memory_space<semaphore_mem>>)
      %dma_wait3A_291 = arith.constant 0 : i32
      %dma_wait3A_292 = tpu.memref_slice %arg9[%mul3A_16, %dma_wait3A_291] : memref<10240x16xf32, #tpu.memory_space<vmem_shared>> -> memref<640x16xf32, #tpu.memory_space<vmem_shared>>
      %dma_wait3A_293 = arith.constant 0 : i32
      %dma_wait3A_294 = tpu.memref_slice %arg9[%mul3A_16, %dma_wait3A_293] : memref<10240x16xf32, #tpu.memory_space<vmem_shared>> -> memref<640x16xf32, #tpu.memory_space<vmem_shared>>
      tpu.wait_dma2 semaphore(%run_scoped3A_286 : memref<!tpu.dma_semaphore, #tpu.memory_space<semaphore_mem>>) src(%arg11 : memref<640x16xf32, #tpu.memory_space<vmem>>) dst(%dma_wait3A_294 : memref<640x16xf32, #tpu.memory_space<vmem_shared>>)
      tpu.yield
    }) : () -> ()
    %mul3A_17 = arith.constant 640 : i32
    %mul3A_18 = arith.muli %arg1, %mul3A_17 : i32
    "tpu.region"() ({
      %run_scoped3A_286 = tpu.sem_alloc : memref<!tpu.dma_semaphore, #tpu.memory_space<semaphore_mem>>
      %dma_start3A_287 = arith.constant 0 : i32
      %dma_start3A_288 = tpu.memref_slice %arg10[%mul3A_18, %dma_start3A_287] : memref<10240x16xf32, #tpu.memory_space<vmem_shared>> -> memref<640x16xf32, #tpu.memory_space<vmem_shared>>
      %dma_start3A_289 = arith.constant 0 : i32
      %dma_start3A_290 = tpu.memref_slice %arg10[%mul3A_18, %dma_start3A_289] : memref<10240x16xf32, #tpu.memory_space<vmem_shared>> -> memref<640x16xf32, #tpu.memory_space<vmem_shared>>
      tpu.enqueue_dma source(%arg11 : memref<640x16xf32, #tpu.memory_space<vmem>>) target(%dma_start3A_290 : memref<640x16xf32, #tpu.memory_space<vmem_shared>>) target_semaphore(%run_scoped3A_286 : memref<!tpu.dma_semaphore, #tpu.memory_space<semaphore_mem>>)
      %dma_wait3A_291 = arith.constant 0 : i32
      %dma_wait3A_292 = tpu.memref_slice %arg10[%mul3A_18, %dma_wait3A_291] : memref<10240x16xf32, #tpu.memory_space<vmem_shared>> -> memref<640x16xf32, #tpu.memory_space<vmem_shared>>
      %dma_wait3A_293 = arith.constant 0 : i32
      %dma_wait3A_294 = tpu.memref_slice %arg10[%mul3A_18, %dma_wait3A_293] : memref<10240x16xf32, #tpu.memory_space<vmem_shared>> -> memref<640x16xf32, #tpu.memory_space<vmem_shared>>
      tpu.wait_dma2 semaphore(%run_scoped3A_286 : memref<!tpu.dma_semaphore, #tpu.memory_space<semaphore_mem>>) src(%arg11 : memref<640x16xf32, #tpu.memory_space<vmem>>) dst(%dma_wait3A_294 : memref<640x16xf32, #tpu.memory_space<vmem_shared>>)
      tpu.yield
    }) : () -> ()
    %eq3A = arith.constant 0 : i32
    %eq3A_19 = arith.cmpi eq, %arg0, %eq3A : i32
    %convert_element_type3A = arith.extui %eq3A_19 : i1 to i32
    %cond3A = arith.constant 0 : i32
    %cond3A_20 = arith.cmpi ne, %convert_element_type3A, %cond3A : i32
    scf.if %cond3A_20 {
      %mul3A_286 = arith.constant 640 : i32
      %mul3A_287 = arith.muli %arg1, %mul3A_286 : i32
      "tpu.region"() ({
        %run_scoped3A_288 = tpu.sem_alloc : memref<!tpu.dma_semaphore, #tpu.memory_space<semaphore_mem>>
        %dma_start3A_289 = arith.constant 0 : i32
        %dma_start3A_290 = tpu.memref_slice %arg8[%mul3A_287, %dma_start3A_289] : memref<10240x16xf32, #tpu.memory_space<hbm>> -> memref<640x16xf32, #tpu.memory_space<hbm>>
        %dma_start3A_291 = arith.constant 0 : i32
        %dma_start3A_292 = tpu.memref_slice %arg8[%mul3A_287, %dma_start3A_291] : memref<10240x16xf32, #tpu.memory_space<hbm>> -> memref<640x16xf32, #tpu.memory_space<hbm>>
        tpu.enqueue_dma source(%arg11 : memref<640x16xf32, #tpu.memory_space<vmem>>) target(%dma_start3A_292 : memref<640x16xf32, #tpu.memory_space<hbm>>) target_semaphore(%run_scoped3A_288 : memref<!tpu.dma_semaphore, #tpu.memory_space<semaphore_mem>>)
        %dma_wait3A_293 = arith.constant 0 : i32
        %dma_wait3A_294 = tpu.memref_slice %arg8[%mul3A_287, %dma_wait3A_293] : memref<10240x16xf32, #tpu.memory_space<hbm>> -> memref<640x16xf32, #tpu.memory_space<hbm>>
        %dma_wait3A_295 = arith.constant 0 : i32
        %dma_wait3A_296 = tpu.memref_slice %arg8[%mul3A_287, %dma_wait3A_295] : memref<10240x16xf32, #tpu.memory_space<hbm>> -> memref<640x16xf32, #tpu.memory_space<hbm>>
        tpu.wait_dma2 semaphore(%run_scoped3A_288 : memref<!tpu.dma_semaphore, #tpu.memory_space<semaphore_mem>>) src(%arg11 : memref<640x16xf32, #tpu.memory_space<vmem>>) dst(%dma_wait3A_296 : memref<640x16xf32, #tpu.memory_space<hbm>>)
        tpu.yield
      }) : () -> ()
    } else {
    }
    %barrier3A = arith.constant 0 : index
    tpu.barrier barrier_id(%barrier3A)
    %dma_start3A = arith.constant 0 : i32
    %dma_start3A_21 = arith.constant 0 : i32
    %dma_start3A_22 = arith.constant 0 : i32
    %dma_start3A_23 = arith.constant 0 : i32
    %dma_start3A_24 = arith.constant 0 : i32
    %dma_start3A_25 = arith.constant 0 : i32
    %dma_start3A_26 = tpu.memref_slice %arg12[%dma_start3A_21, %dma_start3A_22, %dma_start3A_24, %dma_start3A_25] : memref<2x8x128x16xf32, #tpu.memory_space<vmem>> -> memref<1x1x128x16xf32, #tpu.memory_space<vmem>>
    %dma_start3A_27 = tpu.memref_squeeze %dma_start3A_26 : memref<1x1x128x16xf32, #tpu.memory_space<vmem>> -> memref<128x16xf32, #tpu.memory_space<vmem>>
    %dma_start3A_28 = arith.constant 0 : i32
    %dma_start3A_29 = tpu.memref_slice %arg13[%dma_start3A, %dma_start3A_28] : memref<80x128xi32, #tpu.memory_space<vmem>> -> memref<1x128xi32, #tpu.memory_space<vmem>>
    %dma_start3A_30 = tpu.memref_squeeze %dma_start3A_29 : memref<1x128xi32, #tpu.memory_space<vmem>> -> memref<128xi32, #tpu.memory_space<vmem>>
    %dma_start3A_31 = arith.constant 0 : i32
    %dma_start3A_32 = arith.constant 0 : i32
    %dma_start3A_33 = tpu.memref_slice %arg10[%dma_start3A_31, %dma_start3A_32] : memref<10240x16xf32, #tpu.memory_space<vmem_shared>> -> memref<10240x16xf32, #tpu.memory_space<vmem_shared>>
    %dma_start3A_34 = tpu.memref_slice %arg15[%dma_start3A_23] : memref<2x!tpu.dma_semaphore, #tpu.memory_space<semaphore_mem>> -> memref<1x!tpu.dma_semaphore, #tpu.memory_space<semaphore_mem>>
    %dma_start3A_35 = tpu.memref_squeeze %dma_start3A_34 : memref<1x!tpu.dma_semaphore, #tpu.memory_space<semaphore_mem>> -> memref<!tpu.dma_semaphore, #tpu.memory_space<semaphore_mem>>
    tpu.enqueue_indirect_dma source(%dma_start3A_33 : memref<10240x16xf32, #tpu.memory_space<vmem_shared>>) target(%dma_start3A_27 : memref<128x16xf32, #tpu.memory_space<vmem>>) offsets(%dma_start3A_30 : memref<128xi32, #tpu.memory_space<vmem>>) semaphore(%dma_start3A_35 : memref<!tpu.dma_semaphore, #tpu.memory_space<semaphore_mem>>)
    %dma_start3A_36 = arith.constant 1 : i32
    %dma_start3A_37 = arith.constant 0 : i32
    %dma_start3A_38 = arith.constant 1 : i32
    %dma_start3A_39 = arith.constant 0 : i32
    %dma_start3A_40 = arith.constant 0 : i32
    %dma_start3A_41 = arith.constant 0 : i32
    %dma_start3A_42 = tpu.memref_slice %arg12[%dma_start3A_37, %dma_start3A_38, %dma_start3A_40, %dma_start3A_41] : memref<2x8x128x16xf32, #tpu.memory_space<vmem>> -> memref<1x1x128x16xf32, #tpu.memory_space<vmem>>
    %dma_start3A_43 = tpu.memref_squeeze %dma_start3A_42 : memref<1x1x128x16xf32, #tpu.memory_space<vmem>> -> memref<128x16xf32, #tpu.memory_space<vmem>>
    %dma_start3A_44 = arith.constant 0 : i32
    %dma_start3A_45 = tpu.memref_slice %arg13[%dma_start3A_36, %dma_start3A_44] : memref<80x128xi32, #tpu.memory_space<vmem>> -> memref<1x128xi32, #tpu.memory_space<vmem>>
    %dma_start3A_46 = tpu.memref_squeeze %dma_start3A_45 : memref<1x128xi32, #tpu.memory_space<vmem>> -> memref<128xi32, #tpu.memory_space<vmem>>
    %dma_start3A_47 = arith.constant 0 : i32
    %dma_start3A_48 = arith.constant 0 : i32
    %dma_start3A_49 = tpu.memref_slice %arg10[%dma_start3A_47, %dma_start3A_48] : memref<10240x16xf32, #tpu.memory_space<vmem_shared>> -> memref<10240x16xf32, #tpu.memory_space<vmem_shared>>
    %dma_start3A_50 = tpu.memref_slice %arg15[%dma_start3A_39] : memref<2x!tpu.dma_semaphore, #tpu.memory_space<semaphore_mem>> -> memref<1x!tpu.dma_semaphore, #tpu.memory_space<semaphore_mem>>
    %dma_start3A_51 = tpu.memref_squeeze %dma_start3A_50 : memref<1x!tpu.dma_semaphore, #tpu.memory_space<semaphore_mem>> -> memref<!tpu.dma_semaphore, #tpu.memory_space<semaphore_mem>>
    tpu.enqueue_indirect_dma source(%dma_start3A_49 : memref<10240x16xf32, #tpu.memory_space<vmem_shared>>) target(%dma_start3A_43 : memref<128x16xf32, #tpu.memory_space<vmem>>) offsets(%dma_start3A_46 : memref<128xi32, #tpu.memory_space<vmem>>) semaphore(%dma_start3A_51 : memref<!tpu.dma_semaphore, #tpu.memory_space<semaphore_mem>>)
    %dma_start3A_52 = arith.constant 2 : i32
    %dma_start3A_53 = arith.constant 0 : i32
    %dma_start3A_54 = arith.constant 2 : i32
    %dma_start3A_55 = arith.constant 0 : i32
    %dma_start3A_56 = arith.constant 0 : i32
    %dma_start3A_57 = arith.constant 0 : i32
    %dma_start3A_58 = tpu.memref_slice %arg12[%dma_start3A_53, %dma_start3A_54, %dma_start3A_56, %dma_start3A_57] : memref<2x8x128x16xf32, #tpu.memory_space<vmem>> -> memref<1x1x128x16xf32, #tpu.memory_space<vmem>>
    %dma_start3A_59 = tpu.memref_squeeze %dma_start3A_58 : memref<1x1x128x16xf32, #tpu.memory_space<vmem>> -> memref<128x16xf32, #tpu.memory_space<vmem>>
    %dma_start3A_60 = arith.constant 0 : i32
    %dma_start3A_61 = tpu.memref_slice %arg13[%dma_start3A_52, %dma_start3A_60] : memref<80x128xi32, #tpu.memory_space<vmem>> -> memref<1x128xi32, #tpu.memory_space<vmem>>
    %dma_start3A_62 = tpu.memref_squeeze %dma_start3A_61 : memref<1x128xi32, #tpu.memory_space<vmem>> -> memref<128xi32, #tpu.memory_space<vmem>>
    %dma_start3A_63 = arith.constant 0 : i32
    %dma_start3A_64 = arith.constant 0 : i32
    %dma_start3A_65 = tpu.memref_slice %arg10[%dma_start3A_63, %dma_start3A_64] : memref<10240x16xf32, #tpu.memory_space<vmem_shared>> -> memref<10240x16xf32, #tpu.memory_space<vmem_shared>>
    %dma_start3A_66 = tpu.memref_slice %arg15[%dma_start3A_55] : memref<2x!tpu.dma_semaphore, #tpu.memory_space<semaphore_mem>> -> memref<1x!tpu.dma_semaphore, #tpu.memory_space<semaphore_mem>>
    %dma_start3A_67 = tpu.memref_squeeze %dma_start3A_66 : memref<1x!tpu.dma_semaphore, #tpu.memory_space<semaphore_mem>> -> memref<!tpu.dma_semaphore, #tpu.memory_space<semaphore_mem>>
    tpu.enqueue_indirect_dma source(%dma_start3A_65 : memref<10240x16xf32, #tpu.memory_space<vmem_shared>>) target(%dma_start3A_59 : memref<128x16xf32, #tpu.memory_space<vmem>>) offsets(%dma_start3A_62 : memref<128xi32, #tpu.memory_space<vmem>>) semaphore(%dma_start3A_67 : memref<!tpu.dma_semaphore, #tpu.memory_space<semaphore_mem>>)
    %dma_start3A_68 = arith.constant 3 : i32
    %dma_start3A_69 = arith.constant 0 : i32
    %dma_start3A_70 = arith.constant 3 : i32
    %dma_start3A_71 = arith.constant 0 : i32
    %dma_start3A_72 = arith.constant 0 : i32
    %dma_start3A_73 = arith.constant 0 : i32
    %dma_start3A_74 = tpu.memref_slice %arg12[%dma_start3A_69, %dma_start3A_70, %dma_start3A_72, %dma_start3A_73] : memref<2x8x128x16xf32, #tpu.memory_space<vmem>> -> memref<1x1x128x16xf32, #tpu.memory_space<vmem>>
    %dma_start3A_75 = tpu.memref_squeeze %dma_start3A_74 : memref<1x1x128x16xf32, #tpu.memory_space<vmem>> -> memref<128x16xf32, #tpu.memory_space<vmem>>
    %dma_start3A_76 = arith.constant 0 : i32
    %dma_start3A_77 = tpu.memref_slice %arg13[%dma_start3A_68, %dma_start3A_76] : memref<80x128xi32, #tpu.memory_space<vmem>> -> memref<1x128xi32, #tpu.memory_space<vmem>>
    %dma_start3A_78 = tpu.memref_squeeze %dma_start3A_77 : memref<1x128xi32, #tpu.memory_space<vmem>> -> memref<128xi32, #tpu.memory_space<vmem>>
    %dma_start3A_79 = arith.constant 0 : i32
    %dma_start3A_80 = arith.constant 0 : i32
    %dma_start3A_81 = tpu.memref_slice %arg10[%dma_start3A_79, %dma_start3A_80] : memref<10240x16xf32, #tpu.memory_space<vmem_shared>> -> memref<10240x16xf32, #tpu.memory_space<vmem_shared>>
    %dma_start3A_82 = tpu.memref_slice %arg15[%dma_start3A_71] : memref<2x!tpu.dma_semaphore, #tpu.memory_space<semaphore_mem>> -> memref<1x!tpu.dma_semaphore, #tpu.memory_space<semaphore_mem>>
    %dma_start3A_83 = tpu.memref_squeeze %dma_start3A_82 : memref<1x!tpu.dma_semaphore, #tpu.memory_space<semaphore_mem>> -> memref<!tpu.dma_semaphore, #tpu.memory_space<semaphore_mem>>
    tpu.enqueue_indirect_dma source(%dma_start3A_81 : memref<10240x16xf32, #tpu.memory_space<vmem_shared>>) target(%dma_start3A_75 : memref<128x16xf32, #tpu.memory_space<vmem>>) offsets(%dma_start3A_78 : memref<128xi32, #tpu.memory_space<vmem>>) semaphore(%dma_start3A_83 : memref<!tpu.dma_semaphore, #tpu.memory_space<semaphore_mem>>)
    %dma_start3A_84 = arith.constant 4 : i32
    %dma_start3A_85 = arith.constant 0 : i32
    %dma_start3A_86 = arith.constant 4 : i32
    %dma_start3A_87 = arith.constant 0 : i32
    %dma_start3A_88 = arith.constant 0 : i32
    %dma_start3A_89 = arith.constant 0 : i32
    %dma_start3A_90 = tpu.memref_slice %arg12[%dma_start3A_85, %dma_start3A_86, %dma_start3A_88, %dma_start3A_89] : memref<2x8x128x16xf32, #tpu.memory_space<vmem>> -> memref<1x1x128x16xf32, #tpu.memory_space<vmem>>
    %dma_start3A_91 = tpu.memref_squeeze %dma_start3A_90 : memref<1x1x128x16xf32, #tpu.memory_space<vmem>> -> memref<128x16xf32, #tpu.memory_space<vmem>>
    %dma_start3A_92 = arith.constant 0 : i32
    %dma_start3A_93 = tpu.memref_slice %arg13[%dma_start3A_84, %dma_start3A_92] : memref<80x128xi32, #tpu.memory_space<vmem>> -> memref<1x128xi32, #tpu.memory_space<vmem>>
    %dma_start3A_94 = tpu.memref_squeeze %dma_start3A_93 : memref<1x128xi32, #tpu.memory_space<vmem>> -> memref<128xi32, #tpu.memory_space<vmem>>
    %dma_start3A_95 = arith.constant 0 : i32
    %dma_start3A_96 = arith.constant 0 : i32
    %dma_start3A_97 = tpu.memref_slice %arg10[%dma_start3A_95, %dma_start3A_96] : memref<10240x16xf32, #tpu.memory_space<vmem_shared>> -> memref<10240x16xf32, #tpu.memory_space<vmem_shared>>
    %dma_start3A_98 = tpu.memref_slice %arg15[%dma_start3A_87] : memref<2x!tpu.dma_semaphore, #tpu.memory_space<semaphore_mem>> -> memref<1x!tpu.dma_semaphore, #tpu.memory_space<semaphore_mem>>
    %dma_start3A_99 = tpu.memref_squeeze %dma_start3A_98 : memref<1x!tpu.dma_semaphore, #tpu.memory_space<semaphore_mem>> -> memref<!tpu.dma_semaphore, #tpu.memory_space<semaphore_mem>>
    tpu.enqueue_indirect_dma source(%dma_start3A_97 : memref<10240x16xf32, #tpu.memory_space<vmem_shared>>) target(%dma_start3A_91 : memref<128x16xf32, #tpu.memory_space<vmem>>) offsets(%dma_start3A_94 : memref<128xi32, #tpu.memory_space<vmem>>) semaphore(%dma_start3A_99 : memref<!tpu.dma_semaphore, #tpu.memory_space<semaphore_mem>>)
    %dma_start3A_100 = arith.constant 5 : i32
    %dma_start3A_101 = arith.constant 0 : i32
    %dma_start3A_102 = arith.constant 5 : i32
    %dma_start3A_103 = arith.constant 0 : i32
    %dma_start3A_104 = arith.constant 0 : i32
    %dma_start3A_105 = arith.constant 0 : i32
    %dma_start3A_106 = tpu.memref_slice %arg12[%dma_start3A_101, %dma_start3A_102, %dma_start3A_104, %dma_start3A_105] : memref<2x8x128x16xf32, #tpu.memory_space<vmem>> -> memref<1x1x128x16xf32, #tpu.memory_space<vmem>>
    %dma_start3A_107 = tpu.memref_squeeze %dma_start3A_106 : memref<1x1x128x16xf32, #tpu.memory_space<vmem>> -> memref<128x16xf32, #tpu.memory_space<vmem>>
    %dma_start3A_108 = arith.constant 0 : i32
    %dma_start3A_109 = tpu.memref_slice %arg13[%dma_start3A_100, %dma_start3A_108] : memref<80x128xi32, #tpu.memory_space<vmem>> -> memref<1x128xi32, #tpu.memory_space<vmem>>
    %dma_start3A_110 = tpu.memref_squeeze %dma_start3A_109 : memref<1x128xi32, #tpu.memory_space<vmem>> -> memref<128xi32, #tpu.memory_space<vmem>>
    %dma_start3A_111 = arith.constant 0 : i32
    %dma_start3A_112 = arith.constant 0 : i32
    %dma_start3A_113 = tpu.memref_slice %arg10[%dma_start3A_111, %dma_start3A_112] : memref<10240x16xf32, #tpu.memory_space<vmem_shared>> -> memref<10240x16xf32, #tpu.memory_space<vmem_shared>>
    %dma_start3A_114 = tpu.memref_slice %arg15[%dma_start3A_103] : memref<2x!tpu.dma_semaphore, #tpu.memory_space<semaphore_mem>> -> memref<1x!tpu.dma_semaphore, #tpu.memory_space<semaphore_mem>>
    %dma_start3A_115 = tpu.memref_squeeze %dma_start3A_114 : memref<1x!tpu.dma_semaphore, #tpu.memory_space<semaphore_mem>> -> memref<!tpu.dma_semaphore, #tpu.memory_space<semaphore_mem>>
    tpu.enqueue_indirect_dma source(%dma_start3A_113 : memref<10240x16xf32, #tpu.memory_space<vmem_shared>>) target(%dma_start3A_107 : memref<128x16xf32, #tpu.memory_space<vmem>>) offsets(%dma_start3A_110 : memref<128xi32, #tpu.memory_space<vmem>>) semaphore(%dma_start3A_115 : memref<!tpu.dma_semaphore, #tpu.memory_space<semaphore_mem>>)
    %dma_start3A_116 = arith.constant 6 : i32
    %dma_start3A_117 = arith.constant 0 : i32
    %dma_start3A_118 = arith.constant 6 : i32
    %dma_start3A_119 = arith.constant 0 : i32
    %dma_start3A_120 = arith.constant 0 : i32
    %dma_start3A_121 = arith.constant 0 : i32
    %dma_start3A_122 = tpu.memref_slice %arg12[%dma_start3A_117, %dma_start3A_118, %dma_start3A_120, %dma_start3A_121] : memref<2x8x128x16xf32, #tpu.memory_space<vmem>> -> memref<1x1x128x16xf32, #tpu.memory_space<vmem>>
    %dma_start3A_123 = tpu.memref_squeeze %dma_start3A_122 : memref<1x1x128x16xf32, #tpu.memory_space<vmem>> -> memref<128x16xf32, #tpu.memory_space<vmem>>
    %dma_start3A_124 = arith.constant 0 : i32
    %dma_start3A_125 = tpu.memref_slice %arg13[%dma_start3A_116, %dma_start3A_124] : memref<80x128xi32, #tpu.memory_space<vmem>> -> memref<1x128xi32, #tpu.memory_space<vmem>>
    %dma_start3A_126 = tpu.memref_squeeze %dma_start3A_125 : memref<1x128xi32, #tpu.memory_space<vmem>> -> memref<128xi32, #tpu.memory_space<vmem>>
    %dma_start3A_127 = arith.constant 0 : i32
    %dma_start3A_128 = arith.constant 0 : i32
    %dma_start3A_129 = tpu.memref_slice %arg10[%dma_start3A_127, %dma_start3A_128] : memref<10240x16xf32, #tpu.memory_space<vmem_shared>> -> memref<10240x16xf32, #tpu.memory_space<vmem_shared>>
    %dma_start3A_130 = tpu.memref_slice %arg15[%dma_start3A_119] : memref<2x!tpu.dma_semaphore, #tpu.memory_space<semaphore_mem>> -> memref<1x!tpu.dma_semaphore, #tpu.memory_space<semaphore_mem>>
    %dma_start3A_131 = tpu.memref_squeeze %dma_start3A_130 : memref<1x!tpu.dma_semaphore, #tpu.memory_space<semaphore_mem>> -> memref<!tpu.dma_semaphore, #tpu.memory_space<semaphore_mem>>
    tpu.enqueue_indirect_dma source(%dma_start3A_129 : memref<10240x16xf32, #tpu.memory_space<vmem_shared>>) target(%dma_start3A_123 : memref<128x16xf32, #tpu.memory_space<vmem>>) offsets(%dma_start3A_126 : memref<128xi32, #tpu.memory_space<vmem>>) semaphore(%dma_start3A_131 : memref<!tpu.dma_semaphore, #tpu.memory_space<semaphore_mem>>)
    %dma_start3A_132 = arith.constant 7 : i32
    %dma_start3A_133 = arith.constant 0 : i32
    %dma_start3A_134 = arith.constant 7 : i32
    %dma_start3A_135 = arith.constant 0 : i32
    %dma_start3A_136 = arith.constant 0 : i32
    %dma_start3A_137 = arith.constant 0 : i32
    %dma_start3A_138 = tpu.memref_slice %arg12[%dma_start3A_133, %dma_start3A_134, %dma_start3A_136, %dma_start3A_137] : memref<2x8x128x16xf32, #tpu.memory_space<vmem>> -> memref<1x1x128x16xf32, #tpu.memory_space<vmem>>
    %dma_start3A_139 = tpu.memref_squeeze %dma_start3A_138 : memref<1x1x128x16xf32, #tpu.memory_space<vmem>> -> memref<128x16xf32, #tpu.memory_space<vmem>>
    %dma_start3A_140 = arith.constant 0 : i32
    %dma_start3A_141 = tpu.memref_slice %arg13[%dma_start3A_132, %dma_start3A_140] : memref<80x128xi32, #tpu.memory_space<vmem>> -> memref<1x128xi32, #tpu.memory_space<vmem>>
    %dma_start3A_142 = tpu.memref_squeeze %dma_start3A_141 : memref<1x128xi32, #tpu.memory_space<vmem>> -> memref<128xi32, #tpu.memory_space<vmem>>
    %dma_start3A_143 = arith.constant 0 : i32
    %dma_start3A_144 = arith.constant 0 : i32
    %dma_start3A_145 = tpu.memref_slice %arg10[%dma_start3A_143, %dma_start3A_144] : memref<10240x16xf32, #tpu.memory_space<vmem_shared>> -> memref<10240x16xf32, #tpu.memory_space<vmem_shared>>
    %dma_start3A_146 = tpu.memref_slice %arg15[%dma_start3A_135] : memref<2x!tpu.dma_semaphore, #tpu.memory_space<semaphore_mem>> -> memref<1x!tpu.dma_semaphore, #tpu.memory_space<semaphore_mem>>
    %dma_start3A_147 = tpu.memref_squeeze %dma_start3A_146 : memref<1x!tpu.dma_semaphore, #tpu.memory_space<semaphore_mem>> -> memref<!tpu.dma_semaphore, #tpu.memory_space<semaphore_mem>>
    tpu.enqueue_indirect_dma source(%dma_start3A_145 : memref<10240x16xf32, #tpu.memory_space<vmem_shared>>) target(%dma_start3A_139 : memref<128x16xf32, #tpu.memory_space<vmem>>) offsets(%dma_start3A_142 : memref<128xi32, #tpu.memory_space<vmem>>) semaphore(%dma_start3A_147 : memref<!tpu.dma_semaphore, #tpu.memory_space<semaphore_mem>>)
    %scan3A_148 = arith.constant 0 : i32
    %scan3A_149 = arith.constant 0 : i32
    %scan3A_150 = arith.constant 10 : i32
    %scan3A_151 = arith.addi %scan3A_149, %scan3A_150 : i32
    %scan3A_152 = arith.constant 1 : i32
    scf.for %scan3A_286 = %scan3A_149 to %scan3A_151 step %scan3A_152  : i32 {
      %jit3A = arith.constant 2 : i32
      %eq3A_287 = arith.constant 0 : i32
      %eq3A_288 = arith.cmpi eq, %jit3A, %eq3A_287 : i32
      %jit3A_289 = arith.constant 1 : i32
      %select_n3A = arith.select %eq3A_288, %jit3A_289, %jit3A : i32
      %rem3A = arith.remsi %scan3A_286, %select_n3A : i32
      %ne3A = arith.constant 0 : i32
      %ne3A_290 = arith.cmpi ne, %rem3A, %ne3A : i32
      %lt3A = arith.constant 0 : i32
      %lt3A_291 = arith.cmpi slt, %rem3A, %lt3A : i32
      %lt3A_292 = arith.constant 0 : i32
      %lt3A_293 = arith.cmpi slt, %select_n3A, %lt3A_292 : i32
      %ne3A_294 = arith.xori %lt3A_291, %lt3A_293 : i1
      %and3A = arith.andi %ne3A_294, %ne3A_290 : i1
      %add3A_295 = arith.addi %rem3A, %select_n3A : i32
      %select_n3A_296 = arith.select %and3A, %add3A_295, %rem3A : i32
      %add3A_297 = arith.constant 1 : i32
      %add3A_298 = arith.addi %scan3A_286, %add3A_297 : i32
      %jit3A_299 = arith.constant 2 : i32
      %eq3A_300 = arith.constant 0 : i32
      %eq3A_301 = arith.cmpi eq, %jit3A_299, %eq3A_300 : i32
      %jit3A_302 = arith.constant 1 : i32
      %select_n3A_303 = arith.select %eq3A_301, %jit3A_302, %jit3A_299 : i32
      %rem3A_304 = arith.remsi %add3A_298, %select_n3A_303 : i32
      %ne3A_305 = arith.constant 0 : i32
      %ne3A_306 = arith.cmpi ne, %rem3A_304, %ne3A_305 : i32
      %lt3A_307 = arith.constant 0 : i32
      %lt3A_308 = arith.cmpi slt, %rem3A_304, %lt3A_307 : i32
      %lt3A_309 = arith.constant 0 : i32
      %lt3A_310 = arith.cmpi slt, %select_n3A_303, %lt3A_309 : i32
      %ne3A_311 = arith.xori %lt3A_308, %lt3A_310 : i1
      %and3A_312 = arith.andi %ne3A_311, %ne3A_306 : i1
      %add3A_313 = arith.addi %rem3A_304, %select_n3A_303 : i32
      %select_n3A_314 = arith.select %and3A_312, %add3A_313, %rem3A_304 : i32
      %ge3A = arith.constant 1 : i32
      %ge3A_315 = arith.cmpi sge, %scan3A_286, %ge3A : i32
      %convert_element_type3A_316 = arith.extui %ge3A_315 : i1 to i32
      %cond3A_317 = arith.constant 0 : i32
      %cond3A_318 = arith.cmpi ne, %convert_element_type3A_316, %cond3A_317 : i32
      scf.if %cond3A_318 {
        %sub3A = arith.constant 1 : i32
        %sub3A_598 = arith.subi %scan3A_286, %sub3A : i32
        %mul3A_599 = arith.constant 8 : i32
        %mul3A_600 = arith.muli %sub3A_598, %mul3A_599 : i32
        %add3A_601 = arith.constant 0 : i32
        %add3A_602 = arith.addi %mul3A_600, %add3A_601 : i32
        %dma_wait3A_603 = arith.constant 0 : i32
        %dma_wait3A_604 = arith.constant 0 : i32
        %dma_wait3A_605 = arith.constant 0 : i32
        %dma_wait3A_606 = tpu.memref_slice %arg12[%select_n3A_314, %dma_wait3A_603, %dma_wait3A_604, %dma_wait3A_605] : memref<2x8x128x16xf32, #tpu.memory_space<vmem>> -> memref<1x1x128x16xf32, #tpu.memory_space<vmem>>
        %dma_wait3A_607 = tpu.memref_squeeze %dma_wait3A_606 : memref<1x1x128x16xf32, #tpu.memory_space<vmem>> -> memref<128x16xf32, #tpu.memory_space<vmem>>
        %dma_wait3A_608 = arith.constant 0 : i32
        %dma_wait3A_609 = tpu.memref_slice %arg14[%add3A_602, %dma_wait3A_608] : memref<80x128xi32, #tpu.memory_space<vmem>> -> memref<1x128xi32, #tpu.memory_space<vmem>>
        %dma_wait3A_610 = tpu.memref_squeeze %dma_wait3A_609 : memref<1x128xi32, #tpu.memory_space<vmem>> -> memref<128xi32, #tpu.memory_space<vmem>>
        %dma_wait3A_611 = arith.constant 0 : i32
        %dma_wait3A_612 = arith.constant 0 : i32
        %dma_wait3A_613 = tpu.memref_slice %arg9[%dma_wait3A_611, %dma_wait3A_612] : memref<10240x16xf32, #tpu.memory_space<vmem_shared>> -> memref<10240x16xf32, #tpu.memory_space<vmem_shared>>
        %dma_wait3A_614 = tpu.memref_slice %arg16[%select_n3A_314] : memref<2x!tpu.dma_semaphore, #tpu.memory_space<semaphore_mem>> -> memref<1x!tpu.dma_semaphore, #tpu.memory_space<semaphore_mem>>
        %dma_wait3A_615 = tpu.memref_squeeze %dma_wait3A_614 : memref<1x!tpu.dma_semaphore, #tpu.memory_space<semaphore_mem>> -> memref<!tpu.dma_semaphore, #tpu.memory_space<semaphore_mem>>
        tpu.wait_indirect_dma semaphore(%dma_wait3A_615 : memref<!tpu.dma_semaphore, #tpu.memory_space<semaphore_mem>>) src(%dma_wait3A_607 : memref<128x16xf32, #tpu.memory_space<vmem>>) dst(%dma_wait3A_613 : memref<10240x16xf32, #tpu.memory_space<vmem_shared>>)
        %sub3A_616 = arith.constant 1 : i32
        %sub3A_617 = arith.subi %scan3A_286, %sub3A_616 : i32
        %mul3A_618 = arith.constant 8 : i32
        %mul3A_619 = arith.muli %sub3A_617, %mul3A_618 : i32
        %add3A_620 = arith.constant 1 : i32
        %add3A_621 = arith.addi %mul3A_619, %add3A_620 : i32
        %dma_wait3A_622 = arith.constant 1 : i32
        %dma_wait3A_623 = arith.constant 0 : i32
        %dma_wait3A_624 = arith.constant 0 : i32
        %dma_wait3A_625 = tpu.memref_slice %arg12[%select_n3A_314, %dma_wait3A_622, %dma_wait3A_623, %dma_wait3A_624] : memref<2x8x128x16xf32, #tpu.memory_space<vmem>> -> memref<1x1x128x16xf32, #tpu.memory_space<vmem>>
        %dma_wait3A_626 = tpu.memref_squeeze %dma_wait3A_625 : memref<1x1x128x16xf32, #tpu.memory_space<vmem>> -> memref<128x16xf32, #tpu.memory_space<vmem>>
        %dma_wait3A_627 = arith.constant 0 : i32
        %dma_wait3A_628 = tpu.memref_slice %arg14[%add3A_621, %dma_wait3A_627] : memref<80x128xi32, #tpu.memory_space<vmem>> -> memref<1x128xi32, #tpu.memory_space<vmem>>
        %dma_wait3A_629 = tpu.memref_squeeze %dma_wait3A_628 : memref<1x128xi32, #tpu.memory_space<vmem>> -> memref<128xi32, #tpu.memory_space<vmem>>
        %dma_wait3A_630 = arith.constant 0 : i32
        %dma_wait3A_631 = arith.constant 0 : i32
        %dma_wait3A_632 = tpu.memref_slice %arg9[%dma_wait3A_630, %dma_wait3A_631] : memref<10240x16xf32, #tpu.memory_space<vmem_shared>> -> memref<10240x16xf32, #tpu.memory_space<vmem_shared>>
        %dma_wait3A_633 = tpu.memref_slice %arg16[%select_n3A_314] : memref<2x!tpu.dma_semaphore, #tpu.memory_space<semaphore_mem>> -> memref<1x!tpu.dma_semaphore, #tpu.memory_space<semaphore_mem>>
        %dma_wait3A_634 = tpu.memref_squeeze %dma_wait3A_633 : memref<1x!tpu.dma_semaphore, #tpu.memory_space<semaphore_mem>> -> memref<!tpu.dma_semaphore, #tpu.memory_space<semaphore_mem>>
        tpu.wait_indirect_dma semaphore(%dma_wait3A_634 : memref<!tpu.dma_semaphore, #tpu.memory_space<semaphore_mem>>) src(%dma_wait3A_626 : memref<128x16xf32, #tpu.memory_space<vmem>>) dst(%dma_wait3A_632 : memref<10240x16xf32, #tpu.memory_space<vmem_shared>>)
        %sub3A_635 = arith.constant 1 : i32
        %sub3A_636 = arith.subi %scan3A_286, %sub3A_635 : i32
        %mul3A_637 = arith.constant 8 : i32
        %mul3A_638 = arith.muli %sub3A_636, %mul3A_637 : i32
        %add3A_639 = arith.constant 2 : i32
        %add3A_640 = arith.addi %mul3A_638, %add3A_639 : i32
        %dma_wait3A_641 = arith.constant 2 : i32
        %dma_wait3A_642 = arith.constant 0 : i32
        %dma_wait3A_643 = arith.constant 0 : i32
        %dma_wait3A_644 = tpu.memref_slice %arg12[%select_n3A_314, %dma_wait3A_641, %dma_wait3A_642, %dma_wait3A_643] : memref<2x8x128x16xf32, #tpu.memory_space<vmem>> -> memref<1x1x128x16xf32, #tpu.memory_space<vmem>>
        %dma_wait3A_645 = tpu.memref_squeeze %dma_wait3A_644 : memref<1x1x128x16xf32, #tpu.memory_space<vmem>> -> memref<128x16xf32, #tpu.memory_space<vmem>>
        %dma_wait3A_646 = arith.constant 0 : i32
        %dma_wait3A_647 = tpu.memref_slice %arg14[%add3A_640, %dma_wait3A_646] : memref<80x128xi32, #tpu.memory_space<vmem>> -> memref<1x128xi32, #tpu.memory_space<vmem>>
        %dma_wait3A_648 = tpu.memref_squeeze %dma_wait3A_647 : memref<1x128xi32, #tpu.memory_space<vmem>> -> memref<128xi32, #tpu.memory_space<vmem>>
        %dma_wait3A_649 = arith.constant 0 : i32
        %dma_wait3A_650 = arith.constant 0 : i32
        %dma_wait3A_651 = tpu.memref_slice %arg9[%dma_wait3A_649, %dma_wait3A_650] : memref<10240x16xf32, #tpu.memory_space<vmem_shared>> -> memref<10240x16xf32, #tpu.memory_space<vmem_shared>>
        %dma_wait3A_652 = tpu.memref_slice %arg16[%select_n3A_314] : memref<2x!tpu.dma_semaphore, #tpu.memory_space<semaphore_mem>> -> memref<1x!tpu.dma_semaphore, #tpu.memory_space<semaphore_mem>>
        %dma_wait3A_653 = tpu.memref_squeeze %dma_wait3A_652 : memref<1x!tpu.dma_semaphore, #tpu.memory_space<semaphore_mem>> -> memref<!tpu.dma_semaphore, #tpu.memory_space<semaphore_mem>>
        tpu.wait_indirect_dma semaphore(%dma_wait3A_653 : memref<!tpu.dma_semaphore, #tpu.memory_space<semaphore_mem>>) src(%dma_wait3A_645 : memref<128x16xf32, #tpu.memory_space<vmem>>) dst(%dma_wait3A_651 : memref<10240x16xf32, #tpu.memory_space<vmem_shared>>)
        %sub3A_654 = arith.constant 1 : i32
        %sub3A_655 = arith.subi %scan3A_286, %sub3A_654 : i32
        %mul3A_656 = arith.constant 8 : i32
        %mul3A_657 = arith.muli %sub3A_655, %mul3A_656 : i32
        %add3A_658 = arith.constant 3 : i32
        %add3A_659 = arith.addi %mul3A_657, %add3A_658 : i32
        %dma_wait3A_660 = arith.constant 3 : i32
        %dma_wait3A_661 = arith.constant 0 : i32
        %dma_wait3A_662 = arith.constant 0 : i32
        %dma_wait3A_663 = tpu.memref_slice %arg12[%select_n3A_314, %dma_wait3A_660, %dma_wait3A_661, %dma_wait3A_662] : memref<2x8x128x16xf32, #tpu.memory_space<vmem>> -> memref<1x1x128x16xf32, #tpu.memory_space<vmem>>
        %dma_wait3A_664 = tpu.memref_squeeze %dma_wait3A_663 : memref<1x1x128x16xf32, #tpu.memory_space<vmem>> -> memref<128x16xf32, #tpu.memory_space<vmem>>
        %dma_wait3A_665 = arith.constant 0 : i32
        %dma_wait3A_666 = tpu.memref_slice %arg14[%add3A_659, %dma_wait3A_665] : memref<80x128xi32, #tpu.memory_space<vmem>> -> memref<1x128xi32, #tpu.memory_space<vmem>>
        %dma_wait3A_667 = tpu.memref_squeeze %dma_wait3A_666 : memref<1x128xi32, #tpu.memory_space<vmem>> -> memref<128xi32, #tpu.memory_space<vmem>>
        %dma_wait3A_668 = arith.constant 0 : i32
        %dma_wait3A_669 = arith.constant 0 : i32
        %dma_wait3A_670 = tpu.memref_slice %arg9[%dma_wait3A_668, %dma_wait3A_669] : memref<10240x16xf32, #tpu.memory_space<vmem_shared>> -> memref<10240x16xf32, #tpu.memory_space<vmem_shared>>
        %dma_wait3A_671 = tpu.memref_slice %arg16[%select_n3A_314] : memref<2x!tpu.dma_semaphore, #tpu.memory_space<semaphore_mem>> -> memref<1x!tpu.dma_semaphore, #tpu.memory_space<semaphore_mem>>
        %dma_wait3A_672 = tpu.memref_squeeze %dma_wait3A_671 : memref<1x!tpu.dma_semaphore, #tpu.memory_space<semaphore_mem>> -> memref<!tpu.dma_semaphore, #tpu.memory_space<semaphore_mem>>
        tpu.wait_indirect_dma semaphore(%dma_wait3A_672 : memref<!tpu.dma_semaphore, #tpu.memory_space<semaphore_mem>>) src(%dma_wait3A_664 : memref<128x16xf32, #tpu.memory_space<vmem>>) dst(%dma_wait3A_670 : memref<10240x16xf32, #tpu.memory_space<vmem_shared>>)
        %sub3A_673 = arith.constant 1 : i32
        %sub3A_674 = arith.subi %scan3A_286, %sub3A_673 : i32
        %mul3A_675 = arith.constant 8 : i32
        %mul3A_676 = arith.muli %sub3A_674, %mul3A_675 : i32
        %add3A_677 = arith.constant 4 : i32
        %add3A_678 = arith.addi %mul3A_676, %add3A_677 : i32
        %dma_wait3A_679 = arith.constant 4 : i32
        %dma_wait3A_680 = arith.constant 0 : i32
        %dma_wait3A_681 = arith.constant 0 : i32
        %dma_wait3A_682 = tpu.memref_slice %arg12[%select_n3A_314, %dma_wait3A_679, %dma_wait3A_680, %dma_wait3A_681] : memref<2x8x128x16xf32, #tpu.memory_space<vmem>> -> memref<1x1x128x16xf32, #tpu.memory_space<vmem>>
        %dma_wait3A_683 = tpu.memref_squeeze %dma_wait3A_682 : memref<1x1x128x16xf32, #tpu.memory_space<vmem>> -> memref<128x16xf32, #tpu.memory_space<vmem>>
        %dma_wait3A_684 = arith.constant 0 : i32
        %dma_wait3A_685 = tpu.memref_slice %arg14[%add3A_678, %dma_wait3A_684] : memref<80x128xi32, #tpu.memory_space<vmem>> -> memref<1x128xi32, #tpu.memory_space<vmem>>
        %dma_wait3A_686 = tpu.memref_squeeze %dma_wait3A_685 : memref<1x128xi32, #tpu.memory_space<vmem>> -> memref<128xi32, #tpu.memory_space<vmem>>
        %dma_wait3A_687 = arith.constant 0 : i32
        %dma_wait3A_688 = arith.constant 0 : i32
        %dma_wait3A_689 = tpu.memref_slice %arg9[%dma_wait3A_687, %dma_wait3A_688] : memref<10240x16xf32, #tpu.memory_space<vmem_shared>> -> memref<10240x16xf32, #tpu.memory_space<vmem_shared>>
        %dma_wait3A_690 = tpu.memref_slice %arg16[%select_n3A_314] : memref<2x!tpu.dma_semaphore, #tpu.memory_space<semaphore_mem>> -> memref<1x!tpu.dma_semaphore, #tpu.memory_space<semaphore_mem>>
        %dma_wait3A_691 = tpu.memref_squeeze %dma_wait3A_690 : memref<1x!tpu.dma_semaphore, #tpu.memory_space<semaphore_mem>> -> memref<!tpu.dma_semaphore, #tpu.memory_space<semaphore_mem>>
        tpu.wait_indirect_dma semaphore(%dma_wait3A_691 : memref<!tpu.dma_semaphore, #tpu.memory_space<semaphore_mem>>) src(%dma_wait3A_683 : memref<128x16xf32, #tpu.memory_space<vmem>>) dst(%dma_wait3A_689 : memref<10240x16xf32, #tpu.memory_space<vmem_shared>>)
        %sub3A_692 = arith.constant 1 : i32
        %sub3A_693 = arith.subi %scan3A_286, %sub3A_692 : i32
        %mul3A_694 = arith.constant 8 : i32
        %mul3A_695 = arith.muli %sub3A_693, %mul3A_694 : i32
        %add3A_696 = arith.constant 5 : i32
        %add3A_697 = arith.addi %mul3A_695, %add3A_696 : i32
        %dma_wait3A_698 = arith.constant 5 : i32
        %dma_wait3A_699 = arith.constant 0 : i32
        %dma_wait3A_700 = arith.constant 0 : i32
        %dma_wait3A_701 = tpu.memref_slice %arg12[%select_n3A_314, %dma_wait3A_698, %dma_wait3A_699, %dma_wait3A_700] : memref<2x8x128x16xf32, #tpu.memory_space<vmem>> -> memref<1x1x128x16xf32, #tpu.memory_space<vmem>>
        %dma_wait3A_702 = tpu.memref_squeeze %dma_wait3A_701 : memref<1x1x128x16xf32, #tpu.memory_space<vmem>> -> memref<128x16xf32, #tpu.memory_space<vmem>>
        %dma_wait3A_703 = arith.constant 0 : i32
        %dma_wait3A_704 = tpu.memref_slice %arg14[%add3A_697, %dma_wait3A_703] : memref<80x128xi32, #tpu.memory_space<vmem>> -> memref<1x128xi32, #tpu.memory_space<vmem>>
        %dma_wait3A_705 = tpu.memref_squeeze %dma_wait3A_704 : memref<1x128xi32, #tpu.memory_space<vmem>> -> memref<128xi32, #tpu.memory_space<vmem>>
        %dma_wait3A_706 = arith.constant 0 : i32
        %dma_wait3A_707 = arith.constant 0 : i32
        %dma_wait3A_708 = tpu.memref_slice %arg9[%dma_wait3A_706, %dma_wait3A_707] : memref<10240x16xf32, #tpu.memory_space<vmem_shared>> -> memref<10240x16xf32, #tpu.memory_space<vmem_shared>>
        %dma_wait3A_709 = tpu.memref_slice %arg16[%select_n3A_314] : memref<2x!tpu.dma_semaphore, #tpu.memory_space<semaphore_mem>> -> memref<1x!tpu.dma_semaphore, #tpu.memory_space<semaphore_mem>>
        %dma_wait3A_710 = tpu.memref_squeeze %dma_wait3A_709 : memref<1x!tpu.dma_semaphore, #tpu.memory_space<semaphore_mem>> -> memref<!tpu.dma_semaphore, #tpu.memory_space<semaphore_mem>>
        tpu.wait_indirect_dma semaphore(%dma_wait3A_710 : memref<!tpu.dma_semaphore, #tpu.memory_space<semaphore_mem>>) src(%dma_wait3A_702 : memref<128x16xf32, #tpu.memory_space<vmem>>) dst(%dma_wait3A_708 : memref<10240x16xf32, #tpu.memory_space<vmem_shared>>)
        %sub3A_711 = arith.constant 1 : i32
        %sub3A_712 = arith.subi %scan3A_286, %sub3A_711 : i32
        %mul3A_713 = arith.constant 8 : i32
        %mul3A_714 = arith.muli %sub3A_712, %mul3A_713 : i32
        %add3A_715 = arith.constant 6 : i32
        %add3A_716 = arith.addi %mul3A_714, %add3A_715 : i32
        %dma_wait3A_717 = arith.constant 6 : i32
        %dma_wait3A_718 = arith.constant 0 : i32
        %dma_wait3A_719 = arith.constant 0 : i32
        %dma_wait3A_720 = tpu.memref_slice %arg12[%select_n3A_314, %dma_wait3A_717, %dma_wait3A_718, %dma_wait3A_719] : memref<2x8x128x16xf32, #tpu.memory_space<vmem>> -> memref<1x1x128x16xf32, #tpu.memory_space<vmem>>
        %dma_wait3A_721 = tpu.memref_squeeze %dma_wait3A_720 : memref<1x1x128x16xf32, #tpu.memory_space<vmem>> -> memref<128x16xf32, #tpu.memory_space<vmem>>
        %dma_wait3A_722 = arith.constant 0 : i32
        %dma_wait3A_723 = tpu.memref_slice %arg14[%add3A_716, %dma_wait3A_722] : memref<80x128xi32, #tpu.memory_space<vmem>> -> memref<1x128xi32, #tpu.memory_space<vmem>>
        %dma_wait3A_724 = tpu.memref_squeeze %dma_wait3A_723 : memref<1x128xi32, #tpu.memory_space<vmem>> -> memref<128xi32, #tpu.memory_space<vmem>>
        %dma_wait3A_725 = arith.constant 0 : i32
        %dma_wait3A_726 = arith.constant 0 : i32
        %dma_wait3A_727 = tpu.memref_slice %arg9[%dma_wait3A_725, %dma_wait3A_726] : memref<10240x16xf32, #tpu.memory_space<vmem_shared>> -> memref<10240x16xf32, #tpu.memory_space<vmem_shared>>
        %dma_wait3A_728 = tpu.memref_slice %arg16[%select_n3A_314] : memref<2x!tpu.dma_semaphore, #tpu.memory_space<semaphore_mem>> -> memref<1x!tpu.dma_semaphore, #tpu.memory_space<semaphore_mem>>
        %dma_wait3A_729 = tpu.memref_squeeze %dma_wait3A_728 : memref<1x!tpu.dma_semaphore, #tpu.memory_space<semaphore_mem>> -> memref<!tpu.dma_semaphore, #tpu.memory_space<semaphore_mem>>
        tpu.wait_indirect_dma semaphore(%dma_wait3A_729 : memref<!tpu.dma_semaphore, #tpu.memory_space<semaphore_mem>>) src(%dma_wait3A_721 : memref<128x16xf32, #tpu.memory_space<vmem>>) dst(%dma_wait3A_727 : memref<10240x16xf32, #tpu.memory_space<vmem_shared>>)
        %sub3A_730 = arith.constant 1 : i32
        %sub3A_731 = arith.subi %scan3A_286, %sub3A_730 : i32
        %mul3A_732 = arith.constant 8 : i32
        %mul3A_733 = arith.muli %sub3A_731, %mul3A_732 : i32
        %add3A_734 = arith.constant 7 : i32
        %add3A_735 = arith.addi %mul3A_733, %add3A_734 : i32
        %dma_wait3A_736 = arith.constant 7 : i32
        %dma_wait3A_737 = arith.constant 0 : i32
        %dma_wait3A_738 = arith.constant 0 : i32
        %dma_wait3A_739 = tpu.memref_slice %arg12[%select_n3A_314, %dma_wait3A_736, %dma_wait3A_737, %dma_wait3A_738] : memref<2x8x128x16xf32, #tpu.memory_space<vmem>> -> memref<1x1x128x16xf32, #tpu.memory_space<vmem>>
        %dma_wait3A_740 = tpu.memref_squeeze %dma_wait3A_739 : memref<1x1x128x16xf32, #tpu.memory_space<vmem>> -> memref<128x16xf32, #tpu.memory_space<vmem>>
        %dma_wait3A_741 = arith.constant 0 : i32
        %dma_wait3A_742 = tpu.memref_slice %arg14[%add3A_735, %dma_wait3A_741] : memref<80x128xi32, #tpu.memory_space<vmem>> -> memref<1x128xi32, #tpu.memory_space<vmem>>
        %dma_wait3A_743 = tpu.memref_squeeze %dma_wait3A_742 : memref<1x128xi32, #tpu.memory_space<vmem>> -> memref<128xi32, #tpu.memory_space<vmem>>
        %dma_wait3A_744 = arith.constant 0 : i32
        %dma_wait3A_745 = arith.constant 0 : i32
        %dma_wait3A_746 = tpu.memref_slice %arg9[%dma_wait3A_744, %dma_wait3A_745] : memref<10240x16xf32, #tpu.memory_space<vmem_shared>> -> memref<10240x16xf32, #tpu.memory_space<vmem_shared>>
        %dma_wait3A_747 = tpu.memref_slice %arg16[%select_n3A_314] : memref<2x!tpu.dma_semaphore, #tpu.memory_space<semaphore_mem>> -> memref<1x!tpu.dma_semaphore, #tpu.memory_space<semaphore_mem>>
        %dma_wait3A_748 = tpu.memref_squeeze %dma_wait3A_747 : memref<1x!tpu.dma_semaphore, #tpu.memory_space<semaphore_mem>> -> memref<!tpu.dma_semaphore, #tpu.memory_space<semaphore_mem>>
        tpu.wait_indirect_dma semaphore(%dma_wait3A_748 : memref<!tpu.dma_semaphore, #tpu.memory_space<semaphore_mem>>) src(%dma_wait3A_740 : memref<128x16xf32, #tpu.memory_space<vmem>>) dst(%dma_wait3A_746 : memref<10240x16xf32, #tpu.memory_space<vmem_shared>>)
      } else {
      }
      %add3A_319 = arith.constant 1 : i32
      %add3A_320 = arith.addi %scan3A_286, %add3A_319 : i32
      %lt3A_321 = arith.constant 10 : i32
      %lt3A_322 = arith.cmpi slt, %add3A_320, %lt3A_321 : i32
      %convert_element_type3A_323 = arith.extui %lt3A_322 : i1 to i32
      %cond3A_324 = arith.constant 0 : i32
      %cond3A_325 = arith.cmpi ne, %convert_element_type3A_323, %cond3A_324 : i32
      scf.if %cond3A_325 {
        %add3A_598 = arith.constant 1 : i32
        %add3A_599 = arith.addi %scan3A_286, %add3A_598 : i32
        %mul3A_600 = arith.constant 8 : i32
        %mul3A_601 = arith.muli %add3A_599, %mul3A_600 : i32
        %add3A_602 = arith.constant 0 : i32
        %add3A_603 = arith.addi %mul3A_601, %add3A_602 : i32
        %dma_start3A_604 = arith.constant 0 : i32
        %dma_start3A_605 = arith.constant 0 : i32
        %dma_start3A_606 = arith.constant 0 : i32
        %dma_start3A_607 = tpu.memref_slice %arg12[%select_n3A_314, %dma_start3A_604, %dma_start3A_605, %dma_start3A_606] : memref<2x8x128x16xf32, #tpu.memory_space<vmem>> -> memref<1x1x128x16xf32, #tpu.memory_space<vmem>>
        %dma_start3A_608 = tpu.memref_squeeze %dma_start3A_607 : memref<1x1x128x16xf32, #tpu.memory_space<vmem>> -> memref<128x16xf32, #tpu.memory_space<vmem>>
        %dma_start3A_609 = arith.constant 0 : i32
        %dma_start3A_610 = tpu.memref_slice %arg13[%add3A_603, %dma_start3A_609] : memref<80x128xi32, #tpu.memory_space<vmem>> -> memref<1x128xi32, #tpu.memory_space<vmem>>
        %dma_start3A_611 = tpu.memref_squeeze %dma_start3A_610 : memref<1x128xi32, #tpu.memory_space<vmem>> -> memref<128xi32, #tpu.memory_space<vmem>>
        %dma_start3A_612 = arith.constant 0 : i32
        %dma_start3A_613 = arith.constant 0 : i32
        %dma_start3A_614 = tpu.memref_slice %arg10[%dma_start3A_612, %dma_start3A_613] : memref<10240x16xf32, #tpu.memory_space<vmem_shared>> -> memref<10240x16xf32, #tpu.memory_space<vmem_shared>>
        %dma_start3A_615 = tpu.memref_slice %arg15[%select_n3A_314] : memref<2x!tpu.dma_semaphore, #tpu.memory_space<semaphore_mem>> -> memref<1x!tpu.dma_semaphore, #tpu.memory_space<semaphore_mem>>
        %dma_start3A_616 = tpu.memref_squeeze %dma_start3A_615 : memref<1x!tpu.dma_semaphore, #tpu.memory_space<semaphore_mem>> -> memref<!tpu.dma_semaphore, #tpu.memory_space<semaphore_mem>>
        tpu.enqueue_indirect_dma source(%dma_start3A_614 : memref<10240x16xf32, #tpu.memory_space<vmem_shared>>) target(%dma_start3A_608 : memref<128x16xf32, #tpu.memory_space<vmem>>) offsets(%dma_start3A_611 : memref<128xi32, #tpu.memory_space<vmem>>) semaphore(%dma_start3A_616 : memref<!tpu.dma_semaphore, #tpu.memory_space<semaphore_mem>>)
        %add3A_617 = arith.constant 1 : i32
        %add3A_618 = arith.addi %scan3A_286, %add3A_617 : i32
        %mul3A_619 = arith.constant 8 : i32
        %mul3A_620 = arith.muli %add3A_618, %mul3A_619 : i32
        %add3A_621 = arith.constant 1 : i32
        %add3A_622 = arith.addi %mul3A_620, %add3A_621 : i32
        %dma_start3A_623 = arith.constant 1 : i32
        %dma_start3A_624 = arith.constant 0 : i32
        %dma_start3A_625 = arith.constant 0 : i32
        %dma_start3A_626 = tpu.memref_slice %arg12[%select_n3A_314, %dma_start3A_623, %dma_start3A_624, %dma_start3A_625] : memref<2x8x128x16xf32, #tpu.memory_space<vmem>> -> memref<1x1x128x16xf32, #tpu.memory_space<vmem>>
        %dma_start3A_627 = tpu.memref_squeeze %dma_start3A_626 : memref<1x1x128x16xf32, #tpu.memory_space<vmem>> -> memref<128x16xf32, #tpu.memory_space<vmem>>
        %dma_start3A_628 = arith.constant 0 : i32
        %dma_start3A_629 = tpu.memref_slice %arg13[%add3A_622, %dma_start3A_628] : memref<80x128xi32, #tpu.memory_space<vmem>> -> memref<1x128xi32, #tpu.memory_space<vmem>>
        %dma_start3A_630 = tpu.memref_squeeze %dma_start3A_629 : memref<1x128xi32, #tpu.memory_space<vmem>> -> memref<128xi32, #tpu.memory_space<vmem>>
        %dma_start3A_631 = arith.constant 0 : i32
        %dma_start3A_632 = arith.constant 0 : i32
        %dma_start3A_633 = tpu.memref_slice %arg10[%dma_start3A_631, %dma_start3A_632] : memref<10240x16xf32, #tpu.memory_space<vmem_shared>> -> memref<10240x16xf32, #tpu.memory_space<vmem_shared>>
        %dma_start3A_634 = tpu.memref_slice %arg15[%select_n3A_314] : memref<2x!tpu.dma_semaphore, #tpu.memory_space<semaphore_mem>> -> memref<1x!tpu.dma_semaphore, #tpu.memory_space<semaphore_mem>>
        %dma_start3A_635 = tpu.memref_squeeze %dma_start3A_634 : memref<1x!tpu.dma_semaphore, #tpu.memory_space<semaphore_mem>> -> memref<!tpu.dma_semaphore, #tpu.memory_space<semaphore_mem>>
        tpu.enqueue_indirect_dma source(%dma_start3A_633 : memref<10240x16xf32, #tpu.memory_space<vmem_shared>>) target(%dma_start3A_627 : memref<128x16xf32, #tpu.memory_space<vmem>>) offsets(%dma_start3A_630 : memref<128xi32, #tpu.memory_space<vmem>>) semaphore(%dma_start3A_635 : memref<!tpu.dma_semaphore, #tpu.memory_space<semaphore_mem>>)
        %add3A_636 = arith.constant 1 : i32
        %add3A_637 = arith.addi %scan3A_286, %add3A_636 : i32
        %mul3A_638 = arith.constant 8 : i32
        %mul3A_639 = arith.muli %add3A_637, %mul3A_638 : i32
        %add3A_640 = arith.constant 2 : i32
        %add3A_641 = arith.addi %mul3A_639, %add3A_640 : i32
        %dma_start3A_642 = arith.constant 2 : i32
        %dma_start3A_643 = arith.constant 0 : i32
        %dma_start3A_644 = arith.constant 0 : i32
        %dma_start3A_645 = tpu.memref_slice %arg12[%select_n3A_314, %dma_start3A_642, %dma_start3A_643, %dma_start3A_644] : memref<2x8x128x16xf32, #tpu.memory_space<vmem>> -> memref<1x1x128x16xf32, #tpu.memory_space<vmem>>
        %dma_start3A_646 = tpu.memref_squeeze %dma_start3A_645 : memref<1x1x128x16xf32, #tpu.memory_space<vmem>> -> memref<128x16xf32, #tpu.memory_space<vmem>>
        %dma_start3A_647 = arith.constant 0 : i32
        %dma_start3A_648 = tpu.memref_slice %arg13[%add3A_641, %dma_start3A_647] : memref<80x128xi32, #tpu.memory_space<vmem>> -> memref<1x128xi32, #tpu.memory_space<vmem>>
        %dma_start3A_649 = tpu.memref_squeeze %dma_start3A_648 : memref<1x128xi32, #tpu.memory_space<vmem>> -> memref<128xi32, #tpu.memory_space<vmem>>
        %dma_start3A_650 = arith.constant 0 : i32
        %dma_start3A_651 = arith.constant 0 : i32
        %dma_start3A_652 = tpu.memref_slice %arg10[%dma_start3A_650, %dma_start3A_651] : memref<10240x16xf32, #tpu.memory_space<vmem_shared>> -> memref<10240x16xf32, #tpu.memory_space<vmem_shared>>
        %dma_start3A_653 = tpu.memref_slice %arg15[%select_n3A_314] : memref<2x!tpu.dma_semaphore, #tpu.memory_space<semaphore_mem>> -> memref<1x!tpu.dma_semaphore, #tpu.memory_space<semaphore_mem>>
        %dma_start3A_654 = tpu.memref_squeeze %dma_start3A_653 : memref<1x!tpu.dma_semaphore, #tpu.memory_space<semaphore_mem>> -> memref<!tpu.dma_semaphore, #tpu.memory_space<semaphore_mem>>
        tpu.enqueue_indirect_dma source(%dma_start3A_652 : memref<10240x16xf32, #tpu.memory_space<vmem_shared>>) target(%dma_start3A_646 : memref<128x16xf32, #tpu.memory_space<vmem>>) offsets(%dma_start3A_649 : memref<128xi32, #tpu.memory_space<vmem>>) semaphore(%dma_start3A_654 : memref<!tpu.dma_semaphore, #tpu.memory_space<semaphore_mem>>)
        %add3A_655 = arith.constant 1 : i32
        %add3A_656 = arith.addi %scan3A_286, %add3A_655 : i32
        %mul3A_657 = arith.constant 8 : i32
        %mul3A_658 = arith.muli %add3A_656, %mul3A_657 : i32
        %add3A_659 = arith.constant 3 : i32
        %add3A_660 = arith.addi %mul3A_658, %add3A_659 : i32
        %dma_start3A_661 = arith.constant 3 : i32
        %dma_start3A_662 = arith.constant 0 : i32
        %dma_start3A_663 = arith.constant 0 : i32
        %dma_start3A_664 = tpu.memref_slice %arg12[%select_n3A_314, %dma_start3A_661, %dma_start3A_662, %dma_start3A_663] : memref<2x8x128x16xf32, #tpu.memory_space<vmem>> -> memref<1x1x128x16xf32, #tpu.memory_space<vmem>>
        %dma_start3A_665 = tpu.memref_squeeze %dma_start3A_664 : memref<1x1x128x16xf32, #tpu.memory_space<vmem>> -> memref<128x16xf32, #tpu.memory_space<vmem>>
        %dma_start3A_666 = arith.constant 0 : i32
        %dma_start3A_667 = tpu.memref_slice %arg13[%add3A_660, %dma_start3A_666] : memref<80x128xi32, #tpu.memory_space<vmem>> -> memref<1x128xi32, #tpu.memory_space<vmem>>
        %dma_start3A_668 = tpu.memref_squeeze %dma_start3A_667 : memref<1x128xi32, #tpu.memory_space<vmem>> -> memref<128xi32, #tpu.memory_space<vmem>>
        %dma_start3A_669 = arith.constant 0 : i32
        %dma_start3A_670 = arith.constant 0 : i32
        %dma_start3A_671 = tpu.memref_slice %arg10[%dma_start3A_669, %dma_start3A_670] : memref<10240x16xf32, #tpu.memory_space<vmem_shared>> -> memref<10240x16xf32, #tpu.memory_space<vmem_shared>>
        %dma_start3A_672 = tpu.memref_slice %arg15[%select_n3A_314] : memref<2x!tpu.dma_semaphore, #tpu.memory_space<semaphore_mem>> -> memref<1x!tpu.dma_semaphore, #tpu.memory_space<semaphore_mem>>
        %dma_start3A_673 = tpu.memref_squeeze %dma_start3A_672 : memref<1x!tpu.dma_semaphore, #tpu.memory_space<semaphore_mem>> -> memref<!tpu.dma_semaphore, #tpu.memory_space<semaphore_mem>>
        tpu.enqueue_indirect_dma source(%dma_start3A_671 : memref<10240x16xf32, #tpu.memory_space<vmem_shared>>) target(%dma_start3A_665 : memref<128x16xf32, #tpu.memory_space<vmem>>) offsets(%dma_start3A_668 : memref<128xi32, #tpu.memory_space<vmem>>) semaphore(%dma_start3A_673 : memref<!tpu.dma_semaphore, #tpu.memory_space<semaphore_mem>>)
        %add3A_674 = arith.constant 1 : i32
        %add3A_675 = arith.addi %scan3A_286, %add3A_674 : i32
        %mul3A_676 = arith.constant 8 : i32
        %mul3A_677 = arith.muli %add3A_675, %mul3A_676 : i32
        %add3A_678 = arith.constant 4 : i32
        %add3A_679 = arith.addi %mul3A_677, %add3A_678 : i32
        %dma_start3A_680 = arith.constant 4 : i32
        %dma_start3A_681 = arith.constant 0 : i32
        %dma_start3A_682 = arith.constant 0 : i32
        %dma_start3A_683 = tpu.memref_slice %arg12[%select_n3A_314, %dma_start3A_680, %dma_start3A_681, %dma_start3A_682] : memref<2x8x128x16xf32, #tpu.memory_space<vmem>> -> memref<1x1x128x16xf32, #tpu.memory_space<vmem>>
        %dma_start3A_684 = tpu.memref_squeeze %dma_start3A_683 : memref<1x1x128x16xf32, #tpu.memory_space<vmem>> -> memref<128x16xf32, #tpu.memory_space<vmem>>
        %dma_start3A_685 = arith.constant 0 : i32
        %dma_start3A_686 = tpu.memref_slice %arg13[%add3A_679, %dma_start3A_685] : memref<80x128xi32, #tpu.memory_space<vmem>> -> memref<1x128xi32, #tpu.memory_space<vmem>>
        %dma_start3A_687 = tpu.memref_squeeze %dma_start3A_686 : memref<1x128xi32, #tpu.memory_space<vmem>> -> memref<128xi32, #tpu.memory_space<vmem>>
        %dma_start3A_688 = arith.constant 0 : i32
        %dma_start3A_689 = arith.constant 0 : i32
        %dma_start3A_690 = tpu.memref_slice %arg10[%dma_start3A_688, %dma_start3A_689] : memref<10240x16xf32, #tpu.memory_space<vmem_shared>> -> memref<10240x16xf32, #tpu.memory_space<vmem_shared>>
        %dma_start3A_691 = tpu.memref_slice %arg15[%select_n3A_314] : memref<2x!tpu.dma_semaphore, #tpu.memory_space<semaphore_mem>> -> memref<1x!tpu.dma_semaphore, #tpu.memory_space<semaphore_mem>>
        %dma_start3A_692 = tpu.memref_squeeze %dma_start3A_691 : memref<1x!tpu.dma_semaphore, #tpu.memory_space<semaphore_mem>> -> memref<!tpu.dma_semaphore, #tpu.memory_space<semaphore_mem>>
        tpu.enqueue_indirect_dma source(%dma_start3A_690 : memref<10240x16xf32, #tpu.memory_space<vmem_shared>>) target(%dma_start3A_684 : memref<128x16xf32, #tpu.memory_space<vmem>>) offsets(%dma_start3A_687 : memref<128xi32, #tpu.memory_space<vmem>>) semaphore(%dma_start3A_692 : memref<!tpu.dma_semaphore, #tpu.memory_space<semaphore_mem>>)
        %add3A_693 = arith.constant 1 : i32
        %add3A_694 = arith.addi %scan3A_286, %add3A_693 : i32
        %mul3A_695 = arith.constant 8 : i32
        %mul3A_696 = arith.muli %add3A_694, %mul3A_695 : i32
        %add3A_697 = arith.constant 5 : i32
        %add3A_698 = arith.addi %mul3A_696, %add3A_697 : i32
        %dma_start3A_699 = arith.constant 5 : i32
        %dma_start3A_700 = arith.constant 0 : i32
        %dma_start3A_701 = arith.constant 0 : i32
        %dma_start3A_702 = tpu.memref_slice %arg12[%select_n3A_314, %dma_start3A_699, %dma_start3A_700, %dma_start3A_701] : memref<2x8x128x16xf32, #tpu.memory_space<vmem>> -> memref<1x1x128x16xf32, #tpu.memory_space<vmem>>
        %dma_start3A_703 = tpu.memref_squeeze %dma_start3A_702 : memref<1x1x128x16xf32, #tpu.memory_space<vmem>> -> memref<128x16xf32, #tpu.memory_space<vmem>>
        %dma_start3A_704 = arith.constant 0 : i32
        %dma_start3A_705 = tpu.memref_slice %arg13[%add3A_698, %dma_start3A_704] : memref<80x128xi32, #tpu.memory_space<vmem>> -> memref<1x128xi32, #tpu.memory_space<vmem>>
        %dma_start3A_706 = tpu.memref_squeeze %dma_start3A_705 : memref<1x128xi32, #tpu.memory_space<vmem>> -> memref<128xi32, #tpu.memory_space<vmem>>
        %dma_start3A_707 = arith.constant 0 : i32
        %dma_start3A_708 = arith.constant 0 : i32
        %dma_start3A_709 = tpu.memref_slice %arg10[%dma_start3A_707, %dma_start3A_708] : memref<10240x16xf32, #tpu.memory_space<vmem_shared>> -> memref<10240x16xf32, #tpu.memory_space<vmem_shared>>
        %dma_start3A_710 = tpu.memref_slice %arg15[%select_n3A_314] : memref<2x!tpu.dma_semaphore, #tpu.memory_space<semaphore_mem>> -> memref<1x!tpu.dma_semaphore, #tpu.memory_space<semaphore_mem>>
        %dma_start3A_711 = tpu.memref_squeeze %dma_start3A_710 : memref<1x!tpu.dma_semaphore, #tpu.memory_space<semaphore_mem>> -> memref<!tpu.dma_semaphore, #tpu.memory_space<semaphore_mem>>
        tpu.enqueue_indirect_dma source(%dma_start3A_709 : memref<10240x16xf32, #tpu.memory_space<vmem_shared>>) target(%dma_start3A_703 : memref<128x16xf32, #tpu.memory_space<vmem>>) offsets(%dma_start3A_706 : memref<128xi32, #tpu.memory_space<vmem>>) semaphore(%dma_start3A_711 : memref<!tpu.dma_semaphore, #tpu.memory_space<semaphore_mem>>)
        %add3A_712 = arith.constant 1 : i32
        %add3A_713 = arith.addi %scan3A_286, %add3A_712 : i32
        %mul3A_714 = arith.constant 8 : i32
        %mul3A_715 = arith.muli %add3A_713, %mul3A_714 : i32
        %add3A_716 = arith.constant 6 : i32
        %add3A_717 = arith.addi %mul3A_715, %add3A_716 : i32
        %dma_start3A_718 = arith.constant 6 : i32
        %dma_start3A_719 = arith.constant 0 : i32
        %dma_start3A_720 = arith.constant 0 : i32
        %dma_start3A_721 = tpu.memref_slice %arg12[%select_n3A_314, %dma_start3A_718, %dma_start3A_719, %dma_start3A_720] : memref<2x8x128x16xf32, #tpu.memory_space<vmem>> -> memref<1x1x128x16xf32, #tpu.memory_space<vmem>>
        %dma_start3A_722 = tpu.memref_squeeze %dma_start3A_721 : memref<1x1x128x16xf32, #tpu.memory_space<vmem>> -> memref<128x16xf32, #tpu.memory_space<vmem>>
        %dma_start3A_723 = arith.constant 0 : i32
        %dma_start3A_724 = tpu.memref_slice %arg13[%add3A_717, %dma_start3A_723] : memref<80x128xi32, #tpu.memory_space<vmem>> -> memref<1x128xi32, #tpu.memory_space<vmem>>
        %dma_start3A_725 = tpu.memref_squeeze %dma_start3A_724 : memref<1x128xi32, #tpu.memory_space<vmem>> -> memref<128xi32, #tpu.memory_space<vmem>>
        %dma_start3A_726 = arith.constant 0 : i32
        %dma_start3A_727 = arith.constant 0 : i32
        %dma_start3A_728 = tpu.memref_slice %arg10[%dma_start3A_726, %dma_start3A_727] : memref<10240x16xf32, #tpu.memory_space<vmem_shared>> -> memref<10240x16xf32, #tpu.memory_space<vmem_shared>>
        %dma_start3A_729 = tpu.memref_slice %arg15[%select_n3A_314] : memref<2x!tpu.dma_semaphore, #tpu.memory_space<semaphore_mem>> -> memref<1x!tpu.dma_semaphore, #tpu.memory_space<semaphore_mem>>
        %dma_start3A_730 = tpu.memref_squeeze %dma_start3A_729 : memref<1x!tpu.dma_semaphore, #tpu.memory_space<semaphore_mem>> -> memref<!tpu.dma_semaphore, #tpu.memory_space<semaphore_mem>>
        tpu.enqueue_indirect_dma source(%dma_start3A_728 : memref<10240x16xf32, #tpu.memory_space<vmem_shared>>) target(%dma_start3A_722 : memref<128x16xf32, #tpu.memory_space<vmem>>) offsets(%dma_start3A_725 : memref<128xi32, #tpu.memory_space<vmem>>) semaphore(%dma_start3A_730 : memref<!tpu.dma_semaphore, #tpu.memory_space<semaphore_mem>>)
        %add3A_731 = arith.constant 1 : i32
        %add3A_732 = arith.addi %scan3A_286, %add3A_731 : i32
        %mul3A_733 = arith.constant 8 : i32
        %mul3A_734 = arith.muli %add3A_732, %mul3A_733 : i32
        %add3A_735 = arith.constant 7 : i32
        %add3A_736 = arith.addi %mul3A_734, %add3A_735 : i32
        %dma_start3A_737 = arith.constant 7 : i32
        %dma_start3A_738 = arith.constant 0 : i32
        %dma_start3A_739 = arith.constant 0 : i32
        %dma_start3A_740 = tpu.memref_slice %arg12[%select_n3A_314, %dma_start3A_737, %dma_start3A_738, %dma_start3A_739] : memref<2x8x128x16xf32, #tpu.memory_space<vmem>> -> memref<1x1x128x16xf32, #tpu.memory_space<vmem>>
        %dma_start3A_741 = tpu.memref_squeeze %dma_start3A_740 : memref<1x1x128x16xf32, #tpu.memory_space<vmem>> -> memref<128x16xf32, #tpu.memory_space<vmem>>
        %dma_start3A_742 = arith.constant 0 : i32
        %dma_start3A_743 = tpu.memref_slice %arg13[%add3A_736, %dma_start3A_742] : memref<80x128xi32, #tpu.memory_space<vmem>> -> memref<1x128xi32, #tpu.memory_space<vmem>>
        %dma_start3A_744 = tpu.memref_squeeze %dma_start3A_743 : memref<1x128xi32, #tpu.memory_space<vmem>> -> memref<128xi32, #tpu.memory_space<vmem>>
        %dma_start3A_745 = arith.constant 0 : i32
        %dma_start3A_746 = arith.constant 0 : i32
        %dma_start3A_747 = tpu.memref_slice %arg10[%dma_start3A_745, %dma_start3A_746] : memref<10240x16xf32, #tpu.memory_space<vmem_shared>> -> memref<10240x16xf32, #tpu.memory_space<vmem_shared>>
        %dma_start3A_748 = tpu.memref_slice %arg15[%select_n3A_314] : memref<2x!tpu.dma_semaphore, #tpu.memory_space<semaphore_mem>> -> memref<1x!tpu.dma_semaphore, #tpu.memory_space<semaphore_mem>>
        %dma_start3A_749 = tpu.memref_squeeze %dma_start3A_748 : memref<1x!tpu.dma_semaphore, #tpu.memory_space<semaphore_mem>> -> memref<!tpu.dma_semaphore, #tpu.memory_space<semaphore_mem>>
        tpu.enqueue_indirect_dma source(%dma_start3A_747 : memref<10240x16xf32, #tpu.memory_space<vmem_shared>>) target(%dma_start3A_741 : memref<128x16xf32, #tpu.memory_space<vmem>>) offsets(%dma_start3A_744 : memref<128xi32, #tpu.memory_space<vmem>>) semaphore(%dma_start3A_749 : memref<!tpu.dma_semaphore, #tpu.memory_space<semaphore_mem>>)
      } else {
      }
      %mul3A_326 = arith.constant 8 : i32
      %mul3A_327 = arith.muli %scan3A_286, %mul3A_326 : i32
      %add3A_328 = arith.constant 0 : i32
      %add3A_329 = arith.addi %mul3A_327, %add3A_328 : i32
      %dma_wait3A_330 = arith.constant 0 : i32
      %dma_wait3A_331 = arith.constant 0 : i32
      %dma_wait3A_332 = arith.constant 0 : i32
      %dma_wait3A_333 = tpu.memref_slice %arg12[%select_n3A_296, %dma_wait3A_330, %dma_wait3A_331, %dma_wait3A_332] : memref<2x8x128x16xf32, #tpu.memory_space<vmem>> -> memref<1x1x128x16xf32, #tpu.memory_space<vmem>>
      %dma_wait3A_334 = tpu.memref_squeeze %dma_wait3A_333 : memref<1x1x128x16xf32, #tpu.memory_space<vmem>> -> memref<128x16xf32, #tpu.memory_space<vmem>>
      %dma_wait3A_335 = arith.constant 0 : i32
      %dma_wait3A_336 = tpu.memref_slice %arg13[%add3A_329, %dma_wait3A_335] : memref<80x128xi32, #tpu.memory_space<vmem>> -> memref<1x128xi32, #tpu.memory_space<vmem>>
      %dma_wait3A_337 = tpu.memref_squeeze %dma_wait3A_336 : memref<1x128xi32, #tpu.memory_space<vmem>> -> memref<128xi32, #tpu.memory_space<vmem>>
      %dma_wait3A_338 = arith.constant 0 : i32
      %dma_wait3A_339 = arith.constant 0 : i32
      %dma_wait3A_340 = tpu.memref_slice %arg10[%dma_wait3A_338, %dma_wait3A_339] : memref<10240x16xf32, #tpu.memory_space<vmem_shared>> -> memref<10240x16xf32, #tpu.memory_space<vmem_shared>>
      %dma_wait3A_341 = tpu.memref_slice %arg15[%select_n3A_296] : memref<2x!tpu.dma_semaphore, #tpu.memory_space<semaphore_mem>> -> memref<1x!tpu.dma_semaphore, #tpu.memory_space<semaphore_mem>>
      %dma_wait3A_342 = tpu.memref_squeeze %dma_wait3A_341 : memref<1x!tpu.dma_semaphore, #tpu.memory_space<semaphore_mem>> -> memref<!tpu.dma_semaphore, #tpu.memory_space<semaphore_mem>>
      tpu.wait_indirect_dma semaphore(%dma_wait3A_342 : memref<!tpu.dma_semaphore, #tpu.memory_space<semaphore_mem>>) src(%dma_wait3A_340 : memref<10240x16xf32, #tpu.memory_space<vmem_shared>>) dst(%dma_wait3A_334 : memref<128x16xf32, #tpu.memory_space<vmem>>)
      %mul3A_343 = arith.constant 8 : i32
      %mul3A_344 = arith.muli %scan3A_286, %mul3A_343 : i32
      %add3A_345 = arith.constant 1 : i32
      %add3A_346 = arith.addi %mul3A_344, %add3A_345 : i32
      %dma_wait3A_347 = arith.constant 1 : i32
      %dma_wait3A_348 = arith.constant 0 : i32
      %dma_wait3A_349 = arith.constant 0 : i32
      %dma_wait3A_350 = tpu.memref_slice %arg12[%select_n3A_296, %dma_wait3A_347, %dma_wait3A_348, %dma_wait3A_349] : memref<2x8x128x16xf32, #tpu.memory_space<vmem>> -> memref<1x1x128x16xf32, #tpu.memory_space<vmem>>
      %dma_wait3A_351 = tpu.memref_squeeze %dma_wait3A_350 : memref<1x1x128x16xf32, #tpu.memory_space<vmem>> -> memref<128x16xf32, #tpu.memory_space<vmem>>
      %dma_wait3A_352 = arith.constant 0 : i32
      %dma_wait3A_353 = tpu.memref_slice %arg13[%add3A_346, %dma_wait3A_352] : memref<80x128xi32, #tpu.memory_space<vmem>> -> memref<1x128xi32, #tpu.memory_space<vmem>>
      %dma_wait3A_354 = tpu.memref_squeeze %dma_wait3A_353 : memref<1x128xi32, #tpu.memory_space<vmem>> -> memref<128xi32, #tpu.memory_space<vmem>>
      %dma_wait3A_355 = arith.constant 0 : i32
      %dma_wait3A_356 = arith.constant 0 : i32
      %dma_wait3A_357 = tpu.memref_slice %arg10[%dma_wait3A_355, %dma_wait3A_356] : memref<10240x16xf32, #tpu.memory_space<vmem_shared>> -> memref<10240x16xf32, #tpu.memory_space<vmem_shared>>
      %dma_wait3A_358 = tpu.memref_slice %arg15[%select_n3A_296] : memref<2x!tpu.dma_semaphore, #tpu.memory_space<semaphore_mem>> -> memref<1x!tpu.dma_semaphore, #tpu.memory_space<semaphore_mem>>
      %dma_wait3A_359 = tpu.memref_squeeze %dma_wait3A_358 : memref<1x!tpu.dma_semaphore, #tpu.memory_space<semaphore_mem>> -> memref<!tpu.dma_semaphore, #tpu.memory_space<semaphore_mem>>
      tpu.wait_indirect_dma semaphore(%dma_wait3A_359 : memref<!tpu.dma_semaphore, #tpu.memory_space<semaphore_mem>>) src(%dma_wait3A_357 : memref<10240x16xf32, #tpu.memory_space<vmem_shared>>) dst(%dma_wait3A_351 : memref<128x16xf32, #tpu.memory_space<vmem>>)
      %mul3A_360 = arith.constant 8 : i32
      %mul3A_361 = arith.muli %scan3A_286, %mul3A_360 : i32
      %add3A_362 = arith.constant 2 : i32
      %add3A_363 = arith.addi %mul3A_361, %add3A_362 : i32
      %dma_wait3A_364 = arith.constant 2 : i32
      %dma_wait3A_365 = arith.constant 0 : i32
      %dma_wait3A_366 = arith.constant 0 : i32
      %dma_wait3A_367 = tpu.memref_slice %arg12[%select_n3A_296, %dma_wait3A_364, %dma_wait3A_365, %dma_wait3A_366] : memref<2x8x128x16xf32, #tpu.memory_space<vmem>> -> memref<1x1x128x16xf32, #tpu.memory_space<vmem>>
      %dma_wait3A_368 = tpu.memref_squeeze %dma_wait3A_367 : memref<1x1x128x16xf32, #tpu.memory_space<vmem>> -> memref<128x16xf32, #tpu.memory_space<vmem>>
      %dma_wait3A_369 = arith.constant 0 : i32
      %dma_wait3A_370 = tpu.memref_slice %arg13[%add3A_363, %dma_wait3A_369] : memref<80x128xi32, #tpu.memory_space<vmem>> -> memref<1x128xi32, #tpu.memory_space<vmem>>
      %dma_wait3A_371 = tpu.memref_squeeze %dma_wait3A_370 : memref<1x128xi32, #tpu.memory_space<vmem>> -> memref<128xi32, #tpu.memory_space<vmem>>
      %dma_wait3A_372 = arith.constant 0 : i32
      %dma_wait3A_373 = arith.constant 0 : i32
      %dma_wait3A_374 = tpu.memref_slice %arg10[%dma_wait3A_372, %dma_wait3A_373] : memref<10240x16xf32, #tpu.memory_space<vmem_shared>> -> memref<10240x16xf32, #tpu.memory_space<vmem_shared>>
      %dma_wait3A_375 = tpu.memref_slice %arg15[%select_n3A_296] : memref<2x!tpu.dma_semaphore, #tpu.memory_space<semaphore_mem>> -> memref<1x!tpu.dma_semaphore, #tpu.memory_space<semaphore_mem>>
      %dma_wait3A_376 = tpu.memref_squeeze %dma_wait3A_375 : memref<1x!tpu.dma_semaphore, #tpu.memory_space<semaphore_mem>> -> memref<!tpu.dma_semaphore, #tpu.memory_space<semaphore_mem>>
      tpu.wait_indirect_dma semaphore(%dma_wait3A_376 : memref<!tpu.dma_semaphore, #tpu.memory_space<semaphore_mem>>) src(%dma_wait3A_374 : memref<10240x16xf32, #tpu.memory_space<vmem_shared>>) dst(%dma_wait3A_368 : memref<128x16xf32, #tpu.memory_space<vmem>>)
      %mul3A_377 = arith.constant 8 : i32
      %mul3A_378 = arith.muli %scan3A_286, %mul3A_377 : i32
      %add3A_379 = arith.constant 3 : i32
      %add3A_380 = arith.addi %mul3A_378, %add3A_379 : i32
      %dma_wait3A_381 = arith.constant 3 : i32
      %dma_wait3A_382 = arith.constant 0 : i32
      %dma_wait3A_383 = arith.constant 0 : i32
      %dma_wait3A_384 = tpu.memref_slice %arg12[%select_n3A_296, %dma_wait3A_381, %dma_wait3A_382, %dma_wait3A_383] : memref<2x8x128x16xf32, #tpu.memory_space<vmem>> -> memref<1x1x128x16xf32, #tpu.memory_space<vmem>>
      %dma_wait3A_385 = tpu.memref_squeeze %dma_wait3A_384 : memref<1x1x128x16xf32, #tpu.memory_space<vmem>> -> memref<128x16xf32, #tpu.memory_space<vmem>>
      %dma_wait3A_386 = arith.constant 0 : i32
      %dma_wait3A_387 = tpu.memref_slice %arg13[%add3A_380, %dma_wait3A_386] : memref<80x128xi32, #tpu.memory_space<vmem>> -> memref<1x128xi32, #tpu.memory_space<vmem>>
      %dma_wait3A_388 = tpu.memref_squeeze %dma_wait3A_387 : memref<1x128xi32, #tpu.memory_space<vmem>> -> memref<128xi32, #tpu.memory_space<vmem>>
      %dma_wait3A_389 = arith.constant 0 : i32
      %dma_wait3A_390 = arith.constant 0 : i32
      %dma_wait3A_391 = tpu.memref_slice %arg10[%dma_wait3A_389, %dma_wait3A_390] : memref<10240x16xf32, #tpu.memory_space<vmem_shared>> -> memref<10240x16xf32, #tpu.memory_space<vmem_shared>>
      %dma_wait3A_392 = tpu.memref_slice %arg15[%select_n3A_296] : memref<2x!tpu.dma_semaphore, #tpu.memory_space<semaphore_mem>> -> memref<1x!tpu.dma_semaphore, #tpu.memory_space<semaphore_mem>>
      %dma_wait3A_393 = tpu.memref_squeeze %dma_wait3A_392 : memref<1x!tpu.dma_semaphore, #tpu.memory_space<semaphore_mem>> -> memref<!tpu.dma_semaphore, #tpu.memory_space<semaphore_mem>>
      tpu.wait_indirect_dma semaphore(%dma_wait3A_393 : memref<!tpu.dma_semaphore, #tpu.memory_space<semaphore_mem>>) src(%dma_wait3A_391 : memref<10240x16xf32, #tpu.memory_space<vmem_shared>>) dst(%dma_wait3A_385 : memref<128x16xf32, #tpu.memory_space<vmem>>)
      %mul3A_394 = arith.constant 8 : i32
      %mul3A_395 = arith.muli %scan3A_286, %mul3A_394 : i32
      %add3A_396 = arith.constant 4 : i32
      %add3A_397 = arith.addi %mul3A_395, %add3A_396 : i32
      %dma_wait3A_398 = arith.constant 4 : i32
      %dma_wait3A_399 = arith.constant 0 : i32
      %dma_wait3A_400 = arith.constant 0 : i32
      %dma_wait3A_401 = tpu.memref_slice %arg12[%select_n3A_296, %dma_wait3A_398, %dma_wait3A_399, %dma_wait3A_400] : memref<2x8x128x16xf32, #tpu.memory_space<vmem>> -> memref<1x1x128x16xf32, #tpu.memory_space<vmem>>
      %dma_wait3A_402 = tpu.memref_squeeze %dma_wait3A_401 : memref<1x1x128x16xf32, #tpu.memory_space<vmem>> -> memref<128x16xf32, #tpu.memory_space<vmem>>
      %dma_wait3A_403 = arith.constant 0 : i32
      %dma_wait3A_404 = tpu.memref_slice %arg13[%add3A_397, %dma_wait3A_403] : memref<80x128xi32, #tpu.memory_space<vmem>> -> memref<1x128xi32, #tpu.memory_space<vmem>>
      %dma_wait3A_405 = tpu.memref_squeeze %dma_wait3A_404 : memref<1x128xi32, #tpu.memory_space<vmem>> -> memref<128xi32, #tpu.memory_space<vmem>>
      %dma_wait3A_406 = arith.constant 0 : i32
      %dma_wait3A_407 = arith.constant 0 : i32
      %dma_wait3A_408 = tpu.memref_slice %arg10[%dma_wait3A_406, %dma_wait3A_407] : memref<10240x16xf32, #tpu.memory_space<vmem_shared>> -> memref<10240x16xf32, #tpu.memory_space<vmem_shared>>
      %dma_wait3A_409 = tpu.memref_slice %arg15[%select_n3A_296] : memref<2x!tpu.dma_semaphore, #tpu.memory_space<semaphore_mem>> -> memref<1x!tpu.dma_semaphore, #tpu.memory_space<semaphore_mem>>
      %dma_wait3A_410 = tpu.memref_squeeze %dma_wait3A_409 : memref<1x!tpu.dma_semaphore, #tpu.memory_space<semaphore_mem>> -> memref<!tpu.dma_semaphore, #tpu.memory_space<semaphore_mem>>
      tpu.wait_indirect_dma semaphore(%dma_wait3A_410 : memref<!tpu.dma_semaphore, #tpu.memory_space<semaphore_mem>>) src(%dma_wait3A_408 : memref<10240x16xf32, #tpu.memory_space<vmem_shared>>) dst(%dma_wait3A_402 : memref<128x16xf32, #tpu.memory_space<vmem>>)
      %mul3A_411 = arith.constant 8 : i32
      %mul3A_412 = arith.muli %scan3A_286, %mul3A_411 : i32
      %add3A_413 = arith.constant 5 : i32
      %add3A_414 = arith.addi %mul3A_412, %add3A_413 : i32
      %dma_wait3A_415 = arith.constant 5 : i32
      %dma_wait3A_416 = arith.constant 0 : i32
      %dma_wait3A_417 = arith.constant 0 : i32
      %dma_wait3A_418 = tpu.memref_slice %arg12[%select_n3A_296, %dma_wait3A_415, %dma_wait3A_416, %dma_wait3A_417] : memref<2x8x128x16xf32, #tpu.memory_space<vmem>> -> memref<1x1x128x16xf32, #tpu.memory_space<vmem>>
      %dma_wait3A_419 = tpu.memref_squeeze %dma_wait3A_418 : memref<1x1x128x16xf32, #tpu.memory_space<vmem>> -> memref<128x16xf32, #tpu.memory_space<vmem>>
      %dma_wait3A_420 = arith.constant 0 : i32
      %dma_wait3A_421 = tpu.memref_slice %arg13[%add3A_414, %dma_wait3A_420] : memref<80x128xi32, #tpu.memory_space<vmem>> -> memref<1x128xi32, #tpu.memory_space<vmem>>
      %dma_wait3A_422 = tpu.memref_squeeze %dma_wait3A_421 : memref<1x128xi32, #tpu.memory_space<vmem>> -> memref<128xi32, #tpu.memory_space<vmem>>
      %dma_wait3A_423 = arith.constant 0 : i32
      %dma_wait3A_424 = arith.constant 0 : i32
      %dma_wait3A_425 = tpu.memref_slice %arg10[%dma_wait3A_423, %dma_wait3A_424] : memref<10240x16xf32, #tpu.memory_space<vmem_shared>> -> memref<10240x16xf32, #tpu.memory_space<vmem_shared>>
      %dma_wait3A_426 = tpu.memref_slice %arg15[%select_n3A_296] : memref<2x!tpu.dma_semaphore, #tpu.memory_space<semaphore_mem>> -> memref<1x!tpu.dma_semaphore, #tpu.memory_space<semaphore_mem>>
      %dma_wait3A_427 = tpu.memref_squeeze %dma_wait3A_426 : memref<1x!tpu.dma_semaphore, #tpu.memory_space<semaphore_mem>> -> memref<!tpu.dma_semaphore, #tpu.memory_space<semaphore_mem>>
      tpu.wait_indirect_dma semaphore(%dma_wait3A_427 : memref<!tpu.dma_semaphore, #tpu.memory_space<semaphore_mem>>) src(%dma_wait3A_425 : memref<10240x16xf32, #tpu.memory_space<vmem_shared>>) dst(%dma_wait3A_419 : memref<128x16xf32, #tpu.memory_space<vmem>>)
      %mul3A_428 = arith.constant 8 : i32
      %mul3A_429 = arith.muli %scan3A_286, %mul3A_428 : i32
      %add3A_430 = arith.constant 6 : i32
      %add3A_431 = arith.addi %mul3A_429, %add3A_430 : i32
      %dma_wait3A_432 = arith.constant 6 : i32
      %dma_wait3A_433 = arith.constant 0 : i32
      %dma_wait3A_434 = arith.constant 0 : i32
      %dma_wait3A_435 = tpu.memref_slice %arg12[%select_n3A_296, %dma_wait3A_432, %dma_wait3A_433, %dma_wait3A_434] : memref<2x8x128x16xf32, #tpu.memory_space<vmem>> -> memref<1x1x128x16xf32, #tpu.memory_space<vmem>>
      %dma_wait3A_436 = tpu.memref_squeeze %dma_wait3A_435 : memref<1x1x128x16xf32, #tpu.memory_space<vmem>> -> memref<128x16xf32, #tpu.memory_space<vmem>>
      %dma_wait3A_437 = arith.constant 0 : i32
      %dma_wait3A_438 = tpu.memref_slice %arg13[%add3A_431, %dma_wait3A_437] : memref<80x128xi32, #tpu.memory_space<vmem>> -> memref<1x128xi32, #tpu.memory_space<vmem>>
      %dma_wait3A_439 = tpu.memref_squeeze %dma_wait3A_438 : memref<1x128xi32, #tpu.memory_space<vmem>> -> memref<128xi32, #tpu.memory_space<vmem>>
      %dma_wait3A_440 = arith.constant 0 : i32
      %dma_wait3A_441 = arith.constant 0 : i32
      %dma_wait3A_442 = tpu.memref_slice %arg10[%dma_wait3A_440, %dma_wait3A_441] : memref<10240x16xf32, #tpu.memory_space<vmem_shared>> -> memref<10240x16xf32, #tpu.memory_space<vmem_shared>>
      %dma_wait3A_443 = tpu.memref_slice %arg15[%select_n3A_296] : memref<2x!tpu.dma_semaphore, #tpu.memory_space<semaphore_mem>> -> memref<1x!tpu.dma_semaphore, #tpu.memory_space<semaphore_mem>>
      %dma_wait3A_444 = tpu.memref_squeeze %dma_wait3A_443 : memref<1x!tpu.dma_semaphore, #tpu.memory_space<semaphore_mem>> -> memref<!tpu.dma_semaphore, #tpu.memory_space<semaphore_mem>>
      tpu.wait_indirect_dma semaphore(%dma_wait3A_444 : memref<!tpu.dma_semaphore, #tpu.memory_space<semaphore_mem>>) src(%dma_wait3A_442 : memref<10240x16xf32, #tpu.memory_space<vmem_shared>>) dst(%dma_wait3A_436 : memref<128x16xf32, #tpu.memory_space<vmem>>)
      %mul3A_445 = arith.constant 8 : i32
      %mul3A_446 = arith.muli %scan3A_286, %mul3A_445 : i32
      %add3A_447 = arith.constant 7 : i32
      %add3A_448 = arith.addi %mul3A_446, %add3A_447 : i32
      %dma_wait3A_449 = arith.constant 7 : i32
      %dma_wait3A_450 = arith.constant 0 : i32
      %dma_wait3A_451 = arith.constant 0 : i32
      %dma_wait3A_452 = tpu.memref_slice %arg12[%select_n3A_296, %dma_wait3A_449, %dma_wait3A_450, %dma_wait3A_451] : memref<2x8x128x16xf32, #tpu.memory_space<vmem>> -> memref<1x1x128x16xf32, #tpu.memory_space<vmem>>
      %dma_wait3A_453 = tpu.memref_squeeze %dma_wait3A_452 : memref<1x1x128x16xf32, #tpu.memory_space<vmem>> -> memref<128x16xf32, #tpu.memory_space<vmem>>
      %dma_wait3A_454 = arith.constant 0 : i32
      %dma_wait3A_455 = tpu.memref_slice %arg13[%add3A_448, %dma_wait3A_454] : memref<80x128xi32, #tpu.memory_space<vmem>> -> memref<1x128xi32, #tpu.memory_space<vmem>>
      %dma_wait3A_456 = tpu.memref_squeeze %dma_wait3A_455 : memref<1x128xi32, #tpu.memory_space<vmem>> -> memref<128xi32, #tpu.memory_space<vmem>>
      %dma_wait3A_457 = arith.constant 0 : i32
      %dma_wait3A_458 = arith.constant 0 : i32
      %dma_wait3A_459 = tpu.memref_slice %arg10[%dma_wait3A_457, %dma_wait3A_458] : memref<10240x16xf32, #tpu.memory_space<vmem_shared>> -> memref<10240x16xf32, #tpu.memory_space<vmem_shared>>
      %dma_wait3A_460 = tpu.memref_slice %arg15[%select_n3A_296] : memref<2x!tpu.dma_semaphore, #tpu.memory_space<semaphore_mem>> -> memref<1x!tpu.dma_semaphore, #tpu.memory_space<semaphore_mem>>
      %dma_wait3A_461 = tpu.memref_squeeze %dma_wait3A_460 : memref<1x!tpu.dma_semaphore, #tpu.memory_space<semaphore_mem>> -> memref<!tpu.dma_semaphore, #tpu.memory_space<semaphore_mem>>
      tpu.wait_indirect_dma semaphore(%dma_wait3A_461 : memref<!tpu.dma_semaphore, #tpu.memory_space<semaphore_mem>>) src(%dma_wait3A_459 : memref<10240x16xf32, #tpu.memory_space<vmem_shared>>) dst(%dma_wait3A_453 : memref<128x16xf32, #tpu.memory_space<vmem>>)
      %mul3A_462 = arith.constant 8 : i32
      %mul3A_463 = arith.muli %scan3A_286, %mul3A_462 : i32
      %add3A_464 = arith.constant 0 : i32
      %add3A_465 = arith.addi %mul3A_463, %add3A_464 : i32
      %dma_start3A_466 = arith.constant 0 : i32
      %dma_start3A_467 = arith.constant 0 : i32
      %dma_start3A_468 = arith.constant 0 : i32
      %dma_start3A_469 = tpu.memref_slice %arg12[%select_n3A_296, %dma_start3A_466, %dma_start3A_467, %dma_start3A_468] : memref<2x8x128x16xf32, #tpu.memory_space<vmem>> -> memref<1x1x128x16xf32, #tpu.memory_space<vmem>>
      %dma_start3A_470 = tpu.memref_squeeze %dma_start3A_469 : memref<1x1x128x16xf32, #tpu.memory_space<vmem>> -> memref<128x16xf32, #tpu.memory_space<vmem>>
      %dma_start3A_471 = arith.constant 0 : i32
      %dma_start3A_472 = tpu.memref_slice %arg14[%add3A_465, %dma_start3A_471] : memref<80x128xi32, #tpu.memory_space<vmem>> -> memref<1x128xi32, #tpu.memory_space<vmem>>
      %dma_start3A_473 = tpu.memref_squeeze %dma_start3A_472 : memref<1x128xi32, #tpu.memory_space<vmem>> -> memref<128xi32, #tpu.memory_space<vmem>>
      %dma_start3A_474 = arith.constant 0 : i32
      %dma_start3A_475 = arith.constant 0 : i32
      %dma_start3A_476 = tpu.memref_slice %arg9[%dma_start3A_474, %dma_start3A_475] : memref<10240x16xf32, #tpu.memory_space<vmem_shared>> -> memref<10240x16xf32, #tpu.memory_space<vmem_shared>>
      %dma_start3A_477 = tpu.memref_slice %arg16[%select_n3A_296] : memref<2x!tpu.dma_semaphore, #tpu.memory_space<semaphore_mem>> -> memref<1x!tpu.dma_semaphore, #tpu.memory_space<semaphore_mem>>
      %dma_start3A_478 = tpu.memref_squeeze %dma_start3A_477 : memref<1x!tpu.dma_semaphore, #tpu.memory_space<semaphore_mem>> -> memref<!tpu.dma_semaphore, #tpu.memory_space<semaphore_mem>>
      tpu.enqueue_indirect_dma source(%dma_start3A_470 : memref<128x16xf32, #tpu.memory_space<vmem>>) target(%dma_start3A_476 : memref<10240x16xf32, #tpu.memory_space<vmem_shared>>) offsets(%dma_start3A_473 : memref<128xi32, #tpu.memory_space<vmem>>) semaphore(%dma_start3A_478 : memref<!tpu.dma_semaphore, #tpu.memory_space<semaphore_mem>>) {add = true}
      %mul3A_479 = arith.constant 8 : i32
      %mul3A_480 = arith.muli %scan3A_286, %mul3A_479 : i32
      %add3A_481 = arith.constant 1 : i32
      %add3A_482 = arith.addi %mul3A_480, %add3A_481 : i32
      %dma_start3A_483 = arith.constant 1 : i32
      %dma_start3A_484 = arith.constant 0 : i32
      %dma_start3A_485 = arith.constant 0 : i32
      %dma_start3A_486 = tpu.memref_slice %arg12[%select_n3A_296, %dma_start3A_483, %dma_start3A_484, %dma_start3A_485] : memref<2x8x128x16xf32, #tpu.memory_space<vmem>> -> memref<1x1x128x16xf32, #tpu.memory_space<vmem>>
      %dma_start3A_487 = tpu.memref_squeeze %dma_start3A_486 : memref<1x1x128x16xf32, #tpu.memory_space<vmem>> -> memref<128x16xf32, #tpu.memory_space<vmem>>
      %dma_start3A_488 = arith.constant 0 : i32
      %dma_start3A_489 = tpu.memref_slice %arg14[%add3A_482, %dma_start3A_488] : memref<80x128xi32, #tpu.memory_space<vmem>> -> memref<1x128xi32, #tpu.memory_space<vmem>>
      %dma_start3A_490 = tpu.memref_squeeze %dma_start3A_489 : memref<1x128xi32, #tpu.memory_space<vmem>> -> memref<128xi32, #tpu.memory_space<vmem>>
      %dma_start3A_491 = arith.constant 0 : i32
      %dma_start3A_492 = arith.constant 0 : i32
      %dma_start3A_493 = tpu.memref_slice %arg9[%dma_start3A_491, %dma_start3A_492] : memref<10240x16xf32, #tpu.memory_space<vmem_shared>> -> memref<10240x16xf32, #tpu.memory_space<vmem_shared>>
      %dma_start3A_494 = tpu.memref_slice %arg16[%select_n3A_296] : memref<2x!tpu.dma_semaphore, #tpu.memory_space<semaphore_mem>> -> memref<1x!tpu.dma_semaphore, #tpu.memory_space<semaphore_mem>>
      %dma_start3A_495 = tpu.memref_squeeze %dma_start3A_494 : memref<1x!tpu.dma_semaphore, #tpu.memory_space<semaphore_mem>> -> memref<!tpu.dma_semaphore, #tpu.memory_space<semaphore_mem>>
      tpu.enqueue_indirect_dma source(%dma_start3A_487 : memref<128x16xf32, #tpu.memory_space<vmem>>) target(%dma_start3A_493 : memref<10240x16xf32, #tpu.memory_space<vmem_shared>>) offsets(%dma_start3A_490 : memref<128xi32, #tpu.memory_space<vmem>>) semaphore(%dma_start3A_495 : memref<!tpu.dma_semaphore, #tpu.memory_space<semaphore_mem>>) {add = true}
      %mul3A_496 = arith.constant 8 : i32
      %mul3A_497 = arith.muli %scan3A_286, %mul3A_496 : i32
      %add3A_498 = arith.constant 2 : i32
      %add3A_499 = arith.addi %mul3A_497, %add3A_498 : i32
      %dma_start3A_500 = arith.constant 2 : i32
      %dma_start3A_501 = arith.constant 0 : i32
      %dma_start3A_502 = arith.constant 0 : i32
      %dma_start3A_503 = tpu.memref_slice %arg12[%select_n3A_296, %dma_start3A_500, %dma_start3A_501, %dma_start3A_502] : memref<2x8x128x16xf32, #tpu.memory_space<vmem>> -> memref<1x1x128x16xf32, #tpu.memory_space<vmem>>
      %dma_start3A_504 = tpu.memref_squeeze %dma_start3A_503 : memref<1x1x128x16xf32, #tpu.memory_space<vmem>> -> memref<128x16xf32, #tpu.memory_space<vmem>>
      %dma_start3A_505 = arith.constant 0 : i32
      %dma_start3A_506 = tpu.memref_slice %arg14[%add3A_499, %dma_start3A_505] : memref<80x128xi32, #tpu.memory_space<vmem>> -> memref<1x128xi32, #tpu.memory_space<vmem>>
      %dma_start3A_507 = tpu.memref_squeeze %dma_start3A_506 : memref<1x128xi32, #tpu.memory_space<vmem>> -> memref<128xi32, #tpu.memory_space<vmem>>
      %dma_start3A_508 = arith.constant 0 : i32
      %dma_start3A_509 = arith.constant 0 : i32
      %dma_start3A_510 = tpu.memref_slice %arg9[%dma_start3A_508, %dma_start3A_509] : memref<10240x16xf32, #tpu.memory_space<vmem_shared>> -> memref<10240x16xf32, #tpu.memory_space<vmem_shared>>
      %dma_start3A_511 = tpu.memref_slice %arg16[%select_n3A_296] : memref<2x!tpu.dma_semaphore, #tpu.memory_space<semaphore_mem>> -> memref<1x!tpu.dma_semaphore, #tpu.memory_space<semaphore_mem>>
      %dma_start3A_512 = tpu.memref_squeeze %dma_start3A_511 : memref<1x!tpu.dma_semaphore, #tpu.memory_space<semaphore_mem>> -> memref<!tpu.dma_semaphore, #tpu.memory_space<semaphore_mem>>
      tpu.enqueue_indirect_dma source(%dma_start3A_504 : memref<128x16xf32, #tpu.memory_space<vmem>>) target(%dma_start3A_510 : memref<10240x16xf32, #tpu.memory_space<vmem_shared>>) offsets(%dma_start3A_507 : memref<128xi32, #tpu.memory_space<vmem>>) semaphore(%dma_start3A_512 : memref<!tpu.dma_semaphore, #tpu.memory_space<semaphore_mem>>) {add = true}
      %mul3A_513 = arith.constant 8 : i32
      %mul3A_514 = arith.muli %scan3A_286, %mul3A_513 : i32
      %add3A_515 = arith.constant 3 : i32
      %add3A_516 = arith.addi %mul3A_514, %add3A_515 : i32
      %dma_start3A_517 = arith.constant 3 : i32
      %dma_start3A_518 = arith.constant 0 : i32
      %dma_start3A_519 = arith.constant 0 : i32
      %dma_start3A_520 = tpu.memref_slice %arg12[%select_n3A_296, %dma_start3A_517, %dma_start3A_518, %dma_start3A_519] : memref<2x8x128x16xf32, #tpu.memory_space<vmem>> -> memref<1x1x128x16xf32, #tpu.memory_space<vmem>>
      %dma_start3A_521 = tpu.memref_squeeze %dma_start3A_520 : memref<1x1x128x16xf32, #tpu.memory_space<vmem>> -> memref<128x16xf32, #tpu.memory_space<vmem>>
      %dma_start3A_522 = arith.constant 0 : i32
      %dma_start3A_523 = tpu.memref_slice %arg14[%add3A_516, %dma_start3A_522] : memref<80x128xi32, #tpu.memory_space<vmem>> -> memref<1x128xi32, #tpu.memory_space<vmem>>
      %dma_start3A_524 = tpu.memref_squeeze %dma_start3A_523 : memref<1x128xi32, #tpu.memory_space<vmem>> -> memref<128xi32, #tpu.memory_space<vmem>>
      %dma_start3A_525 = arith.constant 0 : i32
      %dma_start3A_526 = arith.constant 0 : i32
      %dma_start3A_527 = tpu.memref_slice %arg9[%dma_start3A_525, %dma_start3A_526] : memref<10240x16xf32, #tpu.memory_space<vmem_shared>> -> memref<10240x16xf32, #tpu.memory_space<vmem_shared>>
      %dma_start3A_528 = tpu.memref_slice %arg16[%select_n3A_296] : memref<2x!tpu.dma_semaphore, #tpu.memory_space<semaphore_mem>> -> memref<1x!tpu.dma_semaphore, #tpu.memory_space<semaphore_mem>>
      %dma_start3A_529 = tpu.memref_squeeze %dma_start3A_528 : memref<1x!tpu.dma_semaphore, #tpu.memory_space<semaphore_mem>> -> memref<!tpu.dma_semaphore, #tpu.memory_space<semaphore_mem>>
      tpu.enqueue_indirect_dma source(%dma_start3A_521 : memref<128x16xf32, #tpu.memory_space<vmem>>) target(%dma_start3A_527 : memref<10240x16xf32, #tpu.memory_space<vmem_shared>>) offsets(%dma_start3A_524 : memref<128xi32, #tpu.memory_space<vmem>>) semaphore(%dma_start3A_529 : memref<!tpu.dma_semaphore, #tpu.memory_space<semaphore_mem>>) {add = true}
      %mul3A_530 = arith.constant 8 : i32
      %mul3A_531 = arith.muli %scan3A_286, %mul3A_530 : i32
      %add3A_532 = arith.constant 4 : i32
      %add3A_533 = arith.addi %mul3A_531, %add3A_532 : i32
      %dma_start3A_534 = arith.constant 4 : i32
      %dma_start3A_535 = arith.constant 0 : i32
      %dma_start3A_536 = arith.constant 0 : i32
      %dma_start3A_537 = tpu.memref_slice %arg12[%select_n3A_296, %dma_start3A_534, %dma_start3A_535, %dma_start3A_536] : memref<2x8x128x16xf32, #tpu.memory_space<vmem>> -> memref<1x1x128x16xf32, #tpu.memory_space<vmem>>
      %dma_start3A_538 = tpu.memref_squeeze %dma_start3A_537 : memref<1x1x128x16xf32, #tpu.memory_space<vmem>> -> memref<128x16xf32, #tpu.memory_space<vmem>>
      %dma_start3A_539 = arith.constant 0 : i32
      %dma_start3A_540 = tpu.memref_slice %arg14[%add3A_533, %dma_start3A_539] : memref<80x128xi32, #tpu.memory_space<vmem>> -> memref<1x128xi32, #tpu.memory_space<vmem>>
      %dma_start3A_541 = tpu.memref_squeeze %dma_start3A_540 : memref<1x128xi32, #tpu.memory_space<vmem>> -> memref<128xi32, #tpu.memory_space<vmem>>
      %dma_start3A_542 = arith.constant 0 : i32
      %dma_start3A_543 = arith.constant 0 : i32
      %dma_start3A_544 = tpu.memref_slice %arg9[%dma_start3A_542, %dma_start3A_543] : memref<10240x16xf32, #tpu.memory_space<vmem_shared>> -> memref<10240x16xf32, #tpu.memory_space<vmem_shared>>
      %dma_start3A_545 = tpu.memref_slice %arg16[%select_n3A_296] : memref<2x!tpu.dma_semaphore, #tpu.memory_space<semaphore_mem>> -> memref<1x!tpu.dma_semaphore, #tpu.memory_space<semaphore_mem>>
      %dma_start3A_546 = tpu.memref_squeeze %dma_start3A_545 : memref<1x!tpu.dma_semaphore, #tpu.memory_space<semaphore_mem>> -> memref<!tpu.dma_semaphore, #tpu.memory_space<semaphore_mem>>
      tpu.enqueue_indirect_dma source(%dma_start3A_538 : memref<128x16xf32, #tpu.memory_space<vmem>>) target(%dma_start3A_544 : memref<10240x16xf32, #tpu.memory_space<vmem_shared>>) offsets(%dma_start3A_541 : memref<128xi32, #tpu.memory_space<vmem>>) semaphore(%dma_start3A_546 : memref<!tpu.dma_semaphore, #tpu.memory_space<semaphore_mem>>) {add = true}
      %mul3A_547 = arith.constant 8 : i32
      %mul3A_548 = arith.muli %scan3A_286, %mul3A_547 : i32
      %add3A_549 = arith.constant 5 : i32
      %add3A_550 = arith.addi %mul3A_548, %add3A_549 : i32
      %dma_start3A_551 = arith.constant 5 : i32
      %dma_start3A_552 = arith.constant 0 : i32
      %dma_start3A_553 = arith.constant 0 : i32
      %dma_start3A_554 = tpu.memref_slice %arg12[%select_n3A_296, %dma_start3A_551, %dma_start3A_552, %dma_start3A_553] : memref<2x8x128x16xf32, #tpu.memory_space<vmem>> -> memref<1x1x128x16xf32, #tpu.memory_space<vmem>>
      %dma_start3A_555 = tpu.memref_squeeze %dma_start3A_554 : memref<1x1x128x16xf32, #tpu.memory_space<vmem>> -> memref<128x16xf32, #tpu.memory_space<vmem>>
      %dma_start3A_556 = arith.constant 0 : i32
      %dma_start3A_557 = tpu.memref_slice %arg14[%add3A_550, %dma_start3A_556] : memref<80x128xi32, #tpu.memory_space<vmem>> -> memref<1x128xi32, #tpu.memory_space<vmem>>
      %dma_start3A_558 = tpu.memref_squeeze %dma_start3A_557 : memref<1x128xi32, #tpu.memory_space<vmem>> -> memref<128xi32, #tpu.memory_space<vmem>>
      %dma_start3A_559 = arith.constant 0 : i32
      %dma_start3A_560 = arith.constant 0 : i32
      %dma_start3A_561 = tpu.memref_slice %arg9[%dma_start3A_559, %dma_start3A_560] : memref<10240x16xf32, #tpu.memory_space<vmem_shared>> -> memref<10240x16xf32, #tpu.memory_space<vmem_shared>>
      %dma_start3A_562 = tpu.memref_slice %arg16[%select_n3A_296] : memref<2x!tpu.dma_semaphore, #tpu.memory_space<semaphore_mem>> -> memref<1x!tpu.dma_semaphore, #tpu.memory_space<semaphore_mem>>
      %dma_start3A_563 = tpu.memref_squeeze %dma_start3A_562 : memref<1x!tpu.dma_semaphore, #tpu.memory_space<semaphore_mem>> -> memref<!tpu.dma_semaphore, #tpu.memory_space<semaphore_mem>>
      tpu.enqueue_indirect_dma source(%dma_start3A_555 : memref<128x16xf32, #tpu.memory_space<vmem>>) target(%dma_start3A_561 : memref<10240x16xf32, #tpu.memory_space<vmem_shared>>) offsets(%dma_start3A_558 : memref<128xi32, #tpu.memory_space<vmem>>) semaphore(%dma_start3A_563 : memref<!tpu.dma_semaphore, #tpu.memory_space<semaphore_mem>>) {add = true}
      %mul3A_564 = arith.constant 8 : i32
      %mul3A_565 = arith.muli %scan3A_286, %mul3A_564 : i32
      %add3A_566 = arith.constant 6 : i32
      %add3A_567 = arith.addi %mul3A_565, %add3A_566 : i32
      %dma_start3A_568 = arith.constant 6 : i32
      %dma_start3A_569 = arith.constant 0 : i32
      %dma_start3A_570 = arith.constant 0 : i32
      %dma_start3A_571 = tpu.memref_slice %arg12[%select_n3A_296, %dma_start3A_568, %dma_start3A_569, %dma_start3A_570] : memref<2x8x128x16xf32, #tpu.memory_space<vmem>> -> memref<1x1x128x16xf32, #tpu.memory_space<vmem>>
      %dma_start3A_572 = tpu.memref_squeeze %dma_start3A_571 : memref<1x1x128x16xf32, #tpu.memory_space<vmem>> -> memref<128x16xf32, #tpu.memory_space<vmem>>
      %dma_start3A_573 = arith.constant 0 : i32
      %dma_start3A_574 = tpu.memref_slice %arg14[%add3A_567, %dma_start3A_573] : memref<80x128xi32, #tpu.memory_space<vmem>> -> memref<1x128xi32, #tpu.memory_space<vmem>>
      %dma_start3A_575 = tpu.memref_squeeze %dma_start3A_574 : memref<1x128xi32, #tpu.memory_space<vmem>> -> memref<128xi32, #tpu.memory_space<vmem>>
      %dma_start3A_576 = arith.constant 0 : i32
      %dma_start3A_577 = arith.constant 0 : i32
      %dma_start3A_578 = tpu.memref_slice %arg9[%dma_start3A_576, %dma_start3A_577] : memref<10240x16xf32, #tpu.memory_space<vmem_shared>> -> memref<10240x16xf32, #tpu.memory_space<vmem_shared>>
      %dma_start3A_579 = tpu.memref_slice %arg16[%select_n3A_296] : memref<2x!tpu.dma_semaphore, #tpu.memory_space<semaphore_mem>> -> memref<1x!tpu.dma_semaphore, #tpu.memory_space<semaphore_mem>>
      %dma_start3A_580 = tpu.memref_squeeze %dma_start3A_579 : memref<1x!tpu.dma_semaphore, #tpu.memory_space<semaphore_mem>> -> memref<!tpu.dma_semaphore, #tpu.memory_space<semaphore_mem>>
      tpu.enqueue_indirect_dma source(%dma_start3A_572 : memref<128x16xf32, #tpu.memory_space<vmem>>) target(%dma_start3A_578 : memref<10240x16xf32, #tpu.memory_space<vmem_shared>>) offsets(%dma_start3A_575 : memref<128xi32, #tpu.memory_space<vmem>>) semaphore(%dma_start3A_580 : memref<!tpu.dma_semaphore, #tpu.memory_space<semaphore_mem>>) {add = true}
      %mul3A_581 = arith.constant 8 : i32
      %mul3A_582 = arith.muli %scan3A_286, %mul3A_581 : i32
      %add3A_583 = arith.constant 7 : i32
      %add3A_584 = arith.addi %mul3A_582, %add3A_583 : i32
      %dma_start3A_585 = arith.constant 7 : i32
      %dma_start3A_586 = arith.constant 0 : i32
      %dma_start3A_587 = arith.constant 0 : i32
      %dma_start3A_588 = tpu.memref_slice %arg12[%select_n3A_296, %dma_start3A_585, %dma_start3A_586, %dma_start3A_587] : memref<2x8x128x16xf32, #tpu.memory_space<vmem>> -> memref<1x1x128x16xf32, #tpu.memory_space<vmem>>
      %dma_start3A_589 = tpu.memref_squeeze %dma_start3A_588 : memref<1x1x128x16xf32, #tpu.memory_space<vmem>> -> memref<128x16xf32, #tpu.memory_space<vmem>>
      %dma_start3A_590 = arith.constant 0 : i32
      %dma_start3A_591 = tpu.memref_slice %arg14[%add3A_584, %dma_start3A_590] : memref<80x128xi32, #tpu.memory_space<vmem>> -> memref<1x128xi32, #tpu.memory_space<vmem>>
      %dma_start3A_592 = tpu.memref_squeeze %dma_start3A_591 : memref<1x128xi32, #tpu.memory_space<vmem>> -> memref<128xi32, #tpu.memory_space<vmem>>
      %dma_start3A_593 = arith.constant 0 : i32
      %dma_start3A_594 = arith.constant 0 : i32
      %dma_start3A_595 = tpu.memref_slice %arg9[%dma_start3A_593, %dma_start3A_594] : memref<10240x16xf32, #tpu.memory_space<vmem_shared>> -> memref<10240x16xf32, #tpu.memory_space<vmem_shared>>
      %dma_start3A_596 = tpu.memref_slice %arg16[%select_n3A_296] : memref<2x!tpu.dma_semaphore, #tpu.memory_space<semaphore_mem>> -> memref<1x!tpu.dma_semaphore, #tpu.memory_space<semaphore_mem>>
      %dma_start3A_597 = tpu.memref_squeeze %dma_start3A_596 : memref<1x!tpu.dma_semaphore, #tpu.memory_space<semaphore_mem>> -> memref<!tpu.dma_semaphore, #tpu.memory_space<semaphore_mem>>
      tpu.enqueue_indirect_dma source(%dma_start3A_589 : memref<128x16xf32, #tpu.memory_space<vmem>>) target(%dma_start3A_595 : memref<10240x16xf32, #tpu.memory_space<vmem_shared>>) offsets(%dma_start3A_592 : memref<128xi32, #tpu.memory_space<vmem>>) semaphore(%dma_start3A_597 : memref<!tpu.dma_semaphore, #tpu.memory_space<semaphore_mem>>) {add = true}
    }
    %scan3A_153 = arith.constant 10 : i32
    %dma_wait3A = arith.constant 1 : i32
    %dma_wait3A_154 = arith.constant 0 : i32
    %dma_wait3A_155 = arith.constant 72 : i32
    %dma_wait3A_156 = arith.constant 1 : i32
    %dma_wait3A_157 = arith.constant 0 : i32
    %dma_wait3A_158 = arith.constant 0 : i32
    %dma_wait3A_159 = tpu.memref_slice %arg12[%dma_wait3A, %dma_wait3A_154, %dma_wait3A_157, %dma_wait3A_158] : memref<2x8x128x16xf32, #tpu.memory_space<vmem>> -> memref<1x1x128x16xf32, #tpu.memory_space<vmem>>
    %dma_wait3A_160 = tpu.memref_squeeze %dma_wait3A_159 : memref<1x1x128x16xf32, #tpu.memory_space<vmem>> -> memref<128x16xf32, #tpu.memory_space<vmem>>
    %dma_wait3A_161 = arith.constant 0 : i32
    %dma_wait3A_162 = tpu.memref_slice %arg14[%dma_wait3A_155, %dma_wait3A_161] : memref<80x128xi32, #tpu.memory_space<vmem>> -> memref<1x128xi32, #tpu.memory_space<vmem>>
    %dma_wait3A_163 = tpu.memref_squeeze %dma_wait3A_162 : memref<1x128xi32, #tpu.memory_space<vmem>> -> memref<128xi32, #tpu.memory_space<vmem>>
    %dma_wait3A_164 = arith.constant 0 : i32
    %dma_wait3A_165 = arith.constant 0 : i32
    %dma_wait3A_166 = tpu.memref_slice %arg9[%dma_wait3A_164, %dma_wait3A_165] : memref<10240x16xf32, #tpu.memory_space<vmem_shared>> -> memref<10240x16xf32, #tpu.memory_space<vmem_shared>>
    %dma_wait3A_167 = tpu.memref_slice %arg16[%dma_wait3A_156] : memref<2x!tpu.dma_semaphore, #tpu.memory_space<semaphore_mem>> -> memref<1x!tpu.dma_semaphore, #tpu.memory_space<semaphore_mem>>
    %dma_wait3A_168 = tpu.memref_squeeze %dma_wait3A_167 : memref<1x!tpu.dma_semaphore, #tpu.memory_space<semaphore_mem>> -> memref<!tpu.dma_semaphore, #tpu.memory_space<semaphore_mem>>
    tpu.wait_indirect_dma semaphore(%dma_wait3A_168 : memref<!tpu.dma_semaphore, #tpu.memory_space<semaphore_mem>>) src(%dma_wait3A_160 : memref<128x16xf32, #tpu.memory_space<vmem>>) dst(%dma_wait3A_166 : memref<10240x16xf32, #tpu.memory_space<vmem_shared>>)
    %dma_wait3A_169 = arith.constant 1 : i32
    %dma_wait3A_170 = arith.constant 1 : i32
    %dma_wait3A_171 = arith.constant 73 : i32
    %dma_wait3A_172 = arith.constant 1 : i32
    %dma_wait3A_173 = arith.constant 0 : i32
    %dma_wait3A_174 = arith.constant 0 : i32
    %dma_wait3A_175 = tpu.memref_slice %arg12[%dma_wait3A_169, %dma_wait3A_170, %dma_wait3A_173, %dma_wait3A_174] : memref<2x8x128x16xf32, #tpu.memory_space<vmem>> -> memref<1x1x128x16xf32, #tpu.memory_space<vmem>>
    %dma_wait3A_176 = tpu.memref_squeeze %dma_wait3A_175 : memref<1x1x128x16xf32, #tpu.memory_space<vmem>> -> memref<128x16xf32, #tpu.memory_space<vmem>>
    %dma_wait3A_177 = arith.constant 0 : i32
    %dma_wait3A_178 = tpu.memref_slice %arg14[%dma_wait3A_171, %dma_wait3A_177] : memref<80x128xi32, #tpu.memory_space<vmem>> -> memref<1x128xi32, #tpu.memory_space<vmem>>
    %dma_wait3A_179 = tpu.memref_squeeze %dma_wait3A_178 : memref<1x128xi32, #tpu.memory_space<vmem>> -> memref<128xi32, #tpu.memory_space<vmem>>
    %dma_wait3A_180 = arith.constant 0 : i32
    %dma_wait3A_181 = arith.constant 0 : i32
    %dma_wait3A_182 = tpu.memref_slice %arg9[%dma_wait3A_180, %dma_wait3A_181] : memref<10240x16xf32, #tpu.memory_space<vmem_shared>> -> memref<10240x16xf32, #tpu.memory_space<vmem_shared>>
    %dma_wait3A_183 = tpu.memref_slice %arg16[%dma_wait3A_172] : memref<2x!tpu.dma_semaphore, #tpu.memory_space<semaphore_mem>> -> memref<1x!tpu.dma_semaphore, #tpu.memory_space<semaphore_mem>>
    %dma_wait3A_184 = tpu.memref_squeeze %dma_wait3A_183 : memref<1x!tpu.dma_semaphore, #tpu.memory_space<semaphore_mem>> -> memref<!tpu.dma_semaphore, #tpu.memory_space<semaphore_mem>>
    tpu.wait_indirect_dma semaphore(%dma_wait3A_184 : memref<!tpu.dma_semaphore, #tpu.memory_space<semaphore_mem>>) src(%dma_wait3A_176 : memref<128x16xf32, #tpu.memory_space<vmem>>) dst(%dma_wait3A_182 : memref<10240x16xf32, #tpu.memory_space<vmem_shared>>)
    %dma_wait3A_185 = arith.constant 1 : i32
    %dma_wait3A_186 = arith.constant 2 : i32
    %dma_wait3A_187 = arith.constant 74 : i32
    %dma_wait3A_188 = arith.constant 1 : i32
    %dma_wait3A_189 = arith.constant 0 : i32
    %dma_wait3A_190 = arith.constant 0 : i32
    %dma_wait3A_191 = tpu.memref_slice %arg12[%dma_wait3A_185, %dma_wait3A_186, %dma_wait3A_189, %dma_wait3A_190] : memref<2x8x128x16xf32, #tpu.memory_space<vmem>> -> memref<1x1x128x16xf32, #tpu.memory_space<vmem>>
    %dma_wait3A_192 = tpu.memref_squeeze %dma_wait3A_191 : memref<1x1x128x16xf32, #tpu.memory_space<vmem>> -> memref<128x16xf32, #tpu.memory_space<vmem>>
    %dma_wait3A_193 = arith.constant 0 : i32
    %dma_wait3A_194 = tpu.memref_slice %arg14[%dma_wait3A_187, %dma_wait3A_193] : memref<80x128xi32, #tpu.memory_space<vmem>> -> memref<1x128xi32, #tpu.memory_space<vmem>>
    %dma_wait3A_195 = tpu.memref_squeeze %dma_wait3A_194 : memref<1x128xi32, #tpu.memory_space<vmem>> -> memref<128xi32, #tpu.memory_space<vmem>>
    %dma_wait3A_196 = arith.constant 0 : i32
    %dma_wait3A_197 = arith.constant 0 : i32
    %dma_wait3A_198 = tpu.memref_slice %arg9[%dma_wait3A_196, %dma_wait3A_197] : memref<10240x16xf32, #tpu.memory_space<vmem_shared>> -> memref<10240x16xf32, #tpu.memory_space<vmem_shared>>
    %dma_wait3A_199 = tpu.memref_slice %arg16[%dma_wait3A_188] : memref<2x!tpu.dma_semaphore, #tpu.memory_space<semaphore_mem>> -> memref<1x!tpu.dma_semaphore, #tpu.memory_space<semaphore_mem>>
    %dma_wait3A_200 = tpu.memref_squeeze %dma_wait3A_199 : memref<1x!tpu.dma_semaphore, #tpu.memory_space<semaphore_mem>> -> memref<!tpu.dma_semaphore, #tpu.memory_space<semaphore_mem>>
    tpu.wait_indirect_dma semaphore(%dma_wait3A_200 : memref<!tpu.dma_semaphore, #tpu.memory_space<semaphore_mem>>) src(%dma_wait3A_192 : memref<128x16xf32, #tpu.memory_space<vmem>>) dst(%dma_wait3A_198 : memref<10240x16xf32, #tpu.memory_space<vmem_shared>>)
    %dma_wait3A_201 = arith.constant 1 : i32
    %dma_wait3A_202 = arith.constant 3 : i32
    %dma_wait3A_203 = arith.constant 75 : i32
    %dma_wait3A_204 = arith.constant 1 : i32
    %dma_wait3A_205 = arith.constant 0 : i32
    %dma_wait3A_206 = arith.constant 0 : i32
    %dma_wait3A_207 = tpu.memref_slice %arg12[%dma_wait3A_201, %dma_wait3A_202, %dma_wait3A_205, %dma_wait3A_206] : memref<2x8x128x16xf32, #tpu.memory_space<vmem>> -> memref<1x1x128x16xf32, #tpu.memory_space<vmem>>
    %dma_wait3A_208 = tpu.memref_squeeze %dma_wait3A_207 : memref<1x1x128x16xf32, #tpu.memory_space<vmem>> -> memref<128x16xf32, #tpu.memory_space<vmem>>
    %dma_wait3A_209 = arith.constant 0 : i32
    %dma_wait3A_210 = tpu.memref_slice %arg14[%dma_wait3A_203, %dma_wait3A_209] : memref<80x128xi32, #tpu.memory_space<vmem>> -> memref<1x128xi32, #tpu.memory_space<vmem>>
    %dma_wait3A_211 = tpu.memref_squeeze %dma_wait3A_210 : memref<1x128xi32, #tpu.memory_space<vmem>> -> memref<128xi32, #tpu.memory_space<vmem>>
    %dma_wait3A_212 = arith.constant 0 : i32
    %dma_wait3A_213 = arith.constant 0 : i32
    %dma_wait3A_214 = tpu.memref_slice %arg9[%dma_wait3A_212, %dma_wait3A_213] : memref<10240x16xf32, #tpu.memory_space<vmem_shared>> -> memref<10240x16xf32, #tpu.memory_space<vmem_shared>>
    %dma_wait3A_215 = tpu.memref_slice %arg16[%dma_wait3A_204] : memref<2x!tpu.dma_semaphore, #tpu.memory_space<semaphore_mem>> -> memref<1x!tpu.dma_semaphore, #tpu.memory_space<semaphore_mem>>
    %dma_wait3A_216 = tpu.memref_squeeze %dma_wait3A_215 : memref<1x!tpu.dma_semaphore, #tpu.memory_space<semaphore_mem>> -> memref<!tpu.dma_semaphore, #tpu.memory_space<semaphore_mem>>
    tpu.wait_indirect_dma semaphore(%dma_wait3A_216 : memref<!tpu.dma_semaphore, #tpu.memory_space<semaphore_mem>>) src(%dma_wait3A_208 : memref<128x16xf32, #tpu.memory_space<vmem>>) dst(%dma_wait3A_214 : memref<10240x16xf32, #tpu.memory_space<vmem_shared>>)
    %dma_wait3A_217 = arith.constant 1 : i32
    %dma_wait3A_218 = arith.constant 4 : i32
    %dma_wait3A_219 = arith.constant 76 : i32
    %dma_wait3A_220 = arith.constant 1 : i32
    %dma_wait3A_221 = arith.constant 0 : i32
    %dma_wait3A_222 = arith.constant 0 : i32
    %dma_wait3A_223 = tpu.memref_slice %arg12[%dma_wait3A_217, %dma_wait3A_218, %dma_wait3A_221, %dma_wait3A_222] : memref<2x8x128x16xf32, #tpu.memory_space<vmem>> -> memref<1x1x128x16xf32, #tpu.memory_space<vmem>>
    %dma_wait3A_224 = tpu.memref_squeeze %dma_wait3A_223 : memref<1x1x128x16xf32, #tpu.memory_space<vmem>> -> memref<128x16xf32, #tpu.memory_space<vmem>>
    %dma_wait3A_225 = arith.constant 0 : i32
    %dma_wait3A_226 = tpu.memref_slice %arg14[%dma_wait3A_219, %dma_wait3A_225] : memref<80x128xi32, #tpu.memory_space<vmem>> -> memref<1x128xi32, #tpu.memory_space<vmem>>
    %dma_wait3A_227 = tpu.memref_squeeze %dma_wait3A_226 : memref<1x128xi32, #tpu.memory_space<vmem>> -> memref<128xi32, #tpu.memory_space<vmem>>
    %dma_wait3A_228 = arith.constant 0 : i32
    %dma_wait3A_229 = arith.constant 0 : i32
    %dma_wait3A_230 = tpu.memref_slice %arg9[%dma_wait3A_228, %dma_wait3A_229] : memref<10240x16xf32, #tpu.memory_space<vmem_shared>> -> memref<10240x16xf32, #tpu.memory_space<vmem_shared>>
    %dma_wait3A_231 = tpu.memref_slice %arg16[%dma_wait3A_220] : memref<2x!tpu.dma_semaphore, #tpu.memory_space<semaphore_mem>> -> memref<1x!tpu.dma_semaphore, #tpu.memory_space<semaphore_mem>>
    %dma_wait3A_232 = tpu.memref_squeeze %dma_wait3A_231 : memref<1x!tpu.dma_semaphore, #tpu.memory_space<semaphore_mem>> -> memref<!tpu.dma_semaphore, #tpu.memory_space<semaphore_mem>>
    tpu.wait_indirect_dma semaphore(%dma_wait3A_232 : memref<!tpu.dma_semaphore, #tpu.memory_space<semaphore_mem>>) src(%dma_wait3A_224 : memref<128x16xf32, #tpu.memory_space<vmem>>) dst(%dma_wait3A_230 : memref<10240x16xf32, #tpu.memory_space<vmem_shared>>)
    %dma_wait3A_233 = arith.constant 1 : i32
    %dma_wait3A_234 = arith.constant 5 : i32
    %dma_wait3A_235 = arith.constant 77 : i32
    %dma_wait3A_236 = arith.constant 1 : i32
    %dma_wait3A_237 = arith.constant 0 : i32
    %dma_wait3A_238 = arith.constant 0 : i32
    %dma_wait3A_239 = tpu.memref_slice %arg12[%dma_wait3A_233, %dma_wait3A_234, %dma_wait3A_237, %dma_wait3A_238] : memref<2x8x128x16xf32, #tpu.memory_space<vmem>> -> memref<1x1x128x16xf32, #tpu.memory_space<vmem>>
    %dma_wait3A_240 = tpu.memref_squeeze %dma_wait3A_239 : memref<1x1x128x16xf32, #tpu.memory_space<vmem>> -> memref<128x16xf32, #tpu.memory_space<vmem>>
    %dma_wait3A_241 = arith.constant 0 : i32
    %dma_wait3A_242 = tpu.memref_slice %arg14[%dma_wait3A_235, %dma_wait3A_241] : memref<80x128xi32, #tpu.memory_space<vmem>> -> memref<1x128xi32, #tpu.memory_space<vmem>>
    %dma_wait3A_243 = tpu.memref_squeeze %dma_wait3A_242 : memref<1x128xi32, #tpu.memory_space<vmem>> -> memref<128xi32, #tpu.memory_space<vmem>>
    %dma_wait3A_244 = arith.constant 0 : i32
    %dma_wait3A_245 = arith.constant 0 : i32
    %dma_wait3A_246 = tpu.memref_slice %arg9[%dma_wait3A_244, %dma_wait3A_245] : memref<10240x16xf32, #tpu.memory_space<vmem_shared>> -> memref<10240x16xf32, #tpu.memory_space<vmem_shared>>
    %dma_wait3A_247 = tpu.memref_slice %arg16[%dma_wait3A_236] : memref<2x!tpu.dma_semaphore, #tpu.memory_space<semaphore_mem>> -> memref<1x!tpu.dma_semaphore, #tpu.memory_space<semaphore_mem>>
    %dma_wait3A_248 = tpu.memref_squeeze %dma_wait3A_247 : memref<1x!tpu.dma_semaphore, #tpu.memory_space<semaphore_mem>> -> memref<!tpu.dma_semaphore, #tpu.memory_space<semaphore_mem>>
    tpu.wait_indirect_dma semaphore(%dma_wait3A_248 : memref<!tpu.dma_semaphore, #tpu.memory_space<semaphore_mem>>) src(%dma_wait3A_240 : memref<128x16xf32, #tpu.memory_space<vmem>>) dst(%dma_wait3A_246 : memref<10240x16xf32, #tpu.memory_space<vmem_shared>>)
    %dma_wait3A_249 = arith.constant 1 : i32
    %dma_wait3A_250 = arith.constant 6 : i32
    %dma_wait3A_251 = arith.constant 78 : i32
    %dma_wait3A_252 = arith.constant 1 : i32
    %dma_wait3A_253 = arith.constant 0 : i32
    %dma_wait3A_254 = arith.constant 0 : i32
    %dma_wait3A_255 = tpu.memref_slice %arg12[%dma_wait3A_249, %dma_wait3A_250, %dma_wait3A_253, %dma_wait3A_254] : memref<2x8x128x16xf32, #tpu.memory_space<vmem>> -> memref<1x1x128x16xf32, #tpu.memory_space<vmem>>
    %dma_wait3A_256 = tpu.memref_squeeze %dma_wait3A_255 : memref<1x1x128x16xf32, #tpu.memory_space<vmem>> -> memref<128x16xf32, #tpu.memory_space<vmem>>
    %dma_wait3A_257 = arith.constant 0 : i32
    %dma_wait3A_258 = tpu.memref_slice %arg14[%dma_wait3A_251, %dma_wait3A_257] : memref<80x128xi32, #tpu.memory_space<vmem>> -> memref<1x128xi32, #tpu.memory_space<vmem>>
    %dma_wait3A_259 = tpu.memref_squeeze %dma_wait3A_258 : memref<1x128xi32, #tpu.memory_space<vmem>> -> memref<128xi32, #tpu.memory_space<vmem>>
    %dma_wait3A_260 = arith.constant 0 : i32
    %dma_wait3A_261 = arith.constant 0 : i32
    %dma_wait3A_262 = tpu.memref_slice %arg9[%dma_wait3A_260, %dma_wait3A_261] : memref<10240x16xf32, #tpu.memory_space<vmem_shared>> -> memref<10240x16xf32, #tpu.memory_space<vmem_shared>>
    %dma_wait3A_263 = tpu.memref_slice %arg16[%dma_wait3A_252] : memref<2x!tpu.dma_semaphore, #tpu.memory_space<semaphore_mem>> -> memref<1x!tpu.dma_semaphore, #tpu.memory_space<semaphore_mem>>
    %dma_wait3A_264 = tpu.memref_squeeze %dma_wait3A_263 : memref<1x!tpu.dma_semaphore, #tpu.memory_space<semaphore_mem>> -> memref<!tpu.dma_semaphore, #tpu.memory_space<semaphore_mem>>
    tpu.wait_indirect_dma semaphore(%dma_wait3A_264 : memref<!tpu.dma_semaphore, #tpu.memory_space<semaphore_mem>>) src(%dma_wait3A_256 : memref<128x16xf32, #tpu.memory_space<vmem>>) dst(%dma_wait3A_262 : memref<10240x16xf32, #tpu.memory_space<vmem_shared>>)
    %dma_wait3A_265 = arith.constant 1 : i32
    %dma_wait3A_266 = arith.constant 7 : i32
    %dma_wait3A_267 = arith.constant 79 : i32
    %dma_wait3A_268 = arith.constant 1 : i32
    %dma_wait3A_269 = arith.constant 0 : i32
    %dma_wait3A_270 = arith.constant 0 : i32
    %dma_wait3A_271 = tpu.memref_slice %arg12[%dma_wait3A_265, %dma_wait3A_266, %dma_wait3A_269, %dma_wait3A_270] : memref<2x8x128x16xf32, #tpu.memory_space<vmem>> -> memref<1x1x128x16xf32, #tpu.memory_space<vmem>>
    %dma_wait3A_272 = tpu.memref_squeeze %dma_wait3A_271 : memref<1x1x128x16xf32, #tpu.memory_space<vmem>> -> memref<128x16xf32, #tpu.memory_space<vmem>>
    %dma_wait3A_273 = arith.constant 0 : i32
    %dma_wait3A_274 = tpu.memref_slice %arg14[%dma_wait3A_267, %dma_wait3A_273] : memref<80x128xi32, #tpu.memory_space<vmem>> -> memref<1x128xi32, #tpu.memory_space<vmem>>
    %dma_wait3A_275 = tpu.memref_squeeze %dma_wait3A_274 : memref<1x128xi32, #tpu.memory_space<vmem>> -> memref<128xi32, #tpu.memory_space<vmem>>
    %dma_wait3A_276 = arith.constant 0 : i32
    %dma_wait3A_277 = arith.constant 0 : i32
    %dma_wait3A_278 = tpu.memref_slice %arg9[%dma_wait3A_276, %dma_wait3A_277] : memref<10240x16xf32, #tpu.memory_space<vmem_shared>> -> memref<10240x16xf32, #tpu.memory_space<vmem_shared>>
    %dma_wait3A_279 = tpu.memref_slice %arg16[%dma_wait3A_268] : memref<2x!tpu.dma_semaphore, #tpu.memory_space<semaphore_mem>> -> memref<1x!tpu.dma_semaphore, #tpu.memory_space<semaphore_mem>>
    %dma_wait3A_280 = tpu.memref_squeeze %dma_wait3A_279 : memref<1x!tpu.dma_semaphore, #tpu.memory_space<semaphore_mem>> -> memref<!tpu.dma_semaphore, #tpu.memory_space<semaphore_mem>>
    tpu.wait_indirect_dma semaphore(%dma_wait3A_280 : memref<!tpu.dma_semaphore, #tpu.memory_space<semaphore_mem>>) src(%dma_wait3A_272 : memref<128x16xf32, #tpu.memory_space<vmem>>) dst(%dma_wait3A_278 : memref<10240x16xf32, #tpu.memory_space<vmem_shared>>)
    %barrier3A_281 = arith.constant 0 : index
    tpu.barrier barrier_id(%barrier3A_281)
    %mul3A_282 = arith.constant 640 : i32
    %mul3A_283 = arith.muli %arg1, %mul3A_282 : i32
    "tpu.region"() ({
      %run_scoped3A_286 = tpu.sem_alloc : memref<!tpu.dma_semaphore, #tpu.memory_space<semaphore_mem>>
      %dma_start3A_287 = arith.constant 0 : i32
      %dma_start3A_288 = tpu.memref_slice %arg9[%mul3A_283, %dma_start3A_287] : memref<10240x16xf32, #tpu.memory_space<vmem_shared>> -> memref<640x16xf32, #tpu.memory_space<vmem_shared>>
      %dma_start3A_289 = arith.constant 0 : i32
      %dma_start3A_290 = tpu.memref_slice %arg9[%mul3A_283, %dma_start3A_289] : memref<10240x16xf32, #tpu.memory_space<vmem_shared>> -> memref<640x16xf32, #tpu.memory_space<vmem_shared>>
      tpu.enqueue_dma source(%dma_start3A_290 : memref<640x16xf32, #tpu.memory_space<vmem_shared>>) target(%arg11 : memref<640x16xf32, #tpu.memory_space<vmem>>) target_semaphore(%run_scoped3A_286 : memref<!tpu.dma_semaphore, #tpu.memory_space<semaphore_mem>>)
      %dma_wait3A_291 = arith.constant 0 : i32
      %dma_wait3A_292 = tpu.memref_slice %arg9[%mul3A_283, %dma_wait3A_291] : memref<10240x16xf32, #tpu.memory_space<vmem_shared>> -> memref<640x16xf32, #tpu.memory_space<vmem_shared>>
      %dma_wait3A_293 = arith.constant 0 : i32
      %dma_wait3A_294 = tpu.memref_slice %arg9[%mul3A_283, %dma_wait3A_293] : memref<10240x16xf32, #tpu.memory_space<vmem_shared>> -> memref<640x16xf32, #tpu.memory_space<vmem_shared>>
      tpu.wait_dma2 semaphore(%run_scoped3A_286 : memref<!tpu.dma_semaphore, #tpu.memory_space<semaphore_mem>>) src(%dma_wait3A_294 : memref<640x16xf32, #tpu.memory_space<vmem_shared>>) dst(%arg11 : memref<640x16xf32, #tpu.memory_space<vmem>>)
      tpu.yield
    }) : () -> ()
    %mul3A_284 = arith.constant 640 : i32
    %mul3A_285 = arith.muli %arg1, %mul3A_284 : i32
    "tpu.region"() ({
      %run_scoped3A_286 = tpu.sem_alloc : memref<!tpu.dma_semaphore, #tpu.memory_space<semaphore_mem>>
      %dma_start3A_287 = arith.constant 0 : i32
      %dma_start3A_288 = tpu.memref_slice %arg7[%arg0, %mul3A_285, %dma_start3A_287] : memref<2x10240x16xf32, #tpu.memory_space<hbm>> -> memref<1x640x16xf32, #tpu.memory_space<hbm>>
      %dma_start3A_289 = tpu.memref_squeeze %dma_start3A_288 : memref<1x640x16xf32, #tpu.memory_space<hbm>> -> memref<640x16xf32, #tpu.memory_space<hbm>>
      %dma_start3A_290 = arith.constant 0 : i32
      %dma_start3A_291 = tpu.memref_slice %arg7[%arg0, %mul3A_285, %dma_start3A_290] : memref<2x10240x16xf32, #tpu.memory_space<hbm>> -> memref<1x640x16xf32, #tpu.memory_space<hbm>>
      %dma_start3A_292 = tpu.memref_squeeze %dma_start3A_291 : memref<1x640x16xf32, #tpu.memory_space<hbm>> -> memref<640x16xf32, #tpu.memory_space<hbm>>
      tpu.enqueue_dma source(%arg11 : memref<640x16xf32, #tpu.memory_space<vmem>>) target(%dma_start3A_292 : memref<640x16xf32, #tpu.memory_space<hbm>>) target_semaphore(%run_scoped3A_286 : memref<!tpu.dma_semaphore, #tpu.memory_space<semaphore_mem>>)
      %dma_wait3A_293 = arith.constant 0 : i32
      %dma_wait3A_294 = tpu.memref_slice %arg7[%arg0, %mul3A_285, %dma_wait3A_293] : memref<2x10240x16xf32, #tpu.memory_space<hbm>> -> memref<1x640x16xf32, #tpu.memory_space<hbm>>
      %dma_wait3A_295 = tpu.memref_squeeze %dma_wait3A_294 : memref<1x640x16xf32, #tpu.memory_space<hbm>> -> memref<640x16xf32, #tpu.memory_space<hbm>>
      %dma_wait3A_296 = arith.constant 0 : i32
      %dma_wait3A_297 = tpu.memref_slice %arg7[%arg0, %mul3A_285, %dma_wait3A_296] : memref<2x10240x16xf32, #tpu.memory_space<hbm>> -> memref<1x640x16xf32, #tpu.memory_space<hbm>>
      %dma_wait3A_298 = tpu.memref_squeeze %dma_wait3A_297 : memref<1x640x16xf32, #tpu.memory_space<hbm>> -> memref<640x16xf32, #tpu.memory_space<hbm>>
      tpu.wait_dma2 semaphore(%run_scoped3A_286 : memref<!tpu.dma_semaphore, #tpu.memory_space<semaphore_mem>>) src(%arg11 : memref<640x16xf32, #tpu.memory_space<vmem>>) dst(%dma_wait3A_298 : memref<640x16xf32, #tpu.memory_space<hbm>>)
      tpu.yield
    }) : () -> ()
    return
  }
}

#map = affine_map<(d0, d1) -> (0, 0)>
#map1 = affine_map<(d0, d1) -> (0, 0, 0)>
module attributes {stable_mosaic.version = 14 : i64} {
  func.func @_sc_agg_first(%arg0: i32, %arg1: i32, %arg2: memref<10240x16xf32, #tpu.memory_space<hbm>>, %arg3: memref<10240x16xf32, #tpu.memory_space<hbm>>, %arg4: memref<32x80x128xi32, #tpu.memory_space<hbm>>, %arg5: memref<32x80x128xi32, #tpu.memory_space<hbm>>, %arg6: memref<2x10240x16xf32, #tpu.memory_space<hbm>>, %arg7: memref<10240x16xf32, #tpu.memory_space<hbm>>, %arg8: memref<10240x16xf32, #tpu.memory_space<vmem_shared>>, %arg9: memref<10240x16xf32, #tpu.memory_space<vmem_shared>>, %arg10: memref<640x16xf32, #tpu.memory_space<vmem>>, %arg11: memref<2x8x128x16xf32, #tpu.memory_space<vmem>>, %arg12: memref<80x128xi32, #tpu.memory_space<vmem>>, %arg13: memref<80x128xi32, #tpu.memory_space<vmem>>, %arg14: memref<2x!tpu.dma_semaphore, #tpu.memory_space<semaphore_mem>>, %arg15: memref<2x!tpu.dma_semaphore, #tpu.memory_space<semaphore_mem>>, %arg16: memref<640x16xf32, #tpu.memory_space<vmem>>, %arg17: memref<640x16xf32, #tpu.memory_space<vmem>>) attributes {dimension_semantics = [#tpu.dimension_semantics<core_parallel>, #tpu.dimension_semantics<subcore_parallel>], iteration_bounds = array<i64: 2, 16>, scalar_prefetch = 0 : i64, scratch_operands = 10 : i64, tpu.core_type = #tpu.core_type<sc_vector_subcore>, window_params = [{transform_indices = #map}, {transform_indices = #map}, {transform_indices = #map1}, {transform_indices = #map1}, {transform_indices = #map1}, {transform_indices = #map}]} {
    %mul3A = arith.constant 16 : i32
    %mul3A_0 = arith.muli %arg0, %mul3A : i32
    %add3A = arith.addi %mul3A_0, %arg1 : i32
    %mul3A_1 = arith.constant 640 : i32
    %mul3A_2 = arith.muli %arg1, %mul3A_1 : i32
    "tpu.region"() ({
      %run_scoped3A = tpu.sem_alloc : memref<!tpu.dma_semaphore, #tpu.memory_space<semaphore_mem>>
      %dma_start3A_281 = arith.constant 0 : i32
      %dma_start3A_282 = tpu.memref_slice %arg2[%mul3A_2, %dma_start3A_281] : memref<10240x16xf32, #tpu.memory_space<hbm>> -> memref<640x16xf32, #tpu.memory_space<hbm>>
      %dma_start3A_283 = arith.constant 0 : i32
      %dma_start3A_284 = tpu.memref_slice %arg2[%mul3A_2, %dma_start3A_283] : memref<10240x16xf32, #tpu.memory_space<hbm>> -> memref<640x16xf32, #tpu.memory_space<hbm>>
      tpu.enqueue_dma source(%dma_start3A_284 : memref<640x16xf32, #tpu.memory_space<hbm>>) target(%arg17 : memref<640x16xf32, #tpu.memory_space<vmem>>) target_semaphore(%run_scoped3A : memref<!tpu.dma_semaphore, #tpu.memory_space<semaphore_mem>>)
      %dma_wait3A_285 = arith.constant 0 : i32
      %dma_wait3A_286 = tpu.memref_slice %arg2[%mul3A_2, %dma_wait3A_285] : memref<10240x16xf32, #tpu.memory_space<hbm>> -> memref<640x16xf32, #tpu.memory_space<hbm>>
      %dma_wait3A_287 = arith.constant 0 : i32
      %dma_wait3A_288 = tpu.memref_slice %arg2[%mul3A_2, %dma_wait3A_287] : memref<10240x16xf32, #tpu.memory_space<hbm>> -> memref<640x16xf32, #tpu.memory_space<hbm>>
      tpu.wait_dma2 semaphore(%run_scoped3A : memref<!tpu.dma_semaphore, #tpu.memory_space<semaphore_mem>>) src(%dma_wait3A_288 : memref<640x16xf32, #tpu.memory_space<hbm>>) dst(%arg17 : memref<640x16xf32, #tpu.memory_space<vmem>>)
      tpu.yield
    }) : () -> ()
    %mul3A_3 = arith.constant 640 : i32
    %mul3A_4 = arith.muli %arg1, %mul3A_3 : i32
    "tpu.region"() ({
      %run_scoped3A = tpu.sem_alloc : memref<!tpu.dma_semaphore, #tpu.memory_space<semaphore_mem>>
      %dma_start3A_281 = arith.constant 0 : i32
      %dma_start3A_282 = tpu.memref_slice %arg3[%mul3A_4, %dma_start3A_281] : memref<10240x16xf32, #tpu.memory_space<hbm>> -> memref<640x16xf32, #tpu.memory_space<hbm>>
      %dma_start3A_283 = arith.constant 0 : i32
      %dma_start3A_284 = tpu.memref_slice %arg3[%mul3A_4, %dma_start3A_283] : memref<10240x16xf32, #tpu.memory_space<hbm>> -> memref<640x16xf32, #tpu.memory_space<hbm>>
      tpu.enqueue_dma source(%dma_start3A_284 : memref<640x16xf32, #tpu.memory_space<hbm>>) target(%arg16 : memref<640x16xf32, #tpu.memory_space<vmem>>) target_semaphore(%run_scoped3A : memref<!tpu.dma_semaphore, #tpu.memory_space<semaphore_mem>>)
      %dma_wait3A_285 = arith.constant 0 : i32
      %dma_wait3A_286 = tpu.memref_slice %arg3[%mul3A_4, %dma_wait3A_285] : memref<10240x16xf32, #tpu.memory_space<hbm>> -> memref<640x16xf32, #tpu.memory_space<hbm>>
      %dma_wait3A_287 = arith.constant 0 : i32
      %dma_wait3A_288 = tpu.memref_slice %arg3[%mul3A_4, %dma_wait3A_287] : memref<10240x16xf32, #tpu.memory_space<hbm>> -> memref<640x16xf32, #tpu.memory_space<hbm>>
      tpu.wait_dma2 semaphore(%run_scoped3A : memref<!tpu.dma_semaphore, #tpu.memory_space<semaphore_mem>>) src(%dma_wait3A_288 : memref<640x16xf32, #tpu.memory_space<hbm>>) dst(%arg16 : memref<640x16xf32, #tpu.memory_space<vmem>>)
      tpu.yield
    }) : () -> ()
    "tpu.region"() ({
      %run_scoped3A = tpu.sem_alloc : memref<!tpu.dma_semaphore, #tpu.memory_space<semaphore_mem>>
      %dma_start3A_281 = arith.constant 0 : i32
      %dma_start3A_282 = arith.constant 0 : i32
      %dma_start3A_283 = tpu.memref_slice %arg4[%add3A, %dma_start3A_281, %dma_start3A_282] : memref<32x80x128xi32, #tpu.memory_space<hbm>> -> memref<1x80x128xi32, #tpu.memory_space<hbm>>
      %dma_start3A_284 = tpu.memref_squeeze %dma_start3A_283 : memref<1x80x128xi32, #tpu.memory_space<hbm>> -> memref<80x128xi32, #tpu.memory_space<hbm>>
      %dma_start3A_285 = arith.constant 0 : i32
      %dma_start3A_286 = arith.constant 0 : i32
      %dma_start3A_287 = tpu.memref_slice %arg4[%add3A, %dma_start3A_285, %dma_start3A_286] : memref<32x80x128xi32, #tpu.memory_space<hbm>> -> memref<1x80x128xi32, #tpu.memory_space<hbm>>
      %dma_start3A_288 = tpu.memref_squeeze %dma_start3A_287 : memref<1x80x128xi32, #tpu.memory_space<hbm>> -> memref<80x128xi32, #tpu.memory_space<hbm>>
      tpu.enqueue_dma source(%dma_start3A_288 : memref<80x128xi32, #tpu.memory_space<hbm>>) target(%arg12 : memref<80x128xi32, #tpu.memory_space<vmem>>) target_semaphore(%run_scoped3A : memref<!tpu.dma_semaphore, #tpu.memory_space<semaphore_mem>>)
      %dma_wait3A_289 = arith.constant 0 : i32
      %dma_wait3A_290 = arith.constant 0 : i32
      %dma_wait3A_291 = tpu.memref_slice %arg4[%add3A, %dma_wait3A_289, %dma_wait3A_290] : memref<32x80x128xi32, #tpu.memory_space<hbm>> -> memref<1x80x128xi32, #tpu.memory_space<hbm>>
      %dma_wait3A_292 = tpu.memref_squeeze %dma_wait3A_291 : memref<1x80x128xi32, #tpu.memory_space<hbm>> -> memref<80x128xi32, #tpu.memory_space<hbm>>
      %dma_wait3A_293 = arith.constant 0 : i32
      %dma_wait3A_294 = arith.constant 0 : i32
      %dma_wait3A_295 = tpu.memref_slice %arg4[%add3A, %dma_wait3A_293, %dma_wait3A_294] : memref<32x80x128xi32, #tpu.memory_space<hbm>> -> memref<1x80x128xi32, #tpu.memory_space<hbm>>
      %dma_wait3A_296 = tpu.memref_squeeze %dma_wait3A_295 : memref<1x80x128xi32, #tpu.memory_space<hbm>> -> memref<80x128xi32, #tpu.memory_space<hbm>>
      tpu.wait_dma2 semaphore(%run_scoped3A : memref<!tpu.dma_semaphore, #tpu.memory_space<semaphore_mem>>) src(%dma_wait3A_296 : memref<80x128xi32, #tpu.memory_space<hbm>>) dst(%arg12 : memref<80x128xi32, #tpu.memory_space<vmem>>)
      tpu.yield
    }) : () -> ()
    "tpu.region"() ({
      %run_scoped3A = tpu.sem_alloc : memref<!tpu.dma_semaphore, #tpu.memory_space<semaphore_mem>>
      %dma_start3A_281 = arith.constant 0 : i32
      %dma_start3A_282 = arith.constant 0 : i32
      %dma_start3A_283 = tpu.memref_slice %arg5[%add3A, %dma_start3A_281, %dma_start3A_282] : memref<32x80x128xi32, #tpu.memory_space<hbm>> -> memref<1x80x128xi32, #tpu.memory_space<hbm>>
      %dma_start3A_284 = tpu.memref_squeeze %dma_start3A_283 : memref<1x80x128xi32, #tpu.memory_space<hbm>> -> memref<80x128xi32, #tpu.memory_space<hbm>>
      %dma_start3A_285 = arith.constant 0 : i32
      %dma_start3A_286 = arith.constant 0 : i32
      %dma_start3A_287 = tpu.memref_slice %arg5[%add3A, %dma_start3A_285, %dma_start3A_286] : memref<32x80x128xi32, #tpu.memory_space<hbm>> -> memref<1x80x128xi32, #tpu.memory_space<hbm>>
      %dma_start3A_288 = tpu.memref_squeeze %dma_start3A_287 : memref<1x80x128xi32, #tpu.memory_space<hbm>> -> memref<80x128xi32, #tpu.memory_space<hbm>>
      tpu.enqueue_dma source(%dma_start3A_288 : memref<80x128xi32, #tpu.memory_space<hbm>>) target(%arg13 : memref<80x128xi32, #tpu.memory_space<vmem>>) target_semaphore(%run_scoped3A : memref<!tpu.dma_semaphore, #tpu.memory_space<semaphore_mem>>)
      %dma_wait3A_289 = arith.constant 0 : i32
      %dma_wait3A_290 = arith.constant 0 : i32
      %dma_wait3A_291 = tpu.memref_slice %arg5[%add3A, %dma_wait3A_289, %dma_wait3A_290] : memref<32x80x128xi32, #tpu.memory_space<hbm>> -> memref<1x80x128xi32, #tpu.memory_space<hbm>>
      %dma_wait3A_292 = tpu.memref_squeeze %dma_wait3A_291 : memref<1x80x128xi32, #tpu.memory_space<hbm>> -> memref<80x128xi32, #tpu.memory_space<hbm>>
      %dma_wait3A_293 = arith.constant 0 : i32
      %dma_wait3A_294 = arith.constant 0 : i32
      %dma_wait3A_295 = tpu.memref_slice %arg5[%add3A, %dma_wait3A_293, %dma_wait3A_294] : memref<32x80x128xi32, #tpu.memory_space<hbm>> -> memref<1x80x128xi32, #tpu.memory_space<hbm>>
      %dma_wait3A_296 = tpu.memref_squeeze %dma_wait3A_295 : memref<1x80x128xi32, #tpu.memory_space<hbm>> -> memref<80x128xi32, #tpu.memory_space<hbm>>
      tpu.wait_dma2 semaphore(%run_scoped3A : memref<!tpu.dma_semaphore, #tpu.memory_space<semaphore_mem>>) src(%dma_wait3A_296 : memref<80x128xi32, #tpu.memory_space<hbm>>) dst(%arg13 : memref<80x128xi32, #tpu.memory_space<vmem>>)
      tpu.yield
    }) : () -> ()
    %scan3A = arith.constant 0 : i32
    %scan3A_5 = arith.constant 0 : i32
    %scan3A_6 = arith.constant 40 : i32
    %scan3A_7 = arith.addi %scan3A_5, %scan3A_6 : i32
    %scan3A_8 = arith.constant 1 : i32
    scf.for %scan3A_281 = %scan3A_5 to %scan3A_7 step %scan3A_8  : i32 {
      %mul3A_282 = arith.constant 16 : i32
      %mul3A_283 = arith.muli %scan3A_281, %mul3A_282 : i32
      %add3A_284 = arith.constant 0 : i32
      %add3A_285 = arith.addi %mul3A_283, %add3A_284 : i32
      %get3A = arith.index_cast %add3A_285 : i32 to index
      %get3A_286 = arith.constant 0 : index
      %get3A_287 = tpu.vector_load %arg17[%get3A, %get3A_286] {strides = array<i32>} : memref<640x16xf32, #tpu.memory_space<vmem>>, vector<1x16xf32>,
      %get3A_288 = vector.shape_cast %get3A_287 : vector<1x16xf32> to vector<16xf32>
      %get3A_289 = arith.index_cast %add3A_285 : i32 to index
      %get3A_290 = arith.constant 0 : index
      %get3A_291 = tpu.vector_load %arg16[%get3A_289, %get3A_290] {strides = array<i32>} : memref<640x16xf32, #tpu.memory_space<vmem>>, vector<1x16xf32>,
      %get3A_292 = vector.shape_cast %get3A_291 : vector<1x16xf32> to vector<16xf32>
      %mul3A_293 = arith.mulf %get3A_288, %get3A_292 : vector<16xf32>
      %swap3A = arith.index_cast %add3A_285 : i32 to index
      %swap3A_294 = arith.constant 0 : index
      %swap3A_295 = tpu.vector_load %arg10[%swap3A, %swap3A_294] {strides = array<i32>} : memref<640x16xf32, #tpu.memory_space<vmem>>, vector<1x16xf32>,
      %swap3A_296 = vector.shape_cast %swap3A_295 : vector<1x16xf32> to vector<16xf32>
      %swap3A_297 = vector.shape_cast %mul3A_293 : vector<16xf32> to vector<1x16xf32>
      tpu.vector_store %arg10[%swap3A, %swap3A_294], %swap3A_297 {strides = array<i32>} : memref<640x16xf32, #tpu.memory_space<vmem>>, vector<1x16xf32>,
      %add3A_298 = arith.constant 1 : i32
      %add3A_299 = arith.addi %mul3A_283, %add3A_298 : i32
      %get3A_300 = arith.index_cast %add3A_299 : i32 to index
      %get3A_301 = arith.constant 0 : index
      %get3A_302 = tpu.vector_load %arg17[%get3A_300, %get3A_301] {strides = array<i32>} : memref<640x16xf32, #tpu.memory_space<vmem>>, vector<1x16xf32>,
      %get3A_303 = vector.shape_cast %get3A_302 : vector<1x16xf32> to vector<16xf32>
      %get3A_304 = arith.index_cast %add3A_299 : i32 to index
      %get3A_305 = arith.constant 0 : index
      %get3A_306 = tpu.vector_load %arg16[%get3A_304, %get3A_305] {strides = array<i32>} : memref<640x16xf32, #tpu.memory_space<vmem>>, vector<1x16xf32>,
      %get3A_307 = vector.shape_cast %get3A_306 : vector<1x16xf32> to vector<16xf32>
      %mul3A_308 = arith.mulf %get3A_303, %get3A_307 : vector<16xf32>
      %swap3A_309 = arith.index_cast %add3A_299 : i32 to index
      %swap3A_310 = arith.constant 0 : index
      %swap3A_311 = tpu.vector_load %arg10[%swap3A_309, %swap3A_310] {strides = array<i32>} : memref<640x16xf32, #tpu.memory_space<vmem>>, vector<1x16xf32>,
      %swap3A_312 = vector.shape_cast %swap3A_311 : vector<1x16xf32> to vector<16xf32>
      %swap3A_313 = vector.shape_cast %mul3A_308 : vector<16xf32> to vector<1x16xf32>
      tpu.vector_store %arg10[%swap3A_309, %swap3A_310], %swap3A_313 {strides = array<i32>} : memref<640x16xf32, #tpu.memory_space<vmem>>, vector<1x16xf32>,
      %add3A_314 = arith.constant 2 : i32
      %add3A_315 = arith.addi %mul3A_283, %add3A_314 : i32
      %get3A_316 = arith.index_cast %add3A_315 : i32 to index
      %get3A_317 = arith.constant 0 : index
      %get3A_318 = tpu.vector_load %arg17[%get3A_316, %get3A_317] {strides = array<i32>} : memref<640x16xf32, #tpu.memory_space<vmem>>, vector<1x16xf32>,
      %get3A_319 = vector.shape_cast %get3A_318 : vector<1x16xf32> to vector<16xf32>
      %get3A_320 = arith.index_cast %add3A_315 : i32 to index
      %get3A_321 = arith.constant 0 : index
      %get3A_322 = tpu.vector_load %arg16[%get3A_320, %get3A_321] {strides = array<i32>} : memref<640x16xf32, #tpu.memory_space<vmem>>, vector<1x16xf32>,
      %get3A_323 = vector.shape_cast %get3A_322 : vector<1x16xf32> to vector<16xf32>
      %mul3A_324 = arith.mulf %get3A_319, %get3A_323 : vector<16xf32>
      %swap3A_325 = arith.index_cast %add3A_315 : i32 to index
      %swap3A_326 = arith.constant 0 : index
      %swap3A_327 = tpu.vector_load %arg10[%swap3A_325, %swap3A_326] {strides = array<i32>} : memref<640x16xf32, #tpu.memory_space<vmem>>, vector<1x16xf32>,
      %swap3A_328 = vector.shape_cast %swap3A_327 : vector<1x16xf32> to vector<16xf32>
      %swap3A_329 = vector.shape_cast %mul3A_324 : vector<16xf32> to vector<1x16xf32>
      tpu.vector_store %arg10[%swap3A_325, %swap3A_326], %swap3A_329 {strides = array<i32>} : memref<640x16xf32, #tpu.memory_space<vmem>>, vector<1x16xf32>,
      %add3A_330 = arith.constant 3 : i32
      %add3A_331 = arith.addi %mul3A_283, %add3A_330 : i32
      %get3A_332 = arith.index_cast %add3A_331 : i32 to index
      %get3A_333 = arith.constant 0 : index
      %get3A_334 = tpu.vector_load %arg17[%get3A_332, %get3A_333] {strides = array<i32>} : memref<640x16xf32, #tpu.memory_space<vmem>>, vector<1x16xf32>,
      %get3A_335 = vector.shape_cast %get3A_334 : vector<1x16xf32> to vector<16xf32>
      %get3A_336 = arith.index_cast %add3A_331 : i32 to index
      %get3A_337 = arith.constant 0 : index
      %get3A_338 = tpu.vector_load %arg16[%get3A_336, %get3A_337] {strides = array<i32>} : memref<640x16xf32, #tpu.memory_space<vmem>>, vector<1x16xf32>,
      %get3A_339 = vector.shape_cast %get3A_338 : vector<1x16xf32> to vector<16xf32>
      %mul3A_340 = arith.mulf %get3A_335, %get3A_339 : vector<16xf32>
      %swap3A_341 = arith.index_cast %add3A_331 : i32 to index
      %swap3A_342 = arith.constant 0 : index
      %swap3A_343 = tpu.vector_load %arg10[%swap3A_341, %swap3A_342] {strides = array<i32>} : memref<640x16xf32, #tpu.memory_space<vmem>>, vector<1x16xf32>,
      %swap3A_344 = vector.shape_cast %swap3A_343 : vector<1x16xf32> to vector<16xf32>
      %swap3A_345 = vector.shape_cast %mul3A_340 : vector<16xf32> to vector<1x16xf32>
      tpu.vector_store %arg10[%swap3A_341, %swap3A_342], %swap3A_345 {strides = array<i32>} : memref<640x16xf32, #tpu.memory_space<vmem>>, vector<1x16xf32>,
      %add3A_346 = arith.constant 4 : i32
      %add3A_347 = arith.addi %mul3A_283, %add3A_346 : i32
      %get3A_348 = arith.index_cast %add3A_347 : i32 to index
      %get3A_349 = arith.constant 0 : index
      %get3A_350 = tpu.vector_load %arg17[%get3A_348, %get3A_349] {strides = array<i32>} : memref<640x16xf32, #tpu.memory_space<vmem>>, vector<1x16xf32>,
      %get3A_351 = vector.shape_cast %get3A_350 : vector<1x16xf32> to vector<16xf32>
      %get3A_352 = arith.index_cast %add3A_347 : i32 to index
      %get3A_353 = arith.constant 0 : index
      %get3A_354 = tpu.vector_load %arg16[%get3A_352, %get3A_353] {strides = array<i32>} : memref<640x16xf32, #tpu.memory_space<vmem>>, vector<1x16xf32>,
      %get3A_355 = vector.shape_cast %get3A_354 : vector<1x16xf32> to vector<16xf32>
      %mul3A_356 = arith.mulf %get3A_351, %get3A_355 : vector<16xf32>
      %swap3A_357 = arith.index_cast %add3A_347 : i32 to index
      %swap3A_358 = arith.constant 0 : index
      %swap3A_359 = tpu.vector_load %arg10[%swap3A_357, %swap3A_358] {strides = array<i32>} : memref<640x16xf32, #tpu.memory_space<vmem>>, vector<1x16xf32>,
      %swap3A_360 = vector.shape_cast %swap3A_359 : vector<1x16xf32> to vector<16xf32>
      %swap3A_361 = vector.shape_cast %mul3A_356 : vector<16xf32> to vector<1x16xf32>
      tpu.vector_store %arg10[%swap3A_357, %swap3A_358], %swap3A_361 {strides = array<i32>} : memref<640x16xf32, #tpu.memory_space<vmem>>, vector<1x16xf32>,
      %add3A_362 = arith.constant 5 : i32
      %add3A_363 = arith.addi %mul3A_283, %add3A_362 : i32
      %get3A_364 = arith.index_cast %add3A_363 : i32 to index
      %get3A_365 = arith.constant 0 : index
      %get3A_366 = tpu.vector_load %arg17[%get3A_364, %get3A_365] {strides = array<i32>} : memref<640x16xf32, #tpu.memory_space<vmem>>, vector<1x16xf32>,
      %get3A_367 = vector.shape_cast %get3A_366 : vector<1x16xf32> to vector<16xf32>
      %get3A_368 = arith.index_cast %add3A_363 : i32 to index
      %get3A_369 = arith.constant 0 : index
      %get3A_370 = tpu.vector_load %arg16[%get3A_368, %get3A_369] {strides = array<i32>} : memref<640x16xf32, #tpu.memory_space<vmem>>, vector<1x16xf32>,
      %get3A_371 = vector.shape_cast %get3A_370 : vector<1x16xf32> to vector<16xf32>
      %mul3A_372 = arith.mulf %get3A_367, %get3A_371 : vector<16xf32>
      %swap3A_373 = arith.index_cast %add3A_363 : i32 to index
      %swap3A_374 = arith.constant 0 : index
      %swap3A_375 = tpu.vector_load %arg10[%swap3A_373, %swap3A_374] {strides = array<i32>} : memref<640x16xf32, #tpu.memory_space<vmem>>, vector<1x16xf32>,
      %swap3A_376 = vector.shape_cast %swap3A_375 : vector<1x16xf32> to vector<16xf32>
      %swap3A_377 = vector.shape_cast %mul3A_372 : vector<16xf32> to vector<1x16xf32>
      tpu.vector_store %arg10[%swap3A_373, %swap3A_374], %swap3A_377 {strides = array<i32>} : memref<640x16xf32, #tpu.memory_space<vmem>>, vector<1x16xf32>,
      %add3A_378 = arith.constant 6 : i32
      %add3A_379 = arith.addi %mul3A_283, %add3A_378 : i32
      %get3A_380 = arith.index_cast %add3A_379 : i32 to index
      %get3A_381 = arith.constant 0 : index
      %get3A_382 = tpu.vector_load %arg17[%get3A_380, %get3A_381] {strides = array<i32>} : memref<640x16xf32, #tpu.memory_space<vmem>>, vector<1x16xf32>,
      %get3A_383 = vector.shape_cast %get3A_382 : vector<1x16xf32> to vector<16xf32>
      %get3A_384 = arith.index_cast %add3A_379 : i32 to index
      %get3A_385 = arith.constant 0 : index
      %get3A_386 = tpu.vector_load %arg16[%get3A_384, %get3A_385] {strides = array<i32>} : memref<640x16xf32, #tpu.memory_space<vmem>>, vector<1x16xf32>,
      %get3A_387 = vector.shape_cast %get3A_386 : vector<1x16xf32> to vector<16xf32>
      %mul3A_388 = arith.mulf %get3A_383, %get3A_387 : vector<16xf32>
      %swap3A_389 = arith.index_cast %add3A_379 : i32 to index
      %swap3A_390 = arith.constant 0 : index
      %swap3A_391 = tpu.vector_load %arg10[%swap3A_389, %swap3A_390] {strides = array<i32>} : memref<640x16xf32, #tpu.memory_space<vmem>>, vector<1x16xf32>,
      %swap3A_392 = vector.shape_cast %swap3A_391 : vector<1x16xf32> to vector<16xf32>
      %swap3A_393 = vector.shape_cast %mul3A_388 : vector<16xf32> to vector<1x16xf32>
      tpu.vector_store %arg10[%swap3A_389, %swap3A_390], %swap3A_393 {strides = array<i32>} : memref<640x16xf32, #tpu.memory_space<vmem>>, vector<1x16xf32>,
      %add3A_394 = arith.constant 7 : i32
      %add3A_395 = arith.addi %mul3A_283, %add3A_394 : i32
      %get3A_396 = arith.index_cast %add3A_395 : i32 to index
      %get3A_397 = arith.constant 0 : index
      %get3A_398 = tpu.vector_load %arg17[%get3A_396, %get3A_397] {strides = array<i32>} : memref<640x16xf32, #tpu.memory_space<vmem>>, vector<1x16xf32>,
      %get3A_399 = vector.shape_cast %get3A_398 : vector<1x16xf32> to vector<16xf32>
      %get3A_400 = arith.index_cast %add3A_395 : i32 to index
      %get3A_401 = arith.constant 0 : index
      %get3A_402 = tpu.vector_load %arg16[%get3A_400, %get3A_401] {strides = array<i32>} : memref<640x16xf32, #tpu.memory_space<vmem>>, vector<1x16xf32>,
      %get3A_403 = vector.shape_cast %get3A_402 : vector<1x16xf32> to vector<16xf32>
      %mul3A_404 = arith.mulf %get3A_399, %get3A_403 : vector<16xf32>
      %swap3A_405 = arith.index_cast %add3A_395 : i32 to index
      %swap3A_406 = arith.constant 0 : index
      %swap3A_407 = tpu.vector_load %arg10[%swap3A_405, %swap3A_406] {strides = array<i32>} : memref<640x16xf32, #tpu.memory_space<vmem>>, vector<1x16xf32>,
      %swap3A_408 = vector.shape_cast %swap3A_407 : vector<1x16xf32> to vector<16xf32>
      %swap3A_409 = vector.shape_cast %mul3A_404 : vector<16xf32> to vector<1x16xf32>
      tpu.vector_store %arg10[%swap3A_405, %swap3A_406], %swap3A_409 {strides = array<i32>} : memref<640x16xf32, #tpu.memory_space<vmem>>, vector<1x16xf32>,
      %add3A_410 = arith.constant 8 : i32
      %add3A_411 = arith.addi %mul3A_283, %add3A_410 : i32
      %get3A_412 = arith.index_cast %add3A_411 : i32 to index
      %get3A_413 = arith.constant 0 : index
      %get3A_414 = tpu.vector_load %arg17[%get3A_412, %get3A_413] {strides = array<i32>} : memref<640x16xf32, #tpu.memory_space<vmem>>, vector<1x16xf32>,
      %get3A_415 = vector.shape_cast %get3A_414 : vector<1x16xf32> to vector<16xf32>
      %get3A_416 = arith.index_cast %add3A_411 : i32 to index
      %get3A_417 = arith.constant 0 : index
      %get3A_418 = tpu.vector_load %arg16[%get3A_416, %get3A_417] {strides = array<i32>} : memref<640x16xf32, #tpu.memory_space<vmem>>, vector<1x16xf32>,
      %get3A_419 = vector.shape_cast %get3A_418 : vector<1x16xf32> to vector<16xf32>
      %mul3A_420 = arith.mulf %get3A_415, %get3A_419 : vector<16xf32>
      %swap3A_421 = arith.index_cast %add3A_411 : i32 to index
      %swap3A_422 = arith.constant 0 : index
      %swap3A_423 = tpu.vector_load %arg10[%swap3A_421, %swap3A_422] {strides = array<i32>} : memref<640x16xf32, #tpu.memory_space<vmem>>, vector<1x16xf32>,
      %swap3A_424 = vector.shape_cast %swap3A_423 : vector<1x16xf32> to vector<16xf32>
      %swap3A_425 = vector.shape_cast %mul3A_420 : vector<16xf32> to vector<1x16xf32>
      tpu.vector_store %arg10[%swap3A_421, %swap3A_422], %swap3A_425 {strides = array<i32>} : memref<640x16xf32, #tpu.memory_space<vmem>>, vector<1x16xf32>,
      %add3A_426 = arith.constant 9 : i32
      %add3A_427 = arith.addi %mul3A_283, %add3A_426 : i32
      %get3A_428 = arith.index_cast %add3A_427 : i32 to index
      %get3A_429 = arith.constant 0 : index
      %get3A_430 = tpu.vector_load %arg17[%get3A_428, %get3A_429] {strides = array<i32>} : memref<640x16xf32, #tpu.memory_space<vmem>>, vector<1x16xf32>,
      %get3A_431 = vector.shape_cast %get3A_430 : vector<1x16xf32> to vector<16xf32>
      %get3A_432 = arith.index_cast %add3A_427 : i32 to index
      %get3A_433 = arith.constant 0 : index
      %get3A_434 = tpu.vector_load %arg16[%get3A_432, %get3A_433] {strides = array<i32>} : memref<640x16xf32, #tpu.memory_space<vmem>>, vector<1x16xf32>,
      %get3A_435 = vector.shape_cast %get3A_434 : vector<1x16xf32> to vector<16xf32>
      %mul3A_436 = arith.mulf %get3A_431, %get3A_435 : vector<16xf32>
      %swap3A_437 = arith.index_cast %add3A_427 : i32 to index
      %swap3A_438 = arith.constant 0 : index
      %swap3A_439 = tpu.vector_load %arg10[%swap3A_437, %swap3A_438] {strides = array<i32>} : memref<640x16xf32, #tpu.memory_space<vmem>>, vector<1x16xf32>,
      %swap3A_440 = vector.shape_cast %swap3A_439 : vector<1x16xf32> to vector<16xf32>
      %swap3A_441 = vector.shape_cast %mul3A_436 : vector<16xf32> to vector<1x16xf32>
      tpu.vector_store %arg10[%swap3A_437, %swap3A_438], %swap3A_441 {strides = array<i32>} : memref<640x16xf32, #tpu.memory_space<vmem>>, vector<1x16xf32>,
      %add3A_442 = arith.constant 10 : i32
      %add3A_443 = arith.addi %mul3A_283, %add3A_442 : i32
      %get3A_444 = arith.index_cast %add3A_443 : i32 to index
      %get3A_445 = arith.constant 0 : index
      %get3A_446 = tpu.vector_load %arg17[%get3A_444, %get3A_445] {strides = array<i32>} : memref<640x16xf32, #tpu.memory_space<vmem>>, vector<1x16xf32>,
      %get3A_447 = vector.shape_cast %get3A_446 : vector<1x16xf32> to vector<16xf32>
      %get3A_448 = arith.index_cast %add3A_443 : i32 to index
      %get3A_449 = arith.constant 0 : index
      %get3A_450 = tpu.vector_load %arg16[%get3A_448, %get3A_449] {strides = array<i32>} : memref<640x16xf32, #tpu.memory_space<vmem>>, vector<1x16xf32>,
      %get3A_451 = vector.shape_cast %get3A_450 : vector<1x16xf32> to vector<16xf32>
      %mul3A_452 = arith.mulf %get3A_447, %get3A_451 : vector<16xf32>
      %swap3A_453 = arith.index_cast %add3A_443 : i32 to index
      %swap3A_454 = arith.constant 0 : index
      %swap3A_455 = tpu.vector_load %arg10[%swap3A_453, %swap3A_454] {strides = array<i32>} : memref<640x16xf32, #tpu.memory_space<vmem>>, vector<1x16xf32>,
      %swap3A_456 = vector.shape_cast %swap3A_455 : vector<1x16xf32> to vector<16xf32>
      %swap3A_457 = vector.shape_cast %mul3A_452 : vector<16xf32> to vector<1x16xf32>
      tpu.vector_store %arg10[%swap3A_453, %swap3A_454], %swap3A_457 {strides = array<i32>} : memref<640x16xf32, #tpu.memory_space<vmem>>, vector<1x16xf32>,
      %add3A_458 = arith.constant 11 : i32
      %add3A_459 = arith.addi %mul3A_283, %add3A_458 : i32
      %get3A_460 = arith.index_cast %add3A_459 : i32 to index
      %get3A_461 = arith.constant 0 : index
      %get3A_462 = tpu.vector_load %arg17[%get3A_460, %get3A_461] {strides = array<i32>} : memref<640x16xf32, #tpu.memory_space<vmem>>, vector<1x16xf32>,
      %get3A_463 = vector.shape_cast %get3A_462 : vector<1x16xf32> to vector<16xf32>
      %get3A_464 = arith.index_cast %add3A_459 : i32 to index
      %get3A_465 = arith.constant 0 : index
      %get3A_466 = tpu.vector_load %arg16[%get3A_464, %get3A_465] {strides = array<i32>} : memref<640x16xf32, #tpu.memory_space<vmem>>, vector<1x16xf32>,
      %get3A_467 = vector.shape_cast %get3A_466 : vector<1x16xf32> to vector<16xf32>
      %mul3A_468 = arith.mulf %get3A_463, %get3A_467 : vector<16xf32>
      %swap3A_469 = arith.index_cast %add3A_459 : i32 to index
      %swap3A_470 = arith.constant 0 : index
      %swap3A_471 = tpu.vector_load %arg10[%swap3A_469, %swap3A_470] {strides = array<i32>} : memref<640x16xf32, #tpu.memory_space<vmem>>, vector<1x16xf32>,
      %swap3A_472 = vector.shape_cast %swap3A_471 : vector<1x16xf32> to vector<16xf32>
      %swap3A_473 = vector.shape_cast %mul3A_468 : vector<16xf32> to vector<1x16xf32>
      tpu.vector_store %arg10[%swap3A_469, %swap3A_470], %swap3A_473 {strides = array<i32>} : memref<640x16xf32, #tpu.memory_space<vmem>>, vector<1x16xf32>,
      %add3A_474 = arith.constant 12 : i32
      %add3A_475 = arith.addi %mul3A_283, %add3A_474 : i32
      %get3A_476 = arith.index_cast %add3A_475 : i32 to index
      %get3A_477 = arith.constant 0 : index
      %get3A_478 = tpu.vector_load %arg17[%get3A_476, %get3A_477] {strides = array<i32>} : memref<640x16xf32, #tpu.memory_space<vmem>>, vector<1x16xf32>,
      %get3A_479 = vector.shape_cast %get3A_478 : vector<1x16xf32> to vector<16xf32>
      %get3A_480 = arith.index_cast %add3A_475 : i32 to index
      %get3A_481 = arith.constant 0 : index
      %get3A_482 = tpu.vector_load %arg16[%get3A_480, %get3A_481] {strides = array<i32>} : memref<640x16xf32, #tpu.memory_space<vmem>>, vector<1x16xf32>,
      %get3A_483 = vector.shape_cast %get3A_482 : vector<1x16xf32> to vector<16xf32>
      %mul3A_484 = arith.mulf %get3A_479, %get3A_483 : vector<16xf32>
      %swap3A_485 = arith.index_cast %add3A_475 : i32 to index
      %swap3A_486 = arith.constant 0 : index
      %swap3A_487 = tpu.vector_load %arg10[%swap3A_485, %swap3A_486] {strides = array<i32>} : memref<640x16xf32, #tpu.memory_space<vmem>>, vector<1x16xf32>,
      %swap3A_488 = vector.shape_cast %swap3A_487 : vector<1x16xf32> to vector<16xf32>
      %swap3A_489 = vector.shape_cast %mul3A_484 : vector<16xf32> to vector<1x16xf32>
      tpu.vector_store %arg10[%swap3A_485, %swap3A_486], %swap3A_489 {strides = array<i32>} : memref<640x16xf32, #tpu.memory_space<vmem>>, vector<1x16xf32>,
      %add3A_490 = arith.constant 13 : i32
      %add3A_491 = arith.addi %mul3A_283, %add3A_490 : i32
      %get3A_492 = arith.index_cast %add3A_491 : i32 to index
      %get3A_493 = arith.constant 0 : index
      %get3A_494 = tpu.vector_load %arg17[%get3A_492, %get3A_493] {strides = array<i32>} : memref<640x16xf32, #tpu.memory_space<vmem>>, vector<1x16xf32>,
      %get3A_495 = vector.shape_cast %get3A_494 : vector<1x16xf32> to vector<16xf32>
      %get3A_496 = arith.index_cast %add3A_491 : i32 to index
      %get3A_497 = arith.constant 0 : index
      %get3A_498 = tpu.vector_load %arg16[%get3A_496, %get3A_497] {strides = array<i32>} : memref<640x16xf32, #tpu.memory_space<vmem>>, vector<1x16xf32>,
      %get3A_499 = vector.shape_cast %get3A_498 : vector<1x16xf32> to vector<16xf32>
      %mul3A_500 = arith.mulf %get3A_495, %get3A_499 : vector<16xf32>
      %swap3A_501 = arith.index_cast %add3A_491 : i32 to index
      %swap3A_502 = arith.constant 0 : index
      %swap3A_503 = tpu.vector_load %arg10[%swap3A_501, %swap3A_502] {strides = array<i32>} : memref<640x16xf32, #tpu.memory_space<vmem>>, vector<1x16xf32>,
      %swap3A_504 = vector.shape_cast %swap3A_503 : vector<1x16xf32> to vector<16xf32>
      %swap3A_505 = vector.shape_cast %mul3A_500 : vector<16xf32> to vector<1x16xf32>
      tpu.vector_store %arg10[%swap3A_501, %swap3A_502], %swap3A_505 {strides = array<i32>} : memref<640x16xf32, #tpu.memory_space<vmem>>, vector<1x16xf32>,
      %add3A_506 = arith.constant 14 : i32
      %add3A_507 = arith.addi %mul3A_283, %add3A_506 : i32
      %get3A_508 = arith.index_cast %add3A_507 : i32 to index
      %get3A_509 = arith.constant 0 : index
      %get3A_510 = tpu.vector_load %arg17[%get3A_508, %get3A_509] {strides = array<i32>} : memref<640x16xf32, #tpu.memory_space<vmem>>, vector<1x16xf32>,
      %get3A_511 = vector.shape_cast %get3A_510 : vector<1x16xf32> to vector<16xf32>
      %get3A_512 = arith.index_cast %add3A_507 : i32 to index
      %get3A_513 = arith.constant 0 : index
      %get3A_514 = tpu.vector_load %arg16[%get3A_512, %get3A_513] {strides = array<i32>} : memref<640x16xf32, #tpu.memory_space<vmem>>, vector<1x16xf32>,
      %get3A_515 = vector.shape_cast %get3A_514 : vector<1x16xf32> to vector<16xf32>
      %mul3A_516 = arith.mulf %get3A_511, %get3A_515 : vector<16xf32>
      %swap3A_517 = arith.index_cast %add3A_507 : i32 to index
      %swap3A_518 = arith.constant 0 : index
      %swap3A_519 = tpu.vector_load %arg10[%swap3A_517, %swap3A_518] {strides = array<i32>} : memref<640x16xf32, #tpu.memory_space<vmem>>, vector<1x16xf32>,
      %swap3A_520 = vector.shape_cast %swap3A_519 : vector<1x16xf32> to vector<16xf32>
      %swap3A_521 = vector.shape_cast %mul3A_516 : vector<16xf32> to vector<1x16xf32>
      tpu.vector_store %arg10[%swap3A_517, %swap3A_518], %swap3A_521 {strides = array<i32>} : memref<640x16xf32, #tpu.memory_space<vmem>>, vector<1x16xf32>,
      %add3A_522 = arith.constant 15 : i32
      %add3A_523 = arith.addi %mul3A_283, %add3A_522 : i32
      %get3A_524 = arith.index_cast %add3A_523 : i32 to index
      %get3A_525 = arith.constant 0 : index
      %get3A_526 = tpu.vector_load %arg17[%get3A_524, %get3A_525] {strides = array<i32>} : memref<640x16xf32, #tpu.memory_space<vmem>>, vector<1x16xf32>,
      %get3A_527 = vector.shape_cast %get3A_526 : vector<1x16xf32> to vector<16xf32>
      %get3A_528 = arith.index_cast %add3A_523 : i32 to index
      %get3A_529 = arith.constant 0 : index
      %get3A_530 = tpu.vector_load %arg16[%get3A_528, %get3A_529] {strides = array<i32>} : memref<640x16xf32, #tpu.memory_space<vmem>>, vector<1x16xf32>,
      %get3A_531 = vector.shape_cast %get3A_530 : vector<1x16xf32> to vector<16xf32>
      %mul3A_532 = arith.mulf %get3A_527, %get3A_531 : vector<16xf32>
      %swap3A_533 = arith.index_cast %add3A_523 : i32 to index
      %swap3A_534 = arith.constant 0 : index
      %swap3A_535 = tpu.vector_load %arg10[%swap3A_533, %swap3A_534] {strides = array<i32>} : memref<640x16xf32, #tpu.memory_space<vmem>>, vector<1x16xf32>,
      %swap3A_536 = vector.shape_cast %swap3A_535 : vector<1x16xf32> to vector<16xf32>
      %swap3A_537 = vector.shape_cast %mul3A_532 : vector<16xf32> to vector<1x16xf32>
      tpu.vector_store %arg10[%swap3A_533, %swap3A_534], %swap3A_537 {strides = array<i32>} : memref<640x16xf32, #tpu.memory_space<vmem>>, vector<1x16xf32>,
    }
    %scan3A_9 = arith.constant 40 : i32
    %mul3A_10 = arith.constant 640 : i32
    %mul3A_11 = arith.muli %arg1, %mul3A_10 : i32
    "tpu.region"() ({
      %run_scoped3A = tpu.sem_alloc : memref<!tpu.dma_semaphore, #tpu.memory_space<semaphore_mem>>
      %dma_start3A_281 = arith.constant 0 : i32
      %dma_start3A_282 = tpu.memref_slice %arg8[%mul3A_11, %dma_start3A_281] : memref<10240x16xf32, #tpu.memory_space<vmem_shared>> -> memref<640x16xf32, #tpu.memory_space<vmem_shared>>
      %dma_start3A_283 = arith.constant 0 : i32
      %dma_start3A_284 = tpu.memref_slice %arg8[%mul3A_11, %dma_start3A_283] : memref<10240x16xf32, #tpu.memory_space<vmem_shared>> -> memref<640x16xf32, #tpu.memory_space<vmem_shared>>
      tpu.enqueue_dma source(%arg10 : memref<640x16xf32, #tpu.memory_space<vmem>>) target(%dma_start3A_284 : memref<640x16xf32, #tpu.memory_space<vmem_shared>>) target_semaphore(%run_scoped3A : memref<!tpu.dma_semaphore, #tpu.memory_space<semaphore_mem>>)
      %dma_wait3A_285 = arith.constant 0 : i32
      %dma_wait3A_286 = tpu.memref_slice %arg8[%mul3A_11, %dma_wait3A_285] : memref<10240x16xf32, #tpu.memory_space<vmem_shared>> -> memref<640x16xf32, #tpu.memory_space<vmem_shared>>
      %dma_wait3A_287 = arith.constant 0 : i32
      %dma_wait3A_288 = tpu.memref_slice %arg8[%mul3A_11, %dma_wait3A_287] : memref<10240x16xf32, #tpu.memory_space<vmem_shared>> -> memref<640x16xf32, #tpu.memory_space<vmem_shared>>
      tpu.wait_dma2 semaphore(%run_scoped3A : memref<!tpu.dma_semaphore, #tpu.memory_space<semaphore_mem>>) src(%arg10 : memref<640x16xf32, #tpu.memory_space<vmem>>) dst(%dma_wait3A_288 : memref<640x16xf32, #tpu.memory_space<vmem_shared>>)
      tpu.yield
    }) : () -> ()
    %mul3A_12 = arith.constant 640 : i32
    %mul3A_13 = arith.muli %arg1, %mul3A_12 : i32
    "tpu.region"() ({
      %run_scoped3A = tpu.sem_alloc : memref<!tpu.dma_semaphore, #tpu.memory_space<semaphore_mem>>
      %dma_start3A_281 = arith.constant 0 : i32
      %dma_start3A_282 = tpu.memref_slice %arg9[%mul3A_13, %dma_start3A_281] : memref<10240x16xf32, #tpu.memory_space<vmem_shared>> -> memref<640x16xf32, #tpu.memory_space<vmem_shared>>
      %dma_start3A_283 = arith.constant 0 : i32
      %dma_start3A_284 = tpu.memref_slice %arg9[%mul3A_13, %dma_start3A_283] : memref<10240x16xf32, #tpu.memory_space<vmem_shared>> -> memref<640x16xf32, #tpu.memory_space<vmem_shared>>
      tpu.enqueue_dma source(%arg10 : memref<640x16xf32, #tpu.memory_space<vmem>>) target(%dma_start3A_284 : memref<640x16xf32, #tpu.memory_space<vmem_shared>>) target_semaphore(%run_scoped3A : memref<!tpu.dma_semaphore, #tpu.memory_space<semaphore_mem>>)
      %dma_wait3A_285 = arith.constant 0 : i32
      %dma_wait3A_286 = tpu.memref_slice %arg9[%mul3A_13, %dma_wait3A_285] : memref<10240x16xf32, #tpu.memory_space<vmem_shared>> -> memref<640x16xf32, #tpu.memory_space<vmem_shared>>
      %dma_wait3A_287 = arith.constant 0 : i32
      %dma_wait3A_288 = tpu.memref_slice %arg9[%mul3A_13, %dma_wait3A_287] : memref<10240x16xf32, #tpu.memory_space<vmem_shared>> -> memref<640x16xf32, #tpu.memory_space<vmem_shared>>
      tpu.wait_dma2 semaphore(%run_scoped3A : memref<!tpu.dma_semaphore, #tpu.memory_space<semaphore_mem>>) src(%arg10 : memref<640x16xf32, #tpu.memory_space<vmem>>) dst(%dma_wait3A_288 : memref<640x16xf32, #tpu.memory_space<vmem_shared>>)
      tpu.yield
    }) : () -> ()
    %eq3A = arith.constant 0 : i32
    %eq3A_14 = arith.cmpi eq, %arg0, %eq3A : i32
    %convert_element_type3A = arith.extui %eq3A_14 : i1 to i32
    %cond3A = arith.constant 0 : i32
    %cond3A_15 = arith.cmpi ne, %convert_element_type3A, %cond3A : i32
    scf.if %cond3A_15 {
      %mul3A_281 = arith.constant 640 : i32
      %mul3A_282 = arith.muli %arg1, %mul3A_281 : i32
      "tpu.region"() ({
        %run_scoped3A = tpu.sem_alloc : memref<!tpu.dma_semaphore, #tpu.memory_space<semaphore_mem>>
        %dma_start3A_283 = arith.constant 0 : i32
        %dma_start3A_284 = tpu.memref_slice %arg7[%mul3A_282, %dma_start3A_283] : memref<10240x16xf32, #tpu.memory_space<hbm>> -> memref<640x16xf32, #tpu.memory_space<hbm>>
        %dma_start3A_285 = arith.constant 0 : i32
        %dma_start3A_286 = tpu.memref_slice %arg7[%mul3A_282, %dma_start3A_285] : memref<10240x16xf32, #tpu.memory_space<hbm>> -> memref<640x16xf32, #tpu.memory_space<hbm>>
        tpu.enqueue_dma source(%arg10 : memref<640x16xf32, #tpu.memory_space<vmem>>) target(%dma_start3A_286 : memref<640x16xf32, #tpu.memory_space<hbm>>) target_semaphore(%run_scoped3A : memref<!tpu.dma_semaphore, #tpu.memory_space<semaphore_mem>>)
        %dma_wait3A_287 = arith.constant 0 : i32
        %dma_wait3A_288 = tpu.memref_slice %arg7[%mul3A_282, %dma_wait3A_287] : memref<10240x16xf32, #tpu.memory_space<hbm>> -> memref<640x16xf32, #tpu.memory_space<hbm>>
        %dma_wait3A_289 = arith.constant 0 : i32
        %dma_wait3A_290 = tpu.memref_slice %arg7[%mul3A_282, %dma_wait3A_289] : memref<10240x16xf32, #tpu.memory_space<hbm>> -> memref<640x16xf32, #tpu.memory_space<hbm>>
        tpu.wait_dma2 semaphore(%run_scoped3A : memref<!tpu.dma_semaphore, #tpu.memory_space<semaphore_mem>>) src(%arg10 : memref<640x16xf32, #tpu.memory_space<vmem>>) dst(%dma_wait3A_290 : memref<640x16xf32, #tpu.memory_space<hbm>>)
        tpu.yield
      }) : () -> ()
    } else {
    }
    %barrier3A = arith.constant 0 : index
    tpu.barrier barrier_id(%barrier3A)
    %dma_start3A = arith.constant 0 : i32
    %dma_start3A_16 = arith.constant 0 : i32
    %dma_start3A_17 = arith.constant 0 : i32
    %dma_start3A_18 = arith.constant 0 : i32
    %dma_start3A_19 = arith.constant 0 : i32
    %dma_start3A_20 = arith.constant 0 : i32
    %dma_start3A_21 = tpu.memref_slice %arg11[%dma_start3A_16, %dma_start3A_17, %dma_start3A_19, %dma_start3A_20] : memref<2x8x128x16xf32, #tpu.memory_space<vmem>> -> memref<1x1x128x16xf32, #tpu.memory_space<vmem>>
    %dma_start3A_22 = tpu.memref_squeeze %dma_start3A_21 : memref<1x1x128x16xf32, #tpu.memory_space<vmem>> -> memref<128x16xf32, #tpu.memory_space<vmem>>
    %dma_start3A_23 = arith.constant 0 : i32
    %dma_start3A_24 = tpu.memref_slice %arg12[%dma_start3A, %dma_start3A_23] : memref<80x128xi32, #tpu.memory_space<vmem>> -> memref<1x128xi32, #tpu.memory_space<vmem>>
    %dma_start3A_25 = tpu.memref_squeeze %dma_start3A_24 : memref<1x128xi32, #tpu.memory_space<vmem>> -> memref<128xi32, #tpu.memory_space<vmem>>
    %dma_start3A_26 = arith.constant 0 : i32
    %dma_start3A_27 = arith.constant 0 : i32
    %dma_start3A_28 = tpu.memref_slice %arg9[%dma_start3A_26, %dma_start3A_27] : memref<10240x16xf32, #tpu.memory_space<vmem_shared>> -> memref<10240x16xf32, #tpu.memory_space<vmem_shared>>
    %dma_start3A_29 = tpu.memref_slice %arg14[%dma_start3A_18] : memref<2x!tpu.dma_semaphore, #tpu.memory_space<semaphore_mem>> -> memref<1x!tpu.dma_semaphore, #tpu.memory_space<semaphore_mem>>
    %dma_start3A_30 = tpu.memref_squeeze %dma_start3A_29 : memref<1x!tpu.dma_semaphore, #tpu.memory_space<semaphore_mem>> -> memref<!tpu.dma_semaphore, #tpu.memory_space<semaphore_mem>>
    tpu.enqueue_indirect_dma source(%dma_start3A_28 : memref<10240x16xf32, #tpu.memory_space<vmem_shared>>) target(%dma_start3A_22 : memref<128x16xf32, #tpu.memory_space<vmem>>) offsets(%dma_start3A_25 : memref<128xi32, #tpu.memory_space<vmem>>) semaphore(%dma_start3A_30 : memref<!tpu.dma_semaphore, #tpu.memory_space<semaphore_mem>>)
    %dma_start3A_31 = arith.constant 1 : i32
    %dma_start3A_32 = arith.constant 0 : i32
    %dma_start3A_33 = arith.constant 1 : i32
    %dma_start3A_34 = arith.constant 0 : i32
    %dma_start3A_35 = arith.constant 0 : i32
    %dma_start3A_36 = arith.constant 0 : i32
    %dma_start3A_37 = tpu.memref_slice %arg11[%dma_start3A_32, %dma_start3A_33, %dma_start3A_35, %dma_start3A_36] : memref<2x8x128x16xf32, #tpu.memory_space<vmem>> -> memref<1x1x128x16xf32, #tpu.memory_space<vmem>>
    %dma_start3A_38 = tpu.memref_squeeze %dma_start3A_37 : memref<1x1x128x16xf32, #tpu.memory_space<vmem>> -> memref<128x16xf32, #tpu.memory_space<vmem>>
    %dma_start3A_39 = arith.constant 0 : i32
    %dma_start3A_40 = tpu.memref_slice %arg12[%dma_start3A_31, %dma_start3A_39] : memref<80x128xi32, #tpu.memory_space<vmem>> -> memref<1x128xi32, #tpu.memory_space<vmem>>
    %dma_start3A_41 = tpu.memref_squeeze %dma_start3A_40 : memref<1x128xi32, #tpu.memory_space<vmem>> -> memref<128xi32, #tpu.memory_space<vmem>>
    %dma_start3A_42 = arith.constant 0 : i32
    %dma_start3A_43 = arith.constant 0 : i32
    %dma_start3A_44 = tpu.memref_slice %arg9[%dma_start3A_42, %dma_start3A_43] : memref<10240x16xf32, #tpu.memory_space<vmem_shared>> -> memref<10240x16xf32, #tpu.memory_space<vmem_shared>>
    %dma_start3A_45 = tpu.memref_slice %arg14[%dma_start3A_34] : memref<2x!tpu.dma_semaphore, #tpu.memory_space<semaphore_mem>> -> memref<1x!tpu.dma_semaphore, #tpu.memory_space<semaphore_mem>>
    %dma_start3A_46 = tpu.memref_squeeze %dma_start3A_45 : memref<1x!tpu.dma_semaphore, #tpu.memory_space<semaphore_mem>> -> memref<!tpu.dma_semaphore, #tpu.memory_space<semaphore_mem>>
    tpu.enqueue_indirect_dma source(%dma_start3A_44 : memref<10240x16xf32, #tpu.memory_space<vmem_shared>>) target(%dma_start3A_38 : memref<128x16xf32, #tpu.memory_space<vmem>>) offsets(%dma_start3A_41 : memref<128xi32, #tpu.memory_space<vmem>>) semaphore(%dma_start3A_46 : memref<!tpu.dma_semaphore, #tpu.memory_space<semaphore_mem>>)
    %dma_start3A_47 = arith.constant 2 : i32
    %dma_start3A_48 = arith.constant 0 : i32
    %dma_start3A_49 = arith.constant 2 : i32
    %dma_start3A_50 = arith.constant 0 : i32
    %dma_start3A_51 = arith.constant 0 : i32
    %dma_start3A_52 = arith.constant 0 : i32
    %dma_start3A_53 = tpu.memref_slice %arg11[%dma_start3A_48, %dma_start3A_49, %dma_start3A_51, %dma_start3A_52] : memref<2x8x128x16xf32, #tpu.memory_space<vmem>> -> memref<1x1x128x16xf32, #tpu.memory_space<vmem>>
    %dma_start3A_54 = tpu.memref_squeeze %dma_start3A_53 : memref<1x1x128x16xf32, #tpu.memory_space<vmem>> -> memref<128x16xf32, #tpu.memory_space<vmem>>
    %dma_start3A_55 = arith.constant 0 : i32
    %dma_start3A_56 = tpu.memref_slice %arg12[%dma_start3A_47, %dma_start3A_55] : memref<80x128xi32, #tpu.memory_space<vmem>> -> memref<1x128xi32, #tpu.memory_space<vmem>>
    %dma_start3A_57 = tpu.memref_squeeze %dma_start3A_56 : memref<1x128xi32, #tpu.memory_space<vmem>> -> memref<128xi32, #tpu.memory_space<vmem>>
    %dma_start3A_58 = arith.constant 0 : i32
    %dma_start3A_59 = arith.constant 0 : i32
    %dma_start3A_60 = tpu.memref_slice %arg9[%dma_start3A_58, %dma_start3A_59] : memref<10240x16xf32, #tpu.memory_space<vmem_shared>> -> memref<10240x16xf32, #tpu.memory_space<vmem_shared>>
    %dma_start3A_61 = tpu.memref_slice %arg14[%dma_start3A_50] : memref<2x!tpu.dma_semaphore, #tpu.memory_space<semaphore_mem>> -> memref<1x!tpu.dma_semaphore, #tpu.memory_space<semaphore_mem>>
    %dma_start3A_62 = tpu.memref_squeeze %dma_start3A_61 : memref<1x!tpu.dma_semaphore, #tpu.memory_space<semaphore_mem>> -> memref<!tpu.dma_semaphore, #tpu.memory_space<semaphore_mem>>
    tpu.enqueue_indirect_dma source(%dma_start3A_60 : memref<10240x16xf32, #tpu.memory_space<vmem_shared>>) target(%dma_start3A_54 : memref<128x16xf32, #tpu.memory_space<vmem>>) offsets(%dma_start3A_57 : memref<128xi32, #tpu.memory_space<vmem>>) semaphore(%dma_start3A_62 : memref<!tpu.dma_semaphore, #tpu.memory_space<semaphore_mem>>)
    %dma_start3A_63 = arith.constant 3 : i32
    %dma_start3A_64 = arith.constant 0 : i32
    %dma_start3A_65 = arith.constant 3 : i32
    %dma_start3A_66 = arith.constant 0 : i32
    %dma_start3A_67 = arith.constant 0 : i32
    %dma_start3A_68 = arith.constant 0 : i32
    %dma_start3A_69 = tpu.memref_slice %arg11[%dma_start3A_64, %dma_start3A_65, %dma_start3A_67, %dma_start3A_68] : memref<2x8x128x16xf32, #tpu.memory_space<vmem>> -> memref<1x1x128x16xf32, #tpu.memory_space<vmem>>
    %dma_start3A_70 = tpu.memref_squeeze %dma_start3A_69 : memref<1x1x128x16xf32, #tpu.memory_space<vmem>> -> memref<128x16xf32, #tpu.memory_space<vmem>>
    %dma_start3A_71 = arith.constant 0 : i32
    %dma_start3A_72 = tpu.memref_slice %arg12[%dma_start3A_63, %dma_start3A_71] : memref<80x128xi32, #tpu.memory_space<vmem>> -> memref<1x128xi32, #tpu.memory_space<vmem>>
    %dma_start3A_73 = tpu.memref_squeeze %dma_start3A_72 : memref<1x128xi32, #tpu.memory_space<vmem>> -> memref<128xi32, #tpu.memory_space<vmem>>
    %dma_start3A_74 = arith.constant 0 : i32
    %dma_start3A_75 = arith.constant 0 : i32
    %dma_start3A_76 = tpu.memref_slice %arg9[%dma_start3A_74, %dma_start3A_75] : memref<10240x16xf32, #tpu.memory_space<vmem_shared>> -> memref<10240x16xf32, #tpu.memory_space<vmem_shared>>
    %dma_start3A_77 = tpu.memref_slice %arg14[%dma_start3A_66] : memref<2x!tpu.dma_semaphore, #tpu.memory_space<semaphore_mem>> -> memref<1x!tpu.dma_semaphore, #tpu.memory_space<semaphore_mem>>
    %dma_start3A_78 = tpu.memref_squeeze %dma_start3A_77 : memref<1x!tpu.dma_semaphore, #tpu.memory_space<semaphore_mem>> -> memref<!tpu.dma_semaphore, #tpu.memory_space<semaphore_mem>>
    tpu.enqueue_indirect_dma source(%dma_start3A_76 : memref<10240x16xf32, #tpu.memory_space<vmem_shared>>) target(%dma_start3A_70 : memref<128x16xf32, #tpu.memory_space<vmem>>) offsets(%dma_start3A_73 : memref<128xi32, #tpu.memory_space<vmem>>) semaphore(%dma_start3A_78 : memref<!tpu.dma_semaphore, #tpu.memory_space<semaphore_mem>>)
    %dma_start3A_79 = arith.constant 4 : i32
    %dma_start3A_80 = arith.constant 0 : i32
    %dma_start3A_81 = arith.constant 4 : i32
    %dma_start3A_82 = arith.constant 0 : i32
    %dma_start3A_83 = arith.constant 0 : i32
    %dma_start3A_84 = arith.constant 0 : i32
    %dma_start3A_85 = tpu.memref_slice %arg11[%dma_start3A_80, %dma_start3A_81, %dma_start3A_83, %dma_start3A_84] : memref<2x8x128x16xf32, #tpu.memory_space<vmem>> -> memref<1x1x128x16xf32, #tpu.memory_space<vmem>>
    %dma_start3A_86 = tpu.memref_squeeze %dma_start3A_85 : memref<1x1x128x16xf32, #tpu.memory_space<vmem>> -> memref<128x16xf32, #tpu.memory_space<vmem>>
    %dma_start3A_87 = arith.constant 0 : i32
    %dma_start3A_88 = tpu.memref_slice %arg12[%dma_start3A_79, %dma_start3A_87] : memref<80x128xi32, #tpu.memory_space<vmem>> -> memref<1x128xi32, #tpu.memory_space<vmem>>
    %dma_start3A_89 = tpu.memref_squeeze %dma_start3A_88 : memref<1x128xi32, #tpu.memory_space<vmem>> -> memref<128xi32, #tpu.memory_space<vmem>>
    %dma_start3A_90 = arith.constant 0 : i32
    %dma_start3A_91 = arith.constant 0 : i32
    %dma_start3A_92 = tpu.memref_slice %arg9[%dma_start3A_90, %dma_start3A_91] : memref<10240x16xf32, #tpu.memory_space<vmem_shared>> -> memref<10240x16xf32, #tpu.memory_space<vmem_shared>>
    %dma_start3A_93 = tpu.memref_slice %arg14[%dma_start3A_82] : memref<2x!tpu.dma_semaphore, #tpu.memory_space<semaphore_mem>> -> memref<1x!tpu.dma_semaphore, #tpu.memory_space<semaphore_mem>>
    %dma_start3A_94 = tpu.memref_squeeze %dma_start3A_93 : memref<1x!tpu.dma_semaphore, #tpu.memory_space<semaphore_mem>> -> memref<!tpu.dma_semaphore, #tpu.memory_space<semaphore_mem>>
    tpu.enqueue_indirect_dma source(%dma_start3A_92 : memref<10240x16xf32, #tpu.memory_space<vmem_shared>>) target(%dma_start3A_86 : memref<128x16xf32, #tpu.memory_space<vmem>>) offsets(%dma_start3A_89 : memref<128xi32, #tpu.memory_space<vmem>>) semaphore(%dma_start3A_94 : memref<!tpu.dma_semaphore, #tpu.memory_space<semaphore_mem>>)
    %dma_start3A_95 = arith.constant 5 : i32
    %dma_start3A_96 = arith.constant 0 : i32
    %dma_start3A_97 = arith.constant 5 : i32
    %dma_start3A_98 = arith.constant 0 : i32
    %dma_start3A_99 = arith.constant 0 : i32
    %dma_start3A_100 = arith.constant 0 : i32
    %dma_start3A_101 = tpu.memref_slice %arg11[%dma_start3A_96, %dma_start3A_97, %dma_start3A_99, %dma_start3A_100] : memref<2x8x128x16xf32, #tpu.memory_space<vmem>> -> memref<1x1x128x16xf32, #tpu.memory_space<vmem>>
    %dma_start3A_102 = tpu.memref_squeeze %dma_start3A_101 : memref<1x1x128x16xf32, #tpu.memory_space<vmem>> -> memref<128x16xf32, #tpu.memory_space<vmem>>
    %dma_start3A_103 = arith.constant 0 : i32
    %dma_start3A_104 = tpu.memref_slice %arg12[%dma_start3A_95, %dma_start3A_103] : memref<80x128xi32, #tpu.memory_space<vmem>> -> memref<1x128xi32, #tpu.memory_space<vmem>>
    %dma_start3A_105 = tpu.memref_squeeze %dma_start3A_104 : memref<1x128xi32, #tpu.memory_space<vmem>> -> memref<128xi32, #tpu.memory_space<vmem>>
    %dma_start3A_106 = arith.constant 0 : i32
    %dma_start3A_107 = arith.constant 0 : i32
    %dma_start3A_108 = tpu.memref_slice %arg9[%dma_start3A_106, %dma_start3A_107] : memref<10240x16xf32, #tpu.memory_space<vmem_shared>> -> memref<10240x16xf32, #tpu.memory_space<vmem_shared>>
    %dma_start3A_109 = tpu.memref_slice %arg14[%dma_start3A_98] : memref<2x!tpu.dma_semaphore, #tpu.memory_space<semaphore_mem>> -> memref<1x!tpu.dma_semaphore, #tpu.memory_space<semaphore_mem>>
    %dma_start3A_110 = tpu.memref_squeeze %dma_start3A_109 : memref<1x!tpu.dma_semaphore, #tpu.memory_space<semaphore_mem>> -> memref<!tpu.dma_semaphore, #tpu.memory_space<semaphore_mem>>
    tpu.enqueue_indirect_dma source(%dma_start3A_108 : memref<10240x16xf32, #tpu.memory_space<vmem_shared>>) target(%dma_start3A_102 : memref<128x16xf32, #tpu.memory_space<vmem>>) offsets(%dma_start3A_105 : memref<128xi32, #tpu.memory_space<vmem>>) semaphore(%dma_start3A_110 : memref<!tpu.dma_semaphore, #tpu.memory_space<semaphore_mem>>)
    %dma_start3A_111 = arith.constant 6 : i32
    %dma_start3A_112 = arith.constant 0 : i32
    %dma_start3A_113 = arith.constant 6 : i32
    %dma_start3A_114 = arith.constant 0 : i32
    %dma_start3A_115 = arith.constant 0 : i32
    %dma_start3A_116 = arith.constant 0 : i32
    %dma_start3A_117 = tpu.memref_slice %arg11[%dma_start3A_112, %dma_start3A_113, %dma_start3A_115, %dma_start3A_116] : memref<2x8x128x16xf32, #tpu.memory_space<vmem>> -> memref<1x1x128x16xf32, #tpu.memory_space<vmem>>
    %dma_start3A_118 = tpu.memref_squeeze %dma_start3A_117 : memref<1x1x128x16xf32, #tpu.memory_space<vmem>> -> memref<128x16xf32, #tpu.memory_space<vmem>>
    %dma_start3A_119 = arith.constant 0 : i32
    %dma_start3A_120 = tpu.memref_slice %arg12[%dma_start3A_111, %dma_start3A_119] : memref<80x128xi32, #tpu.memory_space<vmem>> -> memref<1x128xi32, #tpu.memory_space<vmem>>
    %dma_start3A_121 = tpu.memref_squeeze %dma_start3A_120 : memref<1x128xi32, #tpu.memory_space<vmem>> -> memref<128xi32, #tpu.memory_space<vmem>>
    %dma_start3A_122 = arith.constant 0 : i32
    %dma_start3A_123 = arith.constant 0 : i32
    %dma_start3A_124 = tpu.memref_slice %arg9[%dma_start3A_122, %dma_start3A_123] : memref<10240x16xf32, #tpu.memory_space<vmem_shared>> -> memref<10240x16xf32, #tpu.memory_space<vmem_shared>>
    %dma_start3A_125 = tpu.memref_slice %arg14[%dma_start3A_114] : memref<2x!tpu.dma_semaphore, #tpu.memory_space<semaphore_mem>> -> memref<1x!tpu.dma_semaphore, #tpu.memory_space<semaphore_mem>>
    %dma_start3A_126 = tpu.memref_squeeze %dma_start3A_125 : memref<1x!tpu.dma_semaphore, #tpu.memory_space<semaphore_mem>> -> memref<!tpu.dma_semaphore, #tpu.memory_space<semaphore_mem>>
    tpu.enqueue_indirect_dma source(%dma_start3A_124 : memref<10240x16xf32, #tpu.memory_space<vmem_shared>>) target(%dma_start3A_118 : memref<128x16xf32, #tpu.memory_space<vmem>>) offsets(%dma_start3A_121 : memref<128xi32, #tpu.memory_space<vmem>>) semaphore(%dma_start3A_126 : memref<!tpu.dma_semaphore, #tpu.memory_space<semaphore_mem>>)
    %dma_start3A_127 = arith.constant 7 : i32
    %dma_start3A_128 = arith.constant 0 : i32
    %dma_start3A_129 = arith.constant 7 : i32
    %dma_start3A_130 = arith.constant 0 : i32
    %dma_start3A_131 = arith.constant 0 : i32
    %dma_start3A_132 = arith.constant 0 : i32
    %dma_start3A_133 = tpu.memref_slice %arg11[%dma_start3A_128, %dma_start3A_129, %dma_start3A_131, %dma_start3A_132] : memref<2x8x128x16xf32, #tpu.memory_space<vmem>> -> memref<1x1x128x16xf32, #tpu.memory_space<vmem>>
    %dma_start3A_134 = tpu.memref_squeeze %dma_start3A_133 : memref<1x1x128x16xf32, #tpu.memory_space<vmem>> -> memref<128x16xf32, #tpu.memory_space<vmem>>
    %dma_start3A_135 = arith.constant 0 : i32
    %dma_start3A_136 = tpu.memref_slice %arg12[%dma_start3A_127, %dma_start3A_135] : memref<80x128xi32, #tpu.memory_space<vmem>> -> memref<1x128xi32, #tpu.memory_space<vmem>>
    %dma_start3A_137 = tpu.memref_squeeze %dma_start3A_136 : memref<1x128xi32, #tpu.memory_space<vmem>> -> memref<128xi32, #tpu.memory_space<vmem>>
    %dma_start3A_138 = arith.constant 0 : i32
    %dma_start3A_139 = arith.constant 0 : i32
    %dma_start3A_140 = tpu.memref_slice %arg9[%dma_start3A_138, %dma_start3A_139] : memref<10240x16xf32, #tpu.memory_space<vmem_shared>> -> memref<10240x16xf32, #tpu.memory_space<vmem_shared>>
    %dma_start3A_141 = tpu.memref_slice %arg14[%dma_start3A_130] : memref<2x!tpu.dma_semaphore, #tpu.memory_space<semaphore_mem>> -> memref<1x!tpu.dma_semaphore, #tpu.memory_space<semaphore_mem>>
    %dma_start3A_142 = tpu.memref_squeeze %dma_start3A_141 : memref<1x!tpu.dma_semaphore, #tpu.memory_space<semaphore_mem>> -> memref<!tpu.dma_semaphore, #tpu.memory_space<semaphore_mem>>
    tpu.enqueue_indirect_dma source(%dma_start3A_140 : memref<10240x16xf32, #tpu.memory_space<vmem_shared>>) target(%dma_start3A_134 : memref<128x16xf32, #tpu.memory_space<vmem>>) offsets(%dma_start3A_137 : memref<128xi32, #tpu.memory_space<vmem>>) semaphore(%dma_start3A_142 : memref<!tpu.dma_semaphore, #tpu.memory_space<semaphore_mem>>)
    %scan3A_143 = arith.constant 0 : i32
    %scan3A_144 = arith.constant 0 : i32
    %scan3A_145 = arith.constant 10 : i32
    %scan3A_146 = arith.addi %scan3A_144, %scan3A_145 : i32
    %scan3A_147 = arith.constant 1 : i32
    scf.for %scan3A_281 = %scan3A_144 to %scan3A_146 step %scan3A_147  : i32 {
      %jit3A = arith.constant 2 : i32
      %eq3A_282 = arith.constant 0 : i32
      %eq3A_283 = arith.cmpi eq, %jit3A, %eq3A_282 : i32
      %jit3A_284 = arith.constant 1 : i32
      %select_n3A = arith.select %eq3A_283, %jit3A_284, %jit3A : i32
      %rem3A = arith.remsi %scan3A_281, %select_n3A : i32
      %ne3A = arith.constant 0 : i32
      %ne3A_285 = arith.cmpi ne, %rem3A, %ne3A : i32
      %lt3A = arith.constant 0 : i32
      %lt3A_286 = arith.cmpi slt, %rem3A, %lt3A : i32
      %lt3A_287 = arith.constant 0 : i32
      %lt3A_288 = arith.cmpi slt, %select_n3A, %lt3A_287 : i32
      %ne3A_289 = arith.xori %lt3A_286, %lt3A_288 : i1
      %and3A = arith.andi %ne3A_289, %ne3A_285 : i1
      %add3A_290 = arith.addi %rem3A, %select_n3A : i32
      %select_n3A_291 = arith.select %and3A, %add3A_290, %rem3A : i32
      %add3A_292 = arith.constant 1 : i32
      %add3A_293 = arith.addi %scan3A_281, %add3A_292 : i32
      %jit3A_294 = arith.constant 2 : i32
      %eq3A_295 = arith.constant 0 : i32
      %eq3A_296 = arith.cmpi eq, %jit3A_294, %eq3A_295 : i32
      %jit3A_297 = arith.constant 1 : i32
      %select_n3A_298 = arith.select %eq3A_296, %jit3A_297, %jit3A_294 : i32
      %rem3A_299 = arith.remsi %add3A_293, %select_n3A_298 : i32
      %ne3A_300 = arith.constant 0 : i32
      %ne3A_301 = arith.cmpi ne, %rem3A_299, %ne3A_300 : i32
      %lt3A_302 = arith.constant 0 : i32
      %lt3A_303 = arith.cmpi slt, %rem3A_299, %lt3A_302 : i32
      %lt3A_304 = arith.constant 0 : i32
      %lt3A_305 = arith.cmpi slt, %select_n3A_298, %lt3A_304 : i32
      %ne3A_306 = arith.xori %lt3A_303, %lt3A_305 : i1
      %and3A_307 = arith.andi %ne3A_306, %ne3A_301 : i1
      %add3A_308 = arith.addi %rem3A_299, %select_n3A_298 : i32
      %select_n3A_309 = arith.select %and3A_307, %add3A_308, %rem3A_299 : i32
      %ge3A = arith.constant 1 : i32
      %ge3A_310 = arith.cmpi sge, %scan3A_281, %ge3A : i32
      %convert_element_type3A_311 = arith.extui %ge3A_310 : i1 to i32
      %cond3A_312 = arith.constant 0 : i32
      %cond3A_313 = arith.cmpi ne, %convert_element_type3A_311, %cond3A_312 : i32
      scf.if %cond3A_313 {
        %sub3A = arith.constant 1 : i32
        %sub3A_593 = arith.subi %scan3A_281, %sub3A : i32
        %mul3A_594 = arith.constant 8 : i32
        %mul3A_595 = arith.muli %sub3A_593, %mul3A_594 : i32
        %add3A_596 = arith.constant 0 : i32
        %add3A_597 = arith.addi %mul3A_595, %add3A_596 : i32
        %dma_wait3A_598 = arith.constant 0 : i32
        %dma_wait3A_599 = arith.constant 0 : i32
        %dma_wait3A_600 = arith.constant 0 : i32
        %dma_wait3A_601 = tpu.memref_slice %arg11[%select_n3A_309, %dma_wait3A_598, %dma_wait3A_599, %dma_wait3A_600] : memref<2x8x128x16xf32, #tpu.memory_space<vmem>> -> memref<1x1x128x16xf32, #tpu.memory_space<vmem>>
        %dma_wait3A_602 = tpu.memref_squeeze %dma_wait3A_601 : memref<1x1x128x16xf32, #tpu.memory_space<vmem>> -> memref<128x16xf32, #tpu.memory_space<vmem>>
        %dma_wait3A_603 = arith.constant 0 : i32
        %dma_wait3A_604 = tpu.memref_slice %arg13[%add3A_597, %dma_wait3A_603] : memref<80x128xi32, #tpu.memory_space<vmem>> -> memref<1x128xi32, #tpu.memory_space<vmem>>
        %dma_wait3A_605 = tpu.memref_squeeze %dma_wait3A_604 : memref<1x128xi32, #tpu.memory_space<vmem>> -> memref<128xi32, #tpu.memory_space<vmem>>
        %dma_wait3A_606 = arith.constant 0 : i32
        %dma_wait3A_607 = arith.constant 0 : i32
        %dma_wait3A_608 = tpu.memref_slice %arg8[%dma_wait3A_606, %dma_wait3A_607] : memref<10240x16xf32, #tpu.memory_space<vmem_shared>> -> memref<10240x16xf32, #tpu.memory_space<vmem_shared>>
        %dma_wait3A_609 = tpu.memref_slice %arg15[%select_n3A_309] : memref<2x!tpu.dma_semaphore, #tpu.memory_space<semaphore_mem>> -> memref<1x!tpu.dma_semaphore, #tpu.memory_space<semaphore_mem>>
        %dma_wait3A_610 = tpu.memref_squeeze %dma_wait3A_609 : memref<1x!tpu.dma_semaphore, #tpu.memory_space<semaphore_mem>> -> memref<!tpu.dma_semaphore, #tpu.memory_space<semaphore_mem>>
        tpu.wait_indirect_dma semaphore(%dma_wait3A_610 : memref<!tpu.dma_semaphore, #tpu.memory_space<semaphore_mem>>) src(%dma_wait3A_602 : memref<128x16xf32, #tpu.memory_space<vmem>>) dst(%dma_wait3A_608 : memref<10240x16xf32, #tpu.memory_space<vmem_shared>>)
        %sub3A_611 = arith.constant 1 : i32
        %sub3A_612 = arith.subi %scan3A_281, %sub3A_611 : i32
        %mul3A_613 = arith.constant 8 : i32
        %mul3A_614 = arith.muli %sub3A_612, %mul3A_613 : i32
        %add3A_615 = arith.constant 1 : i32
        %add3A_616 = arith.addi %mul3A_614, %add3A_615 : i32
        %dma_wait3A_617 = arith.constant 1 : i32
        %dma_wait3A_618 = arith.constant 0 : i32
        %dma_wait3A_619 = arith.constant 0 : i32
        %dma_wait3A_620 = tpu.memref_slice %arg11[%select_n3A_309, %dma_wait3A_617, %dma_wait3A_618, %dma_wait3A_619] : memref<2x8x128x16xf32, #tpu.memory_space<vmem>> -> memref<1x1x128x16xf32, #tpu.memory_space<vmem>>
        %dma_wait3A_621 = tpu.memref_squeeze %dma_wait3A_620 : memref<1x1x128x16xf32, #tpu.memory_space<vmem>> -> memref<128x16xf32, #tpu.memory_space<vmem>>
        %dma_wait3A_622 = arith.constant 0 : i32
        %dma_wait3A_623 = tpu.memref_slice %arg13[%add3A_616, %dma_wait3A_622] : memref<80x128xi32, #tpu.memory_space<vmem>> -> memref<1x128xi32, #tpu.memory_space<vmem>>
        %dma_wait3A_624 = tpu.memref_squeeze %dma_wait3A_623 : memref<1x128xi32, #tpu.memory_space<vmem>> -> memref<128xi32, #tpu.memory_space<vmem>>
        %dma_wait3A_625 = arith.constant 0 : i32
        %dma_wait3A_626 = arith.constant 0 : i32
        %dma_wait3A_627 = tpu.memref_slice %arg8[%dma_wait3A_625, %dma_wait3A_626] : memref<10240x16xf32, #tpu.memory_space<vmem_shared>> -> memref<10240x16xf32, #tpu.memory_space<vmem_shared>>
        %dma_wait3A_628 = tpu.memref_slice %arg15[%select_n3A_309] : memref<2x!tpu.dma_semaphore, #tpu.memory_space<semaphore_mem>> -> memref<1x!tpu.dma_semaphore, #tpu.memory_space<semaphore_mem>>
        %dma_wait3A_629 = tpu.memref_squeeze %dma_wait3A_628 : memref<1x!tpu.dma_semaphore, #tpu.memory_space<semaphore_mem>> -> memref<!tpu.dma_semaphore, #tpu.memory_space<semaphore_mem>>
        tpu.wait_indirect_dma semaphore(%dma_wait3A_629 : memref<!tpu.dma_semaphore, #tpu.memory_space<semaphore_mem>>) src(%dma_wait3A_621 : memref<128x16xf32, #tpu.memory_space<vmem>>) dst(%dma_wait3A_627 : memref<10240x16xf32, #tpu.memory_space<vmem_shared>>)
        %sub3A_630 = arith.constant 1 : i32
        %sub3A_631 = arith.subi %scan3A_281, %sub3A_630 : i32
        %mul3A_632 = arith.constant 8 : i32
        %mul3A_633 = arith.muli %sub3A_631, %mul3A_632 : i32
        %add3A_634 = arith.constant 2 : i32
        %add3A_635 = arith.addi %mul3A_633, %add3A_634 : i32
        %dma_wait3A_636 = arith.constant 2 : i32
        %dma_wait3A_637 = arith.constant 0 : i32
        %dma_wait3A_638 = arith.constant 0 : i32
        %dma_wait3A_639 = tpu.memref_slice %arg11[%select_n3A_309, %dma_wait3A_636, %dma_wait3A_637, %dma_wait3A_638] : memref<2x8x128x16xf32, #tpu.memory_space<vmem>> -> memref<1x1x128x16xf32, #tpu.memory_space<vmem>>
        %dma_wait3A_640 = tpu.memref_squeeze %dma_wait3A_639 : memref<1x1x128x16xf32, #tpu.memory_space<vmem>> -> memref<128x16xf32, #tpu.memory_space<vmem>>
        %dma_wait3A_641 = arith.constant 0 : i32
        %dma_wait3A_642 = tpu.memref_slice %arg13[%add3A_635, %dma_wait3A_641] : memref<80x128xi32, #tpu.memory_space<vmem>> -> memref<1x128xi32, #tpu.memory_space<vmem>>
        %dma_wait3A_643 = tpu.memref_squeeze %dma_wait3A_642 : memref<1x128xi32, #tpu.memory_space<vmem>> -> memref<128xi32, #tpu.memory_space<vmem>>
        %dma_wait3A_644 = arith.constant 0 : i32
        %dma_wait3A_645 = arith.constant 0 : i32
        %dma_wait3A_646 = tpu.memref_slice %arg8[%dma_wait3A_644, %dma_wait3A_645] : memref<10240x16xf32, #tpu.memory_space<vmem_shared>> -> memref<10240x16xf32, #tpu.memory_space<vmem_shared>>
        %dma_wait3A_647 = tpu.memref_slice %arg15[%select_n3A_309] : memref<2x!tpu.dma_semaphore, #tpu.memory_space<semaphore_mem>> -> memref<1x!tpu.dma_semaphore, #tpu.memory_space<semaphore_mem>>
        %dma_wait3A_648 = tpu.memref_squeeze %dma_wait3A_647 : memref<1x!tpu.dma_semaphore, #tpu.memory_space<semaphore_mem>> -> memref<!tpu.dma_semaphore, #tpu.memory_space<semaphore_mem>>
        tpu.wait_indirect_dma semaphore(%dma_wait3A_648 : memref<!tpu.dma_semaphore, #tpu.memory_space<semaphore_mem>>) src(%dma_wait3A_640 : memref<128x16xf32, #tpu.memory_space<vmem>>) dst(%dma_wait3A_646 : memref<10240x16xf32, #tpu.memory_space<vmem_shared>>)
        %sub3A_649 = arith.constant 1 : i32
        %sub3A_650 = arith.subi %scan3A_281, %sub3A_649 : i32
        %mul3A_651 = arith.constant 8 : i32
        %mul3A_652 = arith.muli %sub3A_650, %mul3A_651 : i32
        %add3A_653 = arith.constant 3 : i32
        %add3A_654 = arith.addi %mul3A_652, %add3A_653 : i32
        %dma_wait3A_655 = arith.constant 3 : i32
        %dma_wait3A_656 = arith.constant 0 : i32
        %dma_wait3A_657 = arith.constant 0 : i32
        %dma_wait3A_658 = tpu.memref_slice %arg11[%select_n3A_309, %dma_wait3A_655, %dma_wait3A_656, %dma_wait3A_657] : memref<2x8x128x16xf32, #tpu.memory_space<vmem>> -> memref<1x1x128x16xf32, #tpu.memory_space<vmem>>
        %dma_wait3A_659 = tpu.memref_squeeze %dma_wait3A_658 : memref<1x1x128x16xf32, #tpu.memory_space<vmem>> -> memref<128x16xf32, #tpu.memory_space<vmem>>
        %dma_wait3A_660 = arith.constant 0 : i32
        %dma_wait3A_661 = tpu.memref_slice %arg13[%add3A_654, %dma_wait3A_660] : memref<80x128xi32, #tpu.memory_space<vmem>> -> memref<1x128xi32, #tpu.memory_space<vmem>>
        %dma_wait3A_662 = tpu.memref_squeeze %dma_wait3A_661 : memref<1x128xi32, #tpu.memory_space<vmem>> -> memref<128xi32, #tpu.memory_space<vmem>>
        %dma_wait3A_663 = arith.constant 0 : i32
        %dma_wait3A_664 = arith.constant 0 : i32
        %dma_wait3A_665 = tpu.memref_slice %arg8[%dma_wait3A_663, %dma_wait3A_664] : memref<10240x16xf32, #tpu.memory_space<vmem_shared>> -> memref<10240x16xf32, #tpu.memory_space<vmem_shared>>
        %dma_wait3A_666 = tpu.memref_slice %arg15[%select_n3A_309] : memref<2x!tpu.dma_semaphore, #tpu.memory_space<semaphore_mem>> -> memref<1x!tpu.dma_semaphore, #tpu.memory_space<semaphore_mem>>
        %dma_wait3A_667 = tpu.memref_squeeze %dma_wait3A_666 : memref<1x!tpu.dma_semaphore, #tpu.memory_space<semaphore_mem>> -> memref<!tpu.dma_semaphore, #tpu.memory_space<semaphore_mem>>
        tpu.wait_indirect_dma semaphore(%dma_wait3A_667 : memref<!tpu.dma_semaphore, #tpu.memory_space<semaphore_mem>>) src(%dma_wait3A_659 : memref<128x16xf32, #tpu.memory_space<vmem>>) dst(%dma_wait3A_665 : memref<10240x16xf32, #tpu.memory_space<vmem_shared>>)
        %sub3A_668 = arith.constant 1 : i32
        %sub3A_669 = arith.subi %scan3A_281, %sub3A_668 : i32
        %mul3A_670 = arith.constant 8 : i32
        %mul3A_671 = arith.muli %sub3A_669, %mul3A_670 : i32
        %add3A_672 = arith.constant 4 : i32
        %add3A_673 = arith.addi %mul3A_671, %add3A_672 : i32
        %dma_wait3A_674 = arith.constant 4 : i32
        %dma_wait3A_675 = arith.constant 0 : i32
        %dma_wait3A_676 = arith.constant 0 : i32
        %dma_wait3A_677 = tpu.memref_slice %arg11[%select_n3A_309, %dma_wait3A_674, %dma_wait3A_675, %dma_wait3A_676] : memref<2x8x128x16xf32, #tpu.memory_space<vmem>> -> memref<1x1x128x16xf32, #tpu.memory_space<vmem>>
        %dma_wait3A_678 = tpu.memref_squeeze %dma_wait3A_677 : memref<1x1x128x16xf32, #tpu.memory_space<vmem>> -> memref<128x16xf32, #tpu.memory_space<vmem>>
        %dma_wait3A_679 = arith.constant 0 : i32
        %dma_wait3A_680 = tpu.memref_slice %arg13[%add3A_673, %dma_wait3A_679] : memref<80x128xi32, #tpu.memory_space<vmem>> -> memref<1x128xi32, #tpu.memory_space<vmem>>
        %dma_wait3A_681 = tpu.memref_squeeze %dma_wait3A_680 : memref<1x128xi32, #tpu.memory_space<vmem>> -> memref<128xi32, #tpu.memory_space<vmem>>
        %dma_wait3A_682 = arith.constant 0 : i32
        %dma_wait3A_683 = arith.constant 0 : i32
        %dma_wait3A_684 = tpu.memref_slice %arg8[%dma_wait3A_682, %dma_wait3A_683] : memref<10240x16xf32, #tpu.memory_space<vmem_shared>> -> memref<10240x16xf32, #tpu.memory_space<vmem_shared>>
        %dma_wait3A_685 = tpu.memref_slice %arg15[%select_n3A_309] : memref<2x!tpu.dma_semaphore, #tpu.memory_space<semaphore_mem>> -> memref<1x!tpu.dma_semaphore, #tpu.memory_space<semaphore_mem>>
        %dma_wait3A_686 = tpu.memref_squeeze %dma_wait3A_685 : memref<1x!tpu.dma_semaphore, #tpu.memory_space<semaphore_mem>> -> memref<!tpu.dma_semaphore, #tpu.memory_space<semaphore_mem>>
        tpu.wait_indirect_dma semaphore(%dma_wait3A_686 : memref<!tpu.dma_semaphore, #tpu.memory_space<semaphore_mem>>) src(%dma_wait3A_678 : memref<128x16xf32, #tpu.memory_space<vmem>>) dst(%dma_wait3A_684 : memref<10240x16xf32, #tpu.memory_space<vmem_shared>>)
        %sub3A_687 = arith.constant 1 : i32
        %sub3A_688 = arith.subi %scan3A_281, %sub3A_687 : i32
        %mul3A_689 = arith.constant 8 : i32
        %mul3A_690 = arith.muli %sub3A_688, %mul3A_689 : i32
        %add3A_691 = arith.constant 5 : i32
        %add3A_692 = arith.addi %mul3A_690, %add3A_691 : i32
        %dma_wait3A_693 = arith.constant 5 : i32
        %dma_wait3A_694 = arith.constant 0 : i32
        %dma_wait3A_695 = arith.constant 0 : i32
        %dma_wait3A_696 = tpu.memref_slice %arg11[%select_n3A_309, %dma_wait3A_693, %dma_wait3A_694, %dma_wait3A_695] : memref<2x8x128x16xf32, #tpu.memory_space<vmem>> -> memref<1x1x128x16xf32, #tpu.memory_space<vmem>>
        %dma_wait3A_697 = tpu.memref_squeeze %dma_wait3A_696 : memref<1x1x128x16xf32, #tpu.memory_space<vmem>> -> memref<128x16xf32, #tpu.memory_space<vmem>>
        %dma_wait3A_698 = arith.constant 0 : i32
        %dma_wait3A_699 = tpu.memref_slice %arg13[%add3A_692, %dma_wait3A_698] : memref<80x128xi32, #tpu.memory_space<vmem>> -> memref<1x128xi32, #tpu.memory_space<vmem>>
        %dma_wait3A_700 = tpu.memref_squeeze %dma_wait3A_699 : memref<1x128xi32, #tpu.memory_space<vmem>> -> memref<128xi32, #tpu.memory_space<vmem>>
        %dma_wait3A_701 = arith.constant 0 : i32
        %dma_wait3A_702 = arith.constant 0 : i32
        %dma_wait3A_703 = tpu.memref_slice %arg8[%dma_wait3A_701, %dma_wait3A_702] : memref<10240x16xf32, #tpu.memory_space<vmem_shared>> -> memref<10240x16xf32, #tpu.memory_space<vmem_shared>>
        %dma_wait3A_704 = tpu.memref_slice %arg15[%select_n3A_309] : memref<2x!tpu.dma_semaphore, #tpu.memory_space<semaphore_mem>> -> memref<1x!tpu.dma_semaphore, #tpu.memory_space<semaphore_mem>>
        %dma_wait3A_705 = tpu.memref_squeeze %dma_wait3A_704 : memref<1x!tpu.dma_semaphore, #tpu.memory_space<semaphore_mem>> -> memref<!tpu.dma_semaphore, #tpu.memory_space<semaphore_mem>>
        tpu.wait_indirect_dma semaphore(%dma_wait3A_705 : memref<!tpu.dma_semaphore, #tpu.memory_space<semaphore_mem>>) src(%dma_wait3A_697 : memref<128x16xf32, #tpu.memory_space<vmem>>) dst(%dma_wait3A_703 : memref<10240x16xf32, #tpu.memory_space<vmem_shared>>)
        %sub3A_706 = arith.constant 1 : i32
        %sub3A_707 = arith.subi %scan3A_281, %sub3A_706 : i32
        %mul3A_708 = arith.constant 8 : i32
        %mul3A_709 = arith.muli %sub3A_707, %mul3A_708 : i32
        %add3A_710 = arith.constant 6 : i32
        %add3A_711 = arith.addi %mul3A_709, %add3A_710 : i32
        %dma_wait3A_712 = arith.constant 6 : i32
        %dma_wait3A_713 = arith.constant 0 : i32
        %dma_wait3A_714 = arith.constant 0 : i32
        %dma_wait3A_715 = tpu.memref_slice %arg11[%select_n3A_309, %dma_wait3A_712, %dma_wait3A_713, %dma_wait3A_714] : memref<2x8x128x16xf32, #tpu.memory_space<vmem>> -> memref<1x1x128x16xf32, #tpu.memory_space<vmem>>
        %dma_wait3A_716 = tpu.memref_squeeze %dma_wait3A_715 : memref<1x1x128x16xf32, #tpu.memory_space<vmem>> -> memref<128x16xf32, #tpu.memory_space<vmem>>
        %dma_wait3A_717 = arith.constant 0 : i32
        %dma_wait3A_718 = tpu.memref_slice %arg13[%add3A_711, %dma_wait3A_717] : memref<80x128xi32, #tpu.memory_space<vmem>> -> memref<1x128xi32, #tpu.memory_space<vmem>>
        %dma_wait3A_719 = tpu.memref_squeeze %dma_wait3A_718 : memref<1x128xi32, #tpu.memory_space<vmem>> -> memref<128xi32, #tpu.memory_space<vmem>>
        %dma_wait3A_720 = arith.constant 0 : i32
        %dma_wait3A_721 = arith.constant 0 : i32
        %dma_wait3A_722 = tpu.memref_slice %arg8[%dma_wait3A_720, %dma_wait3A_721] : memref<10240x16xf32, #tpu.memory_space<vmem_shared>> -> memref<10240x16xf32, #tpu.memory_space<vmem_shared>>
        %dma_wait3A_723 = tpu.memref_slice %arg15[%select_n3A_309] : memref<2x!tpu.dma_semaphore, #tpu.memory_space<semaphore_mem>> -> memref<1x!tpu.dma_semaphore, #tpu.memory_space<semaphore_mem>>
        %dma_wait3A_724 = tpu.memref_squeeze %dma_wait3A_723 : memref<1x!tpu.dma_semaphore, #tpu.memory_space<semaphore_mem>> -> memref<!tpu.dma_semaphore, #tpu.memory_space<semaphore_mem>>
        tpu.wait_indirect_dma semaphore(%dma_wait3A_724 : memref<!tpu.dma_semaphore, #tpu.memory_space<semaphore_mem>>) src(%dma_wait3A_716 : memref<128x16xf32, #tpu.memory_space<vmem>>) dst(%dma_wait3A_722 : memref<10240x16xf32, #tpu.memory_space<vmem_shared>>)
        %sub3A_725 = arith.constant 1 : i32
        %sub3A_726 = arith.subi %scan3A_281, %sub3A_725 : i32
        %mul3A_727 = arith.constant 8 : i32
        %mul3A_728 = arith.muli %sub3A_726, %mul3A_727 : i32
        %add3A_729 = arith.constant 7 : i32
        %add3A_730 = arith.addi %mul3A_728, %add3A_729 : i32
        %dma_wait3A_731 = arith.constant 7 : i32
        %dma_wait3A_732 = arith.constant 0 : i32
        %dma_wait3A_733 = arith.constant 0 : i32
        %dma_wait3A_734 = tpu.memref_slice %arg11[%select_n3A_309, %dma_wait3A_731, %dma_wait3A_732, %dma_wait3A_733] : memref<2x8x128x16xf32, #tpu.memory_space<vmem>> -> memref<1x1x128x16xf32, #tpu.memory_space<vmem>>
        %dma_wait3A_735 = tpu.memref_squeeze %dma_wait3A_734 : memref<1x1x128x16xf32, #tpu.memory_space<vmem>> -> memref<128x16xf32, #tpu.memory_space<vmem>>
        %dma_wait3A_736 = arith.constant 0 : i32
        %dma_wait3A_737 = tpu.memref_slice %arg13[%add3A_730, %dma_wait3A_736] : memref<80x128xi32, #tpu.memory_space<vmem>> -> memref<1x128xi32, #tpu.memory_space<vmem>>
        %dma_wait3A_738 = tpu.memref_squeeze %dma_wait3A_737 : memref<1x128xi32, #tpu.memory_space<vmem>> -> memref<128xi32, #tpu.memory_space<vmem>>
        %dma_wait3A_739 = arith.constant 0 : i32
        %dma_wait3A_740 = arith.constant 0 : i32
        %dma_wait3A_741 = tpu.memref_slice %arg8[%dma_wait3A_739, %dma_wait3A_740] : memref<10240x16xf32, #tpu.memory_space<vmem_shared>> -> memref<10240x16xf32, #tpu.memory_space<vmem_shared>>
        %dma_wait3A_742 = tpu.memref_slice %arg15[%select_n3A_309] : memref<2x!tpu.dma_semaphore, #tpu.memory_space<semaphore_mem>> -> memref<1x!tpu.dma_semaphore, #tpu.memory_space<semaphore_mem>>
        %dma_wait3A_743 = tpu.memref_squeeze %dma_wait3A_742 : memref<1x!tpu.dma_semaphore, #tpu.memory_space<semaphore_mem>> -> memref<!tpu.dma_semaphore, #tpu.memory_space<semaphore_mem>>
        tpu.wait_indirect_dma semaphore(%dma_wait3A_743 : memref<!tpu.dma_semaphore, #tpu.memory_space<semaphore_mem>>) src(%dma_wait3A_735 : memref<128x16xf32, #tpu.memory_space<vmem>>) dst(%dma_wait3A_741 : memref<10240x16xf32, #tpu.memory_space<vmem_shared>>)
      } else {
      }
      %add3A_314 = arith.constant 1 : i32
      %add3A_315 = arith.addi %scan3A_281, %add3A_314 : i32
      %lt3A_316 = arith.constant 10 : i32
      %lt3A_317 = arith.cmpi slt, %add3A_315, %lt3A_316 : i32
      %convert_element_type3A_318 = arith.extui %lt3A_317 : i1 to i32
      %cond3A_319 = arith.constant 0 : i32
      %cond3A_320 = arith.cmpi ne, %convert_element_type3A_318, %cond3A_319 : i32
      scf.if %cond3A_320 {
        %add3A_593 = arith.constant 1 : i32
        %add3A_594 = arith.addi %scan3A_281, %add3A_593 : i32
        %mul3A_595 = arith.constant 8 : i32
        %mul3A_596 = arith.muli %add3A_594, %mul3A_595 : i32
        %add3A_597 = arith.constant 0 : i32
        %add3A_598 = arith.addi %mul3A_596, %add3A_597 : i32
        %dma_start3A_599 = arith.constant 0 : i32
        %dma_start3A_600 = arith.constant 0 : i32
        %dma_start3A_601 = arith.constant 0 : i32
        %dma_start3A_602 = tpu.memref_slice %arg11[%select_n3A_309, %dma_start3A_599, %dma_start3A_600, %dma_start3A_601] : memref<2x8x128x16xf32, #tpu.memory_space<vmem>> -> memref<1x1x128x16xf32, #tpu.memory_space<vmem>>
        %dma_start3A_603 = tpu.memref_squeeze %dma_start3A_602 : memref<1x1x128x16xf32, #tpu.memory_space<vmem>> -> memref<128x16xf32, #tpu.memory_space<vmem>>
        %dma_start3A_604 = arith.constant 0 : i32
        %dma_start3A_605 = tpu.memref_slice %arg12[%add3A_598, %dma_start3A_604] : memref<80x128xi32, #tpu.memory_space<vmem>> -> memref<1x128xi32, #tpu.memory_space<vmem>>
        %dma_start3A_606 = tpu.memref_squeeze %dma_start3A_605 : memref<1x128xi32, #tpu.memory_space<vmem>> -> memref<128xi32, #tpu.memory_space<vmem>>
        %dma_start3A_607 = arith.constant 0 : i32
        %dma_start3A_608 = arith.constant 0 : i32
        %dma_start3A_609 = tpu.memref_slice %arg9[%dma_start3A_607, %dma_start3A_608] : memref<10240x16xf32, #tpu.memory_space<vmem_shared>> -> memref<10240x16xf32, #tpu.memory_space<vmem_shared>>
        %dma_start3A_610 = tpu.memref_slice %arg14[%select_n3A_309] : memref<2x!tpu.dma_semaphore, #tpu.memory_space<semaphore_mem>> -> memref<1x!tpu.dma_semaphore, #tpu.memory_space<semaphore_mem>>
        %dma_start3A_611 = tpu.memref_squeeze %dma_start3A_610 : memref<1x!tpu.dma_semaphore, #tpu.memory_space<semaphore_mem>> -> memref<!tpu.dma_semaphore, #tpu.memory_space<semaphore_mem>>
        tpu.enqueue_indirect_dma source(%dma_start3A_609 : memref<10240x16xf32, #tpu.memory_space<vmem_shared>>) target(%dma_start3A_603 : memref<128x16xf32, #tpu.memory_space<vmem>>) offsets(%dma_start3A_606 : memref<128xi32, #tpu.memory_space<vmem>>) semaphore(%dma_start3A_611 : memref<!tpu.dma_semaphore, #tpu.memory_space<semaphore_mem>>)
        %add3A_612 = arith.constant 1 : i32
        %add3A_613 = arith.addi %scan3A_281, %add3A_612 : i32
        %mul3A_614 = arith.constant 8 : i32
        %mul3A_615 = arith.muli %add3A_613, %mul3A_614 : i32
        %add3A_616 = arith.constant 1 : i32
        %add3A_617 = arith.addi %mul3A_615, %add3A_616 : i32
        %dma_start3A_618 = arith.constant 1 : i32
        %dma_start3A_619 = arith.constant 0 : i32
        %dma_start3A_620 = arith.constant 0 : i32
        %dma_start3A_621 = tpu.memref_slice %arg11[%select_n3A_309, %dma_start3A_618, %dma_start3A_619, %dma_start3A_620] : memref<2x8x128x16xf32, #tpu.memory_space<vmem>> -> memref<1x1x128x16xf32, #tpu.memory_space<vmem>>
        %dma_start3A_622 = tpu.memref_squeeze %dma_start3A_621 : memref<1x1x128x16xf32, #tpu.memory_space<vmem>> -> memref<128x16xf32, #tpu.memory_space<vmem>>
        %dma_start3A_623 = arith.constant 0 : i32
        %dma_start3A_624 = tpu.memref_slice %arg12[%add3A_617, %dma_start3A_623] : memref<80x128xi32, #tpu.memory_space<vmem>> -> memref<1x128xi32, #tpu.memory_space<vmem>>
        %dma_start3A_625 = tpu.memref_squeeze %dma_start3A_624 : memref<1x128xi32, #tpu.memory_space<vmem>> -> memref<128xi32, #tpu.memory_space<vmem>>
        %dma_start3A_626 = arith.constant 0 : i32
        %dma_start3A_627 = arith.constant 0 : i32
        %dma_start3A_628 = tpu.memref_slice %arg9[%dma_start3A_626, %dma_start3A_627] : memref<10240x16xf32, #tpu.memory_space<vmem_shared>> -> memref<10240x16xf32, #tpu.memory_space<vmem_shared>>
        %dma_start3A_629 = tpu.memref_slice %arg14[%select_n3A_309] : memref<2x!tpu.dma_semaphore, #tpu.memory_space<semaphore_mem>> -> memref<1x!tpu.dma_semaphore, #tpu.memory_space<semaphore_mem>>
        %dma_start3A_630 = tpu.memref_squeeze %dma_start3A_629 : memref<1x!tpu.dma_semaphore, #tpu.memory_space<semaphore_mem>> -> memref<!tpu.dma_semaphore, #tpu.memory_space<semaphore_mem>>
        tpu.enqueue_indirect_dma source(%dma_start3A_628 : memref<10240x16xf32, #tpu.memory_space<vmem_shared>>) target(%dma_start3A_622 : memref<128x16xf32, #tpu.memory_space<vmem>>) offsets(%dma_start3A_625 : memref<128xi32, #tpu.memory_space<vmem>>) semaphore(%dma_start3A_630 : memref<!tpu.dma_semaphore, #tpu.memory_space<semaphore_mem>>)
        %add3A_631 = arith.constant 1 : i32
        %add3A_632 = arith.addi %scan3A_281, %add3A_631 : i32
        %mul3A_633 = arith.constant 8 : i32
        %mul3A_634 = arith.muli %add3A_632, %mul3A_633 : i32
        %add3A_635 = arith.constant 2 : i32
        %add3A_636 = arith.addi %mul3A_634, %add3A_635 : i32
        %dma_start3A_637 = arith.constant 2 : i32
        %dma_start3A_638 = arith.constant 0 : i32
        %dma_start3A_639 = arith.constant 0 : i32
        %dma_start3A_640 = tpu.memref_slice %arg11[%select_n3A_309, %dma_start3A_637, %dma_start3A_638, %dma_start3A_639] : memref<2x8x128x16xf32, #tpu.memory_space<vmem>> -> memref<1x1x128x16xf32, #tpu.memory_space<vmem>>
        %dma_start3A_641 = tpu.memref_squeeze %dma_start3A_640 : memref<1x1x128x16xf32, #tpu.memory_space<vmem>> -> memref<128x16xf32, #tpu.memory_space<vmem>>
        %dma_start3A_642 = arith.constant 0 : i32
        %dma_start3A_643 = tpu.memref_slice %arg12[%add3A_636, %dma_start3A_642] : memref<80x128xi32, #tpu.memory_space<vmem>> -> memref<1x128xi32, #tpu.memory_space<vmem>>
        %dma_start3A_644 = tpu.memref_squeeze %dma_start3A_643 : memref<1x128xi32, #tpu.memory_space<vmem>> -> memref<128xi32, #tpu.memory_space<vmem>>
        %dma_start3A_645 = arith.constant 0 : i32
        %dma_start3A_646 = arith.constant 0 : i32
        %dma_start3A_647 = tpu.memref_slice %arg9[%dma_start3A_645, %dma_start3A_646] : memref<10240x16xf32, #tpu.memory_space<vmem_shared>> -> memref<10240x16xf32, #tpu.memory_space<vmem_shared>>
        %dma_start3A_648 = tpu.memref_slice %arg14[%select_n3A_309] : memref<2x!tpu.dma_semaphore, #tpu.memory_space<semaphore_mem>> -> memref<1x!tpu.dma_semaphore, #tpu.memory_space<semaphore_mem>>
        %dma_start3A_649 = tpu.memref_squeeze %dma_start3A_648 : memref<1x!tpu.dma_semaphore, #tpu.memory_space<semaphore_mem>> -> memref<!tpu.dma_semaphore, #tpu.memory_space<semaphore_mem>>
        tpu.enqueue_indirect_dma source(%dma_start3A_647 : memref<10240x16xf32, #tpu.memory_space<vmem_shared>>) target(%dma_start3A_641 : memref<128x16xf32, #tpu.memory_space<vmem>>) offsets(%dma_start3A_644 : memref<128xi32, #tpu.memory_space<vmem>>) semaphore(%dma_start3A_649 : memref<!tpu.dma_semaphore, #tpu.memory_space<semaphore_mem>>)
        %add3A_650 = arith.constant 1 : i32
        %add3A_651 = arith.addi %scan3A_281, %add3A_650 : i32
        %mul3A_652 = arith.constant 8 : i32
        %mul3A_653 = arith.muli %add3A_651, %mul3A_652 : i32
        %add3A_654 = arith.constant 3 : i32
        %add3A_655 = arith.addi %mul3A_653, %add3A_654 : i32
        %dma_start3A_656 = arith.constant 3 : i32
        %dma_start3A_657 = arith.constant 0 : i32
        %dma_start3A_658 = arith.constant 0 : i32
        %dma_start3A_659 = tpu.memref_slice %arg11[%select_n3A_309, %dma_start3A_656, %dma_start3A_657, %dma_start3A_658] : memref<2x8x128x16xf32, #tpu.memory_space<vmem>> -> memref<1x1x128x16xf32, #tpu.memory_space<vmem>>
        %dma_start3A_660 = tpu.memref_squeeze %dma_start3A_659 : memref<1x1x128x16xf32, #tpu.memory_space<vmem>> -> memref<128x16xf32, #tpu.memory_space<vmem>>
        %dma_start3A_661 = arith.constant 0 : i32
        %dma_start3A_662 = tpu.memref_slice %arg12[%add3A_655, %dma_start3A_661] : memref<80x128xi32, #tpu.memory_space<vmem>> -> memref<1x128xi32, #tpu.memory_space<vmem>>
        %dma_start3A_663 = tpu.memref_squeeze %dma_start3A_662 : memref<1x128xi32, #tpu.memory_space<vmem>> -> memref<128xi32, #tpu.memory_space<vmem>>
        %dma_start3A_664 = arith.constant 0 : i32
        %dma_start3A_665 = arith.constant 0 : i32
        %dma_start3A_666 = tpu.memref_slice %arg9[%dma_start3A_664, %dma_start3A_665] : memref<10240x16xf32, #tpu.memory_space<vmem_shared>> -> memref<10240x16xf32, #tpu.memory_space<vmem_shared>>
        %dma_start3A_667 = tpu.memref_slice %arg14[%select_n3A_309] : memref<2x!tpu.dma_semaphore, #tpu.memory_space<semaphore_mem>> -> memref<1x!tpu.dma_semaphore, #tpu.memory_space<semaphore_mem>>
        %dma_start3A_668 = tpu.memref_squeeze %dma_start3A_667 : memref<1x!tpu.dma_semaphore, #tpu.memory_space<semaphore_mem>> -> memref<!tpu.dma_semaphore, #tpu.memory_space<semaphore_mem>>
        tpu.enqueue_indirect_dma source(%dma_start3A_666 : memref<10240x16xf32, #tpu.memory_space<vmem_shared>>) target(%dma_start3A_660 : memref<128x16xf32, #tpu.memory_space<vmem>>) offsets(%dma_start3A_663 : memref<128xi32, #tpu.memory_space<vmem>>) semaphore(%dma_start3A_668 : memref<!tpu.dma_semaphore, #tpu.memory_space<semaphore_mem>>)
        %add3A_669 = arith.constant 1 : i32
        %add3A_670 = arith.addi %scan3A_281, %add3A_669 : i32
        %mul3A_671 = arith.constant 8 : i32
        %mul3A_672 = arith.muli %add3A_670, %mul3A_671 : i32
        %add3A_673 = arith.constant 4 : i32
        %add3A_674 = arith.addi %mul3A_672, %add3A_673 : i32
        %dma_start3A_675 = arith.constant 4 : i32
        %dma_start3A_676 = arith.constant 0 : i32
        %dma_start3A_677 = arith.constant 0 : i32
        %dma_start3A_678 = tpu.memref_slice %arg11[%select_n3A_309, %dma_start3A_675, %dma_start3A_676, %dma_start3A_677] : memref<2x8x128x16xf32, #tpu.memory_space<vmem>> -> memref<1x1x128x16xf32, #tpu.memory_space<vmem>>
        %dma_start3A_679 = tpu.memref_squeeze %dma_start3A_678 : memref<1x1x128x16xf32, #tpu.memory_space<vmem>> -> memref<128x16xf32, #tpu.memory_space<vmem>>
        %dma_start3A_680 = arith.constant 0 : i32
        %dma_start3A_681 = tpu.memref_slice %arg12[%add3A_674, %dma_start3A_680] : memref<80x128xi32, #tpu.memory_space<vmem>> -> memref<1x128xi32, #tpu.memory_space<vmem>>
        %dma_start3A_682 = tpu.memref_squeeze %dma_start3A_681 : memref<1x128xi32, #tpu.memory_space<vmem>> -> memref<128xi32, #tpu.memory_space<vmem>>
        %dma_start3A_683 = arith.constant 0 : i32
        %dma_start3A_684 = arith.constant 0 : i32
        %dma_start3A_685 = tpu.memref_slice %arg9[%dma_start3A_683, %dma_start3A_684] : memref<10240x16xf32, #tpu.memory_space<vmem_shared>> -> memref<10240x16xf32, #tpu.memory_space<vmem_shared>>
        %dma_start3A_686 = tpu.memref_slice %arg14[%select_n3A_309] : memref<2x!tpu.dma_semaphore, #tpu.memory_space<semaphore_mem>> -> memref<1x!tpu.dma_semaphore, #tpu.memory_space<semaphore_mem>>
        %dma_start3A_687 = tpu.memref_squeeze %dma_start3A_686 : memref<1x!tpu.dma_semaphore, #tpu.memory_space<semaphore_mem>> -> memref<!tpu.dma_semaphore, #tpu.memory_space<semaphore_mem>>
        tpu.enqueue_indirect_dma source(%dma_start3A_685 : memref<10240x16xf32, #tpu.memory_space<vmem_shared>>) target(%dma_start3A_679 : memref<128x16xf32, #tpu.memory_space<vmem>>) offsets(%dma_start3A_682 : memref<128xi32, #tpu.memory_space<vmem>>) semaphore(%dma_start3A_687 : memref<!tpu.dma_semaphore, #tpu.memory_space<semaphore_mem>>)
        %add3A_688 = arith.constant 1 : i32
        %add3A_689 = arith.addi %scan3A_281, %add3A_688 : i32
        %mul3A_690 = arith.constant 8 : i32
        %mul3A_691 = arith.muli %add3A_689, %mul3A_690 : i32
        %add3A_692 = arith.constant 5 : i32
        %add3A_693 = arith.addi %mul3A_691, %add3A_692 : i32
        %dma_start3A_694 = arith.constant 5 : i32
        %dma_start3A_695 = arith.constant 0 : i32
        %dma_start3A_696 = arith.constant 0 : i32
        %dma_start3A_697 = tpu.memref_slice %arg11[%select_n3A_309, %dma_start3A_694, %dma_start3A_695, %dma_start3A_696] : memref<2x8x128x16xf32, #tpu.memory_space<vmem>> -> memref<1x1x128x16xf32, #tpu.memory_space<vmem>>
        %dma_start3A_698 = tpu.memref_squeeze %dma_start3A_697 : memref<1x1x128x16xf32, #tpu.memory_space<vmem>> -> memref<128x16xf32, #tpu.memory_space<vmem>>
        %dma_start3A_699 = arith.constant 0 : i32
        %dma_start3A_700 = tpu.memref_slice %arg12[%add3A_693, %dma_start3A_699] : memref<80x128xi32, #tpu.memory_space<vmem>> -> memref<1x128xi32, #tpu.memory_space<vmem>>
        %dma_start3A_701 = tpu.memref_squeeze %dma_start3A_700 : memref<1x128xi32, #tpu.memory_space<vmem>> -> memref<128xi32, #tpu.memory_space<vmem>>
        %dma_start3A_702 = arith.constant 0 : i32
        %dma_start3A_703 = arith.constant 0 : i32
        %dma_start3A_704 = tpu.memref_slice %arg9[%dma_start3A_702, %dma_start3A_703] : memref<10240x16xf32, #tpu.memory_space<vmem_shared>> -> memref<10240x16xf32, #tpu.memory_space<vmem_shared>>
        %dma_start3A_705 = tpu.memref_slice %arg14[%select_n3A_309] : memref<2x!tpu.dma_semaphore, #tpu.memory_space<semaphore_mem>> -> memref<1x!tpu.dma_semaphore, #tpu.memory_space<semaphore_mem>>
        %dma_start3A_706 = tpu.memref_squeeze %dma_start3A_705 : memref<1x!tpu.dma_semaphore, #tpu.memory_space<semaphore_mem>> -> memref<!tpu.dma_semaphore, #tpu.memory_space<semaphore_mem>>
        tpu.enqueue_indirect_dma source(%dma_start3A_704 : memref<10240x16xf32, #tpu.memory_space<vmem_shared>>) target(%dma_start3A_698 : memref<128x16xf32, #tpu.memory_space<vmem>>) offsets(%dma_start3A_701 : memref<128xi32, #tpu.memory_space<vmem>>) semaphore(%dma_start3A_706 : memref<!tpu.dma_semaphore, #tpu.memory_space<semaphore_mem>>)
        %add3A_707 = arith.constant 1 : i32
        %add3A_708 = arith.addi %scan3A_281, %add3A_707 : i32
        %mul3A_709 = arith.constant 8 : i32
        %mul3A_710 = arith.muli %add3A_708, %mul3A_709 : i32
        %add3A_711 = arith.constant 6 : i32
        %add3A_712 = arith.addi %mul3A_710, %add3A_711 : i32
        %dma_start3A_713 = arith.constant 6 : i32
        %dma_start3A_714 = arith.constant 0 : i32
        %dma_start3A_715 = arith.constant 0 : i32
        %dma_start3A_716 = tpu.memref_slice %arg11[%select_n3A_309, %dma_start3A_713, %dma_start3A_714, %dma_start3A_715] : memref<2x8x128x16xf32, #tpu.memory_space<vmem>> -> memref<1x1x128x16xf32, #tpu.memory_space<vmem>>
        %dma_start3A_717 = tpu.memref_squeeze %dma_start3A_716 : memref<1x1x128x16xf32, #tpu.memory_space<vmem>> -> memref<128x16xf32, #tpu.memory_space<vmem>>
        %dma_start3A_718 = arith.constant 0 : i32
        %dma_start3A_719 = tpu.memref_slice %arg12[%add3A_712, %dma_start3A_718] : memref<80x128xi32, #tpu.memory_space<vmem>> -> memref<1x128xi32, #tpu.memory_space<vmem>>
        %dma_start3A_720 = tpu.memref_squeeze %dma_start3A_719 : memref<1x128xi32, #tpu.memory_space<vmem>> -> memref<128xi32, #tpu.memory_space<vmem>>
        %dma_start3A_721 = arith.constant 0 : i32
        %dma_start3A_722 = arith.constant 0 : i32
        %dma_start3A_723 = tpu.memref_slice %arg9[%dma_start3A_721, %dma_start3A_722] : memref<10240x16xf32, #tpu.memory_space<vmem_shared>> -> memref<10240x16xf32, #tpu.memory_space<vmem_shared>>
        %dma_start3A_724 = tpu.memref_slice %arg14[%select_n3A_309] : memref<2x!tpu.dma_semaphore, #tpu.memory_space<semaphore_mem>> -> memref<1x!tpu.dma_semaphore, #tpu.memory_space<semaphore_mem>>
        %dma_start3A_725 = tpu.memref_squeeze %dma_start3A_724 : memref<1x!tpu.dma_semaphore, #tpu.memory_space<semaphore_mem>> -> memref<!tpu.dma_semaphore, #tpu.memory_space<semaphore_mem>>
        tpu.enqueue_indirect_dma source(%dma_start3A_723 : memref<10240x16xf32, #tpu.memory_space<vmem_shared>>) target(%dma_start3A_717 : memref<128x16xf32, #tpu.memory_space<vmem>>) offsets(%dma_start3A_720 : memref<128xi32, #tpu.memory_space<vmem>>) semaphore(%dma_start3A_725 : memref<!tpu.dma_semaphore, #tpu.memory_space<semaphore_mem>>)
        %add3A_726 = arith.constant 1 : i32
        %add3A_727 = arith.addi %scan3A_281, %add3A_726 : i32
        %mul3A_728 = arith.constant 8 : i32
        %mul3A_729 = arith.muli %add3A_727, %mul3A_728 : i32
        %add3A_730 = arith.constant 7 : i32
        %add3A_731 = arith.addi %mul3A_729, %add3A_730 : i32
        %dma_start3A_732 = arith.constant 7 : i32
        %dma_start3A_733 = arith.constant 0 : i32
        %dma_start3A_734 = arith.constant 0 : i32
        %dma_start3A_735 = tpu.memref_slice %arg11[%select_n3A_309, %dma_start3A_732, %dma_start3A_733, %dma_start3A_734] : memref<2x8x128x16xf32, #tpu.memory_space<vmem>> -> memref<1x1x128x16xf32, #tpu.memory_space<vmem>>
        %dma_start3A_736 = tpu.memref_squeeze %dma_start3A_735 : memref<1x1x128x16xf32, #tpu.memory_space<vmem>> -> memref<128x16xf32, #tpu.memory_space<vmem>>
        %dma_start3A_737 = arith.constant 0 : i32
        %dma_start3A_738 = tpu.memref_slice %arg12[%add3A_731, %dma_start3A_737] : memref<80x128xi32, #tpu.memory_space<vmem>> -> memref<1x128xi32, #tpu.memory_space<vmem>>
        %dma_start3A_739 = tpu.memref_squeeze %dma_start3A_738 : memref<1x128xi32, #tpu.memory_space<vmem>> -> memref<128xi32, #tpu.memory_space<vmem>>
        %dma_start3A_740 = arith.constant 0 : i32
        %dma_start3A_741 = arith.constant 0 : i32
        %dma_start3A_742 = tpu.memref_slice %arg9[%dma_start3A_740, %dma_start3A_741] : memref<10240x16xf32, #tpu.memory_space<vmem_shared>> -> memref<10240x16xf32, #tpu.memory_space<vmem_shared>>
        %dma_start3A_743 = tpu.memref_slice %arg14[%select_n3A_309] : memref<2x!tpu.dma_semaphore, #tpu.memory_space<semaphore_mem>> -> memref<1x!tpu.dma_semaphore, #tpu.memory_space<semaphore_mem>>
        %dma_start3A_744 = tpu.memref_squeeze %dma_start3A_743 : memref<1x!tpu.dma_semaphore, #tpu.memory_space<semaphore_mem>> -> memref<!tpu.dma_semaphore, #tpu.memory_space<semaphore_mem>>
        tpu.enqueue_indirect_dma source(%dma_start3A_742 : memref<10240x16xf32, #tpu.memory_space<vmem_shared>>) target(%dma_start3A_736 : memref<128x16xf32, #tpu.memory_space<vmem>>) offsets(%dma_start3A_739 : memref<128xi32, #tpu.memory_space<vmem>>) semaphore(%dma_start3A_744 : memref<!tpu.dma_semaphore, #tpu.memory_space<semaphore_mem>>)
      } else {
      }
      %mul3A_321 = arith.constant 8 : i32
      %mul3A_322 = arith.muli %scan3A_281, %mul3A_321 : i32
      %add3A_323 = arith.constant 0 : i32
      %add3A_324 = arith.addi %mul3A_322, %add3A_323 : i32
      %dma_wait3A_325 = arith.constant 0 : i32
      %dma_wait3A_326 = arith.constant 0 : i32
      %dma_wait3A_327 = arith.constant 0 : i32
      %dma_wait3A_328 = tpu.memref_slice %arg11[%select_n3A_291, %dma_wait3A_325, %dma_wait3A_326, %dma_wait3A_327] : memref<2x8x128x16xf32, #tpu.memory_space<vmem>> -> memref<1x1x128x16xf32, #tpu.memory_space<vmem>>
      %dma_wait3A_329 = tpu.memref_squeeze %dma_wait3A_328 : memref<1x1x128x16xf32, #tpu.memory_space<vmem>> -> memref<128x16xf32, #tpu.memory_space<vmem>>
      %dma_wait3A_330 = arith.constant 0 : i32
      %dma_wait3A_331 = tpu.memref_slice %arg12[%add3A_324, %dma_wait3A_330] : memref<80x128xi32, #tpu.memory_space<vmem>> -> memref<1x128xi32, #tpu.memory_space<vmem>>
      %dma_wait3A_332 = tpu.memref_squeeze %dma_wait3A_331 : memref<1x128xi32, #tpu.memory_space<vmem>> -> memref<128xi32, #tpu.memory_space<vmem>>
      %dma_wait3A_333 = arith.constant 0 : i32
      %dma_wait3A_334 = arith.constant 0 : i32
      %dma_wait3A_335 = tpu.memref_slice %arg9[%dma_wait3A_333, %dma_wait3A_334] : memref<10240x16xf32, #tpu.memory_space<vmem_shared>> -> memref<10240x16xf32, #tpu.memory_space<vmem_shared>>
      %dma_wait3A_336 = tpu.memref_slice %arg14[%select_n3A_291] : memref<2x!tpu.dma_semaphore, #tpu.memory_space<semaphore_mem>> -> memref<1x!tpu.dma_semaphore, #tpu.memory_space<semaphore_mem>>
      %dma_wait3A_337 = tpu.memref_squeeze %dma_wait3A_336 : memref<1x!tpu.dma_semaphore, #tpu.memory_space<semaphore_mem>> -> memref<!tpu.dma_semaphore, #tpu.memory_space<semaphore_mem>>
      tpu.wait_indirect_dma semaphore(%dma_wait3A_337 : memref<!tpu.dma_semaphore, #tpu.memory_space<semaphore_mem>>) src(%dma_wait3A_335 : memref<10240x16xf32, #tpu.memory_space<vmem_shared>>) dst(%dma_wait3A_329 : memref<128x16xf32, #tpu.memory_space<vmem>>)
      %mul3A_338 = arith.constant 8 : i32
      %mul3A_339 = arith.muli %scan3A_281, %mul3A_338 : i32
      %add3A_340 = arith.constant 1 : i32
      %add3A_341 = arith.addi %mul3A_339, %add3A_340 : i32
      %dma_wait3A_342 = arith.constant 1 : i32
      %dma_wait3A_343 = arith.constant 0 : i32
      %dma_wait3A_344 = arith.constant 0 : i32
      %dma_wait3A_345 = tpu.memref_slice %arg11[%select_n3A_291, %dma_wait3A_342, %dma_wait3A_343, %dma_wait3A_344] : memref<2x8x128x16xf32, #tpu.memory_space<vmem>> -> memref<1x1x128x16xf32, #tpu.memory_space<vmem>>
      %dma_wait3A_346 = tpu.memref_squeeze %dma_wait3A_345 : memref<1x1x128x16xf32, #tpu.memory_space<vmem>> -> memref<128x16xf32, #tpu.memory_space<vmem>>
      %dma_wait3A_347 = arith.constant 0 : i32
      %dma_wait3A_348 = tpu.memref_slice %arg12[%add3A_341, %dma_wait3A_347] : memref<80x128xi32, #tpu.memory_space<vmem>> -> memref<1x128xi32, #tpu.memory_space<vmem>>
      %dma_wait3A_349 = tpu.memref_squeeze %dma_wait3A_348 : memref<1x128xi32, #tpu.memory_space<vmem>> -> memref<128xi32, #tpu.memory_space<vmem>>
      %dma_wait3A_350 = arith.constant 0 : i32
      %dma_wait3A_351 = arith.constant 0 : i32
      %dma_wait3A_352 = tpu.memref_slice %arg9[%dma_wait3A_350, %dma_wait3A_351] : memref<10240x16xf32, #tpu.memory_space<vmem_shared>> -> memref<10240x16xf32, #tpu.memory_space<vmem_shared>>
      %dma_wait3A_353 = tpu.memref_slice %arg14[%select_n3A_291] : memref<2x!tpu.dma_semaphore, #tpu.memory_space<semaphore_mem>> -> memref<1x!tpu.dma_semaphore, #tpu.memory_space<semaphore_mem>>
      %dma_wait3A_354 = tpu.memref_squeeze %dma_wait3A_353 : memref<1x!tpu.dma_semaphore, #tpu.memory_space<semaphore_mem>> -> memref<!tpu.dma_semaphore, #tpu.memory_space<semaphore_mem>>
      tpu.wait_indirect_dma semaphore(%dma_wait3A_354 : memref<!tpu.dma_semaphore, #tpu.memory_space<semaphore_mem>>) src(%dma_wait3A_352 : memref<10240x16xf32, #tpu.memory_space<vmem_shared>>) dst(%dma_wait3A_346 : memref<128x16xf32, #tpu.memory_space<vmem>>)
      %mul3A_355 = arith.constant 8 : i32
      %mul3A_356 = arith.muli %scan3A_281, %mul3A_355 : i32
      %add3A_357 = arith.constant 2 : i32
      %add3A_358 = arith.addi %mul3A_356, %add3A_357 : i32
      %dma_wait3A_359 = arith.constant 2 : i32
      %dma_wait3A_360 = arith.constant 0 : i32
      %dma_wait3A_361 = arith.constant 0 : i32
      %dma_wait3A_362 = tpu.memref_slice %arg11[%select_n3A_291, %dma_wait3A_359, %dma_wait3A_360, %dma_wait3A_361] : memref<2x8x128x16xf32, #tpu.memory_space<vmem>> -> memref<1x1x128x16xf32, #tpu.memory_space<vmem>>
      %dma_wait3A_363 = tpu.memref_squeeze %dma_wait3A_362 : memref<1x1x128x16xf32, #tpu.memory_space<vmem>> -> memref<128x16xf32, #tpu.memory_space<vmem>>
      %dma_wait3A_364 = arith.constant 0 : i32
      %dma_wait3A_365 = tpu.memref_slice %arg12[%add3A_358, %dma_wait3A_364] : memref<80x128xi32, #tpu.memory_space<vmem>> -> memref<1x128xi32, #tpu.memory_space<vmem>>
      %dma_wait3A_366 = tpu.memref_squeeze %dma_wait3A_365 : memref<1x128xi32, #tpu.memory_space<vmem>> -> memref<128xi32, #tpu.memory_space<vmem>>
      %dma_wait3A_367 = arith.constant 0 : i32
      %dma_wait3A_368 = arith.constant 0 : i32
      %dma_wait3A_369 = tpu.memref_slice %arg9[%dma_wait3A_367, %dma_wait3A_368] : memref<10240x16xf32, #tpu.memory_space<vmem_shared>> -> memref<10240x16xf32, #tpu.memory_space<vmem_shared>>
      %dma_wait3A_370 = tpu.memref_slice %arg14[%select_n3A_291] : memref<2x!tpu.dma_semaphore, #tpu.memory_space<semaphore_mem>> -> memref<1x!tpu.dma_semaphore, #tpu.memory_space<semaphore_mem>>
      %dma_wait3A_371 = tpu.memref_squeeze %dma_wait3A_370 : memref<1x!tpu.dma_semaphore, #tpu.memory_space<semaphore_mem>> -> memref<!tpu.dma_semaphore, #tpu.memory_space<semaphore_mem>>
      tpu.wait_indirect_dma semaphore(%dma_wait3A_371 : memref<!tpu.dma_semaphore, #tpu.memory_space<semaphore_mem>>) src(%dma_wait3A_369 : memref<10240x16xf32, #tpu.memory_space<vmem_shared>>) dst(%dma_wait3A_363 : memref<128x16xf32, #tpu.memory_space<vmem>>)
      %mul3A_372 = arith.constant 8 : i32
      %mul3A_373 = arith.muli %scan3A_281, %mul3A_372 : i32
      %add3A_374 = arith.constant 3 : i32
      %add3A_375 = arith.addi %mul3A_373, %add3A_374 : i32
      %dma_wait3A_376 = arith.constant 3 : i32
      %dma_wait3A_377 = arith.constant 0 : i32
      %dma_wait3A_378 = arith.constant 0 : i32
      %dma_wait3A_379 = tpu.memref_slice %arg11[%select_n3A_291, %dma_wait3A_376, %dma_wait3A_377, %dma_wait3A_378] : memref<2x8x128x16xf32, #tpu.memory_space<vmem>> -> memref<1x1x128x16xf32, #tpu.memory_space<vmem>>
      %dma_wait3A_380 = tpu.memref_squeeze %dma_wait3A_379 : memref<1x1x128x16xf32, #tpu.memory_space<vmem>> -> memref<128x16xf32, #tpu.memory_space<vmem>>
      %dma_wait3A_381 = arith.constant 0 : i32
      %dma_wait3A_382 = tpu.memref_slice %arg12[%add3A_375, %dma_wait3A_381] : memref<80x128xi32, #tpu.memory_space<vmem>> -> memref<1x128xi32, #tpu.memory_space<vmem>>
      %dma_wait3A_383 = tpu.memref_squeeze %dma_wait3A_382 : memref<1x128xi32, #tpu.memory_space<vmem>> -> memref<128xi32, #tpu.memory_space<vmem>>
      %dma_wait3A_384 = arith.constant 0 : i32
      %dma_wait3A_385 = arith.constant 0 : i32
      %dma_wait3A_386 = tpu.memref_slice %arg9[%dma_wait3A_384, %dma_wait3A_385] : memref<10240x16xf32, #tpu.memory_space<vmem_shared>> -> memref<10240x16xf32, #tpu.memory_space<vmem_shared>>
      %dma_wait3A_387 = tpu.memref_slice %arg14[%select_n3A_291] : memref<2x!tpu.dma_semaphore, #tpu.memory_space<semaphore_mem>> -> memref<1x!tpu.dma_semaphore, #tpu.memory_space<semaphore_mem>>
      %dma_wait3A_388 = tpu.memref_squeeze %dma_wait3A_387 : memref<1x!tpu.dma_semaphore, #tpu.memory_space<semaphore_mem>> -> memref<!tpu.dma_semaphore, #tpu.memory_space<semaphore_mem>>
      tpu.wait_indirect_dma semaphore(%dma_wait3A_388 : memref<!tpu.dma_semaphore, #tpu.memory_space<semaphore_mem>>) src(%dma_wait3A_386 : memref<10240x16xf32, #tpu.memory_space<vmem_shared>>) dst(%dma_wait3A_380 : memref<128x16xf32, #tpu.memory_space<vmem>>)
      %mul3A_389 = arith.constant 8 : i32
      %mul3A_390 = arith.muli %scan3A_281, %mul3A_389 : i32
      %add3A_391 = arith.constant 4 : i32
      %add3A_392 = arith.addi %mul3A_390, %add3A_391 : i32
      %dma_wait3A_393 = arith.constant 4 : i32
      %dma_wait3A_394 = arith.constant 0 : i32
      %dma_wait3A_395 = arith.constant 0 : i32
      %dma_wait3A_396 = tpu.memref_slice %arg11[%select_n3A_291, %dma_wait3A_393, %dma_wait3A_394, %dma_wait3A_395] : memref<2x8x128x16xf32, #tpu.memory_space<vmem>> -> memref<1x1x128x16xf32, #tpu.memory_space<vmem>>
      %dma_wait3A_397 = tpu.memref_squeeze %dma_wait3A_396 : memref<1x1x128x16xf32, #tpu.memory_space<vmem>> -> memref<128x16xf32, #tpu.memory_space<vmem>>
      %dma_wait3A_398 = arith.constant 0 : i32
      %dma_wait3A_399 = tpu.memref_slice %arg12[%add3A_392, %dma_wait3A_398] : memref<80x128xi32, #tpu.memory_space<vmem>> -> memref<1x128xi32, #tpu.memory_space<vmem>>
      %dma_wait3A_400 = tpu.memref_squeeze %dma_wait3A_399 : memref<1x128xi32, #tpu.memory_space<vmem>> -> memref<128xi32, #tpu.memory_space<vmem>>
      %dma_wait3A_401 = arith.constant 0 : i32
      %dma_wait3A_402 = arith.constant 0 : i32
      %dma_wait3A_403 = tpu.memref_slice %arg9[%dma_wait3A_401, %dma_wait3A_402] : memref<10240x16xf32, #tpu.memory_space<vmem_shared>> -> memref<10240x16xf32, #tpu.memory_space<vmem_shared>>
      %dma_wait3A_404 = tpu.memref_slice %arg14[%select_n3A_291] : memref<2x!tpu.dma_semaphore, #tpu.memory_space<semaphore_mem>> -> memref<1x!tpu.dma_semaphore, #tpu.memory_space<semaphore_mem>>
      %dma_wait3A_405 = tpu.memref_squeeze %dma_wait3A_404 : memref<1x!tpu.dma_semaphore, #tpu.memory_space<semaphore_mem>> -> memref<!tpu.dma_semaphore, #tpu.memory_space<semaphore_mem>>
      tpu.wait_indirect_dma semaphore(%dma_wait3A_405 : memref<!tpu.dma_semaphore, #tpu.memory_space<semaphore_mem>>) src(%dma_wait3A_403 : memref<10240x16xf32, #tpu.memory_space<vmem_shared>>) dst(%dma_wait3A_397 : memref<128x16xf32, #tpu.memory_space<vmem>>)
      %mul3A_406 = arith.constant 8 : i32
      %mul3A_407 = arith.muli %scan3A_281, %mul3A_406 : i32
      %add3A_408 = arith.constant 5 : i32
      %add3A_409 = arith.addi %mul3A_407, %add3A_408 : i32
      %dma_wait3A_410 = arith.constant 5 : i32
      %dma_wait3A_411 = arith.constant 0 : i32
      %dma_wait3A_412 = arith.constant 0 : i32
      %dma_wait3A_413 = tpu.memref_slice %arg11[%select_n3A_291, %dma_wait3A_410, %dma_wait3A_411, %dma_wait3A_412] : memref<2x8x128x16xf32, #tpu.memory_space<vmem>> -> memref<1x1x128x16xf32, #tpu.memory_space<vmem>>
      %dma_wait3A_414 = tpu.memref_squeeze %dma_wait3A_413 : memref<1x1x128x16xf32, #tpu.memory_space<vmem>> -> memref<128x16xf32, #tpu.memory_space<vmem>>
      %dma_wait3A_415 = arith.constant 0 : i32
      %dma_wait3A_416 = tpu.memref_slice %arg12[%add3A_409, %dma_wait3A_415] : memref<80x128xi32, #tpu.memory_space<vmem>> -> memref<1x128xi32, #tpu.memory_space<vmem>>
      %dma_wait3A_417 = tpu.memref_squeeze %dma_wait3A_416 : memref<1x128xi32, #tpu.memory_space<vmem>> -> memref<128xi32, #tpu.memory_space<vmem>>
      %dma_wait3A_418 = arith.constant 0 : i32
      %dma_wait3A_419 = arith.constant 0 : i32
      %dma_wait3A_420 = tpu.memref_slice %arg9[%dma_wait3A_418, %dma_wait3A_419] : memref<10240x16xf32, #tpu.memory_space<vmem_shared>> -> memref<10240x16xf32, #tpu.memory_space<vmem_shared>>
      %dma_wait3A_421 = tpu.memref_slice %arg14[%select_n3A_291] : memref<2x!tpu.dma_semaphore, #tpu.memory_space<semaphore_mem>> -> memref<1x!tpu.dma_semaphore, #tpu.memory_space<semaphore_mem>>
      %dma_wait3A_422 = tpu.memref_squeeze %dma_wait3A_421 : memref<1x!tpu.dma_semaphore, #tpu.memory_space<semaphore_mem>> -> memref<!tpu.dma_semaphore, #tpu.memory_space<semaphore_mem>>
      tpu.wait_indirect_dma semaphore(%dma_wait3A_422 : memref<!tpu.dma_semaphore, #tpu.memory_space<semaphore_mem>>) src(%dma_wait3A_420 : memref<10240x16xf32, #tpu.memory_space<vmem_shared>>) dst(%dma_wait3A_414 : memref<128x16xf32, #tpu.memory_space<vmem>>)
      %mul3A_423 = arith.constant 8 : i32
      %mul3A_424 = arith.muli %scan3A_281, %mul3A_423 : i32
      %add3A_425 = arith.constant 6 : i32
      %add3A_426 = arith.addi %mul3A_424, %add3A_425 : i32
      %dma_wait3A_427 = arith.constant 6 : i32
      %dma_wait3A_428 = arith.constant 0 : i32
      %dma_wait3A_429 = arith.constant 0 : i32
      %dma_wait3A_430 = tpu.memref_slice %arg11[%select_n3A_291, %dma_wait3A_427, %dma_wait3A_428, %dma_wait3A_429] : memref<2x8x128x16xf32, #tpu.memory_space<vmem>> -> memref<1x1x128x16xf32, #tpu.memory_space<vmem>>
      %dma_wait3A_431 = tpu.memref_squeeze %dma_wait3A_430 : memref<1x1x128x16xf32, #tpu.memory_space<vmem>> -> memref<128x16xf32, #tpu.memory_space<vmem>>
      %dma_wait3A_432 = arith.constant 0 : i32
      %dma_wait3A_433 = tpu.memref_slice %arg12[%add3A_426, %dma_wait3A_432] : memref<80x128xi32, #tpu.memory_space<vmem>> -> memref<1x128xi32, #tpu.memory_space<vmem>>
      %dma_wait3A_434 = tpu.memref_squeeze %dma_wait3A_433 : memref<1x128xi32, #tpu.memory_space<vmem>> -> memref<128xi32, #tpu.memory_space<vmem>>
      %dma_wait3A_435 = arith.constant 0 : i32
      %dma_wait3A_436 = arith.constant 0 : i32
      %dma_wait3A_437 = tpu.memref_slice %arg9[%dma_wait3A_435, %dma_wait3A_436] : memref<10240x16xf32, #tpu.memory_space<vmem_shared>> -> memref<10240x16xf32, #tpu.memory_space<vmem_shared>>
      %dma_wait3A_438 = tpu.memref_slice %arg14[%select_n3A_291] : memref<2x!tpu.dma_semaphore, #tpu.memory_space<semaphore_mem>> -> memref<1x!tpu.dma_semaphore, #tpu.memory_space<semaphore_mem>>
      %dma_wait3A_439 = tpu.memref_squeeze %dma_wait3A_438 : memref<1x!tpu.dma_semaphore, #tpu.memory_space<semaphore_mem>> -> memref<!tpu.dma_semaphore, #tpu.memory_space<semaphore_mem>>
      tpu.wait_indirect_dma semaphore(%dma_wait3A_439 : memref<!tpu.dma_semaphore, #tpu.memory_space<semaphore_mem>>) src(%dma_wait3A_437 : memref<10240x16xf32, #tpu.memory_space<vmem_shared>>) dst(%dma_wait3A_431 : memref<128x16xf32, #tpu.memory_space<vmem>>)
      %mul3A_440 = arith.constant 8 : i32
      %mul3A_441 = arith.muli %scan3A_281, %mul3A_440 : i32
      %add3A_442 = arith.constant 7 : i32
      %add3A_443 = arith.addi %mul3A_441, %add3A_442 : i32
      %dma_wait3A_444 = arith.constant 7 : i32
      %dma_wait3A_445 = arith.constant 0 : i32
      %dma_wait3A_446 = arith.constant 0 : i32
      %dma_wait3A_447 = tpu.memref_slice %arg11[%select_n3A_291, %dma_wait3A_444, %dma_wait3A_445, %dma_wait3A_446] : memref<2x8x128x16xf32, #tpu.memory_space<vmem>> -> memref<1x1x128x16xf32, #tpu.memory_space<vmem>>
      %dma_wait3A_448 = tpu.memref_squeeze %dma_wait3A_447 : memref<1x1x128x16xf32, #tpu.memory_space<vmem>> -> memref<128x16xf32, #tpu.memory_space<vmem>>
      %dma_wait3A_449 = arith.constant 0 : i32
      %dma_wait3A_450 = tpu.memref_slice %arg12[%add3A_443, %dma_wait3A_449] : memref<80x128xi32, #tpu.memory_space<vmem>> -> memref<1x128xi32, #tpu.memory_space<vmem>>
      %dma_wait3A_451 = tpu.memref_squeeze %dma_wait3A_450 : memref<1x128xi32, #tpu.memory_space<vmem>> -> memref<128xi32, #tpu.memory_space<vmem>>
      %dma_wait3A_452 = arith.constant 0 : i32
      %dma_wait3A_453 = arith.constant 0 : i32
      %dma_wait3A_454 = tpu.memref_slice %arg9[%dma_wait3A_452, %dma_wait3A_453] : memref<10240x16xf32, #tpu.memory_space<vmem_shared>> -> memref<10240x16xf32, #tpu.memory_space<vmem_shared>>
      %dma_wait3A_455 = tpu.memref_slice %arg14[%select_n3A_291] : memref<2x!tpu.dma_semaphore, #tpu.memory_space<semaphore_mem>> -> memref<1x!tpu.dma_semaphore, #tpu.memory_space<semaphore_mem>>
      %dma_wait3A_456 = tpu.memref_squeeze %dma_wait3A_455 : memref<1x!tpu.dma_semaphore, #tpu.memory_space<semaphore_mem>> -> memref<!tpu.dma_semaphore, #tpu.memory_space<semaphore_mem>>
      tpu.wait_indirect_dma semaphore(%dma_wait3A_456 : memref<!tpu.dma_semaphore, #tpu.memory_space<semaphore_mem>>) src(%dma_wait3A_454 : memref<10240x16xf32, #tpu.memory_space<vmem_shared>>) dst(%dma_wait3A_448 : memref<128x16xf32, #tpu.memory_space<vmem>>)
      %mul3A_457 = arith.constant 8 : i32
      %mul3A_458 = arith.muli %scan3A_281, %mul3A_457 : i32
      %add3A_459 = arith.constant 0 : i32
      %add3A_460 = arith.addi %mul3A_458, %add3A_459 : i32
      %dma_start3A_461 = arith.constant 0 : i32
      %dma_start3A_462 = arith.constant 0 : i32
      %dma_start3A_463 = arith.constant 0 : i32
      %dma_start3A_464 = tpu.memref_slice %arg11[%select_n3A_291, %dma_start3A_461, %dma_start3A_462, %dma_start3A_463] : memref<2x8x128x16xf32, #tpu.memory_space<vmem>> -> memref<1x1x128x16xf32, #tpu.memory_space<vmem>>
      %dma_start3A_465 = tpu.memref_squeeze %dma_start3A_464 : memref<1x1x128x16xf32, #tpu.memory_space<vmem>> -> memref<128x16xf32, #tpu.memory_space<vmem>>
      %dma_start3A_466 = arith.constant 0 : i32
      %dma_start3A_467 = tpu.memref_slice %arg13[%add3A_460, %dma_start3A_466] : memref<80x128xi32, #tpu.memory_space<vmem>> -> memref<1x128xi32, #tpu.memory_space<vmem>>
      %dma_start3A_468 = tpu.memref_squeeze %dma_start3A_467 : memref<1x128xi32, #tpu.memory_space<vmem>> -> memref<128xi32, #tpu.memory_space<vmem>>
      %dma_start3A_469 = arith.constant 0 : i32
      %dma_start3A_470 = arith.constant 0 : i32
      %dma_start3A_471 = tpu.memref_slice %arg8[%dma_start3A_469, %dma_start3A_470] : memref<10240x16xf32, #tpu.memory_space<vmem_shared>> -> memref<10240x16xf32, #tpu.memory_space<vmem_shared>>
      %dma_start3A_472 = tpu.memref_slice %arg15[%select_n3A_291] : memref<2x!tpu.dma_semaphore, #tpu.memory_space<semaphore_mem>> -> memref<1x!tpu.dma_semaphore, #tpu.memory_space<semaphore_mem>>
      %dma_start3A_473 = tpu.memref_squeeze %dma_start3A_472 : memref<1x!tpu.dma_semaphore, #tpu.memory_space<semaphore_mem>> -> memref<!tpu.dma_semaphore, #tpu.memory_space<semaphore_mem>>
      tpu.enqueue_indirect_dma source(%dma_start3A_465 : memref<128x16xf32, #tpu.memory_space<vmem>>) target(%dma_start3A_471 : memref<10240x16xf32, #tpu.memory_space<vmem_shared>>) offsets(%dma_start3A_468 : memref<128xi32, #tpu.memory_space<vmem>>) semaphore(%dma_start3A_473 : memref<!tpu.dma_semaphore, #tpu.memory_space<semaphore_mem>>) {add = true}
      %mul3A_474 = arith.constant 8 : i32
      %mul3A_475 = arith.muli %scan3A_281, %mul3A_474 : i32
      %add3A_476 = arith.constant 1 : i32
      %add3A_477 = arith.addi %mul3A_475, %add3A_476 : i32
      %dma_start3A_478 = arith.constant 1 : i32
      %dma_start3A_479 = arith.constant 0 : i32
      %dma_start3A_480 = arith.constant 0 : i32
      %dma_start3A_481 = tpu.memref_slice %arg11[%select_n3A_291, %dma_start3A_478, %dma_start3A_479, %dma_start3A_480] : memref<2x8x128x16xf32, #tpu.memory_space<vmem>> -> memref<1x1x128x16xf32, #tpu.memory_space<vmem>>
      %dma_start3A_482 = tpu.memref_squeeze %dma_start3A_481 : memref<1x1x128x16xf32, #tpu.memory_space<vmem>> -> memref<128x16xf32, #tpu.memory_space<vmem>>
      %dma_start3A_483 = arith.constant 0 : i32
      %dma_start3A_484 = tpu.memref_slice %arg13[%add3A_477, %dma_start3A_483] : memref<80x128xi32, #tpu.memory_space<vmem>> -> memref<1x128xi32, #tpu.memory_space<vmem>>
      %dma_start3A_485 = tpu.memref_squeeze %dma_start3A_484 : memref<1x128xi32, #tpu.memory_space<vmem>> -> memref<128xi32, #tpu.memory_space<vmem>>
      %dma_start3A_486 = arith.constant 0 : i32
      %dma_start3A_487 = arith.constant 0 : i32
      %dma_start3A_488 = tpu.memref_slice %arg8[%dma_start3A_486, %dma_start3A_487] : memref<10240x16xf32, #tpu.memory_space<vmem_shared>> -> memref<10240x16xf32, #tpu.memory_space<vmem_shared>>
      %dma_start3A_489 = tpu.memref_slice %arg15[%select_n3A_291] : memref<2x!tpu.dma_semaphore, #tpu.memory_space<semaphore_mem>> -> memref<1x!tpu.dma_semaphore, #tpu.memory_space<semaphore_mem>>
      %dma_start3A_490 = tpu.memref_squeeze %dma_start3A_489 : memref<1x!tpu.dma_semaphore, #tpu.memory_space<semaphore_mem>> -> memref<!tpu.dma_semaphore, #tpu.memory_space<semaphore_mem>>
      tpu.enqueue_indirect_dma source(%dma_start3A_482 : memref<128x16xf32, #tpu.memory_space<vmem>>) target(%dma_start3A_488 : memref<10240x16xf32, #tpu.memory_space<vmem_shared>>) offsets(%dma_start3A_485 : memref<128xi32, #tpu.memory_space<vmem>>) semaphore(%dma_start3A_490 : memref<!tpu.dma_semaphore, #tpu.memory_space<semaphore_mem>>) {add = true}
      %mul3A_491 = arith.constant 8 : i32
      %mul3A_492 = arith.muli %scan3A_281, %mul3A_491 : i32
      %add3A_493 = arith.constant 2 : i32
      %add3A_494 = arith.addi %mul3A_492, %add3A_493 : i32
      %dma_start3A_495 = arith.constant 2 : i32
      %dma_start3A_496 = arith.constant 0 : i32
      %dma_start3A_497 = arith.constant 0 : i32
      %dma_start3A_498 = tpu.memref_slice %arg11[%select_n3A_291, %dma_start3A_495, %dma_start3A_496, %dma_start3A_497] : memref<2x8x128x16xf32, #tpu.memory_space<vmem>> -> memref<1x1x128x16xf32, #tpu.memory_space<vmem>>
      %dma_start3A_499 = tpu.memref_squeeze %dma_start3A_498 : memref<1x1x128x16xf32, #tpu.memory_space<vmem>> -> memref<128x16xf32, #tpu.memory_space<vmem>>
      %dma_start3A_500 = arith.constant 0 : i32
      %dma_start3A_501 = tpu.memref_slice %arg13[%add3A_494, %dma_start3A_500] : memref<80x128xi32, #tpu.memory_space<vmem>> -> memref<1x128xi32, #tpu.memory_space<vmem>>
      %dma_start3A_502 = tpu.memref_squeeze %dma_start3A_501 : memref<1x128xi32, #tpu.memory_space<vmem>> -> memref<128xi32, #tpu.memory_space<vmem>>
      %dma_start3A_503 = arith.constant 0 : i32
      %dma_start3A_504 = arith.constant 0 : i32
      %dma_start3A_505 = tpu.memref_slice %arg8[%dma_start3A_503, %dma_start3A_504] : memref<10240x16xf32, #tpu.memory_space<vmem_shared>> -> memref<10240x16xf32, #tpu.memory_space<vmem_shared>>
      %dma_start3A_506 = tpu.memref_slice %arg15[%select_n3A_291] : memref<2x!tpu.dma_semaphore, #tpu.memory_space<semaphore_mem>> -> memref<1x!tpu.dma_semaphore, #tpu.memory_space<semaphore_mem>>
      %dma_start3A_507 = tpu.memref_squeeze %dma_start3A_506 : memref<1x!tpu.dma_semaphore, #tpu.memory_space<semaphore_mem>> -> memref<!tpu.dma_semaphore, #tpu.memory_space<semaphore_mem>>
      tpu.enqueue_indirect_dma source(%dma_start3A_499 : memref<128x16xf32, #tpu.memory_space<vmem>>) target(%dma_start3A_505 : memref<10240x16xf32, #tpu.memory_space<vmem_shared>>) offsets(%dma_start3A_502 : memref<128xi32, #tpu.memory_space<vmem>>) semaphore(%dma_start3A_507 : memref<!tpu.dma_semaphore, #tpu.memory_space<semaphore_mem>>) {add = true}
      %mul3A_508 = arith.constant 8 : i32
      %mul3A_509 = arith.muli %scan3A_281, %mul3A_508 : i32
      %add3A_510 = arith.constant 3 : i32
      %add3A_511 = arith.addi %mul3A_509, %add3A_510 : i32
      %dma_start3A_512 = arith.constant 3 : i32
      %dma_start3A_513 = arith.constant 0 : i32
      %dma_start3A_514 = arith.constant 0 : i32
      %dma_start3A_515 = tpu.memref_slice %arg11[%select_n3A_291, %dma_start3A_512, %dma_start3A_513, %dma_start3A_514] : memref<2x8x128x16xf32, #tpu.memory_space<vmem>> -> memref<1x1x128x16xf32, #tpu.memory_space<vmem>>
      %dma_start3A_516 = tpu.memref_squeeze %dma_start3A_515 : memref<1x1x128x16xf32, #tpu.memory_space<vmem>> -> memref<128x16xf32, #tpu.memory_space<vmem>>
      %dma_start3A_517 = arith.constant 0 : i32
      %dma_start3A_518 = tpu.memref_slice %arg13[%add3A_511, %dma_start3A_517] : memref<80x128xi32, #tpu.memory_space<vmem>> -> memref<1x128xi32, #tpu.memory_space<vmem>>
      %dma_start3A_519 = tpu.memref_squeeze %dma_start3A_518 : memref<1x128xi32, #tpu.memory_space<vmem>> -> memref<128xi32, #tpu.memory_space<vmem>>
      %dma_start3A_520 = arith.constant 0 : i32
      %dma_start3A_521 = arith.constant 0 : i32
      %dma_start3A_522 = tpu.memref_slice %arg8[%dma_start3A_520, %dma_start3A_521] : memref<10240x16xf32, #tpu.memory_space<vmem_shared>> -> memref<10240x16xf32, #tpu.memory_space<vmem_shared>>
      %dma_start3A_523 = tpu.memref_slice %arg15[%select_n3A_291] : memref<2x!tpu.dma_semaphore, #tpu.memory_space<semaphore_mem>> -> memref<1x!tpu.dma_semaphore, #tpu.memory_space<semaphore_mem>>
      %dma_start3A_524 = tpu.memref_squeeze %dma_start3A_523 : memref<1x!tpu.dma_semaphore, #tpu.memory_space<semaphore_mem>> -> memref<!tpu.dma_semaphore, #tpu.memory_space<semaphore_mem>>
      tpu.enqueue_indirect_dma source(%dma_start3A_516 : memref<128x16xf32, #tpu.memory_space<vmem>>) target(%dma_start3A_522 : memref<10240x16xf32, #tpu.memory_space<vmem_shared>>) offsets(%dma_start3A_519 : memref<128xi32, #tpu.memory_space<vmem>>) semaphore(%dma_start3A_524 : memref<!tpu.dma_semaphore, #tpu.memory_space<semaphore_mem>>) {add = true}
      %mul3A_525 = arith.constant 8 : i32
      %mul3A_526 = arith.muli %scan3A_281, %mul3A_525 : i32
      %add3A_527 = arith.constant 4 : i32
      %add3A_528 = arith.addi %mul3A_526, %add3A_527 : i32
      %dma_start3A_529 = arith.constant 4 : i32
      %dma_start3A_530 = arith.constant 0 : i32
      %dma_start3A_531 = arith.constant 0 : i32
      %dma_start3A_532 = tpu.memref_slice %arg11[%select_n3A_291, %dma_start3A_529, %dma_start3A_530, %dma_start3A_531] : memref<2x8x128x16xf32, #tpu.memory_space<vmem>> -> memref<1x1x128x16xf32, #tpu.memory_space<vmem>>
      %dma_start3A_533 = tpu.memref_squeeze %dma_start3A_532 : memref<1x1x128x16xf32, #tpu.memory_space<vmem>> -> memref<128x16xf32, #tpu.memory_space<vmem>>
      %dma_start3A_534 = arith.constant 0 : i32
      %dma_start3A_535 = tpu.memref_slice %arg13[%add3A_528, %dma_start3A_534] : memref<80x128xi32, #tpu.memory_space<vmem>> -> memref<1x128xi32, #tpu.memory_space<vmem>>
      %dma_start3A_536 = tpu.memref_squeeze %dma_start3A_535 : memref<1x128xi32, #tpu.memory_space<vmem>> -> memref<128xi32, #tpu.memory_space<vmem>>
      %dma_start3A_537 = arith.constant 0 : i32
      %dma_start3A_538 = arith.constant 0 : i32
      %dma_start3A_539 = tpu.memref_slice %arg8[%dma_start3A_537, %dma_start3A_538] : memref<10240x16xf32, #tpu.memory_space<vmem_shared>> -> memref<10240x16xf32, #tpu.memory_space<vmem_shared>>
      %dma_start3A_540 = tpu.memref_slice %arg15[%select_n3A_291] : memref<2x!tpu.dma_semaphore, #tpu.memory_space<semaphore_mem>> -> memref<1x!tpu.dma_semaphore, #tpu.memory_space<semaphore_mem>>
      %dma_start3A_541 = tpu.memref_squeeze %dma_start3A_540 : memref<1x!tpu.dma_semaphore, #tpu.memory_space<semaphore_mem>> -> memref<!tpu.dma_semaphore, #tpu.memory_space<semaphore_mem>>
      tpu.enqueue_indirect_dma source(%dma_start3A_533 : memref<128x16xf32, #tpu.memory_space<vmem>>) target(%dma_start3A_539 : memref<10240x16xf32, #tpu.memory_space<vmem_shared>>) offsets(%dma_start3A_536 : memref<128xi32, #tpu.memory_space<vmem>>) semaphore(%dma_start3A_541 : memref<!tpu.dma_semaphore, #tpu.memory_space<semaphore_mem>>) {add = true}
      %mul3A_542 = arith.constant 8 : i32
      %mul3A_543 = arith.muli %scan3A_281, %mul3A_542 : i32
      %add3A_544 = arith.constant 5 : i32
      %add3A_545 = arith.addi %mul3A_543, %add3A_544 : i32
      %dma_start3A_546 = arith.constant 5 : i32
      %dma_start3A_547 = arith.constant 0 : i32
      %dma_start3A_548 = arith.constant 0 : i32
      %dma_start3A_549 = tpu.memref_slice %arg11[%select_n3A_291, %dma_start3A_546, %dma_start3A_547, %dma_start3A_548] : memref<2x8x128x16xf32, #tpu.memory_space<vmem>> -> memref<1x1x128x16xf32, #tpu.memory_space<vmem>>
      %dma_start3A_550 = tpu.memref_squeeze %dma_start3A_549 : memref<1x1x128x16xf32, #tpu.memory_space<vmem>> -> memref<128x16xf32, #tpu.memory_space<vmem>>
      %dma_start3A_551 = arith.constant 0 : i32
      %dma_start3A_552 = tpu.memref_slice %arg13[%add3A_545, %dma_start3A_551] : memref<80x128xi32, #tpu.memory_space<vmem>> -> memref<1x128xi32, #tpu.memory_space<vmem>>
      %dma_start3A_553 = tpu.memref_squeeze %dma_start3A_552 : memref<1x128xi32, #tpu.memory_space<vmem>> -> memref<128xi32, #tpu.memory_space<vmem>>
      %dma_start3A_554 = arith.constant 0 : i32
      %dma_start3A_555 = arith.constant 0 : i32
      %dma_start3A_556 = tpu.memref_slice %arg8[%dma_start3A_554, %dma_start3A_555] : memref<10240x16xf32, #tpu.memory_space<vmem_shared>> -> memref<10240x16xf32, #tpu.memory_space<vmem_shared>>
      %dma_start3A_557 = tpu.memref_slice %arg15[%select_n3A_291] : memref<2x!tpu.dma_semaphore, #tpu.memory_space<semaphore_mem>> -> memref<1x!tpu.dma_semaphore, #tpu.memory_space<semaphore_mem>>
      %dma_start3A_558 = tpu.memref_squeeze %dma_start3A_557 : memref<1x!tpu.dma_semaphore, #tpu.memory_space<semaphore_mem>> -> memref<!tpu.dma_semaphore, #tpu.memory_space<semaphore_mem>>
      tpu.enqueue_indirect_dma source(%dma_start3A_550 : memref<128x16xf32, #tpu.memory_space<vmem>>) target(%dma_start3A_556 : memref<10240x16xf32, #tpu.memory_space<vmem_shared>>) offsets(%dma_start3A_553 : memref<128xi32, #tpu.memory_space<vmem>>) semaphore(%dma_start3A_558 : memref<!tpu.dma_semaphore, #tpu.memory_space<semaphore_mem>>) {add = true}
      %mul3A_559 = arith.constant 8 : i32
      %mul3A_560 = arith.muli %scan3A_281, %mul3A_559 : i32
      %add3A_561 = arith.constant 6 : i32
      %add3A_562 = arith.addi %mul3A_560, %add3A_561 : i32
      %dma_start3A_563 = arith.constant 6 : i32
      %dma_start3A_564 = arith.constant 0 : i32
      %dma_start3A_565 = arith.constant 0 : i32
      %dma_start3A_566 = tpu.memref_slice %arg11[%select_n3A_291, %dma_start3A_563, %dma_start3A_564, %dma_start3A_565] : memref<2x8x128x16xf32, #tpu.memory_space<vmem>> -> memref<1x1x128x16xf32, #tpu.memory_space<vmem>>
      %dma_start3A_567 = tpu.memref_squeeze %dma_start3A_566 : memref<1x1x128x16xf32, #tpu.memory_space<vmem>> -> memref<128x16xf32, #tpu.memory_space<vmem>>
      %dma_start3A_568 = arith.constant 0 : i32
      %dma_start3A_569 = tpu.memref_slice %arg13[%add3A_562, %dma_start3A_568] : memref<80x128xi32, #tpu.memory_space<vmem>> -> memref<1x128xi32, #tpu.memory_space<vmem>>
      %dma_start3A_570 = tpu.memref_squeeze %dma_start3A_569 : memref<1x128xi32, #tpu.memory_space<vmem>> -> memref<128xi32, #tpu.memory_space<vmem>>
      %dma_start3A_571 = arith.constant 0 : i32
      %dma_start3A_572 = arith.constant 0 : i32
      %dma_start3A_573 = tpu.memref_slice %arg8[%dma_start3A_571, %dma_start3A_572] : memref<10240x16xf32, #tpu.memory_space<vmem_shared>> -> memref<10240x16xf32, #tpu.memory_space<vmem_shared>>
      %dma_start3A_574 = tpu.memref_slice %arg15[%select_n3A_291] : memref<2x!tpu.dma_semaphore, #tpu.memory_space<semaphore_mem>> -> memref<1x!tpu.dma_semaphore, #tpu.memory_space<semaphore_mem>>
      %dma_start3A_575 = tpu.memref_squeeze %dma_start3A_574 : memref<1x!tpu.dma_semaphore, #tpu.memory_space<semaphore_mem>> -> memref<!tpu.dma_semaphore, #tpu.memory_space<semaphore_mem>>
      tpu.enqueue_indirect_dma source(%dma_start3A_567 : memref<128x16xf32, #tpu.memory_space<vmem>>) target(%dma_start3A_573 : memref<10240x16xf32, #tpu.memory_space<vmem_shared>>) offsets(%dma_start3A_570 : memref<128xi32, #tpu.memory_space<vmem>>) semaphore(%dma_start3A_575 : memref<!tpu.dma_semaphore, #tpu.memory_space<semaphore_mem>>) {add = true}
      %mul3A_576 = arith.constant 8 : i32
      %mul3A_577 = arith.muli %scan3A_281, %mul3A_576 : i32
      %add3A_578 = arith.constant 7 : i32
      %add3A_579 = arith.addi %mul3A_577, %add3A_578 : i32
      %dma_start3A_580 = arith.constant 7 : i32
      %dma_start3A_581 = arith.constant 0 : i32
      %dma_start3A_582 = arith.constant 0 : i32
      %dma_start3A_583 = tpu.memref_slice %arg11[%select_n3A_291, %dma_start3A_580, %dma_start3A_581, %dma_start3A_582] : memref<2x8x128x16xf32, #tpu.memory_space<vmem>> -> memref<1x1x128x16xf32, #tpu.memory_space<vmem>>
      %dma_start3A_584 = tpu.memref_squeeze %dma_start3A_583 : memref<1x1x128x16xf32, #tpu.memory_space<vmem>> -> memref<128x16xf32, #tpu.memory_space<vmem>>
      %dma_start3A_585 = arith.constant 0 : i32
      %dma_start3A_586 = tpu.memref_slice %arg13[%add3A_579, %dma_start3A_585] : memref<80x128xi32, #tpu.memory_space<vmem>> -> memref<1x128xi32, #tpu.memory_space<vmem>>
      %dma_start3A_587 = tpu.memref_squeeze %dma_start3A_586 : memref<1x128xi32, #tpu.memory_space<vmem>> -> memref<128xi32, #tpu.memory_space<vmem>>
      %dma_start3A_588 = arith.constant 0 : i32
      %dma_start3A_589 = arith.constant 0 : i32
      %dma_start3A_590 = tpu.memref_slice %arg8[%dma_start3A_588, %dma_start3A_589] : memref<10240x16xf32, #tpu.memory_space<vmem_shared>> -> memref<10240x16xf32, #tpu.memory_space<vmem_shared>>
      %dma_start3A_591 = tpu.memref_slice %arg15[%select_n3A_291] : memref<2x!tpu.dma_semaphore, #tpu.memory_space<semaphore_mem>> -> memref<1x!tpu.dma_semaphore, #tpu.memory_space<semaphore_mem>>
      %dma_start3A_592 = tpu.memref_squeeze %dma_start3A_591 : memref<1x!tpu.dma_semaphore, #tpu.memory_space<semaphore_mem>> -> memref<!tpu.dma_semaphore, #tpu.memory_space<semaphore_mem>>
      tpu.enqueue_indirect_dma source(%dma_start3A_584 : memref<128x16xf32, #tpu.memory_space<vmem>>) target(%dma_start3A_590 : memref<10240x16xf32, #tpu.memory_space<vmem_shared>>) offsets(%dma_start3A_587 : memref<128xi32, #tpu.memory_space<vmem>>) semaphore(%dma_start3A_592 : memref<!tpu.dma_semaphore, #tpu.memory_space<semaphore_mem>>) {add = true}
    }
    %scan3A_148 = arith.constant 10 : i32
    %dma_wait3A = arith.constant 1 : i32
    %dma_wait3A_149 = arith.constant 0 : i32
    %dma_wait3A_150 = arith.constant 72 : i32
    %dma_wait3A_151 = arith.constant 1 : i32
    %dma_wait3A_152 = arith.constant 0 : i32
    %dma_wait3A_153 = arith.constant 0 : i32
    %dma_wait3A_154 = tpu.memref_slice %arg11[%dma_wait3A, %dma_wait3A_149, %dma_wait3A_152, %dma_wait3A_153] : memref<2x8x128x16xf32, #tpu.memory_space<vmem>> -> memref<1x1x128x16xf32, #tpu.memory_space<vmem>>
    %dma_wait3A_155 = tpu.memref_squeeze %dma_wait3A_154 : memref<1x1x128x16xf32, #tpu.memory_space<vmem>> -> memref<128x16xf32, #tpu.memory_space<vmem>>
    %dma_wait3A_156 = arith.constant 0 : i32
    %dma_wait3A_157 = tpu.memref_slice %arg13[%dma_wait3A_150, %dma_wait3A_156] : memref<80x128xi32, #tpu.memory_space<vmem>> -> memref<1x128xi32, #tpu.memory_space<vmem>>
    %dma_wait3A_158 = tpu.memref_squeeze %dma_wait3A_157 : memref<1x128xi32, #tpu.memory_space<vmem>> -> memref<128xi32, #tpu.memory_space<vmem>>
    %dma_wait3A_159 = arith.constant 0 : i32
    %dma_wait3A_160 = arith.constant 0 : i32
    %dma_wait3A_161 = tpu.memref_slice %arg8[%dma_wait3A_159, %dma_wait3A_160] : memref<10240x16xf32, #tpu.memory_space<vmem_shared>> -> memref<10240x16xf32, #tpu.memory_space<vmem_shared>>
    %dma_wait3A_162 = tpu.memref_slice %arg15[%dma_wait3A_151] : memref<2x!tpu.dma_semaphore, #tpu.memory_space<semaphore_mem>> -> memref<1x!tpu.dma_semaphore, #tpu.memory_space<semaphore_mem>>
    %dma_wait3A_163 = tpu.memref_squeeze %dma_wait3A_162 : memref<1x!tpu.dma_semaphore, #tpu.memory_space<semaphore_mem>> -> memref<!tpu.dma_semaphore, #tpu.memory_space<semaphore_mem>>
    tpu.wait_indirect_dma semaphore(%dma_wait3A_163 : memref<!tpu.dma_semaphore, #tpu.memory_space<semaphore_mem>>) src(%dma_wait3A_155 : memref<128x16xf32, #tpu.memory_space<vmem>>) dst(%dma_wait3A_161 : memref<10240x16xf32, #tpu.memory_space<vmem_shared>>)
    %dma_wait3A_164 = arith.constant 1 : i32
    %dma_wait3A_165 = arith.constant 1 : i32
    %dma_wait3A_166 = arith.constant 73 : i32
    %dma_wait3A_167 = arith.constant 1 : i32
    %dma_wait3A_168 = arith.constant 0 : i32
    %dma_wait3A_169 = arith.constant 0 : i32
    %dma_wait3A_170 = tpu.memref_slice %arg11[%dma_wait3A_164, %dma_wait3A_165, %dma_wait3A_168, %dma_wait3A_169] : memref<2x8x128x16xf32, #tpu.memory_space<vmem>> -> memref<1x1x128x16xf32, #tpu.memory_space<vmem>>
    %dma_wait3A_171 = tpu.memref_squeeze %dma_wait3A_170 : memref<1x1x128x16xf32, #tpu.memory_space<vmem>> -> memref<128x16xf32, #tpu.memory_space<vmem>>
    %dma_wait3A_172 = arith.constant 0 : i32
    %dma_wait3A_173 = tpu.memref_slice %arg13[%dma_wait3A_166, %dma_wait3A_172] : memref<80x128xi32, #tpu.memory_space<vmem>> -> memref<1x128xi32, #tpu.memory_space<vmem>>
    %dma_wait3A_174 = tpu.memref_squeeze %dma_wait3A_173 : memref<1x128xi32, #tpu.memory_space<vmem>> -> memref<128xi32, #tpu.memory_space<vmem>>
    %dma_wait3A_175 = arith.constant 0 : i32
    %dma_wait3A_176 = arith.constant 0 : i32
    %dma_wait3A_177 = tpu.memref_slice %arg8[%dma_wait3A_175, %dma_wait3A_176] : memref<10240x16xf32, #tpu.memory_space<vmem_shared>> -> memref<10240x16xf32, #tpu.memory_space<vmem_shared>>
    %dma_wait3A_178 = tpu.memref_slice %arg15[%dma_wait3A_167] : memref<2x!tpu.dma_semaphore, #tpu.memory_space<semaphore_mem>> -> memref<1x!tpu.dma_semaphore, #tpu.memory_space<semaphore_mem>>
    %dma_wait3A_179 = tpu.memref_squeeze %dma_wait3A_178 : memref<1x!tpu.dma_semaphore, #tpu.memory_space<semaphore_mem>> -> memref<!tpu.dma_semaphore, #tpu.memory_space<semaphore_mem>>
    tpu.wait_indirect_dma semaphore(%dma_wait3A_179 : memref<!tpu.dma_semaphore, #tpu.memory_space<semaphore_mem>>) src(%dma_wait3A_171 : memref<128x16xf32, #tpu.memory_space<vmem>>) dst(%dma_wait3A_177 : memref<10240x16xf32, #tpu.memory_space<vmem_shared>>)
    %dma_wait3A_180 = arith.constant 1 : i32
    %dma_wait3A_181 = arith.constant 2 : i32
    %dma_wait3A_182 = arith.constant 74 : i32
    %dma_wait3A_183 = arith.constant 1 : i32
    %dma_wait3A_184 = arith.constant 0 : i32
    %dma_wait3A_185 = arith.constant 0 : i32
    %dma_wait3A_186 = tpu.memref_slice %arg11[%dma_wait3A_180, %dma_wait3A_181, %dma_wait3A_184, %dma_wait3A_185] : memref<2x8x128x16xf32, #tpu.memory_space<vmem>> -> memref<1x1x128x16xf32, #tpu.memory_space<vmem>>
    %dma_wait3A_187 = tpu.memref_squeeze %dma_wait3A_186 : memref<1x1x128x16xf32, #tpu.memory_space<vmem>> -> memref<128x16xf32, #tpu.memory_space<vmem>>
    %dma_wait3A_188 = arith.constant 0 : i32
    %dma_wait3A_189 = tpu.memref_slice %arg13[%dma_wait3A_182, %dma_wait3A_188] : memref<80x128xi32, #tpu.memory_space<vmem>> -> memref<1x128xi32, #tpu.memory_space<vmem>>
    %dma_wait3A_190 = tpu.memref_squeeze %dma_wait3A_189 : memref<1x128xi32, #tpu.memory_space<vmem>> -> memref<128xi32, #tpu.memory_space<vmem>>
    %dma_wait3A_191 = arith.constant 0 : i32
    %dma_wait3A_192 = arith.constant 0 : i32
    %dma_wait3A_193 = tpu.memref_slice %arg8[%dma_wait3A_191, %dma_wait3A_192] : memref<10240x16xf32, #tpu.memory_space<vmem_shared>> -> memref<10240x16xf32, #tpu.memory_space<vmem_shared>>
    %dma_wait3A_194 = tpu.memref_slice %arg15[%dma_wait3A_183] : memref<2x!tpu.dma_semaphore, #tpu.memory_space<semaphore_mem>> -> memref<1x!tpu.dma_semaphore, #tpu.memory_space<semaphore_mem>>
    %dma_wait3A_195 = tpu.memref_squeeze %dma_wait3A_194 : memref<1x!tpu.dma_semaphore, #tpu.memory_space<semaphore_mem>> -> memref<!tpu.dma_semaphore, #tpu.memory_space<semaphore_mem>>
    tpu.wait_indirect_dma semaphore(%dma_wait3A_195 : memref<!tpu.dma_semaphore, #tpu.memory_space<semaphore_mem>>) src(%dma_wait3A_187 : memref<128x16xf32, #tpu.memory_space<vmem>>) dst(%dma_wait3A_193 : memref<10240x16xf32, #tpu.memory_space<vmem_shared>>)
    %dma_wait3A_196 = arith.constant 1 : i32
    %dma_wait3A_197 = arith.constant 3 : i32
    %dma_wait3A_198 = arith.constant 75 : i32
    %dma_wait3A_199 = arith.constant 1 : i32
    %dma_wait3A_200 = arith.constant 0 : i32
    %dma_wait3A_201 = arith.constant 0 : i32
    %dma_wait3A_202 = tpu.memref_slice %arg11[%dma_wait3A_196, %dma_wait3A_197, %dma_wait3A_200, %dma_wait3A_201] : memref<2x8x128x16xf32, #tpu.memory_space<vmem>> -> memref<1x1x128x16xf32, #tpu.memory_space<vmem>>
    %dma_wait3A_203 = tpu.memref_squeeze %dma_wait3A_202 : memref<1x1x128x16xf32, #tpu.memory_space<vmem>> -> memref<128x16xf32, #tpu.memory_space<vmem>>
    %dma_wait3A_204 = arith.constant 0 : i32
    %dma_wait3A_205 = tpu.memref_slice %arg13[%dma_wait3A_198, %dma_wait3A_204] : memref<80x128xi32, #tpu.memory_space<vmem>> -> memref<1x128xi32, #tpu.memory_space<vmem>>
    %dma_wait3A_206 = tpu.memref_squeeze %dma_wait3A_205 : memref<1x128xi32, #tpu.memory_space<vmem>> -> memref<128xi32, #tpu.memory_space<vmem>>
    %dma_wait3A_207 = arith.constant 0 : i32
    %dma_wait3A_208 = arith.constant 0 : i32
    %dma_wait3A_209 = tpu.memref_slice %arg8[%dma_wait3A_207, %dma_wait3A_208] : memref<10240x16xf32, #tpu.memory_space<vmem_shared>> -> memref<10240x16xf32, #tpu.memory_space<vmem_shared>>
    %dma_wait3A_210 = tpu.memref_slice %arg15[%dma_wait3A_199] : memref<2x!tpu.dma_semaphore, #tpu.memory_space<semaphore_mem>> -> memref<1x!tpu.dma_semaphore, #tpu.memory_space<semaphore_mem>>
    %dma_wait3A_211 = tpu.memref_squeeze %dma_wait3A_210 : memref<1x!tpu.dma_semaphore, #tpu.memory_space<semaphore_mem>> -> memref<!tpu.dma_semaphore, #tpu.memory_space<semaphore_mem>>
    tpu.wait_indirect_dma semaphore(%dma_wait3A_211 : memref<!tpu.dma_semaphore, #tpu.memory_space<semaphore_mem>>) src(%dma_wait3A_203 : memref<128x16xf32, #tpu.memory_space<vmem>>) dst(%dma_wait3A_209 : memref<10240x16xf32, #tpu.memory_space<vmem_shared>>)
    %dma_wait3A_212 = arith.constant 1 : i32
    %dma_wait3A_213 = arith.constant 4 : i32
    %dma_wait3A_214 = arith.constant 76 : i32
    %dma_wait3A_215 = arith.constant 1 : i32
    %dma_wait3A_216 = arith.constant 0 : i32
    %dma_wait3A_217 = arith.constant 0 : i32
    %dma_wait3A_218 = tpu.memref_slice %arg11[%dma_wait3A_212, %dma_wait3A_213, %dma_wait3A_216, %dma_wait3A_217] : memref<2x8x128x16xf32, #tpu.memory_space<vmem>> -> memref<1x1x128x16xf32, #tpu.memory_space<vmem>>
    %dma_wait3A_219 = tpu.memref_squeeze %dma_wait3A_218 : memref<1x1x128x16xf32, #tpu.memory_space<vmem>> -> memref<128x16xf32, #tpu.memory_space<vmem>>
    %dma_wait3A_220 = arith.constant 0 : i32
    %dma_wait3A_221 = tpu.memref_slice %arg13[%dma_wait3A_214, %dma_wait3A_220] : memref<80x128xi32, #tpu.memory_space<vmem>> -> memref<1x128xi32, #tpu.memory_space<vmem>>
    %dma_wait3A_222 = tpu.memref_squeeze %dma_wait3A_221 : memref<1x128xi32, #tpu.memory_space<vmem>> -> memref<128xi32, #tpu.memory_space<vmem>>
    %dma_wait3A_223 = arith.constant 0 : i32
    %dma_wait3A_224 = arith.constant 0 : i32
    %dma_wait3A_225 = tpu.memref_slice %arg8[%dma_wait3A_223, %dma_wait3A_224] : memref<10240x16xf32, #tpu.memory_space<vmem_shared>> -> memref<10240x16xf32, #tpu.memory_space<vmem_shared>>
    %dma_wait3A_226 = tpu.memref_slice %arg15[%dma_wait3A_215] : memref<2x!tpu.dma_semaphore, #tpu.memory_space<semaphore_mem>> -> memref<1x!tpu.dma_semaphore, #tpu.memory_space<semaphore_mem>>
    %dma_wait3A_227 = tpu.memref_squeeze %dma_wait3A_226 : memref<1x!tpu.dma_semaphore, #tpu.memory_space<semaphore_mem>> -> memref<!tpu.dma_semaphore, #tpu.memory_space<semaphore_mem>>
    tpu.wait_indirect_dma semaphore(%dma_wait3A_227 : memref<!tpu.dma_semaphore, #tpu.memory_space<semaphore_mem>>) src(%dma_wait3A_219 : memref<128x16xf32, #tpu.memory_space<vmem>>) dst(%dma_wait3A_225 : memref<10240x16xf32, #tpu.memory_space<vmem_shared>>)
    %dma_wait3A_228 = arith.constant 1 : i32
    %dma_wait3A_229 = arith.constant 5 : i32
    %dma_wait3A_230 = arith.constant 77 : i32
    %dma_wait3A_231 = arith.constant 1 : i32
    %dma_wait3A_232 = arith.constant 0 : i32
    %dma_wait3A_233 = arith.constant 0 : i32
    %dma_wait3A_234 = tpu.memref_slice %arg11[%dma_wait3A_228, %dma_wait3A_229, %dma_wait3A_232, %dma_wait3A_233] : memref<2x8x128x16xf32, #tpu.memory_space<vmem>> -> memref<1x1x128x16xf32, #tpu.memory_space<vmem>>
    %dma_wait3A_235 = tpu.memref_squeeze %dma_wait3A_234 : memref<1x1x128x16xf32, #tpu.memory_space<vmem>> -> memref<128x16xf32, #tpu.memory_space<vmem>>
    %dma_wait3A_236 = arith.constant 0 : i32
    %dma_wait3A_237 = tpu.memref_slice %arg13[%dma_wait3A_230, %dma_wait3A_236] : memref<80x128xi32, #tpu.memory_space<vmem>> -> memref<1x128xi32, #tpu.memory_space<vmem>>
    %dma_wait3A_238 = tpu.memref_squeeze %dma_wait3A_237 : memref<1x128xi32, #tpu.memory_space<vmem>> -> memref<128xi32, #tpu.memory_space<vmem>>
    %dma_wait3A_239 = arith.constant 0 : i32
    %dma_wait3A_240 = arith.constant 0 : i32
    %dma_wait3A_241 = tpu.memref_slice %arg8[%dma_wait3A_239, %dma_wait3A_240] : memref<10240x16xf32, #tpu.memory_space<vmem_shared>> -> memref<10240x16xf32, #tpu.memory_space<vmem_shared>>
    %dma_wait3A_242 = tpu.memref_slice %arg15[%dma_wait3A_231] : memref<2x!tpu.dma_semaphore, #tpu.memory_space<semaphore_mem>> -> memref<1x!tpu.dma_semaphore, #tpu.memory_space<semaphore_mem>>
    %dma_wait3A_243 = tpu.memref_squeeze %dma_wait3A_242 : memref<1x!tpu.dma_semaphore, #tpu.memory_space<semaphore_mem>> -> memref<!tpu.dma_semaphore, #tpu.memory_space<semaphore_mem>>
    tpu.wait_indirect_dma semaphore(%dma_wait3A_243 : memref<!tpu.dma_semaphore, #tpu.memory_space<semaphore_mem>>) src(%dma_wait3A_235 : memref<128x16xf32, #tpu.memory_space<vmem>>) dst(%dma_wait3A_241 : memref<10240x16xf32, #tpu.memory_space<vmem_shared>>)
    %dma_wait3A_244 = arith.constant 1 : i32
    %dma_wait3A_245 = arith.constant 6 : i32
    %dma_wait3A_246 = arith.constant 78 : i32
    %dma_wait3A_247 = arith.constant 1 : i32
    %dma_wait3A_248 = arith.constant 0 : i32
    %dma_wait3A_249 = arith.constant 0 : i32
    %dma_wait3A_250 = tpu.memref_slice %arg11[%dma_wait3A_244, %dma_wait3A_245, %dma_wait3A_248, %dma_wait3A_249] : memref<2x8x128x16xf32, #tpu.memory_space<vmem>> -> memref<1x1x128x16xf32, #tpu.memory_space<vmem>>
    %dma_wait3A_251 = tpu.memref_squeeze %dma_wait3A_250 : memref<1x1x128x16xf32, #tpu.memory_space<vmem>> -> memref<128x16xf32, #tpu.memory_space<vmem>>
    %dma_wait3A_252 = arith.constant 0 : i32
    %dma_wait3A_253 = tpu.memref_slice %arg13[%dma_wait3A_246, %dma_wait3A_252] : memref<80x128xi32, #tpu.memory_space<vmem>> -> memref<1x128xi32, #tpu.memory_space<vmem>>
    %dma_wait3A_254 = tpu.memref_squeeze %dma_wait3A_253 : memref<1x128xi32, #tpu.memory_space<vmem>> -> memref<128xi32, #tpu.memory_space<vmem>>
    %dma_wait3A_255 = arith.constant 0 : i32
    %dma_wait3A_256 = arith.constant 0 : i32
    %dma_wait3A_257 = tpu.memref_slice %arg8[%dma_wait3A_255, %dma_wait3A_256] : memref<10240x16xf32, #tpu.memory_space<vmem_shared>> -> memref<10240x16xf32, #tpu.memory_space<vmem_shared>>
    %dma_wait3A_258 = tpu.memref_slice %arg15[%dma_wait3A_247] : memref<2x!tpu.dma_semaphore, #tpu.memory_space<semaphore_mem>> -> memref<1x!tpu.dma_semaphore, #tpu.memory_space<semaphore_mem>>
    %dma_wait3A_259 = tpu.memref_squeeze %dma_wait3A_258 : memref<1x!tpu.dma_semaphore, #tpu.memory_space<semaphore_mem>> -> memref<!tpu.dma_semaphore, #tpu.memory_space<semaphore_mem>>
    tpu.wait_indirect_dma semaphore(%dma_wait3A_259 : memref<!tpu.dma_semaphore, #tpu.memory_space<semaphore_mem>>) src(%dma_wait3A_251 : memref<128x16xf32, #tpu.memory_space<vmem>>) dst(%dma_wait3A_257 : memref<10240x16xf32, #tpu.memory_space<vmem_shared>>)
    %dma_wait3A_260 = arith.constant 1 : i32
    %dma_wait3A_261 = arith.constant 7 : i32
    %dma_wait3A_262 = arith.constant 79 : i32
    %dma_wait3A_263 = arith.constant 1 : i32
    %dma_wait3A_264 = arith.constant 0 : i32
    %dma_wait3A_265 = arith.constant 0 : i32
    %dma_wait3A_266 = tpu.memref_slice %arg11[%dma_wait3A_260, %dma_wait3A_261, %dma_wait3A_264, %dma_wait3A_265] : memref<2x8x128x16xf32, #tpu.memory_space<vmem>> -> memref<1x1x128x16xf32, #tpu.memory_space<vmem>>
    %dma_wait3A_267 = tpu.memref_squeeze %dma_wait3A_266 : memref<1x1x128x16xf32, #tpu.memory_space<vmem>> -> memref<128x16xf32, #tpu.memory_space<vmem>>
    %dma_wait3A_268 = arith.constant 0 : i32
    %dma_wait3A_269 = tpu.memref_slice %arg13[%dma_wait3A_262, %dma_wait3A_268] : memref<80x128xi32, #tpu.memory_space<vmem>> -> memref<1x128xi32, #tpu.memory_space<vmem>>
    %dma_wait3A_270 = tpu.memref_squeeze %dma_wait3A_269 : memref<1x128xi32, #tpu.memory_space<vmem>> -> memref<128xi32, #tpu.memory_space<vmem>>
    %dma_wait3A_271 = arith.constant 0 : i32
    %dma_wait3A_272 = arith.constant 0 : i32
    %dma_wait3A_273 = tpu.memref_slice %arg8[%dma_wait3A_271, %dma_wait3A_272] : memref<10240x16xf32, #tpu.memory_space<vmem_shared>> -> memref<10240x16xf32, #tpu.memory_space<vmem_shared>>
    %dma_wait3A_274 = tpu.memref_slice %arg15[%dma_wait3A_263] : memref<2x!tpu.dma_semaphore, #tpu.memory_space<semaphore_mem>> -> memref<1x!tpu.dma_semaphore, #tpu.memory_space<semaphore_mem>>
    %dma_wait3A_275 = tpu.memref_squeeze %dma_wait3A_274 : memref<1x!tpu.dma_semaphore, #tpu.memory_space<semaphore_mem>> -> memref<!tpu.dma_semaphore, #tpu.memory_space<semaphore_mem>>
    tpu.wait_indirect_dma semaphore(%dma_wait3A_275 : memref<!tpu.dma_semaphore, #tpu.memory_space<semaphore_mem>>) src(%dma_wait3A_267 : memref<128x16xf32, #tpu.memory_space<vmem>>) dst(%dma_wait3A_273 : memref<10240x16xf32, #tpu.memory_space<vmem_shared>>)
    %barrier3A_276 = arith.constant 0 : index
    tpu.barrier barrier_id(%barrier3A_276)
    %mul3A_277 = arith.constant 640 : i32
    %mul3A_278 = arith.muli %arg1, %mul3A_277 : i32
    "tpu.region"() ({
      %run_scoped3A = tpu.sem_alloc : memref<!tpu.dma_semaphore, #tpu.memory_space<semaphore_mem>>
      %dma_start3A_281 = arith.constant 0 : i32
      %dma_start3A_282 = tpu.memref_slice %arg8[%mul3A_278, %dma_start3A_281] : memref<10240x16xf32, #tpu.memory_space<vmem_shared>> -> memref<640x16xf32, #tpu.memory_space<vmem_shared>>
      %dma_start3A_283 = arith.constant 0 : i32
      %dma_start3A_284 = tpu.memref_slice %arg8[%mul3A_278, %dma_start3A_283] : memref<10240x16xf32, #tpu.memory_space<vmem_shared>> -> memref<640x16xf32, #tpu.memory_space<vmem_shared>>
      tpu.enqueue_dma source(%dma_start3A_284 : memref<640x16xf32, #tpu.memory_space<vmem_shared>>) target(%arg10 : memref<640x16xf32, #tpu.memory_space<vmem>>) target_semaphore(%run_scoped3A : memref<!tpu.dma_semaphore, #tpu.memory_space<semaphore_mem>>)
      %dma_wait3A_285 = arith.constant 0 : i32
      %dma_wait3A_286 = tpu.memref_slice %arg8[%mul3A_278, %dma_wait3A_285] : memref<10240x16xf32, #tpu.memory_space<vmem_shared>> -> memref<640x16xf32, #tpu.memory_space<vmem_shared>>
      %dma_wait3A_287 = arith.constant 0 : i32
      %dma_wait3A_288 = tpu.memref_slice %arg8[%mul3A_278, %dma_wait3A_287] : memref<10240x16xf32, #tpu.memory_space<vmem_shared>> -> memref<640x16xf32, #tpu.memory_space<vmem_shared>>
      tpu.wait_dma2 semaphore(%run_scoped3A : memref<!tpu.dma_semaphore, #tpu.memory_space<semaphore_mem>>) src(%dma_wait3A_288 : memref<640x16xf32, #tpu.memory_space<vmem_shared>>) dst(%arg10 : memref<640x16xf32, #tpu.memory_space<vmem>>)
      tpu.yield
    }) : () -> ()
    %mul3A_279 = arith.constant 640 : i32
    %mul3A_280 = arith.muli %arg1, %mul3A_279 : i32
    "tpu.region"() ({
      %run_scoped3A = tpu.sem_alloc : memref<!tpu.dma_semaphore, #tpu.memory_space<semaphore_mem>>
      %dma_start3A_281 = arith.constant 0 : i32
      %dma_start3A_282 = tpu.memref_slice %arg6[%arg0, %mul3A_280, %dma_start3A_281] : memref<2x10240x16xf32, #tpu.memory_space<hbm>> -> memref<1x640x16xf32, #tpu.memory_space<hbm>>
      %dma_start3A_283 = tpu.memref_squeeze %dma_start3A_282 : memref<1x640x16xf32, #tpu.memory_space<hbm>> -> memref<640x16xf32, #tpu.memory_space<hbm>>
      %dma_start3A_284 = arith.constant 0 : i32
      %dma_start3A_285 = tpu.memref_slice %arg6[%arg0, %mul3A_280, %dma_start3A_284] : memref<2x10240x16xf32, #tpu.memory_space<hbm>> -> memref<1x640x16xf32, #tpu.memory_space<hbm>>
      %dma_start3A_286 = tpu.memref_squeeze %dma_start3A_285 : memref<1x640x16xf32, #tpu.memory_space<hbm>> -> memref<640x16xf32, #tpu.memory_space<hbm>>
      tpu.enqueue_dma source(%arg10 : memref<640x16xf32, #tpu.memory_space<vmem>>) target(%dma_start3A_286 : memref<640x16xf32, #tpu.memory_space<hbm>>) target_semaphore(%run_scoped3A : memref<!tpu.dma_semaphore, #tpu.memory_space<semaphore_mem>>)
      %dma_wait3A_287 = arith.constant 0 : i32
      %dma_wait3A_288 = tpu.memref_slice %arg6[%arg0, %mul3A_280, %dma_wait3A_287] : memref<2x10240x16xf32, #tpu.memory_space<hbm>> -> memref<1x640x16xf32, #tpu.memory_space<hbm>>
      %dma_wait3A_289 = tpu.memref_squeeze %dma_wait3A_288 : memref<1x640x16xf32, #tpu.memory_space<hbm>> -> memref<640x16xf32, #tpu.memory_space<hbm>>
      %dma_wait3A_290 = arith.constant 0 : i32
      %dma_wait3A_291 = tpu.memref_slice %arg6[%arg0, %mul3A_280, %dma_wait3A_290] : memref<2x10240x16xf32, #tpu.memory_space<hbm>> -> memref<1x640x16xf32, #tpu.memory_space<hbm>>
      %dma_wait3A_292 = tpu.memref_squeeze %dma_wait3A_291 : memref<1x640x16xf32, #tpu.memory_space<hbm>> -> memref<640x16xf32, #tpu.memory_space<hbm>>
      tpu.wait_dma2 semaphore(%run_scoped3A : memref<!tpu.dma_semaphore, #tpu.memory_space<semaphore_mem>>) src(%arg10 : memref<640x16xf32, #tpu.memory_space<vmem>>) dst(%dma_wait3A_292 : memref<640x16xf32, #tpu.memory_space<hbm>>)
      tpu.yield
    }) : () -> ()
    return
  }
}

module attributes {stable_mosaic.version = 14 : i64} {
  func.func @body(%arg0: memref<10000x128xf32, #tpu.memory_space<vmem>>, %arg1: memref<128x16xf32, #tpu.memory_space<vmem>>, %arg2: memref<16x16xf32, #tpu.memory_space<vmem>>, %arg3: memref<10240x16xf32, #tpu.memory_space<vmem>>) attributes {dimension_semantics = [], scalar_prefetch = 0 : i64, scratch_operands = 0 : i64, tpu.core_type = #tpu.core_type<tc>} {
    %get3A = arith.constant 0 : index
    %get3A_0 = arith.constant 0 : index
    %get3A_1 = vector.load %arg1[%get3A, %get3A_0] : memref<128x16xf32, #tpu.memory_space<vmem>>, vector<128x16xf32>
    %get3A_2 = arith.constant 0 : index
    %get3A_3 = arith.constant 0 : index
    %get3A_4 = vector.load %arg2[%get3A_2, %get3A_3] : memref<16x16xf32, #tpu.memory_space<vmem>>, vector<16x16xf32>
    %dot_general3A = arith.constant dense<0.000000e+00> : vector<128x16xf32>
    %dot_general3A_5 = tpu.matmul %get3A_1, %get3A_4, %dot_general3A {dimension_numbers = #tpu.dot_dimension_numbers<[1], [0], [0], [1], [0, 0, 1, 1], [], []>, transpose_lhs_hint = false} : vector<128x16xf32>, vector<16x16xf32>, vector<128x16xf32> -> vector<128x16xf32>
    %get3A_6 = arith.constant 0 : index
    %get3A_7 = arith.constant 0 : index
    %get3A_8 = vector.load %arg0[%get3A_6, %get3A_7] : memref<10000x128xf32, #tpu.memory_space<vmem>>, vector<10000x128xf32>
    %dot_general3A_9 = arith.constant dense<0.000000e+00> : vector<10000x16xf32>
    %dot_general3A_10 = tpu.matmul %get3A_8, %dot_general3A_5, %dot_general3A_9 {dimension_numbers = #tpu.dot_dimension_numbers<[1], [0], [0], [1], [0, 0, 1, 1], [], []>, transpose_lhs_hint = false} : vector<10000x128xf32>, vector<128x16xf32>, vector<10000x16xf32> -> vector<10000x16xf32>
    %swap3A = arith.constant 0 : index
    %swap3A_11 = arith.constant 0 : index
    %swap3A_12 = vector.load %arg3[%swap3A, %swap3A_11] : memref<10240x16xf32, #tpu.memory_space<vmem>>, vector<10000x16xf32>
    tpu.vector_store %arg3[%swap3A, %swap3A_11], %dot_general3A_10 {strides = array<i32>} : memref<10240x16xf32, #tpu.memory_space<vmem>>, vector<10000x16xf32>,
    %broadcast_in_dim3A = arith.constant 0.000000e+00 : f32
    %broadcast_in_dim3A_13 = vector.broadcast %broadcast_in_dim3A : f32 to vector<240x16xf32>
    %swap3A_14 = arith.constant 10000 : index
    %swap3A_15 = arith.constant 0 : index
    %swap3A_16 = vector.load %arg3[%swap3A_14, %swap3A_15] : memref<10240x16xf32, #tpu.memory_space<vmem>>, vector<240x16xf32>
    tpu.vector_store %arg3[%swap3A_14, %swap3A_15], %broadcast_in_dim3A_13 {strides = array<i32>} : memref<10240x16xf32, #tpu.memory_space<vmem>>, vector<240x16xf32>,
    return
  }
}

module attributes {stable_mosaic.version = 14 : i64} {
  func.func @body(%arg0: memref<2x80x128xf32, #tpu.memory_space<vmem>>, %arg1: memref<80x128xf32, #tpu.memory_space<vmem>>) attributes {dimension_semantics = [], scalar_prefetch = 0 : i64, scratch_operands = 0 : i64, tpu.core_type = #tpu.core_type<tc>} {
    %get3A = arith.constant 0 : index
    %get3A_0 = arith.constant 0 : index
    %get3A_1 = arith.constant 0 : index
    %get3A_2 = vector.load %arg0[%get3A, %get3A_0, %get3A_1] : memref<2x80x128xf32, #tpu.memory_space<vmem>>, vector<1x80x128xf32>
    %get3A_3 = vector.shape_cast %get3A_2 : vector<1x80x128xf32> to vector<80x128xf32>
    %get3A_4 = arith.constant 1 : index
    %get3A_5 = arith.constant 0 : index
    %get3A_6 = arith.constant 0 : index
    %get3A_7 = vector.load %arg0[%get3A_4, %get3A_5, %get3A_6] : memref<2x80x128xf32, #tpu.memory_space<vmem>>, vector<1x80x128xf32>
    %get3A_8 = vector.shape_cast %get3A_7 : vector<1x80x128xf32> to vector<80x128xf32>
    %add3A = arith.addf %get3A_3, %get3A_8 : vector<80x128xf32>
    %add3A_9 = arith.constant 1.000000e+00 : f32
    %add3A_10 = vector.broadcast %add3A_9 : f32 to vector<80x128xf32>
    %add3A_11 = arith.addf %add3A, %add3A_10 : vector<80x128xf32>
    %rsqrt3A = math.rsqrt %add3A_11 : vector<80x128xf32>
    %swap3A = arith.constant 0 : index
    %swap3A_12 = arith.constant 0 : index
    %swap3A_13 = vector.load %arg1[%swap3A, %swap3A_12] : memref<80x128xf32, #tpu.memory_space<vmem>>, vector<80x128xf32>
    tpu.vector_store %arg1[%swap3A, %swap3A_12], %rsqrt3A {strides = array<i32>} : memref<80x128xf32, #tpu.memory_space<vmem>>, vector<80x128xf32>,
    return
  }
}

module attributes {stable_mosaic.version = 14 : i64} {
  func.func @body(%arg0: memref<10240x16xf32, #tpu.memory_space<vmem>>, %arg1: memref<2x10240x16xf32, #tpu.memory_space<vmem>>, %arg2: memref<10240x16xf32, #tpu.memory_space<vmem>>, %arg3: memref<10000x16xf32, #tpu.memory_space<vmem>>) attributes {dimension_semantics = [], scalar_prefetch = 0 : i64, scratch_operands = 0 : i64, tpu.core_type = #tpu.core_type<tc>} {
    %get3A = arith.constant 0 : index
    %get3A_0 = arith.constant 0 : index
    %get3A_1 = vector.load %arg0[%get3A, %get3A_0] : memref<10240x16xf32, #tpu.memory_space<vmem>>, vector<10000x16xf32>
    %get3A_2 = arith.constant 0 : index
    %get3A_3 = arith.constant 0 : index
    %get3A_4 = arith.constant 0 : index
    %get3A_5 = vector.load %arg1[%get3A_2, %get3A_3, %get3A_4] : memref<2x10240x16xf32, #tpu.memory_space<vmem>>, vector<1x10000x16xf32>
    %get3A_6 = vector.shape_cast %get3A_5 : vector<1x10000x16xf32> to vector<10000x16xf32>
    %get3A_7 = arith.constant 1 : index
    %get3A_8 = arith.constant 0 : index
    %get3A_9 = arith.constant 0 : index
    %get3A_10 = vector.load %arg1[%get3A_7, %get3A_8, %get3A_9] : memref<2x10240x16xf32, #tpu.memory_space<vmem>>, vector<1x10000x16xf32>
    %get3A_11 = vector.shape_cast %get3A_10 : vector<1x10000x16xf32> to vector<10000x16xf32>
    %add3A = arith.addf %get3A_6, %get3A_11 : vector<10000x16xf32>
    %get3A_12 = arith.constant 0 : index
    %get3A_13 = arith.constant 0 : index
    %get3A_14 = vector.load %arg2[%get3A_12, %get3A_13] : memref<10240x16xf32, #tpu.memory_space<vmem>>, vector<10000x16xf32>
    %sub3A = arith.subf %add3A, %get3A_14 : vector<10000x16xf32>
    %mul3A = arith.mulf %get3A_1, %sub3A : vector<10000x16xf32>
    %swap3A = arith.constant 0 : index
    %swap3A_15 = arith.constant 0 : index
    %swap3A_16 = vector.load %arg3[%swap3A, %swap3A_15] : memref<10000x16xf32, #tpu.memory_space<vmem>>, vector<10000x16xf32>
    tpu.vector_store %arg3[%swap3A, %swap3A_15], %mul3A {strides = array<i32>} : memref<10000x16xf32, #tpu.memory_space<vmem>>, vector<10000x16xf32>,
    return
  }
}

</mosaic_0001>

<sc_bundles>
// kernel: kernel.11.cloned.1.call-start
scs
__scs_entry_jumppad:
0x0: {  	(pc) =	sbr.rel $0x88, $3  }
0x1: {  	(tag) =	ssettag $0x0;
	lr =	simm.s32 $0x1  }
0x2: {  	[smem:$0x3F9D] =	sst lr;
	_ =	strace $0xD0000000  }
0x3: {  	_ = 	snop  }
0x4: {  	_ = 	snop  }
0x5: {  	_ = 	snop  }
0x6: {  	_ = 	snop  }
0x7: {  	_ = 	snop  }
__scs_overlays_trampoline_lowered:
0x8: {  	[smem:$0x3FAC] =	sst s0  }
0x9: {  	[smem:$0x3FAD] =	sst s1  }
0xa: {  	[smem:$0x3FAE] =	sst s2  }
0xb: {  	[smem:$0x3FAF] =	sst s3  }
0xc: {  	[smem:$0x3FB0] =	sst s4  }
0xd: {  	[smem:$0x3FB1] =	sst s5  }
0xe: {  	[smem:$0x3FB2] =	sst s6  }
0xf: {  	[smem:$0x3FB3] =	sst s7  }
0x10: {  	[smem:$0x3FB4] =	sst s8  }
0x11: {  	[smem:$0x3FB5] =	sst s9;
	s0 =	simm.s32 @!p0 $0x0  }
0x12: {  	s1 =	sld [smem:$0x3F9B];
	s0 =	simm.s32 @p0 $0x1  }
0x13: {  	[smem:$0x3FB6] =	sst s0;
	s0 =	simm.s32 @!p1 $0x0  }
0x14: {  	s2 =	sld [smem:$0x3F9A];
	s0 =	simm.s32 @p1 $0x1  }
0x15: {  	[smem:$0x3FB7] =	sst s0;
	s0 =	simm.s32 @!p2 $0x0  }
0x16: {  	s3 =	sld [smem:$0x3FDB];
	s0 =	simm.s32 @p2 $0x1  }
0x17: {  	s4 =	simm.s32 $0x1BF5;
	[smem:$0x3FB9] =	sst s0  }
0x18: {  	s0 =	sld [smem:$0x3F9C];
	_ =	swait.ge [sflag:s4], $0x0  }
0x19: {  	s7 =	sld [smem:$0x3F9D]  }
0x1a: {  	s8 =	sadd.s32 $0xFFFFE003, lr  }
0x1b: {  	s9 =	sadd.s32 $0xFFFFFEF7, lr;
	s5 =	simm.s32 $0xFFFFFFFF;
	p2 =	slt.u32 s8, $0xFFFFF086  }
0x1c: {  	p1 =	slt.u32 s9, $0xF7A;
	s5 =	simm.s32 @!p2 $0x0  }
0x1d: {  	s5 =	simm.s32 @p1 $0x1;
	p0 =	seq.s32 s7, s2  }
0x1e: {  	s7 =	smul.u32 @!p0 $0xF7A, s2;
	p2 =	seq.s32 @!p0 s5, $0x0  }
0x1f: {  	s9 =	smul.u32 $0xF7A, s1;
	s8 =	simm.s32 @!p0 $0x1BF5;
	p2 =	por !p2, p0  }
0x20: {  	[sflag:s8] =	ssyncset.s32 @!p0 $0xFFFFF086;
	s6 =	sadd.s32 @!p0 s3, s7;
	s7 =	simm.s32 @!p0 $0x108  }
0x21: {  	s3 =	sadd.s32 s3, s9;
	s6 =	sadd.s32 @!p0 $0x88, s6;
	s7 =	simm.s32 @p2 $0x1082  }
0x22: {  	[simem:s7], [sflag:s8] =	dma.local @!p0 [hbm:s6], $0xF7A  }
0x23: {  	s9 =	sor.u32 $0xD0000000, s2;
	s6 =	simm.s32 $0x108;
	_ =	swait.ge @!p0 [sflag:s8], $0x0  }
0x24: {  	s3 =	sadd.s32 $0x88, s3;
	s6 =	simm.s32 @!p1 $0x1082;
	[sflag:s4] =	ssyncset.s32 $0xFFFFF086  }
0x25: {  	[simem:s6], [sflag:s4] =	dma.local [hbm:s3], $0xF7A  }
0x26: {  	[smem:$0x3F9D] =	sst s1;
	(tag) =	ssettag s2;
	_ =	strace s9  }
0x27: {  	s1 =	sld [smem:$0x3FAD]  }
0x28: {  	s2 =	sld [smem:$0x3FAE]  }
0x29: {  	s4 =	sld [smem:$0x3FB0]  }
0x2a: {  	p0 =	seq.s32 s5, $0x0;
	s5 =	sld [smem:$0x3FB1]  }
0x2b: {  	s6 =	sld [smem:$0x3FB2]  }
0x2c: {  	s7 =	sld [smem:$0x3FB3]  }
0x2d: {  	s3 =	simm.s32 $0x108;
	s8 =	sld [smem:$0x3FB4]  }
0x2e: {  	s3 =	simm.s32 @!p0 $0x1082;
	s9 =	sld [smem:$0x3FB5]  }
0x2f: {  	lr =	sadd.s32 s0, s3;
	s0 =	sld [smem:$0x3FAC]  }
0x30: {  	s3 =	sld [smem:$0x3FAF]  }
0x31: {  	[smem:$0x3FB8] =	sst s10  }
0x32: {  	s10 =	sld [smem:$0x3FB6];
	_ =	sdelay $0x3  }
0x33: {  	p0 =	seq.s32 s10, $0x1;
	s10 =	sld [smem:$0x3FB8];
	_ =	sdelay $0x3  }
0x34: {  	[smem:$0x3FB8] =	sst s10  }
0x35: {  	s10 =	sld [smem:$0x3FB7];
	_ =	sdelay $0x3  }
0x36: {  	p1 =	seq.s32 s10, $0x1;
	s10 =	sld [smem:$0x3FB8];
	_ =	sdelay $0x3  }
0x37: {  	[smem:$0x3FB8] =	sst s10  }
0x38: {  	s10 =	sld [smem:$0x3FB9]  }
0x39: {  	_ = 	snop;
	(pc) =	sbr.ind lr, $3  }
0x3a: {  	_ = 	snop  }
0x3b: {  	_ = 	snop  }
0x3c: {  	p2 =	seq.s32 s10, $0x1;
	s10 =	sld [smem:$0x3FB8]  }
0x3d: {  	_ =	shalt  }
0x3e: {  	_ =	shalt  }
0x3f: {  	_ =	shalt  }
0x40: {  	_ =	shalt  }
0x41: {  	_ =	shalt  }
0x42: {  	_ =	shalt  }
0x43: {  	_ =	shalt  }
0x44: {  	_ =	shalt  }
0x45: {  	_ =	shalt  }
0x46: {  	_ =	shalt  }
0x47: {  	_ =	shalt  }
0x48: {  	_ =	shalt  }
0x49: {  	_ =	shalt  }
0x4a: {  	_ =	shalt  }
0x4b: {  	_ =	shalt  }
0x4c: {  	_ =	shalt  }
0x4d: {  	_ =	shalt  }
0x4e: {  	_ =	shalt  }
0x4f: {  	_ =	shalt  }
0x50: {  	_ =	shalt  }
0x51: {  	_ =	shalt  }
0x52: {  	_ =	shalt  }
0x53: {  	_ =	shalt  }
0x54: {  	_ =	shalt  }
0x55: {  	_ =	shalt  }
0x56: {  	_ =	shalt  }
0x57: {  	_ =	shalt  }
0x58: {  	_ =	shalt  }
0x59: {  	_ =	shalt  }
0x5a: {  	_ =	shalt  }
0x5b: {  	_ =	shalt  }
0x5c: {  	_ =	shalt  }
0x5d: {  	_ =	shalt  }
0x5e: {  	_ =	shalt  }
0x5f: {  	_ =	shalt  }
0x60: {  	_ =	shalt  }
0x61: {  	_ =	shalt  }
0x62: {  	_ =	shalt  }
0x63: {  	_ =	shalt  }
0x64: {  	_ =	shalt  }
0x65: {  	_ =	shalt  }
0x66: {  	_ =	shalt  }
0x67: {  	_ =	shalt  }
0x68: {  	_ =	shalt  }
0x69: {  	_ =	shalt  }
0x6a: {  	_ =	shalt  }
0x6b: {  	_ =	shalt  }
0x6c: {  	_ =	shalt  }
0x6d: {  	_ =	shalt  }
0x6e: {  	_ =	shalt  }
0x6f: {  	_ =	shalt  }
0x70: {  	_ =	shalt  }
0x71: {  	_ =	shalt  }
0x72: {  	_ =	shalt  }
0x73: {  	_ =	shalt  }
0x74: {  	_ =	shalt  }
0x75: {  	_ =	shalt  }
0x76: {  	_ =	shalt  }
0x77: {  	_ =	shalt  }
0x78: {  	_ =	shalt  }
0x79: {  	_ =	shalt  }
0x7a: {  	_ =	shalt  }
0x7b: {  	_ =	shalt  }
0x7c: {  	_ =	shalt  }
0x7d: {  	_ =	shalt  }
0x7e: {  	_ =	shalt  }
0x7f: {  	_ =	shalt  }
0x80: {  	_ =	shalt  }
0x81: {  	_ =	shalt  }
0x82: {  	_ =	shalt  }
0x83: {  	_ =	shalt  }
0x84: {  	_ =	shalt  }
0x85: {  	_ =	shalt  }
0x86: {  	_ =	shalt  }
0x87: {  	_ =	shalt  }
.Lfunc_end0:
.L_simem_size_0:
called_computation.1_lowered:
.L_overlay_start_0:
0x88: {  	s2 =	sld [smem:$0x3FD9]  }
0x89: {  	s3 =	sld [smem:$0x3FFE];
	_ =	sdelay $0x1  }
0x8a: {  	s1 =	srdreg.scid  }
0x8b: {  	s0 =	sand.u32 $0x1, s1  }
0x8c: {  	s16 =	sshll.u32 s0, $0xA;
	s2 =	sadd.s32 s3, s2  }
0x8d: {  	s2 =	sadd.s32 s2, s16  }
0x8e: {  	[smem:$0x3FC4] =	sst s2  }
0x8f: {  	_ = 	snop  }
0x90: {  	(tm) =	ssettm $0x1  }
0x91: {  	s17 =	sld [smem:$0x3FFB];
	_ =	sdelay $0x3  }
0x92: {  	_ =	strace s17  }
0x93: {  	s2 =	sld [smem:$0x3FFC];
	_ =	sdelay $0x3  }
0x94: {  	_ =	strace s2  }
0x95: {  	s2 =	sld [smem:$0x3FFD];
	_ =	sdelay $0x3  }
0x96: {  	_ =	strace s2  }
0x97: {  	_ =	strace $0x8FFFFFFF  }
0x98: {  	s18 =	sld [smem:$0x3FDB];
	_ =	sdelay $0x1  }
0x99: {  	s19 =	simm.s32 $_scs_section_size  }
0x9a: {  	s4 =	simm.s32 $_size__tile_overlayer_lowered;
	s5 =	simm.s32 $_tile_overlayer_lowered  }
0x9b: {  	s22 =	simm.s32 $0x1BFF;
	s21 =	sshll.u32 s5, $0x1;
	s2 =	sadd.s32 s19, s18  }
0x9c: {  	s6 =	simm.s32 $0x0;
	s20 =	sshll.u32 s4, $0x1;
	s4 =	sadd.s32 s21, s2  }
0x9d: {  	[timem:s6], [sflag:s22] =	dma.local [hbm:s4], s20  }
0x9e: {  	_ =	swait.ge [sflag:s22], s20  }
0x9f: {  	s3 =	ssub.s32 $0x0, s20;
	[sflag:s22] =	ssyncset.done $0x0  }
0xa0: {  	[sflag:s22] =	ssyncadd.s32 s3;
	_ =	sdelay $0x1  }
0xa1: {  	s23 =	simm.s32 $0x1B8B  }
0xa2: {  	_ =	swait.ge [sflag:s23], $0x1  }
0xa3: {  	[sflag:s23] =	ssyncset.done $0x0  }
0xa4: {  	s25 =	simm.s32 $0x1B8E;
	s24 =	sld [smem:$0x3FFE];
	[sflag:s23] =	ssyncadd.s32 $0xFFFFFFFF  }
0xa5: {  	s26 =	simm.s32 $execute0_lowered;
	[smem:$0x3FD2] =	sst s25  }
0xa6: {  	s4 =	sshll.u32 s26, $0x1;
	_ =	strace $0x80000049;
	[dreg:$0x1] =	wrdreg $0xFFFFFFFF  }
0xa7: {  	s28 =	simm.s32 $_size_execute0_lowered;
	s2 =	sadd.s32 s2, s4;
	[dreg:$0x0] =	wrdreg $0x0  }
0xa8: {  	s4 =	sshll.u32 s28, $0x1;
	[dreg:$0x2] =	wrdreg s2  }
0xa9: {  	[dreg:$0x3] =	wrdreg s4  }
0xaa: {  	[dreg:$0x4] =	wrdreg $0xC0  }
0xab: {  	_ =	task [dreg:s6], $0x5FFFF  }
0xac: {  	[dreg:$0x1] =	wrdreg $0xFFFFFFFF  }
0xad: {  	[dreg:$0x0] =	wrdreg $0x60  }
0xae: {  	[dreg:$0x2] =	wrdreg s24  }
0xaf: {  	[dreg:$0x3] =	wrdreg $0x0  }
0xb0: {  	[dreg:$0x4] =	wrdreg $0x28000  }
0xb1: {  	[dreg:$0x5] =	wrdreg $0x9  }
0xb2: {  	_ =	task.clear_ibuf [dreg:s6], $0x6FFFF;
	_ =	strace $0x90000049  }
0xb3: {  	s29 =	simm.s32 $0x9;
	_ =	strace $0x8000004B  }
0xb4: {  	_ =	swait.ge [sflag:s29], $0x1  }
0xb5: {  	[sflag:s29] =	ssyncadd.s32 $0xFFFFFFFF  }
0xb6: {  	_ =	strace $0x9000004B  }
0xb7: {  	_ =	sfence  }
0xb8: {  	s30 =	sld [smem:$0x0];
	_ =	sdelay $0x2  }
0xb9: {  	s31 =	sshll.u32 s1, $0xD;
	s1 =	sshrl.u32 s1, $0x2  }
0xba: {  	s3 =	sand.u32 $0x4000, s31;
	s1 =	sadd.s32 s1, s30  }
0xbb: {  	s0 =	sor.u32 s3, s0;
	s1 =	sshll.u32 s1, $0x11  }
0xbc: {  	s0 =	sor.u32 s1, s0  }
0xbd: {  	s0 =	sadd.s32 $0x8F2B, s0  }
0xbe: {  	[sflag:s0] =	ssyncadd.remote.s32 $0x1  }
0xbf: {  	_ =	sfence.sel $0xFFFF  }
0xc0: {  	[dreg:$0x0] =	wrdreg $0xFFFFFFFF;
	(pc) =	sbr.abs _section_cstart, $3  }
0xc1: {  	[dreg:$0x1] =	wrdreg $0xFFFFFFFF  }
0xc2: {  	_ =	task.clear_ibuf [dreg:s6], $0x2FFFF;
	_ =	strace $0x9FFFFFFF  }
0xc3: {  	(tm) =	ssettm $0x7FFFFFFF  }
tec
execute0_lowered:
.L_overlay_start_1:
0x0: {  	(tag) =	ssettag $0x1  }
0x1: {  	s0 =	srdreg.scid  }
0x2: {  	s1 =	rddreg [dreg:$0x0];
	s6 =	stileid.u32  }
0x3: {  	s2 =	rddreg [dreg:$0x1];
	s15 =	simm.s32 $0x5;
	s17 =	simm.s32 $0xF800  }
0x4: {  	s19 =	simm.s32 $0x5000;
	s20 =	simm.s32 $0x80;
	s31 =	simm.s32 $0xFA80  }
0x5: {  	s14 =	simm.s32 $0xA800;
	s16 =	simm.s32 $0xFB80;
	s18 =	simm.s32 $0xB000  }
0x6: {  	s21 =	simm.s32 $0x4;
	s0 =	sand.u32 $0x1, s0;
	s10 =	smul.u32 $0x2800, s6  }
0x7: {  	s22 =	simm.s32 $0x0;
	s3 =	sshll.u32 s0, $0x4;
	s26 =	smul.u32 $0x28000, s0  }
0x8: {  	s7 =	ssub.s32 $0x2, s0;
	p0 =	sne.s32 s0, $0x0;
	s0 =	simm.s32 $0xFB00  }
0x9: {  	s4 =	sor.u32 s6, s3;
	s3 =	rddreg [dreg:$0x2];
	s29 =	sshrl.u32 s10, $0x3  }
0xa: {  	s30 =	sshrl.u32 s7, $0x1;
	s9 =	sadd.s32 s10, s2;
	s5 =	smul.u32 $0x500, s4  }
0xb: {  	s4 =	simm.s32 $0x0;
	s28 =	sadd.s32 s10, s26;
	s11 =	sadd.s32 s29, s1  }
0xc: {  	s13 =	ssub.s32 s7, s30;
	s10 =	sadd.s32 s10, s3;
	[smem:$0x7FF] =	sst s4  }
0xd: {  	s6 =	sadd.s32 $0x15C00, s11;
	s8 =	sadd.s32 s5, s1;
	s5 =	sshrl.u32 s28, $0x3  }
0xe: {  	s13 =	smax.u32 s13, $0x1;
	_ =	strace $0x8000004A;
	s1 =	sadd.s32 s5, s1  }
0xf: {  	s5 =	sadd.s32 $0x1AC00, s11;
	s7 =	sadd.s32 $0xBC00, s8;
	s8 =	sadd.s32 $0x1C00, s8  }
0x10: {  	s11 =	sadd.s32 $0x29C00, s11;
	s12 =	sadd.s32 $0x1FC00, s1;
	s1 =	simm.s32 $0xA000  }
.LBB2_1:
0x11: {  	s23 =	simm.s32 $0x17000  }
0x12: {  	[tilespmem:s23], [sflag:$0x5] =	stream.linear.gather [hbm4b:s5+s4], $0x2800, $0x38;
	[tilespmem:$0x19800] =	vst v63  }
0x13: {  	_ =	swait.ge [sflag:s15], $0x2800  }
0x14: {  	[sflag:s15] =	ssyncset.done $0x0  }
0x15: {  	s29 =	simm.s32 $0x14800;
	[sflag:s15] =	ssyncadd.s32 $0xFFFFD800  }
0x16: {  	[tilespmem:s29], [sflag:$0x5] =	stream.linear.gather [hbm4b:s6+s4], $0x2800, $0x38;
	[tilespmem:$0x19800] =	vst v63  }
0x17: {  	_ =	swait.ge [sflag:s15], $0x2800  }
0x18: {  	[sflag:s15] =	ssyncset.done $0x0  }
0x19: {  	[sflag:s15] =	ssyncadd.s32 $0xFFFFD800  }
0x1a: {  	[tilespmem:s17], [sflag:$0x5] =	stream.linear.gather [hbm4b:s7+s4], $0x2800, $0x38;
	[tilespmem:$0x19800] =	vst v63  }
0x1b: {  	_ =	swait.ge [sflag:s15], $0x2800  }
0x1c: {  	[sflag:s15] =	ssyncset.done $0x0  }
0x1d: {  	s30 =	simm.s32 $0x12000;
	[sflag:s15] =	ssyncadd.s32 $0xFFFFD800  }
0x1e: {  	[tilespmem:s30], [sflag:$0x5] =	stream.linear.gather [hbm4b:s8+s4], $0x2800, $0x38;
	[tilespmem:$0x19800] =	vst v63  }
0x1f: {  	_ =	swait.ge [sflag:s15], $0x2800  }
0x20: {  	[sflag:s15] =	ssyncset.done $0x0  }
0x21: {  	s23 =	simm.s32 $0x0;
	[sflag:s15] =	ssyncadd.s32 $0xFFFFD800  }
0x22: {  	v0 =	vld [tilespmem:s23+$0x170F0]  }
0x23: {  	v1 =	vld [tilespmem:s23+$0x148F0]  }
0x24: {  	v2 =	vld [tilespmem:s23+$0x17000]  }
0x25: {  	v3 =	vld [tilespmem:s23+$0x14800]  }
0x26: {  	v4 =	vld [tilespmem:s23+$0x17010]  }
0x27: {  	v5 =	vld [tilespmem:s23+$0x14810]  }
0x28: {  	v6 =	vld [tilespmem:s23+$0x17020]  }
0x29: {  	v7 =	vld [tilespmem:s23+$0x17030]  }
0x2a: {  	v0 =	vmul.f32 v1, v0;
	v1 =	vld [tilespmem:s23+$0x14820]  }
0x2b: {  	v2 =	vmul.f32 v3, v2;
	v3 =	vld [tilespmem:s23+$0x17040]  }
0x2c: {  	[tilespmem:s23+$0x50F0] =	vst v0;
	v0 =	vld [tilespmem:s23+$0x14830]  }
0x2d: {  	[tilespmem:s23+$0x5000] =	vst v2;
	v2 =	vmul.f32 v5, v4;
	v4 =	vld [tilespmem:s23+$0x14840]  }
0x2e: {  	v5 =	vld [tilespmem:s23+$0x14850]  }
0x2f: {  	[tilespmem:s23+$0x5010] =	vst v2;
	v2 =	vld [tilespmem:s23+$0x17050];
	v1 =	vmul.f32 v1, v6  }
0x30: {  	v6 =	vld [tilespmem:s23+$0x14860]  }
0x31: {  	[tilespmem:s23+$0x5020] =	vst v1;
	v0 =	vmul.f32 v0, v7;
	v1 =	vld [tilespmem:s23+$0x17060]  }
0x32: {  	v7 =	vld [tilespmem:s23+$0x148B0]  }
0x33: {  	[tilespmem:s23+$0x5030] =	vst v0;
	v0 =	vmul.f32 v4, v3;
	v3 =	vld [tilespmem:s23+$0x17070]  }
0x34: {  	v4 =	vld [tilespmem:s23+$0x14870]  }
0x35: {  	[tilespmem:s23+$0x5040] =	vst v0;
	v0 =	vmul.f32 v5, v2;
	v2 =	vld [tilespmem:s23+$0x17080]  }
0x36: {  	v5 =	vld [tilespmem:s23+$0x14880]  }
0x37: {  	[tilespmem:s23+$0x5050] =	vst v0;
	v0 =	vmul.f32 v6, v1;
	v1 =	vld [tilespmem:s23+$0x17090]  }
0x38: {  	v6 =	vld [tilespmem:s23+$0x14890]  }
0x39: {  	[tilespmem:s23+$0x5060] =	vst v0;
	v0 =	vmul.f32 v4, v3;
	v3 =	vld [tilespmem:s23+$0x170A0]  }
0x3a: {  	v4 =	vld [tilespmem:s23+$0x148A0]  }
0x3b: {  	[tilespmem:s23+$0x5070] =	vst v0;
	v0 =	vmul.f32 v5, v2;
	v5 =	vld [tilespmem:s23+$0x170B0]  }
0x3c: {  	v8 =	vld [tilespmem:s23+$0x148C0]  }
0x3d: {  	[tilespmem:s23+$0x5080] =	vst v0;
	v0 =	vmul.f32 v6, v1;
	v6 =	vld [tilespmem:s23+$0x170C0]  }
0x3e: {  	v2 =	vld [tilespmem:s23+$0x170D0]  }
0x3f: {  	[tilespmem:s23+$0x5090] =	vst v0;
	v0 =	vmul.f32 v4, v3;
	v3 =	vld [tilespmem:s23+$0x148D0]  }
0x40: {  	v4 =	vld [tilespmem:s23+$0x148E0];
	v5 =	vmul.f32 v7, v5  }
0x41: {  	s25 =	simm.s32 $0x100;
	[tilespmem:s23+$0x50A0] =	vst v0;
	v0 =	vld [tilespmem:s23+$0x170E0]  }
0x42: {  	s24 =	simm.s32 $0x800;
	v1 =	vld [tilespmem:s25+$0x170F0];
	[tilespmem:s23+$0x50B0] =	vst v5;
	v5 =	vmul.f32 v8, v6  }
.LBB2_2:
0x43: {  	p1 =	sne.s32 s24, $0x9C00;
	v6 =	vld [tilespmem:s25+$0x148F0]  }
0x44: {  	v7 =	vld [tilespmem:s25+$0x17000];
	[tilespmem:s23+$0x50C0] =	vst v5;
	v2 =	vmul.f32 v3, v2  }
0x45: {  	v3 =	vld [tilespmem:s25+$0x14800]  }
0x46: {  	v5 =	vld [tilespmem:s25+$0x17010];
	[tilespmem:s23+$0x50D0] =	vst v2;
	v0 =	vmul.f32 v4, v0  }
0x47: {  	v2 =	vld [tilespmem:s25+$0x14810]  }
0x48: {  	v4 =	vld [tilespmem:s25+$0x17020];
	v1 =	vmul.f32 v6, v1;
	[tilespmem:s23+$0x50E0] =	vst v0;
	s23 =	smov.u32 s25  }
0x49: {  	v0 =	vld [tilespmem:s23+$0x14820]  }
0x4a: {  	v3 =	vmul.f32 v3, v7;
	v6 =	vld [tilespmem:s23+$0x17030];
	[tilespmem:s23+$0x50F0] =	vst v1  }
0x4b: {  	v1 =	vld [tilespmem:s23+$0x14830]  }
0x4c: {  	[tilespmem:s23+$0x5000] =	vst v3;
	v2 =	vmul.f32 v2, v5;
	v3 =	vld [tilespmem:s23+$0x17040]  }
0x4d: {  	v5 =	vld [tilespmem:s23+$0x14840]  }
0x4e: {  	[tilespmem:s23+$0x5010] =	vst v2;
	v0 =	vmul.f32 v0, v4;
	v2 =	vld [tilespmem:s23+$0x17050]  }
0x4f: {  	v4 =	vld [tilespmem:s23+$0x14850]  }
0x50: {  	[tilespmem:s23+$0x5020] =	vst v0;
	v0 =	vmul.f32 v1, v6;
	v1 =	vld [tilespmem:s23+$0x17060]  }
0x51: {  	v6 =	vld [tilespmem:s23+$0x14860]  }
0x52: {  	[tilespmem:s23+$0x5030] =	vst v0;
	v0 =	vmul.f32 v5, v3;
	v3 =	vld [tilespmem:s23+$0x17070]  }
0x53: {  	v5 =	vld [tilespmem:s23+$0x14870]  }
0x54: {  	[tilespmem:s23+$0x5040] =	vst v0;
	v0 =	vmul.f32 v4, v2;
	v2 =	vld [tilespmem:s23+$0x17080]  }
0x55: {  	v4 =	vld [tilespmem:s23+$0x14880]  }
0x56: {  	[tilespmem:s23+$0x5050] =	vst v0;
	v0 =	vmul.f32 v6, v1;
	v1 =	vld [tilespmem:s23+$0x17090]  }
0x57: {  	v6 =	vld [tilespmem:s23+$0x14890]  }
0x58: {  	[tilespmem:s23+$0x5060] =	vst v0;
	v0 =	vmul.f32 v5, v3;
	v3 =	vld [tilespmem:s23+$0x170A0]  }
0x59: {  	v5 =	vld [tilespmem:s23+$0x148A0]  }
0x5a: {  	[tilespmem:s23+$0x5070] =	vst v0;
	v0 =	vmul.f32 v4, v2;
	v4 =	vld [tilespmem:s23+$0x170B0]  }
0x5b: {  	v7 =	vld [tilespmem:s23+$0x148B0]  }
0x5c: {  	[tilespmem:s23+$0x5080] =	vst v0;
	v0 =	vmul.f32 v6, v1;
	v6 =	vld [tilespmem:s23+$0x170C0]  }
0x5d: {  	v8 =	vld [tilespmem:s23+$0x148C0]  }
.Ltmp0:
0x5e: {  	[tilespmem:s23+$0x5090] =	vst v0;
	v0 =	vmul.f32 v5, v3;
	v2 =	vld [tilespmem:s23+$0x170D0];
	(pc) =	sbr.rel @p1 .LBB2_2-.Ltmp0, $4  }
0x5f: {  	v3 =	vld [tilespmem:s23+$0x148D0]  }
0x60: {  	[tilespmem:s23+$0x50A0] =	vst v0;
	v5 =	vmul.f32 v7, v4;
	v0 =	vld [tilespmem:s23+$0x170E0]  }
0x61: {  	s25 =	sshra.s32 s24, $0x2;
	v4 =	vld [tilespmem:s23+$0x148E0]  }
0x62: {  	s24 =	sadd.s32 $0x400, s24;
	v1 =	vld [tilespmem:s25+$0x170F0];
	[tilespmem:s23+$0x50B0] =	vst v5;
	v5 =	vmul.f32 v8, v6  }
0x63: {  	v6 =	vld [tilespmem:s25+$0x148F0]  }
0x64: {  	v7 =	vld [tilespmem:s25+$0x17000];
	[tilespmem:s23+$0x50C0] =	vst v5;
	v2 =	vmul.f32 v3, v2  }
0x65: {  	v28 =	vld [tilespmem:s25+$0x14800]  }
0x66: {  	v5 =	vld [tilespmem:s25+$0x17010];
	[tilespmem:s23+$0x50D0] =	vst v2;
	v0 =	vmul.f32 v4, v0  }
0x67: {  	v2 =	vld [tilespmem:s25+$0x14810]  }
0x68: {  	v29 =	vld [tilespmem:s25+$0x17020];
	[tilespmem:s23+$0x50E0] =	vst v0  }
0x69: {  	v31 =	vld [tilespmem:s25+$0x14820]  }
0x6a: {  	v32 =	vld [tilespmem:s25+$0x17030]  }
0x6b: {  	v33 =	vld [tilespmem:s25+$0x14830]  }
0x6c: {  	v34 =	vld [tilespmem:s25+$0x17040]  }
0x6d: {  	v35 =	vld [tilespmem:s25+$0x14840]  }
0x6e: {  	v36 =	vld [tilespmem:s25+$0x17050]  }
0x6f: {  	v37 =	vld [tilespmem:s25+$0x14850]  }
0x70: {  	v38 =	vld [tilespmem:s25+$0x17060]  }
0x71: {  	v39 =	vld [tilespmem:s25+$0x14860]  }
0x72: {  	v41 =	vld [tilespmem:s25+$0x17070]  }
0x73: {  	v42 =	vld [tilespmem:s25+$0x14870]  }
0x74: {  	v44 =	vld [tilespmem:s25+$0x17080]  }
0x75: {  	v45 =	vld [tilespmem:s25+$0x14880]  }
0x76: {  	v47 =	vld [tilespmem:s25+$0x17090]  }
0x77: {  	v30 =	vmul.f32 v6, v1;
	v48 =	vld [tilespmem:s25+$0x14890]  }
0x78: {  	v50 =	vld [tilespmem:s25+$0x170A0];
	v3 =	vmul.f32 v28, v7  }
0x79: {  	v51 =	vld [tilespmem:s25+$0x148A0];
	[tilespmem:s25+$0x50F0] =	vst v30;
	v2 =	vmul.f32 v2, v5  }
0x7a: {  	v53 =	vld [tilespmem:s25+$0x170B0];
	[tilespmem:s25+$0x5000] =	vst v3;
	v1 =	vmul.f32 v31, v29  }
0x7b: {  	v54 =	vld [tilespmem:s25+$0x148B0];
	[tilespmem:s25+$0x5010] =	vst v2;
	v0 =	vmul.f32 v33, v32  }
0x7c: {  	v56 =	vld [tilespmem:s25+$0x170C0];
	v40 =	vmul.f32 v35, v34;
	[tilespmem:s25+$0x5020] =	vst v1  }
0x7d: {  	v57 =	vld [tilespmem:s25+$0x148C0];
	v43 =	vmul.f32 v37, v36;
	[tilespmem:s25+$0x5030] =	vst v0  }
0x7e: {  	v59 =	vld [tilespmem:s25+$0x170D0];
	v46 =	vmul.f32 v39, v38;
	[tilespmem:s25+$0x5040] =	vst v40  }
0x7f: {  	v60 =	vld [tilespmem:s25+$0x148D0];
	v49 =	vmul.f32 v42, v41;
	[tilespmem:s25+$0x5050] =	vst v43  }
0x80: {  	v61 =	vld [tilespmem:s25+$0x170E0];
	v52 =	vmul.f32 v45, v44;
	[tilespmem:s25+$0x5060] =	vst v46  }
0x81: {  	v62 =	vld [tilespmem:s25+$0x148E0];
	v55 =	vmul.f32 v48, v47;
	[tilespmem:s25+$0x5070] =	vst v49  }
0x82: {  	v58 =	vmul.f32 v51, v50;
	[tilespmem:s25+$0x5080] =	vst v52  }
0x83: {  	v2 =	vmul.f32 v54, v53;
	[tilespmem:s25+$0x5090] =	vst v55  }
0x84: {  	v63 =	vmul.f32 v60, v59;
	[tilespmem:s25+$0x50A0] =	vst v58  }
0x85: {  	v1 =	vmul.f32 v57, v56;
	[tilespmem:s25+$0x50B0] =	vst v2  }
0x86: {  	v0 =	vmul.f32 v62, v61;
	[tilespmem:s25+$0x50D0] =	vst v63  }
0x87: {  	[tilespmem:s25+$0x50C0] =	vst v1  }
0x88: {  	[tilespmem:s25+$0x50E0] =	vst v0  }
0x89: {  	[spmem:s9] =	stream.linear.scatter [tilespmem:s19], [sflag:$0x5], $0x2800, $0x38;
	[tilespmem:$0x19800] =	vst v63  }
0x8a: {  	_ =	swait.ge [sflag:s15], $0x2800  }
0x8b: {  	[sflag:s15] =	ssyncset.done $0x0  }
0x8c: {  	[sflag:s15] =	ssyncadd.s32 $0xFFFFD800  }
0x8d: {  	[spmem:s10] =	stream.linear.scatter [tilespmem:s19], [sflag:$0x5], $0x2800, $0x38;
	[tilespmem:$0x19800] =	vst v63  }
0x8e: {  	_ =	swait.ge [sflag:s15], $0x2800  }
0x8f: {  	[sflag:s15] =	ssyncset.done $0x0  }
0x90: {  	s24 =	simm.s32 @!p0 $0x5000;
	s23 =	simm.s32 @!p0 $0x0;
	[sflag:s15] =	ssyncadd.s32 $0xFFFFD800  }
0x91: {  	[hbm4b:s11+s23] =	stream.linear.scatter @!p0 [tilespmem:s24], [sflag:$0x5], $0x2800, $0x38;
	[tilespmem:$0x19800] =	vst v63  }
0x92: {  	s23 =	simm.s32 @!p0 $0x5  }
0x93: {  	_ =	swait.ge @!p0 [sflag:s23], $0x2800  }
0x94: {  	[sflag:s23] =	ssyncset.done @!p0 $0x0  }
0x95: {  	[sflag:s23] =	ssyncadd.s32 @!p0 $0xFFFFD800  }
0x96: {  	s28 =	simm.s32 $0x7800;
	[bflag:$0x0] =	sbarrier.arrive $0xFFFF  }
0x97: {  	[tilespmem:s28], [sflag:$0x1] =	stream.indirect.gather [spmem:s3], $0x10, s17, s20, $0xb8;
	[tilespmem:$0x19800] =	vst v63  }
0x98: {  	s29 =	simm.s32 $0xF880;
	s30 =	simm.s32 $0x8000  }
0x99: {  	[tilespmem:s30], [sflag:$0x1] =	stream.indirect.gather [spmem:s3], $0x10, s29, s20, $0xb8;
	[tilespmem:$0x19800] =	vst v63  }
0x9a: {  	s25 =	simm.s32 $0x8800;
	s24 =	simm.s32 $0xF900  }
0x9b: {  	[tilespmem:s25], [sflag:$0x1] =	stream.indirect.gather [spmem:s3], $0x10, s24, s20, $0xb8;
	[tilespmem:$0x19800] =	vst v63  }
0x9c: {  	s26 =	simm.s32 $0xF980;
	s28 =	simm.s32 $0x9000  }
0x9d: {  	[tilespmem:s28], [sflag:$0x1] =	stream.indirect.gather [spmem:s3], $0x10, s26, s20, $0xb8;
	[tilespmem:$0x19800] =	vst v63  }
0x9e: {  	s29 =	simm.s32 $0xFA00;
	s30 =	simm.s32 $0x9800  }
0x9f: {  	[tilespmem:s30], [sflag:$0x1] =	stream.indirect.gather [spmem:s3], $0x10, s29, s20, $0xb8;
	[tilespmem:$0x19800] =	vst v63  }
0xa0: {  	_ = 	snop  }
0xa1: {  	[tilespmem:s1], [sflag:$0x1] =	stream.indirect.gather [spmem:s3], $0x10, s31, s20, $0xb8;
	[tilespmem:$0x19800] =	vst v63  }
0xa2: {  	_ = 	snop  }
0xa3: {  	[tilespmem:s14], [sflag:$0x1] =	stream.indirect.gather [spmem:s3], $0x10, s0, s20, $0xb8;
	[tilespmem:$0x19800] =	vst v63  }
0xa4: {  	s23 =	simm.s32 $0x0;
	s24 =	simm.s32 $0x1  }
0xa5: {  	[tilespmem:s18], [sflag:$0x1] =	stream.indirect.gather [spmem:s3], $0x10, s16, s20, $0xb8;
	[tilespmem:$0x19800] =	vst v63  }
.LBB2_4:
0xa6: {  	s25 =	sand.u32 $0x1, s24;
	p1 =	seq.s32 s23, $0x0  }
0xa7: {  	s26 =	sadd.s32 @!p1 $0x3, s25  }
0xa8: {  	_ =	swait.ge @!p1 [sflag:s26], $0x800  }
0xa9: {  	[sflag:s26] =	ssyncset.done @!p1 $0x0  }
0xaa: {  	[sflag:s26] =	ssyncadd.s32 @!p1 $0xFFFFF800  }
0xab: {  	_ =	swait.ge @!p1 [sflag:s26], $0x800  }
0xac: {  	[sflag:s26] =	ssyncset.done @!p1 $0x0  }
0xad: {  	[sflag:s26] =	ssyncadd.s32 @!p1 $0xFFFFF800  }
0xae: {  	_ =	swait.ge @!p1 [sflag:s26], $0x800  }
0xaf: {  	[sflag:s26] =	ssyncset.done @!p1 $0x0  }
0xb0: {  	[sflag:s26] =	ssyncadd.s32 @!p1 $0xFFFFF800  }
0xb1: {  	_ =	swait.ge @!p1 [sflag:s26], $0x800  }
0xb2: {  	[sflag:s26] =	ssyncset.done @!p1 $0x0  }
0xb3: {  	[sflag:s26] =	ssyncadd.s32 @!p1 $0xFFFFF800  }
0xb4: {  	_ =	swait.ge @!p1 [sflag:s26], $0x800  }
0xb5: {  	[sflag:s26] =	ssyncset.done @!p1 $0x0  }
0xb6: {  	[sflag:s26] =	ssyncadd.s32 @!p1 $0xFFFFF800  }
0xb7: {  	_ =	swait.ge @!p1 [sflag:s26], $0x800  }
0xb8: {  	[sflag:s26] =	ssyncset.done @!p1 $0x0  }
0xb9: {  	[sflag:s26] =	ssyncadd.s32 @!p1 $0xFFFFF800  }
0xba: {  	_ =	swait.ge @!p1 [sflag:s26], $0x800  }
0xbb: {  	[sflag:s26] =	ssyncset.done @!p1 $0x0  }
0xbc: {  	[sflag:s26] =	ssyncadd.s32 @!p1 $0xFFFFF800  }
0xbd: {  	p2 =	seq.s32 @!p1 s23, $0x9000;
	_ =	swait.ge @!p1 [sflag:s26], $0x800  }
0xbe: {  	p2 =	por p1, !p2;
	[sflag:s26] =	ssyncset.done @!p1 $0x0  }
0xbf: {  	s28 =	sshra.s32 @p2 s23, $0x2;
	[sflag:s26] =	ssyncadd.s32 @!p1 $0xFFFFF800;
	s26 =	sshll.u32 @p2 s25, $0xE  }
0xc0: {  	s30 =	sadd.s32 @p2 $0xFC00, s28;
	s25 =	sadd.s32 @p2 $0x1, s25;
	s29 =	sadd.s32 @p2 $0x7800, s26  }
0xc1: {  	[tilespmem:s29], [sflag:s25] =	stream.indirect.gather @p2 [spmem:s3], $0x10, s30, s20, $0xb8;
	[tilespmem:$0x19800] =	vst v63  }
0xc2: {  	s29 =	sor.u32 @p2 $0x8000, s26;
	s30 =	sadd.s32 @p2 $0xFC80, s28  }
0xc3: {  	[tilespmem:s29], [sflag:s25] =	stream.indirect.gather @p2 [spmem:s3], $0x10, s30, s20, $0xb8;
	[tilespmem:$0x19800] =	vst v63  }
0xc4: {  	s29 =	sor.u32 @p2 $0x8800, s26;
	s30 =	sadd.s32 @p2 $0xFD00, s28  }
0xc5: {  	[tilespmem:s29], [sflag:s25] =	stream.indirect.gather @p2 [spmem:s3], $0x10, s30, s20, $0xb8;
	[tilespmem:$0x19800] =	vst v63  }
0xc6: {  	s29 =	sor.u32 @p2 $0x9000, s26;
	s30 =	sadd.s32 @p2 $0xFD80, s28  }
0xc7: {  	[tilespmem:s29], [sflag:s25] =	stream.indirect.gather @p2 [spmem:s3], $0x10, s30, s20, $0xb8;
	[tilespmem:$0x19800] =	vst v63  }
0xc8: {  	s29 =	sor.u32 @p2 $0x9800, s26;
	s30 =	sadd.s32 @p2 $0xFE00, s28  }
0xc9: {  	[tilespmem:s29], [sflag:s25] =	stream.indirect.gather @p2 [spmem:s3], $0x10, s30, s20, $0xb8;
	[tilespmem:$0x19800] =	vst v63  }
0xca: {  	s29 =	sor.u32 @p2 $0xA000, s26;
	s30 =	sadd.s32 @p2 $0xFE80, s28  }
0xcb: {  	[tilespmem:s29], [sflag:s25] =	stream.indirect.gather @p2 [spmem:s3], $0x10, s30, s20, $0xb8;
	[tilespmem:$0x19800] =	vst v63  }
0xcc: {  	s29 =	sor.u32 @p2 $0xA800, s26;
	s30 =	sadd.s32 @p2 $0xFF00, s28  }
0xcd: {  	[tilespmem:s29], [sflag:s25] =	stream.indirect.gather @p2 [spmem:s3], $0x10, s30, s20, $0xb8;
	[tilespmem:$0x19800] =	vst v63  }
0xce: {  	s26 =	sor.u32 @p2 $0xB000, s26;
	s28 =	sadd.s32 @p2 $0xFF80, s28  }
0xcf: {  	[tilespmem:s26], [sflag:s25] =	stream.indirect.gather @p2 [spmem:s3], $0x10, s28, s20, $0xb8;
	[tilespmem:$0x19800] =	vst v63  }
0xd0: {  	s28 =	sadd.s32 $0xFFFFFFFF, s24  }
0xd1: {  	s25 =	sand.u32 $0x1, s28  }
0xd2: {  	s26 =	sadd.s32 $0x1, s25  }
0xd3: {  	_ =	swait.ge [sflag:s26], $0x800  }
0xd4: {  	[sflag:s26] =	ssyncset.done $0x0  }
0xd5: {  	[sflag:s26] =	ssyncadd.s32 $0xFFFFF800  }
0xd6: {  	_ =	swait.ge [sflag:s26], $0x800  }
0xd7: {  	[sflag:s26] =	ssyncset.done $0x0  }
0xd8: {  	[sflag:s26] =	ssyncadd.s32 $0xFFFFF800  }
0xd9: {  	_ =	swait.ge [sflag:s26], $0x800  }
0xda: {  	[sflag:s26] =	ssyncset.done $0x0  }
0xdb: {  	[sflag:s26] =	ssyncadd.s32 $0xFFFFF800  }
0xdc: {  	_ =	swait.ge [sflag:s26], $0x800  }
0xdd: {  	[sflag:s26] =	ssyncset.done $0x0  }
0xde: {  	[sflag:s26] =	ssyncadd.s32 $0xFFFFF800  }
0xdf: {  	_ =	swait.ge [sflag:s26], $0x800  }
0xe0: {  	[sflag:s26] =	ssyncset.done $0x0  }
0xe1: {  	[sflag:s26] =	ssyncadd.s32 $0xFFFFF800  }
0xe2: {  	_ =	swait.ge [sflag:s26], $0x800  }
0xe3: {  	[sflag:s26] =	ssyncset.done $0x0  }
0xe4: {  	[sflag:s26] =	ssyncadd.s32 $0xFFFFF800  }
0xe5: {  	_ =	swait.ge [sflag:s26], $0x800  }
0xe6: {  	[sflag:s26] =	ssyncset.done $0x0  }
0xe7: {  	[sflag:s26] =	ssyncadd.s32 $0xFFFFF800  }
0xe8: {  	s30 =	sshra.s32 s23, $0x2;
	_ =	swait.ge [sflag:s26], $0x800  }
0xe9: {  	s28 =	sshll.u32 s25, $0xE;
	s25 =	sadd.s32 $0x3, s25;
	[sflag:s26] =	ssyncset.done $0x0  }
0xea: {  	s29 =	sadd.s32 $0x7800, s28;
	[sflag:s26] =	ssyncadd.s32 $0xFFFFF800;
	s26 =	sadd.s32 $0x12000, s30  }
0xeb: {  	[spmem:s2] =	stream.indirect.scatter.add.f32 [tilespmem:s29], [sflag:s25], $0x10, s26, s20, $0xb8;
	[tilespmem:$0x19800] =	vst v63  }
0xec: {  	s26 =	sor.u32 $0x8000, s28;
	s29 =	sadd.s32 $0x12080, s30  }
0xed: {  	[spmem:s2] =	stream.indirect.scatter.add.f32 [tilespmem:s26], [sflag:s25], $0x10, s29, s20, $0xb8;
	[tilespmem:$0x19800] =	vst v63  }
0xee: {  	s26 =	sor.u32 $0x8800, s28;
	s29 =	sadd.s32 $0x12100, s30  }
0xef: {  	[spmem:s2] =	stream.indirect.scatter.add.f32 [tilespmem:s26], [sflag:s25], $0x10, s29, s20, $0xb8;
	[tilespmem:$0x19800] =	vst v63  }
0xf0: {  	s26 =	sor.u32 $0x9000, s28;
	s29 =	sadd.s32 $0x12180, s30  }
0xf1: {  	[spmem:s2] =	stream.indirect.scatter.add.f32 [tilespmem:s26], [sflag:s25], $0x10, s29, s20, $0xb8;
	[tilespmem:$0x19800] =	vst v63  }
0xf2: {  	s23 =	sadd.s32 $0x1000, s23;
	s26 =	sor.u32 $0x9800, s28;
	s29 =	sadd.s32 $0x12200, s30  }
0xf3: {  	[spmem:s2] =	stream.indirect.scatter.add.f32 [tilespmem:s26], [sflag:s25], $0x10, s29, s20, $0xb8;
	[tilespmem:$0x19800] =	vst v63  }
0xf4: {  	p1 =	sne.s32 s23, $0xA000;
	s26 =	sor.u32 $0xA000, s28;
	s29 =	sadd.s32 $0x12280, s30  }
0xf5: {  	[spmem:s2] =	stream.indirect.scatter.add.f32 [tilespmem:s26], [sflag:s25], $0x10, s29, s20, $0xb8;
	[tilespmem:$0x19800] =	vst v63  }
.Ltmp1:
0xf6: {  	_ = 	snop;
	(pc) =	sbr.rel @p1 .LBB2_4-.Ltmp1, $4  }
0xf7: {  	s26 =	sor.u32 $0xA800, s28;
	s29 =	sadd.s32 $0x12300, s30  }
0xf8: {  	[spmem:s2] =	stream.indirect.scatter.add.f32 [tilespmem:s26], [sflag:s25], $0x10, s29, s20, $0xb8;
	[tilespmem:$0x19800] =	vst v63  }
0xf9: {  	s24 =	sadd.s32 $0x1, s24;
	s30 =	sadd.s32 $0x12380, s30;
	s29 =	sor.u32 $0xB000, s28  }
0xfa: {  	[spmem:s2] =	stream.indirect.scatter.add.f32 [tilespmem:s29], [sflag:s25], $0x10, s30, s20, $0xb8;
	[tilespmem:$0x19800] =	vst v63  }
0xfb: {  	_ =	swait.ge [sflag:s21], $0x800  }
0xfc: {  	[sflag:s21] =	ssyncset.done $0x0  }
0xfd: {  	[sflag:s21] =	ssyncadd.s32 $0xFFFFF800  }
0xfe: {  	_ =	swait.ge [sflag:s21], $0x800  }
0xff: {  	[sflag:s21] =	ssyncset.done $0x0  }
0x100: {  	[sflag:s21] =	ssyncadd.s32 $0xFFFFF800  }
0x101: {  	_ =	swait.ge [sflag:s21], $0x800  }
0x102: {  	[sflag:s21] =	ssyncset.done $0x0  }
0x103: {  	[sflag:s21] =	ssyncadd.s32 $0xFFFFF800  }
0x104: {  	_ =	swait.ge [sflag:s21], $0x800  }
0x105: {  	[sflag:s21] =	ssyncset.done $0x0  }
0x106: {  	[sflag:s21] =	ssyncadd.s32 $0xFFFFF800  }
0x107: {  	_ =	swait.ge [sflag:s21], $0x800  }
0x108: {  	[sflag:s21] =	ssyncset.done $0x0  }
0x109: {  	[sflag:s21] =	ssyncadd.s32 $0xFFFFF800  }
0x10a: {  	_ =	swait.ge [sflag:s21], $0x800  }
0x10b: {  	[sflag:s21] =	ssyncset.done $0x0  }
0x10c: {  	[sflag:s21] =	ssyncadd.s32 $0xFFFFF800  }
0x10d: {  	_ =	swait.ge [sflag:s21], $0x800  }
0x10e: {  	[sflag:s21] =	ssyncset.done $0x0  }
0x10f: {  	[sflag:s21] =	ssyncadd.s32 $0xFFFFF800  }
0x110: {  	_ =	swait.ge [sflag:s21], $0x800  }
0x111: {  	[sflag:s21] =	ssyncset.done $0x0  }
0x112: {  	[sflag:s21] =	ssyncadd.s32 $0xFFFFF800  }
0x113: {  	[bflag:$0x0] =	sbarrier.arrive $0xFFFF  }
0x114: {  	[tilespmem:s19], [sflag:$0x5] =	stream.linear.gather [spmem:s9], $0x2800, $0x38;
	[tilespmem:$0x19800] =	vst v63  }
0x115: {  	s22 =	sadd.s32 $0x1, s22;
	_ =	swait.ge [sflag:s15], $0x2800  }
0x116: {  	p1 =	sne.s32 s22, s13;
	[sflag:s15] =	ssyncset.done $0x0  }
.Ltmp2:
0x117: {  	[sflag:s15] =	ssyncadd.s32 $0xFFFFD800;
	(pc) =	sbr.rel @p1 .LBB2_1-.Ltmp2, $4  }
0x118: {  	[hbm4b:s12+s4] =	stream.linear.scatter [tilespmem:s19], [sflag:$0x5], $0x2800, $0x38;
	[tilespmem:$0x19800] =	vst v63  }
0x119: {  	_ =	swait.ge [sflag:s15], $0x2800  }
0x11a: {  	[sflag:s15] =	ssyncset.done $0x0  }
0x11b: {  	[sflag:s15] =	ssyncadd.s32 $0xFFFFD800  }
0x11c: {  	_ =	sfence.sel $0x180000  }
0x11d: {  	[bflag:$0x0] =	sbarrier.arrive $0xFFFF  }
0x11e: {  	_ =	strace $0x9000004A  }
0x11f: {  	s0 =	stileid.u32;
	[bflag:$0x2] =	sbarrier.arrive $0xFFFF  }
0x120: {  	p0 =	sne.s32 s0, $0x0;
	s0 =	rddreg [dreg:$0x3]  }
0x121: {  	s0 =	sadd.s32 @!p0 $0x100000, s0  }
0x122: {  	[sflag:s0] =	ssyncadd.tile.s32 @!p0 $0x1;
	_ =	shalt  }
.Lfunc_end2:
_tile_overlayer_lowered:
.L_overlay_start_2:
0x123: {  	(tag) =	ssettag $0x2  }
0x124: {  	s0 =	rddreg [dreg:$0x0];
	s2 =	stileid.u32  }
0x125: {  	s1 =	rddreg [dreg:$0x1];
	p0 =	sne.s32 s2, $0x0  }
0x126: {  	s3 =	rddreg [dreg:$0x2];
	[bflag:$0x3] =	sbarrier.arrive $0xFFFF;
	s2 =	simm.s32 @!p0 $0x1C05  }
0x127: {  	[timem:s3], [sflag:s2] =	dma.local @!p0 [hbm:s0], s1  }
0x128: {  	s0 =	simm.s32 @!p0 $0x5  }
0x129: {  	_ =	swait.ge @!p0 [sflag:s0], s1  }
0x12a: {  	s1 =	ssub.s32 @!p0 $0x0, s1;
	[sflag:s0] =	ssyncset.done @!p0 $0x0  }
0x12b: {  	[sflag:s0] =	ssyncadd.s32 @!p0 s1  }
0x12c: {  	[bflag:$0x3] =	sbarrier.arrive $0xFFFF  }
0x12d: {  	_ =	shalt  }

// kernel: kernel.14.cloned.1.call-start
scs
__scs_entry_jumppad:
0x0: {  	(pc) =	sbr.rel $0x88, $3  }
0x1: {  	(tag) =	ssettag $0x0;
	lr =	simm.s32 $0x1  }
0x2: {  	[smem:$0x3F9D] =	sst lr;
	_ =	strace $0xD0000000  }
0x3: {  	_ = 	snop  }
0x4: {  	_ = 	snop  }
0x5: {  	_ = 	snop  }
0x6: {  	_ = 	snop  }
0x7: {  	_ = 	snop  }
__scs_overlays_trampoline_lowered:
0x8: {  	[smem:$0x3FAC] =	sst s0  }
0x9: {  	[smem:$0x3FAD] =	sst s1  }
0xa: {  	[smem:$0x3FAE] =	sst s2  }
0xb: {  	[smem:$0x3FAF] =	sst s3  }
0xc: {  	[smem:$0x3FB0] =	sst s4  }
0xd: {  	[smem:$0x3FB1] =	sst s5  }
0xe: {  	[smem:$0x3FB2] =	sst s6  }
0xf: {  	[smem:$0x3FB3] =	sst s7  }
0x10: {  	[smem:$0x3FB4] =	sst s8  }
0x11: {  	[smem:$0x3FB5] =	sst s9;
	s0 =	simm.s32 @!p0 $0x0  }
0x12: {  	s1 =	sld [smem:$0x3F9B];
	s0 =	simm.s32 @p0 $0x1  }
0x13: {  	[smem:$0x3FB6] =	sst s0;
	s0 =	simm.s32 @!p1 $0x0  }
0x14: {  	s2 =	sld [smem:$0x3F9A];
	s0 =	simm.s32 @p1 $0x1  }
0x15: {  	[smem:$0x3FB7] =	sst s0;
	s0 =	simm.s32 @!p2 $0x0  }
0x16: {  	s3 =	sld [smem:$0x3FDB];
	s0 =	simm.s32 @p2 $0x1  }
0x17: {  	s4 =	simm.s32 $0x1BF5;
	[smem:$0x3FB9] =	sst s0  }
0x18: {  	s0 =	sld [smem:$0x3F9C];
	_ =	swait.ge [sflag:s4], $0x0  }
0x19: {  	s7 =	sld [smem:$0x3F9D]  }
0x1a: {  	s8 =	sadd.s32 $0xFFFFE003, lr  }
0x1b: {  	s9 =	sadd.s32 $0xFFFFFEF7, lr;
	s5 =	simm.s32 $0xFFFFFFFF;
	p2 =	slt.u32 s8, $0xFFFFF086  }
0x1c: {  	p1 =	slt.u32 s9, $0xF7A;
	s5 =	simm.s32 @!p2 $0x0  }
0x1d: {  	s5 =	simm.s32 @p1 $0x1;
	p0 =	seq.s32 s7, s2  }
0x1e: {  	s7 =	smul.u32 @!p0 $0xF7A, s2;
	p2 =	seq.s32 @!p0 s5, $0x0  }
0x1f: {  	s9 =	smul.u32 $0xF7A, s1;
	s8 =	simm.s32 @!p0 $0x1BF5;
	p2 =	por !p2, p0  }
0x20: {  	[sflag:s8] =	ssyncset.s32 @!p0 $0xFFFFF086;
	s6 =	sadd.s32 @!p0 s3, s7;
	s7 =	simm.s32 @!p0 $0x108  }
0x21: {  	s3 =	sadd.s32 s3, s9;
	s6 =	sadd.s32 @!p0 $0x88, s6;
	s7 =	simm.s32 @p2 $0x1082  }
0x22: {  	[simem:s7], [sflag:s8] =	dma.local @!p0 [hbm:s6], $0xF7A  }
0x23: {  	s9 =	sor.u32 $0xD0000000, s2;
	s6 =	simm.s32 $0x108;
	_ =	swait.ge @!p0 [sflag:s8], $0x0  }
0x24: {  	s3 =	sadd.s32 $0x88, s3;
	s6 =	simm.s32 @!p1 $0x1082;
	[sflag:s4] =	ssyncset.s32 $0xFFFFF086  }
0x25: {  	[simem:s6], [sflag:s4] =	dma.local [hbm:s3], $0xF7A  }
0x26: {  	[smem:$0x3F9D] =	sst s1;
	(tag) =	ssettag s2;
	_ =	strace s9  }
0x27: {  	s1 =	sld [smem:$0x3FAD]  }
0x28: {  	s2 =	sld [smem:$0x3FAE]  }
0x29: {  	s4 =	sld [smem:$0x3FB0]  }
0x2a: {  	p0 =	seq.s32 s5, $0x0;
	s5 =	sld [smem:$0x3FB1]  }
0x2b: {  	s6 =	sld [smem:$0x3FB2]  }
0x2c: {  	s7 =	sld [smem:$0x3FB3]  }
0x2d: {  	s3 =	simm.s32 $0x108;
	s8 =	sld [smem:$0x3FB4]  }
0x2e: {  	s3 =	simm.s32 @!p0 $0x1082;
	s9 =	sld [smem:$0x3FB5]  }
0x2f: {  	lr =	sadd.s32 s0, s3;
	s0 =	sld [smem:$0x3FAC]  }
0x30: {  	s3 =	sld [smem:$0x3FAF]  }
0x31: {  	[smem:$0x3FB8] =	sst s10  }
0x32: {  	s10 =	sld [smem:$0x3FB6];
	_ =	sdelay $0x3  }
0x33: {  	p0 =	seq.s32 s10, $0x1;
	s10 =	sld [smem:$0x3FB8];
	_ =	sdelay $0x3  }
0x34: {  	[smem:$0x3FB8] =	sst s10  }
0x35: {  	s10 =	sld [smem:$0x3FB7];
	_ =	sdelay $0x3  }
0x36: {  	p1 =	seq.s32 s10, $0x1;
	s10 =	sld [smem:$0x3FB8];
	_ =	sdelay $0x3  }
0x37: {  	[smem:$0x3FB8] =	sst s10  }
0x38: {  	s10 =	sld [smem:$0x3FB9]  }
0x39: {  	_ = 	snop;
	(pc) =	sbr.ind lr, $3  }
0x3a: {  	_ = 	snop  }
0x3b: {  	_ = 	snop  }
0x3c: {  	p2 =	seq.s32 s10, $0x1;
	s10 =	sld [smem:$0x3FB8]  }
0x3d: {  	_ =	shalt  }
0x3e: {  	_ =	shalt  }
0x3f: {  	_ =	shalt  }
0x40: {  	_ =	shalt  }
0x41: {  	_ =	shalt  }
0x42: {  	_ =	shalt  }
0x43: {  	_ =	shalt  }
0x44: {  	_ =	shalt  }
0x45: {  	_ =	shalt  }
0x46: {  	_ =	shalt  }
0x47: {  	_ =	shalt  }
0x48: {  	_ =	shalt  }
0x49: {  	_ =	shalt  }
0x4a: {  	_ =	shalt  }
0x4b: {  	_ =	shalt  }
0x4c: {  	_ =	shalt  }
0x4d: {  	_ =	shalt  }
0x4e: {  	_ =	shalt  }
0x4f: {  	_ =	shalt  }
0x50: {  	_ =	shalt  }
0x51: {  	_ =	shalt  }
0x52: {  	_ =	shalt  }
0x53: {  	_ =	shalt  }
0x54: {  	_ =	shalt  }
0x55: {  	_ =	shalt  }
0x56: {  	_ =	shalt  }
0x57: {  	_ =	shalt  }
0x58: {  	_ =	shalt  }
0x59: {  	_ =	shalt  }
0x5a: {  	_ =	shalt  }
0x5b: {  	_ =	shalt  }
0x5c: {  	_ =	shalt  }
0x5d: {  	_ =	shalt  }
0x5e: {  	_ =	shalt  }
0x5f: {  	_ =	shalt  }
0x60: {  	_ =	shalt  }
0x61: {  	_ =	shalt  }
0x62: {  	_ =	shalt  }
0x63: {  	_ =	shalt  }
0x64: {  	_ =	shalt  }
0x65: {  	_ =	shalt  }
0x66: {  	_ =	shalt  }
0x67: {  	_ =	shalt  }
0x68: {  	_ =	shalt  }
0x69: {  	_ =	shalt  }
0x6a: {  	_ =	shalt  }
0x6b: {  	_ =	shalt  }
0x6c: {  	_ =	shalt  }
0x6d: {  	_ =	shalt  }
0x6e: {  	_ =	shalt  }
0x6f: {  	_ =	shalt  }
0x70: {  	_ =	shalt  }
0x71: {  	_ =	shalt  }
0x72: {  	_ =	shalt  }
0x73: {  	_ =	shalt  }
0x74: {  	_ =	shalt  }
0x75: {  	_ =	shalt  }
0x76: {  	_ =	shalt  }
0x77: {  	_ =	shalt  }
0x78: {  	_ =	shalt  }
0x79: {  	_ =	shalt  }
0x7a: {  	_ =	shalt  }
0x7b: {  	_ =	shalt  }
0x7c: {  	_ =	shalt  }
0x7d: {  	_ =	shalt  }
0x7e: {  	_ =	shalt  }
0x7f: {  	_ =	shalt  }
0x80: {  	_ =	shalt  }
0x81: {  	_ =	shalt  }
0x82: {  	_ =	shalt  }
0x83: {  	_ =	shalt  }
0x84: {  	_ =	shalt  }
0x85: {  	_ =	shalt  }
0x86: {  	_ =	shalt  }
0x87: {  	_ =	shalt  }
.Lfunc_end0:
.L_simem_size_0:
called_computation.2_lowered:
.L_overlay_start_0:
0x88: {  	s2 =	sld [smem:$0x3FD9]  }
0x89: {  	s3 =	sld [smem:$0x3FFE];
	_ =	sdelay $0x1  }
0x8a: {  	s1 =	srdreg.scid  }
0x8b: {  	s0 =	sand.u32 $0x1, s1  }
0x8c: {  	s16 =	sshll.u32 s0, $0xA;
	s2 =	sadd.s32 s3, s2  }
0x8d: {  	s2 =	sadd.s32 s2, s16  }
0x8e: {  	[smem:$0x3FC4] =	sst s2  }
0x8f: {  	_ = 	snop  }
0x90: {  	(tm) =	ssettm $0x1  }
0x91: {  	s17 =	sld [smem:$0x3FFB];
	_ =	sdelay $0x3  }
0x92: {  	_ =	strace s17  }
0x93: {  	s2 =	sld [smem:$0x3FFC];
	_ =	sdelay $0x3  }
0x94: {  	_ =	strace s2  }
0x95: {  	s2 =	sld [smem:$0x3FFD];
	_ =	sdelay $0x3  }
0x96: {  	_ =	strace s2  }
0x97: {  	_ =	strace $0x8FFFFFFF  }
0x98: {  	s18 =	sld [smem:$0x3FDB];
	_ =	sdelay $0x1  }
0x99: {  	s19 =	simm.s32 $_scs_section_size  }
0x9a: {  	s4 =	simm.s32 $_size__tile_overlayer_lowered;
	s5 =	simm.s32 $_tile_overlayer_lowered  }
0x9b: {  	s22 =	simm.s32 $0x1BFF;
	s21 =	sshll.u32 s5, $0x1;
	s2 =	sadd.s32 s19, s18  }
0x9c: {  	s6 =	simm.s32 $0x0;
	s20 =	sshll.u32 s4, $0x1;
	s4 =	sadd.s32 s21, s2  }
0x9d: {  	[timem:s6], [sflag:s22] =	dma.local [hbm:s4], s20  }
0x9e: {  	_ =	swait.ge [sflag:s22], s20  }
0x9f: {  	s3 =	ssub.s32 $0x0, s20;
	[sflag:s22] =	ssyncset.done $0x0  }
0xa0: {  	[sflag:s22] =	ssyncadd.s32 s3;
	_ =	sdelay $0x1  }
0xa1: {  	s23 =	simm.s32 $0x1B8B  }
0xa2: {  	_ =	swait.ge [sflag:s23], $0x1  }
0xa3: {  	[sflag:s23] =	ssyncset.done $0x0  }
0xa4: {  	s25 =	simm.s32 $0x1B8E;
	s24 =	sld [smem:$0x3FFE];
	[sflag:s23] =	ssyncadd.s32 $0xFFFFFFFF  }
0xa5: {  	s26 =	simm.s32 $execute0_lowered;
	[smem:$0x3FD2] =	sst s25  }
0xa6: {  	s4 =	sshll.u32 s26, $0x1;
	_ =	strace $0x8000004C;
	[dreg:$0x1] =	wrdreg $0xFFFFFFFF  }
0xa7: {  	s28 =	simm.s32 $_size_execute0_lowered;
	s2 =	sadd.s32 s2, s4;
	[dreg:$0x0] =	wrdreg $0x0  }
0xa8: {  	s4 =	sshll.u32 s28, $0x1;
	[dreg:$0x2] =	wrdreg s2  }
0xa9: {  	[dreg:$0x3] =	wrdreg s4  }
0xaa: {  	[dreg:$0x4] =	wrdreg $0xC0  }
0xab: {  	_ =	task [dreg:s6], $0x5FFFF  }
0xac: {  	[dreg:$0x1] =	wrdreg $0xFFFFFFFF  }
0xad: {  	[dreg:$0x0] =	wrdreg $0x60  }
0xae: {  	[dreg:$0x2] =	wrdreg s24  }
0xaf: {  	[dreg:$0x3] =	wrdreg $0x0  }
0xb0: {  	[dreg:$0x4] =	wrdreg $0x28000  }
0xb1: {  	[dreg:$0x5] =	wrdreg $0x9  }
0xb2: {  	_ =	task.clear_ibuf [dreg:s6], $0x6FFFF;
	_ =	strace $0x9000004C  }
0xb3: {  	s29 =	simm.s32 $0x9;
	_ =	strace $0x8000004E  }
0xb4: {  	_ =	swait.ge [sflag:s29], $0x1  }
0xb5: {  	[sflag:s29] =	ssyncadd.s32 $0xFFFFFFFF  }
0xb6: {  	_ =	strace $0x9000004E  }
0xb7: {  	_ =	sfence  }
0xb8: {  	s30 =	sld [smem:$0x0];
	_ =	sdelay $0x2  }
0xb9: {  	s31 =	sshll.u32 s1, $0xD;
	s1 =	sshrl.u32 s1, $0x2  }
0xba: {  	s3 =	sand.u32 $0x4000, s31;
	s1 =	sadd.s32 s1, s30  }
0xbb: {  	s0 =	sor.u32 s3, s0;
	s1 =	sshll.u32 s1, $0x11  }
0xbc: {  	s0 =	sor.u32 s1, s0  }
0xbd: {  	s0 =	sadd.s32 $0x8F2B, s0  }
0xbe: {  	[sflag:s0] =	ssyncadd.remote.s32 $0x1  }
0xbf: {  	_ =	sfence.sel $0xFFFF  }
0xc0: {  	[dreg:$0x0] =	wrdreg $0xFFFFFFFF;
	(pc) =	sbr.abs _section_cstart, $3  }
0xc1: {  	[dreg:$0x1] =	wrdreg $0xFFFFFFFF  }
0xc2: {  	_ =	task.clear_ibuf [dreg:s6], $0x2FFFF;
	_ =	strace $0x9FFFFFFF  }
0xc3: {  	(tm) =	ssettm $0x7FFFFFFF  }
tec
execute0_lowered:
.L_overlay_start_1:
0x0: {  	(tag) =	ssettag $0x1  }
0x1: {  	s0 =	srdreg.scid  }
0x2: {  	s1 =	rddreg [dreg:$0x0];
	s6 =	stileid.u32  }
0x3: {  	s2 =	rddreg [dreg:$0x1];
	s17 =	simm.s32 $0x5;
	s19 =	simm.s32 $0x5000  }
0x4: {  	s21 =	simm.s32 $0xF800;
	s23 =	simm.s32 $0x80;
	s20 =	simm.s32 $0xFB00  }
0x5: {  	s22 =	simm.s32 $0xA800;
	s24 =	simm.s32 $0xFB80;
	s25 =	simm.s32 $0xB000  }
0x6: {  	s28 =	simm.s32 $0x0;
	s0 =	sand.u32 $0x1, s0;
	s12 =	smul.u32 $0x2800, s6  }
0x7: {  	s3 =	sshll.u32 s0, $0x4;
	s26 =	smul.u32 $0x28000, s0;
	s7 =	ssub.s32 $0x2, s0  }
0x8: {  	p0 =	sne.s32 s0, $0x0;
	s4 =	sor.u32 s6, s3;
	s3 =	rddreg [dreg:$0x2]  }
0x9: {  	s30 =	sshrl.u32 s12, $0x3;
	s31 =	sshrl.u32 s7, $0x1;
	s11 =	sadd.s32 s12, s2  }
0xa: {  	s5 =	smul.u32 $0x500, s4;
	s4 =	simm.s32 $0x0;
	s29 =	sadd.s32 s12, s26  }
0xb: {  	s13 =	sadd.s32 s30, s1;
	s15 =	ssub.s32 s7, s31;
	s12 =	sadd.s32 s12, s3  }
0xc: {  	s26 =	simm.s32 $0x4;
	[smem:$0x7FF] =	sst s4;
	s6 =	sadd.s32 $0x24C00, s13  }
0xd: {  	s7 =	sadd.s32 $0x29C00, s13;
	s8 =	sadd.s32 $0x1AC00, s13;
	s15 =	smax.u32 s15, $0x1  }
0xe: {  	_ =	strace $0x8000004D;
	s10 =	sadd.s32 s5, s1;
	s5 =	sshrl.u32 s29, $0x3  }
0xf: {  	s1 =	sadd.s32 s5, s1;
	s5 =	sadd.s32 $0x1FC00, s13;
	s9 =	sadd.s32 $0xBC00, s10  }
0x10: {  	s10 =	sadd.s32 $0x1C00, s10;
	s13 =	sadd.s32 $0x15C00, s13;
	s14 =	sadd.s32 $0x2EC00, s1  }
.LBB2_1:
0x11: {  	s0 =	simm.s32 $0x14800  }
0x12: {  	[tilespmem:s0], [sflag:$0x5] =	stream.linear.gather [hbm4b:s5+s4], $0x2800, $0x38;
	[tilespmem:$0x1C000] =	vst v63  }
0x13: {  	_ =	swait.ge [sflag:s17], $0x2800  }
0x14: {  	[sflag:s17] =	ssyncset.done $0x0  }
0x15: {  	s16 =	simm.s32 $0x17000;
	[sflag:s17] =	ssyncadd.s32 $0xFFFFD800  }
0x16: {  	[tilespmem:s16], [sflag:$0x5] =	stream.linear.gather [hbm4b:s6+s4], $0x2800, $0x38;
	[tilespmem:$0x1C000] =	vst v63  }
0x17: {  	_ =	swait.ge [sflag:s17], $0x2800  }
0x18: {  	[sflag:s17] =	ssyncset.done $0x0  }
0x19: {  	[sflag:s17] =	ssyncadd.s32 $0xFFFFD800  }
0x1a: {  	[tilespmem:s19], [sflag:$0x5] =	stream.linear.gather [hbm4b:s7+s4], $0x2800, $0x38;
	[tilespmem:$0x1C000] =	vst v63  }
0x1b: {  	_ =	swait.ge [sflag:s17], $0x2800  }
0x1c: {  	[sflag:s17] =	ssyncset.done $0x0  }
0x1d: {  	s18 =	simm.s32 $0x19800;
	[sflag:s17] =	ssyncadd.s32 $0xFFFFD800  }
0x1e: {  	[tilespmem:s18], [sflag:$0x5] =	stream.linear.gather [hbm4b:s8+s4], $0x2800, $0x38;
	[tilespmem:$0x1C000] =	vst v63  }
0x1f: {  	_ =	swait.ge [sflag:s17], $0x2800  }
0x20: {  	[sflag:s17] =	ssyncset.done $0x0  }
0x21: {  	[sflag:s17] =	ssyncadd.s32 $0xFFFFD800  }
0x22: {  	[tilespmem:s21], [sflag:$0x5] =	stream.linear.gather [hbm4b:s9+s4], $0x2800, $0x38;
	[tilespmem:$0x1C000] =	vst v63  }
0x23: {  	_ =	swait.ge [sflag:s17], $0x2800  }
0x24: {  	[sflag:s17] =	ssyncset.done $0x0  }
0x25: {  	s31 =	simm.s32 $0x12000;
	[sflag:s17] =	ssyncadd.s32 $0xFFFFD800  }
0x26: {  	[tilespmem:s31], [sflag:$0x5] =	stream.linear.gather [hbm4b:s10+s4], $0x2800, $0x38;
	[tilespmem:$0x1C000] =	vst v63  }
0x27: {  	_ =	swait.ge [sflag:s17], $0x2800  }
0x28: {  	[sflag:s17] =	ssyncset.done $0x0  }
0x29: {  	s29 =	simm.s32 $0x0;
	[sflag:s17] =	ssyncadd.s32 $0xFFFFD800  }
0x2a: {  	v14 =	vld [tilespmem:s29+$0x19800]  }
0x2b: {  	v15 =	vld [tilespmem:s29+$0x19810]  }
0x2c: {  	v16 =	vld [tilespmem:s29+$0x19820]  }
0x2d: {  	v17 =	vld [tilespmem:s29+$0x19830]  }
0x2e: {  	v18 =	vld [tilespmem:s29+$0x19840]  }
0x2f: {  	v19 =	vld [tilespmem:s29+$0x19850]  }
0x30: {  	v20 =	vld [tilespmem:s29+$0x19860]  }
0x31: {  	v22 =	vld [tilespmem:s29+$0x19870]  }
0x32: {  	v23 =	vld [tilespmem:s29+$0x19880]  }
0x33: {  	v24 =	vld [tilespmem:s29+$0x19890]  }
0x34: {  	v25 =	vld [tilespmem:s29+$0x198A0]  }
0x35: {  	v26 =	vld [tilespmem:s29+$0x198B0]  }
0x36: {  	v27 =	vld [tilespmem:s29+$0x198C0]  }
0x37: {  	v28 =	vld [tilespmem:s29+$0x198D0]  }
0x38: {  	v1 =	vld [tilespmem:s29+$0x198E0]  }
0x39: {  	v0 =	vld [tilespmem:s29+$0x198F0]  }
0x3a: {  	v21 =	vld [tilespmem:s29+$0x14800]  }
0x3b: {  	v29 =	vld [tilespmem:s29+$0x17000]  }
0x3c: {  	v30 =	vld [tilespmem:s29+$0x14810]  }
0x3d: {  	v31 =	vld [tilespmem:s29+$0x17010]  }
0x3e: {  	v32 =	vld [tilespmem:s29+$0x14820]  }
0x3f: {  	v33 =	vld [tilespmem:s29+$0x17020]  }
0x40: {  	v34 =	vld [tilespmem:s29+$0x14830]  }
0x41: {  	v35 =	vld [tilespmem:s29+$0x17030]  }
0x42: {  	v36 =	vld [tilespmem:s29+$0x14840]  }
0x43: {  	v37 =	vld [tilespmem:s29+$0x17040]  }
0x44: {  	v38 =	vld [tilespmem:s29+$0x14850]  }
0x45: {  	v39 =	vld [tilespmem:s29+$0x17050]  }
0x46: {  	v40 =	vld [tilespmem:s29+$0x14860]  }
0x47: {  	v41 =	vld [tilespmem:s29+$0x17060]  }
0x48: {  	v42 =	vld [tilespmem:s29+$0x14870]  }
0x49: {  	v43 =	vld [tilespmem:s29+$0x17070]  }
0x4a: {  	v44 =	vld [tilespmem:s29+$0x14880]  }
0x4b: {  	v45 =	vld [tilespmem:s29+$0x17080]  }
0x4c: {  	v46 =	vld [tilespmem:s29+$0x14890]  }
0x4d: {  	v47 =	vld [tilespmem:s29+$0x17090]  }
0x4e: {  	v12 =	vld [tilespmem:s29+$0x148A0]  }
0x4f: {  	v13 =	vld [tilespmem:s29+$0x170A0]  }
0x50: {  	v10 =	vld [tilespmem:s29+$0x148B0]  }
0x51: {  	v11 =	vld [tilespmem:s29+$0x170B0]  }
0x52: {  	v8 =	vld [tilespmem:s29+$0x148C0]  }
0x53: {  	v9 =	vld [tilespmem:s29+$0x170C0]  }
0x54: {  	v6 =	vld [tilespmem:s29+$0x148D0]  }
0x55: {  	v7 =	vld [tilespmem:s29+$0x170D0]  }
0x56: {  	v3 =	vld [tilespmem:s29+$0x148E0]  }
0x57: {  	v5 =	vld [tilespmem:s29+$0x170E0]  }
0x58: {  	v48 =	vld [tilespmem:s29+$0x5000]  }
0x59: {  	v49 =	vld [tilespmem:s29+$0x5010]  }
0x5a: {  	v50 =	vld [tilespmem:s29+$0x5020];
	v14 =	vmul.f32 v14, v14;
	v15 =	vmul.f32 v15, v15  }
0x5b: {  	v2 =	vld [tilespmem:s29+$0x148F0];
	v21 =	vadd.f32 v29, v21;
	v16 =	vmul.f32 v16, v16;
	v51 =	vmul.f32 v17, v17  }
0x5c: {  	v4 =	vld [tilespmem:s29+$0x170F0];
	v30 =	vadd.f32 v31, v30;
	v52 =	vmul.f32 v18, v18;
	v53 =	vmul.f32 v19, v19  }
0x5d: {  	v29 =	vld [tilespmem:s29+$0x5030];
	v18 =	vadd.f32 v33, v32;
	v19 =	vmul.f32 v23, v23;
	v34 =	vadd.f32 v35, v34  }
0x5e: {  	v31 =	vld [tilespmem:s29+$0x5040];
	v17 =	vsub.f32 v21, v48;
	v21 =	vmul.f32 v20, v20;
	v30 =	vsub.f32 v30, v49  }
0x5f: {  	v59 =	vld [tilespmem:s29+$0x5050];
	v20 =	vmul.f32 v22, v22;
	v62 =	vsub.f32 v18, v50;
	v18 =	vmul.f32 v24, v24  }
0x60: {  	v60 =	vld [tilespmem:s29+$0x5060];
	v63 =	vadd.f32 v41, v40;
	v14 =	vmul.f32 v17, v14;
	v15 =	vmul.f32 v30, v15  }
0x61: {  	v61 =	vld [tilespmem:s29+$0x5070];
	v17 =	vmul.f32 v25, v25;
	v25 =	vadd.f32 v37, v36;
	v30 =	vmul.f32 v62, v16  }
0x62: {  	v22 =	vld [tilespmem:s29+$0x5080];
	v16 =	vmul.f32 v26, v26;
	v26 =	vadd.f32 v39, v38;
	v29 =	vsub.f32 v34, v29;
	[tilespmem:s29+$0x5000] =	vst v14  }
0x63: {  	v23 =	vld [tilespmem:s29+$0x5090];
	[tilespmem:s29+$0x5010] =	vst v15;
	v14 =	vmul.f32 v27, v27;
	v27 =	vsub.f32 v25, v31;
	v15 =	vmul.f32 v28, v28  }
0x64: {  	v24 =	vld [tilespmem:s29+$0x50A0];
	v26 =	vsub.f32 v26, v59;
	v28 =	vadd.f32 v43, v42;
	v29 =	vmul.f32 v29, v51  }
0x65: {  	[tilespmem:s29+$0x5020] =	vst v30;
	v25 =	vld [tilespmem:s29+$0x50B0];
	v30 =	vsub.f32 v63, v60;
	v31 =	vmul.f32 v27, v52;
	v27 =	vadd.f32 v45, v44  }
0x66: {  	s30 =	simm.s32 $0x400;
	v32 =	vmul.f32 v26, v53;
	v28 =	vsub.f32 v28, v61;
	v26 =	vld [tilespmem:s29+$0x50C0];
	[tilespmem:s29+$0x5030] =	vst v29;
	v29 =	vadd.f32 v47, v46  }
.LBB2_2:
0x67: {  	p1 =	sne.s32 s30, $0x9C00;
	[tilespmem:s29+$0x5040] =	vst v31;
	v21 =	vmul.f32 v30, v21;
	v22 =	vsub.f32 v27, v22;
	v12 =	vadd.f32 v13, v12;
	v13 =	vld [tilespmem:s29+$0x50D0]  }
0x68: {  	v10 =	vadd.f32 v11, v10;
	[tilespmem:s29+$0x5050] =	vst v32;
	v20 =	vmul.f32 v28, v20;
	v23 =	vsub.f32 v29, v23;
	v11 =	vld [tilespmem:s29+$0x50E0]  }
0x69: {  	s31 =	sshra.s32 s30, $0x2;
	v8 =	vadd.f32 v9, v8;
	[tilespmem:s29+$0x5060] =	vst v21;
	v19 =	vmul.f32 v22, v19;
	v12 =	vsub.f32 v12, v24;
	v9 =	vld [tilespmem:s29+$0x50F0]  }
0x6a: {  	v6 =	vadd.f32 v7, v6;
	v21 =	vld [tilespmem:s31+$0x19800];
	[tilespmem:s29+$0x5070] =	vst v20;
	v18 =	vmul.f32 v23, v18;
	v10 =	vsub.f32 v10, v25  }
0x6b: {  	v3 =	vadd.f32 v5, v3;
	v20 =	vld [tilespmem:s31+$0x19810];
	[tilespmem:s29+$0x5080] =	vst v19;
	v7 =	vmul.f32 v12, v17;
	v8 =	vsub.f32 v8, v26  }
0x6c: {  	v2 =	vadd.f32 v4, v2;
	v17 =	vld [tilespmem:s31+$0x19820];
	[tilespmem:s29+$0x5090] =	vst v18;
	v5 =	vmul.f32 v10, v16;
	v6 =	vsub.f32 v6, v13  }
0x6d: {  	v1 =	vmul.f32 v1, v1;
	v16 =	vld [tilespmem:s31+$0x19830];
	[tilespmem:s29+$0x50A0] =	vst v7;
	v4 =	vmul.f32 v8, v14;
	v3 =	vsub.f32 v3, v11  }
0x6e: {  	v0 =	vmul.f32 v0, v0;
	v14 =	vld [tilespmem:s31+$0x19840];
	[tilespmem:s29+$0x50B0] =	vst v5;
	v5 =	vmul.f32 v6, v15;
	v2 =	vsub.f32 v2, v9  }
0x6f: {  	v15 =	vld [tilespmem:s31+$0x19850];
	[tilespmem:s29+$0x50C0] =	vst v4;
	v1 =	vmul.f32 v3, v1  }
0x70: {  	v18 =	vld [tilespmem:s31+$0x19860];
	[tilespmem:s29+$0x50D0] =	vst v5;
	v0 =	vmul.f32 v2, v0  }
0x71: {  	v19 =	vld [tilespmem:s31+$0x19870];
	[tilespmem:s29+$0x50E0] =	vst v1  }
0x72: {  	v22 =	vld [tilespmem:s31+$0x19880];
	[tilespmem:s29+$0x50F0] =	vst v0;
	s29 =	smov.u32 s31  }
0x73: {  	v23 =	vld [tilespmem:s29+$0x19890]  }
0x74: {  	v24 =	vld [tilespmem:s29+$0x198A0]  }
0x75: {  	v25 =	vld [tilespmem:s29+$0x198B0]  }
0x76: {  	v26 =	vld [tilespmem:s29+$0x198C0]  }
0x77: {  	v27 =	vld [tilespmem:s29+$0x198D0]  }
0x78: {  	v1 =	vld [tilespmem:s29+$0x198E0]  }
0x79: {  	v0 =	vld [tilespmem:s29+$0x198F0]  }
0x7a: {  	v28 =	vld [tilespmem:s29+$0x14800]  }
0x7b: {  	v29 =	vld [tilespmem:s29+$0x17000]  }
0x7c: {  	v30 =	vld [tilespmem:s29+$0x14810]  }
0x7d: {  	v31 =	vld [tilespmem:s29+$0x17010]  }
0x7e: {  	v32 =	vld [tilespmem:s29+$0x14820]  }
0x7f: {  	v33 =	vld [tilespmem:s29+$0x17020]  }
0x80: {  	v34 =	vld [tilespmem:s29+$0x14830]  }
0x81: {  	v35 =	vld [tilespmem:s29+$0x17030]  }
0x82: {  	v36 =	vld [tilespmem:s29+$0x14840]  }
0x83: {  	v37 =	vld [tilespmem:s29+$0x17040]  }
0x84: {  	v38 =	vld [tilespmem:s29+$0x14850]  }
0x85: {  	v39 =	vld [tilespmem:s29+$0x17050]  }
0x86: {  	v40 =	vld [tilespmem:s29+$0x14860]  }
0x87: {  	v41 =	vld [tilespmem:s29+$0x17060]  }
0x88: {  	v42 =	vld [tilespmem:s29+$0x14870]  }
0x89: {  	v43 =	vld [tilespmem:s29+$0x17070]  }
0x8a: {  	v44 =	vld [tilespmem:s29+$0x14880]  }
0x8b: {  	v45 =	vld [tilespmem:s29+$0x17080]  }
0x8c: {  	v46 =	vld [tilespmem:s29+$0x14890]  }
0x8d: {  	v47 =	vld [tilespmem:s29+$0x17090]  }
0x8e: {  	v12 =	vld [tilespmem:s29+$0x148A0]  }
0x8f: {  	v13 =	vld [tilespmem:s29+$0x170A0]  }
0x90: {  	v10 =	vld [tilespmem:s29+$0x148B0]  }
0x91: {  	v11 =	vld [tilespmem:s29+$0x170B0]  }
0x92: {  	v8 =	vld [tilespmem:s29+$0x148C0]  }
0x93: {  	v9 =	vld [tilespmem:s29+$0x170C0]  }
0x94: {  	v6 =	vld [tilespmem:s29+$0x148D0]  }
0x95: {  	v7 =	vld [tilespmem:s29+$0x170D0]  }
0x96: {  	v3 =	vld [tilespmem:s29+$0x148E0]  }
0x97: {  	v5 =	vld [tilespmem:s29+$0x170E0]  }
0x98: {  	v2 =	vld [tilespmem:s29+$0x148F0]  }
0x99: {  	v48 =	vmul.f32 v21, v21;
	v49 =	vmul.f32 v20, v20;
	v4 =	vld [tilespmem:s29+$0x170F0]  }
0x9a: {  	v51 =	vmul.f32 v17, v17;
	v52 =	vmul.f32 v16, v16;
	v50 =	vld [tilespmem:s29+$0x5000]  }
0x9b: {  	v54 =	vmul.f32 v14, v14;
	v55 =	vmul.f32 v15, v15;
	v53 =	vld [tilespmem:s29+$0x5010]  }
0x9c: {  	v21 =	vmul.f32 v18, v18;
	v20 =	vmul.f32 v19, v19;
	v56 =	vld [tilespmem:s29+$0x5020]  }
0x9d: {  	v19 =	vmul.f32 v22, v22;
	v18 =	vmul.f32 v23, v23;
	v14 =	vadd.f32 v29, v28;
	v28 =	vld [tilespmem:s29+$0x5030]  }
0x9e: {  	v17 =	vmul.f32 v24, v24;
	v16 =	vmul.f32 v25, v25;
	v15 =	vadd.f32 v31, v30;
	v23 =	vld [tilespmem:s29+$0x5040]  }
0x9f: {  	v24 =	vadd.f32 v33, v32;
	v22 =	vsub.f32 v14, v50;
	v25 =	vld [tilespmem:s29+$0x5050];
	v14 =	vmul.f32 v26, v26  }
0xa0: {  	v29 =	vadd.f32 v35, v34;
	v26 =	vsub.f32 v15, v53;
	v30 =	vld [tilespmem:s29+$0x5060];
	v15 =	vmul.f32 v27, v27  }
0xa1: {  	v31 =	vadd.f32 v37, v36;
	v27 =	vmul.f32 v22, v48;
	v24 =	vsub.f32 v24, v56;
	v33 =	vld [tilespmem:s29+$0x5070]  }
.Ltmp0:
0xa2: {  	v26 =	vmul.f32 v26, v49;
	v28 =	vsub.f32 v29, v28;
	v29 =	vadd.f32 v39, v38;
	v22 =	vld [tilespmem:s29+$0x5080];
	(pc) =	sbr.rel @p1 .LBB2_2-.Ltmp0, $4  }
0xa3: {  	v32 =	vadd.f32 v41, v40;
	[tilespmem:s29+$0x5000] =	vst v27;
	v27 =	vmul.f32 v24, v51;
	v31 =	vsub.f32 v31, v23;
	v23 =	vld [tilespmem:s29+$0x5090]  }
0xa4: {  	[tilespmem:s29+$0x5010] =	vst v26;
	v26 =	vmul.f32 v28, v52;
	v28 =	vsub.f32 v29, v25;
	v29 =	vadd.f32 v43, v42;
	v24 =	vld [tilespmem:s29+$0x50A0]  }
0xa5: {  	[tilespmem:s29+$0x5020] =	vst v27;
	v31 =	vmul.f32 v31, v54;
	v30 =	vsub.f32 v32, v30;
	v27 =	vadd.f32 v45, v44;
	v25 =	vld [tilespmem:s29+$0x50B0]  }
0xa6: {  	s30 =	sadd.s32 $0x400, s30;
	[tilespmem:s29+$0x5030] =	vst v26;
	v32 =	vmul.f32 v28, v55;
	v28 =	vsub.f32 v29, v33;
	v29 =	vadd.f32 v47, v46;
	v26 =	vld [tilespmem:s29+$0x50C0]  }
0xa7: {  	[tilespmem:s29+$0x5040] =	vst v31;
	v56 =	vld [tilespmem:s29+$0x50D0];
	v21 =	vmul.f32 v30, v21;
	v22 =	vsub.f32 v27, v22;
	v12 =	vadd.f32 v13, v12  }
0xa8: {  	v57 =	vld [tilespmem:s29+$0x50E0];
	v10 =	vadd.f32 v11, v10;
	[tilespmem:s29+$0x5050] =	vst v32;
	v20 =	vmul.f32 v28, v20;
	v23 =	vsub.f32 v29, v23  }
0xa9: {  	v8 =	vadd.f32 v9, v8;
	v59 =	vld [tilespmem:s29+$0x50F0];
	[tilespmem:s29+$0x5060] =	vst v21;
	v58 =	vmul.f32 v22, v19;
	v12 =	vsub.f32 v12, v24  }
0xaa: {  	v6 =	vadd.f32 v7, v6;
	[tilespmem:s29+$0x5070] =	vst v20;
	v18 =	vmul.f32 v23, v18;
	v10 =	vsub.f32 v10, v25  }
0xab: {  	v3 =	vadd.f32 v5, v3;
	[tilespmem:s29+$0x5080] =	vst v58;
	v60 =	vmul.f32 v12, v17;
	v8 =	vsub.f32 v8, v26  }
0xac: {  	v2 =	vadd.f32 v4, v2;
	[tilespmem:s29+$0x5090] =	vst v18;
	v61 =	vmul.f32 v10, v16;
	v6 =	vsub.f32 v6, v56  }
0xad: {  	v1 =	vmul.f32 v1, v1;
	v3 =	vsub.f32 v3, v57;
	[tilespmem:s29+$0x50A0] =	vst v60;
	v62 =	vmul.f32 v8, v14  }
0xae: {  	v0 =	vmul.f32 v0, v0;
	v2 =	vsub.f32 v2, v59;
	[tilespmem:s29+$0x50B0] =	vst v61;
	v63 =	vmul.f32 v6, v15  }
0xaf: {  	v1 =	vmul.f32 v3, v1;
	[tilespmem:s29+$0x50C0] =	vst v62  }
0xb0: {  	v0 =	vmul.f32 v2, v0;
	[tilespmem:s29+$0x50D0] =	vst v63  }
0xb1: {  	[tilespmem:s29+$0x50E0] =	vst v1  }
0xb2: {  	[tilespmem:s29+$0x50F0] =	vst v0  }
0xb3: {  	[spmem:s11] =	stream.linear.scatter [tilespmem:s19], [sflag:$0x5], $0x2800, $0x38;
	[tilespmem:$0x1C000] =	vst v63  }
0xb4: {  	_ =	swait.ge [sflag:s17], $0x2800  }
0xb5: {  	[sflag:s17] =	ssyncset.done $0x0  }
0xb6: {  	[sflag:s17] =	ssyncadd.s32 $0xFFFFD800  }
0xb7: {  	[spmem:s12] =	stream.linear.scatter [tilespmem:s19], [sflag:$0x5], $0x2800, $0x38;
	[tilespmem:$0x1C000] =	vst v63  }
0xb8: {  	_ =	swait.ge [sflag:s17], $0x2800  }
0xb9: {  	[sflag:s17] =	ssyncset.done $0x0  }
0xba: {  	s30 =	simm.s32 @!p0 $0x5000;
	s29 =	simm.s32 @!p0 $0x0;
	[sflag:s17] =	ssyncadd.s32 $0xFFFFD800  }
0xbb: {  	[hbm4b:s13+s29] =	stream.linear.scatter @!p0 [tilespmem:s30], [sflag:$0x5], $0x2800, $0x38;
	[tilespmem:$0x1C000] =	vst v63  }
0xbc: {  	s29 =	simm.s32 @!p0 $0x5  }
0xbd: {  	_ =	swait.ge @!p0 [sflag:s29], $0x2800  }
0xbe: {  	[sflag:s29] =	ssyncset.done @!p0 $0x0  }
0xbf: {  	[sflag:s29] =	ssyncadd.s32 @!p0 $0xFFFFD800  }
0xc0: {  	s0 =	simm.s32 $0x7800;
	[bflag:$0x0] =	sbarrier.arrive $0xFFFF  }
0xc1: {  	[tilespmem:s0], [sflag:$0x1] =	stream.indirect.gather [spmem:s3], $0x10, s21, s23, $0xb8;
	[tilespmem:$0x1C000] =	vst v63  }
0xc2: {  	s31 =	simm.s32 $0xF880;
	s1 =	simm.s32 $0x8000  }
0xc3: {  	[tilespmem:s1], [sflag:$0x1] =	stream.indirect.gather [spmem:s3], $0x10, s31, s23, $0xb8;
	[tilespmem:$0x1C000] =	vst v63  }
0xc4: {  	s16 =	simm.s32 $0x8800;
	s1 =	simm.s32 $0xF900  }
0xc5: {  	[tilespmem:s16], [sflag:$0x1] =	stream.indirect.gather [spmem:s3], $0x10, s1, s23, $0xb8;
	[tilespmem:$0x1C000] =	vst v63  }
0xc6: {  	s18 =	simm.s32 $0xF980;
	s31 =	simm.s32 $0x9000  }
0xc7: {  	[tilespmem:s31], [sflag:$0x1] =	stream.indirect.gather [spmem:s3], $0x10, s18, s23, $0xb8;
	[tilespmem:$0x1C000] =	vst v63  }
0xc8: {  	s1 =	simm.s32 $0xFA00;
	s16 =	simm.s32 $0x9800  }
0xc9: {  	[tilespmem:s16], [sflag:$0x1] =	stream.indirect.gather [spmem:s3], $0x10, s1, s23, $0xb8;
	[tilespmem:$0x1C000] =	vst v63  }
0xca: {  	s18 =	simm.s32 $0xFA80;
	s31 =	simm.s32 $0xA000  }
0xcb: {  	[tilespmem:s31], [sflag:$0x1] =	stream.indirect.gather [spmem:s3], $0x10, s18, s23, $0xb8;
	[tilespmem:$0x1C000] =	vst v63  }
0xcc: {  	_ = 	snop  }
0xcd: {  	[tilespmem:s22], [sflag:$0x1] =	stream.indirect.gather [spmem:s3], $0x10, s20, s23, $0xb8;
	[tilespmem:$0x1C000] =	vst v63  }
0xce: {  	s30 =	simm.s32 $0x1;
	s29 =	simm.s32 $0x0  }
0xcf: {  	[tilespmem:s25], [sflag:$0x1] =	stream.indirect.gather [spmem:s3], $0x10, s24, s23, $0xb8;
	[tilespmem:$0x1C000] =	vst v63  }
.LBB2_4:
0xd0: {  	s31 =	sand.u32 $0x1, s30;
	p1 =	seq.s32 s29, $0x0  }
0xd1: {  	s1 =	sadd.s32 @!p1 $0x3, s31  }
0xd2: {  	_ =	swait.ge @!p1 [sflag:s1], $0x800  }
0xd3: {  	[sflag:s1] =	ssyncset.done @!p1 $0x0  }
0xd4: {  	[sflag:s1] =	ssyncadd.s32 @!p1 $0xFFFFF800  }
0xd5: {  	_ =	swait.ge @!p1 [sflag:s1], $0x800  }
0xd6: {  	[sflag:s1] =	ssyncset.done @!p1 $0x0  }
0xd7: {  	[sflag:s1] =	ssyncadd.s32 @!p1 $0xFFFFF800  }
0xd8: {  	_ =	swait.ge @!p1 [sflag:s1], $0x800  }
0xd9: {  	[sflag:s1] =	ssyncset.done @!p1 $0x0  }
0xda: {  	[sflag:s1] =	ssyncadd.s32 @!p1 $0xFFFFF800  }
0xdb: {  	_ =	swait.ge @!p1 [sflag:s1], $0x800  }
0xdc: {  	[sflag:s1] =	ssyncset.done @!p1 $0x0  }
0xdd: {  	[sflag:s1] =	ssyncadd.s32 @!p1 $0xFFFFF800  }
0xde: {  	_ =	swait.ge @!p1 [sflag:s1], $0x800  }
0xdf: {  	[sflag:s1] =	ssyncset.done @!p1 $0x0  }
0xe0: {  	[sflag:s1] =	ssyncadd.s32 @!p1 $0xFFFFF800  }
0xe1: {  	_ =	swait.ge @!p1 [sflag:s1], $0x800  }
0xe2: {  	[sflag:s1] =	ssyncset.done @!p1 $0x0  }
0xe3: {  	[sflag:s1] =	ssyncadd.s32 @!p1 $0xFFFFF800  }
0xe4: {  	_ =	swait.ge @!p1 [sflag:s1], $0x800  }
0xe5: {  	[sflag:s1] =	ssyncset.done @!p1 $0x0  }
0xe6: {  	[sflag:s1] =	ssyncadd.s32 @!p1 $0xFFFFF800  }
0xe7: {  	p2 =	seq.s32 @!p1 s29, $0x9000;
	_ =	swait.ge @!p1 [sflag:s1], $0x800  }
0xe8: {  	p2 =	por p1, !p2;
	[sflag:s1] =	ssyncset.done @!p1 $0x0  }
0xe9: {  	s0 =	sshra.s32 @p2 s29, $0x2;
	[sflag:s1] =	ssyncadd.s32 @!p1 $0xFFFFF800;
	s1 =	sshll.u32 @p2 s31, $0xE  }
0xea: {  	s18 =	sadd.s32 @p2 $0xFC00, s0;
	s31 =	sadd.s32 @p2 $0x1, s31;
	s16 =	sadd.s32 @p2 $0x7800, s1  }
0xeb: {  	[tilespmem:s16], [sflag:s31] =	stream.indirect.gather @p2 [spmem:s3], $0x10, s18, s23, $0xb8;
	[tilespmem:$0x1C000] =	vst v63  }
0xec: {  	s16 =	sor.u32 @p2 $0x8000, s1;
	s18 =	sadd.s32 @p2 $0xFC80, s0  }
0xed: {  	[tilespmem:s16], [sflag:s31] =	stream.indirect.gather @p2 [spmem:s3], $0x10, s18, s23, $0xb8;
	[tilespmem:$0x1C000] =	vst v63  }
0xee: {  	s16 =	sor.u32 @p2 $0x8800, s1;
	s18 =	sadd.s32 @p2 $0xFD00, s0  }
0xef: {  	[tilespmem:s16], [sflag:s31] =	stream.indirect.gather @p2 [spmem:s3], $0x10, s18, s23, $0xb8;
	[tilespmem:$0x1C000] =	vst v63  }
0xf0: {  	s16 =	sor.u32 @p2 $0x9000, s1;
	s18 =	sadd.s32 @p2 $0xFD80, s0  }
0xf1: {  	[tilespmem:s16], [sflag:s31] =	stream.indirect.gather @p2 [spmem:s3], $0x10, s18, s23, $0xb8;
	[tilespmem:$0x1C000] =	vst v63  }
0xf2: {  	s16 =	sor.u32 @p2 $0x9800, s1;
	s18 =	sadd.s32 @p2 $0xFE00, s0  }
0xf3: {  	[tilespmem:s16], [sflag:s31] =	stream.indirect.gather @p2 [spmem:s3], $0x10, s18, s23, $0xb8;
	[tilespmem:$0x1C000] =	vst v63  }
0xf4: {  	s16 =	sor.u32 @p2 $0xA000, s1;
	s18 =	sadd.s32 @p2 $0xFE80, s0  }
0xf5: {  	[tilespmem:s16], [sflag:s31] =	stream.indirect.gather @p2 [spmem:s3], $0x10, s18, s23, $0xb8;
	[tilespmem:$0x1C000] =	vst v63  }
0xf6: {  	s16 =	sor.u32 @p2 $0xA800, s1;
	s18 =	sadd.s32 @p2 $0xFF00, s0  }
0xf7: {  	[tilespmem:s16], [sflag:s31] =	stream.indirect.gather @p2 [spmem:s3], $0x10, s18, s23, $0xb8;
	[tilespmem:$0x1C000] =	vst v63  }
0xf8: {  	s1 =	sor.u32 @p2 $0xB000, s1;
	s0 =	sadd.s32 @p2 $0xFF80, s0;
	s16 =	sadd.s32 $0xFFFFFFFF, s30  }
0xf9: {  	[tilespmem:s1], [sflag:s31] =	stream.indirect.gather @p2 [spmem:s3], $0x10, s0, s23, $0xb8;
	[tilespmem:$0x1C000] =	vst v63  }
0xfa: {  	s0 =	sand.u32 $0x1, s16  }
0xfb: {  	s1 =	sadd.s32 $0x1, s0  }
0xfc: {  	_ =	swait.ge [sflag:s1], $0x800  }
0xfd: {  	[sflag:s1] =	ssyncset.done $0x0  }
0xfe: {  	[sflag:s1] =	ssyncadd.s32 $0xFFFFF800  }
0xff: {  	_ =	swait.ge [sflag:s1], $0x800  }
0x100: {  	[sflag:s1] =	ssyncset.done $0x0  }
0x101: {  	[sflag:s1] =	ssyncadd.s32 $0xFFFFF800  }
0x102: {  	_ =	swait.ge [sflag:s1], $0x800  }
0x103: {  	[sflag:s1] =	ssyncset.done $0x0  }
0x104: {  	[sflag:s1] =	ssyncadd.s32 $0xFFFFF800  }
0x105: {  	_ =	swait.ge [sflag:s1], $0x800  }
0x106: {  	[sflag:s1] =	ssyncset.done $0x0  }
0x107: {  	[sflag:s1] =	ssyncadd.s32 $0xFFFFF800  }
0x108: {  	_ =	swait.ge [sflag:s1], $0x800  }
0x109: {  	[sflag:s1] =	ssyncset.done $0x0  }
0x10a: {  	[sflag:s1] =	ssyncadd.s32 $0xFFFFF800  }
0x10b: {  	_ =	swait.ge [sflag:s1], $0x800  }
0x10c: {  	[sflag:s1] =	ssyncset.done $0x0  }
0x10d: {  	[sflag:s1] =	ssyncadd.s32 $0xFFFFF800  }
0x10e: {  	_ =	swait.ge [sflag:s1], $0x800  }
0x10f: {  	[sflag:s1] =	ssyncset.done $0x0  }
0x110: {  	[sflag:s1] =	ssyncadd.s32 $0xFFFFF800  }
0x111: {  	s31 =	sshra.s32 s29, $0x2;
	_ =	swait.ge [sflag:s1], $0x800  }
0x112: {  	s16 =	sshll.u32 s0, $0xE;
	s0 =	sadd.s32 $0x3, s0;
	[sflag:s1] =	ssyncset.done $0x0  }
0x113: {  	s18 =	sadd.s32 $0x7800, s16;
	[sflag:s1] =	ssyncadd.s32 $0xFFFFF800;
	s1 =	sadd.s32 $0x12000, s31  }
0x114: {  	[spmem:s2] =	stream.indirect.scatter.add.f32 [tilespmem:s18], [sflag:s0], $0x10, s1, s23, $0xb8;
	[tilespmem:$0x1C000] =	vst v63  }
0x115: {  	s1 =	sor.u32 $0x8000, s16;
	s18 =	sadd.s32 $0x12080, s31  }
0x116: {  	[spmem:s2] =	stream.indirect.scatter.add.f32 [tilespmem:s1], [sflag:s0], $0x10, s18, s23, $0xb8;
	[tilespmem:$0x1C000] =	vst v63  }
0x117: {  	s1 =	sor.u32 $0x8800, s16;
	s18 =	sadd.s32 $0x12100, s31  }
0x118: {  	[spmem:s2] =	stream.indirect.scatter.add.f32 [tilespmem:s1], [sflag:s0], $0x10, s18, s23, $0xb8;
	[tilespmem:$0x1C000] =	vst v63  }
0x119: {  	s1 =	sor.u32 $0x9000, s16;
	s18 =	sadd.s32 $0x12180, s31  }
0x11a: {  	[spmem:s2] =	stream.indirect.scatter.add.f32 [tilespmem:s1], [sflag:s0], $0x10, s18, s23, $0xb8;
	[tilespmem:$0x1C000] =	vst v63  }
0x11b: {  	s29 =	sadd.s32 $0x1000, s29;
	s1 =	sor.u32 $0x9800, s16;
	s18 =	sadd.s32 $0x12200, s31  }
0x11c: {  	[spmem:s2] =	stream.indirect.scatter.add.f32 [tilespmem:s1], [sflag:s0], $0x10, s18, s23, $0xb8;
	[tilespmem:$0x1C000] =	vst v63  }
0x11d: {  	p1 =	sne.s32 s29, $0xA000;
	s1 =	sor.u32 $0xA000, s16;
	s18 =	sadd.s32 $0x12280, s31  }
0x11e: {  	[spmem:s2] =	stream.indirect.scatter.add.f32 [tilespmem:s1], [sflag:s0], $0x10, s18, s23, $0xb8;
	[tilespmem:$0x1C000] =	vst v63  }
.Ltmp1:
0x11f: {  	_ = 	snop;
	(pc) =	sbr.rel @p1 .LBB2_4-.Ltmp1, $4  }
0x120: {  	s1 =	sor.u32 $0xA800, s16;
	s18 =	sadd.s32 $0x12300, s31  }
0x121: {  	[spmem:s2] =	stream.indirect.scatter.add.f32 [tilespmem:s1], [sflag:s0], $0x10, s18, s23, $0xb8;
	[tilespmem:$0x1C000] =	vst v63  }
0x122: {  	s30 =	sadd.s32 $0x1, s30;
	s31 =	sadd.s32 $0x12380, s31;
	s18 =	sor.u32 $0xB000, s16  }
0x123: {  	[spmem:s2] =	stream.indirect.scatter.add.f32 [tilespmem:s18], [sflag:s0], $0x10, s31, s23, $0xb8;
	[tilespmem:$0x1C000] =	vst v63  }
0x124: {  	_ =	swait.ge [sflag:s26], $0x800  }
0x125: {  	[sflag:s26] =	ssyncset.done $0x0  }
0x126: {  	[sflag:s26] =	ssyncadd.s32 $0xFFFFF800  }
0x127: {  	_ =	swait.ge [sflag:s26], $0x800  }
0x128: {  	[sflag:s26] =	ssyncset.done $0x0  }
0x129: {  	[sflag:s26] =	ssyncadd.s32 $0xFFFFF800  }
0x12a: {  	_ =	swait.ge [sflag:s26], $0x800  }
0x12b: {  	[sflag:s26] =	ssyncset.done $0x0  }
0x12c: {  	[sflag:s26] =	ssyncadd.s32 $0xFFFFF800  }
0x12d: {  	_ =	swait.ge [sflag:s26], $0x800  }
0x12e: {  	[sflag:s26] =	ssyncset.done $0x0  }
0x12f: {  	[sflag:s26] =	ssyncadd.s32 $0xFFFFF800  }
0x130: {  	_ =	swait.ge [sflag:s26], $0x800  }
0x131: {  	[sflag:s26] =	ssyncset.done $0x0  }
0x132: {  	[sflag:s26] =	ssyncadd.s32 $0xFFFFF800  }
0x133: {  	_ =	swait.ge [sflag:s26], $0x800  }
0x134: {  	[sflag:s26] =	ssyncset.done $0x0  }
0x135: {  	[sflag:s26] =	ssyncadd.s32 $0xFFFFF800  }
0x136: {  	_ =	swait.ge [sflag:s26], $0x800  }
0x137: {  	[sflag:s26] =	ssyncset.done $0x0  }
0x138: {  	[sflag:s26] =	ssyncadd.s32 $0xFFFFF800  }
0x139: {  	_ =	swait.ge [sflag:s26], $0x800  }
0x13a: {  	[sflag:s26] =	ssyncset.done $0x0  }
0x13b: {  	[sflag:s26] =	ssyncadd.s32 $0xFFFFF800  }
0x13c: {  	[bflag:$0x0] =	sbarrier.arrive $0xFFFF  }
0x13d: {  	[tilespmem:s19], [sflag:$0x5] =	stream.linear.gather [spmem:s11], $0x2800, $0x38;
	[tilespmem:$0x1C000] =	vst v63  }
0x13e: {  	s28 =	sadd.s32 $0x1, s28;
	_ =	swait.ge [sflag:s17], $0x2800  }
0x13f: {  	p1 =	sne.s32 s28, s15;
	[sflag:s17] =	ssyncset.done $0x0  }
.Ltmp2:
0x140: {  	[sflag:s17] =	ssyncadd.s32 $0xFFFFD800;
	(pc) =	sbr.rel @p1 .LBB2_1-.Ltmp2, $4  }
0x141: {  	[hbm4b:s14+s4] =	stream.linear.scatter [tilespmem:s19], [sflag:$0x5], $0x2800, $0x38;
	[tilespmem:$0x1C000] =	vst v63  }
0x142: {  	_ =	swait.ge [sflag:s17], $0x2800  }
0x143: {  	[sflag:s17] =	ssyncset.done $0x0  }
0x144: {  	[sflag:s17] =	ssyncadd.s32 $0xFFFFD800  }
0x145: {  	_ =	sfence.sel $0x180000  }
0x146: {  	[bflag:$0x0] =	sbarrier.arrive $0xFFFF  }
0x147: {  	_ =	strace $0x9000004D  }
0x148: {  	s0 =	stileid.u32;
	[bflag:$0x2] =	sbarrier.arrive $0xFFFF  }
0x149: {  	p0 =	sne.s32 s0, $0x0;
	s0 =	rddreg [dreg:$0x3]  }
0x14a: {  	s0 =	sadd.s32 @!p0 $0x100000, s0  }
0x14b: {  	[sflag:s0] =	ssyncadd.tile.s32 @!p0 $0x1;
	_ =	shalt  }
.Lfunc_end2:
_tile_overlayer_lowered:
.L_overlay_start_2:
0x14c: {  	(tag) =	ssettag $0x2  }
0x14d: {  	s0 =	rddreg [dreg:$0x0];
	s2 =	stileid.u32  }
0x14e: {  	s1 =	rddreg [dreg:$0x1];
	p0 =	sne.s32 s2, $0x0  }
0x14f: {  	s3 =	rddreg [dreg:$0x2];
	[bflag:$0x3] =	sbarrier.arrive $0xFFFF;
	s2 =	simm.s32 @!p0 $0x1C05  }
0x150: {  	[timem:s3], [sflag:s2] =	dma.local @!p0 [hbm:s0], s1  }
0x151: {  	s0 =	simm.s32 @!p0 $0x5  }
0x152: {  	_ =	swait.ge @!p0 [sflag:s0], s1  }
0x153: {  	s1 =	ssub.s32 @!p0 $0x0, s1;
	[sflag:s0] =	ssyncset.done @!p0 $0x0  }
0x154: {  	[sflag:s0] =	ssyncadd.s32 @!p0 s1  }
0x155: {  	[bflag:$0x3] =	sbarrier.arrive $0xFFFF  }
0x156: {  	_ =	shalt  }

// kernel: kernel.8.cloned.1.call-start
scs
__scs_entry_jumppad:
0x0: {  	(pc) =	sbr.rel $0x88, $3  }
0x1: {  	(tag) =	ssettag $0x0;
	lr =	simm.s32 $0x1  }
0x2: {  	[smem:$0x3F9D] =	sst lr;
	_ =	strace $0xD0000000  }
0x3: {  	_ = 	snop  }
0x4: {  	_ = 	snop  }
0x5: {  	_ = 	snop  }
0x6: {  	_ = 	snop  }
0x7: {  	_ = 	snop  }
__scs_overlays_trampoline_lowered:
0x8: {  	[smem:$0x3FAC] =	sst s0  }
0x9: {  	[smem:$0x3FAD] =	sst s1  }
0xa: {  	[smem:$0x3FAE] =	sst s2  }
0xb: {  	[smem:$0x3FAF] =	sst s3  }
0xc: {  	[smem:$0x3FB0] =	sst s4  }
0xd: {  	[smem:$0x3FB1] =	sst s5  }
0xe: {  	[smem:$0x3FB2] =	sst s6  }
0xf: {  	[smem:$0x3FB3] =	sst s7  }
0x10: {  	[smem:$0x3FB4] =	sst s8  }
0x11: {  	[smem:$0x3FB5] =	sst s9;
	s0 =	simm.s32 @!p0 $0x0  }
0x12: {  	s1 =	sld [smem:$0x3F9B];
	s0 =	simm.s32 @p0 $0x1  }
0x13: {  	[smem:$0x3FB6] =	sst s0;
	s0 =	simm.s32 @!p1 $0x0  }
0x14: {  	s2 =	sld [smem:$0x3F9A];
	s0 =	simm.s32 @p1 $0x1  }
0x15: {  	[smem:$0x3FB7] =	sst s0;
	s0 =	simm.s32 @!p2 $0x0  }
0x16: {  	s3 =	sld [smem:$0x3FDB];
	s0 =	simm.s32 @p2 $0x1  }
0x17: {  	s4 =	simm.s32 $0x1BF5;
	[smem:$0x3FB9] =	sst s0  }
0x18: {  	s0 =	sld [smem:$0x3F9C];
	_ =	swait.ge [sflag:s4], $0x0  }
0x19: {  	s7 =	sld [smem:$0x3F9D]  }
0x1a: {  	s8 =	sadd.s32 $0xFFFFE003, lr  }
0x1b: {  	s9 =	sadd.s32 $0xFFFFFEF7, lr;
	s5 =	simm.s32 $0xFFFFFFFF;
	p2 =	slt.u32 s8, $0xFFFFF086  }
0x1c: {  	p1 =	slt.u32 s9, $0xF7A;
	s5 =	simm.s32 @!p2 $0x0  }
0x1d: {  	s5 =	simm.s32 @p1 $0x1;
	p0 =	seq.s32 s7, s2  }
0x1e: {  	s7 =	smul.u32 @!p0 $0xF7A, s2;
	p2 =	seq.s32 @!p0 s5, $0x0  }
0x1f: {  	s9 =	smul.u32 $0xF7A, s1;
	s8 =	simm.s32 @!p0 $0x1BF5;
	p2 =	por !p2, p0  }
0x20: {  	[sflag:s8] =	ssyncset.s32 @!p0 $0xFFFFF086;
	s6 =	sadd.s32 @!p0 s3, s7;
	s7 =	simm.s32 @!p0 $0x108  }
0x21: {  	s3 =	sadd.s32 s3, s9;
	s6 =	sadd.s32 @!p0 $0x88, s6;
	s7 =	simm.s32 @p2 $0x1082  }
0x22: {  	[simem:s7], [sflag:s8] =	dma.local @!p0 [hbm:s6], $0xF7A  }
0x23: {  	s9 =	sor.u32 $0xD0000000, s2;
	s6 =	simm.s32 $0x108;
	_ =	swait.ge @!p0 [sflag:s8], $0x0  }
0x24: {  	s3 =	sadd.s32 $0x88, s3;
	s6 =	simm.s32 @!p1 $0x1082;
	[sflag:s4] =	ssyncset.s32 $0xFFFFF086  }
0x25: {  	[simem:s6], [sflag:s4] =	dma.local [hbm:s3], $0xF7A  }
0x26: {  	[smem:$0x3F9D] =	sst s1;
	(tag) =	ssettag s2;
	_ =	strace s9  }
0x27: {  	s1 =	sld [smem:$0x3FAD]  }
0x28: {  	s2 =	sld [smem:$0x3FAE]  }
0x29: {  	s4 =	sld [smem:$0x3FB0]  }
0x2a: {  	p0 =	seq.s32 s5, $0x0;
	s5 =	sld [smem:$0x3FB1]  }
0x2b: {  	s6 =	sld [smem:$0x3FB2]  }
0x2c: {  	s7 =	sld [smem:$0x3FB3]  }
0x2d: {  	s3 =	simm.s32 $0x108;
	s8 =	sld [smem:$0x3FB4]  }
0x2e: {  	s3 =	simm.s32 @!p0 $0x1082;
	s9 =	sld [smem:$0x3FB5]  }
0x2f: {  	lr =	sadd.s32 s0, s3;
	s0 =	sld [smem:$0x3FAC]  }
0x30: {  	s3 =	sld [smem:$0x3FAF]  }
0x31: {  	[smem:$0x3FB8] =	sst s10  }
0x32: {  	s10 =	sld [smem:$0x3FB6];
	_ =	sdelay $0x3  }
0x33: {  	p0 =	seq.s32 s10, $0x1;
	s10 =	sld [smem:$0x3FB8];
	_ =	sdelay $0x3  }
0x34: {  	[smem:$0x3FB8] =	sst s10  }
0x35: {  	s10 =	sld [smem:$0x3FB7];
	_ =	sdelay $0x3  }
0x36: {  	p1 =	seq.s32 s10, $0x1;
	s10 =	sld [smem:$0x3FB8];
	_ =	sdelay $0x3  }
0x37: {  	[smem:$0x3FB8] =	sst s10  }
0x38: {  	s10 =	sld [smem:$0x3FB9]  }
0x39: {  	_ = 	snop;
	(pc) =	sbr.ind lr, $3  }
0x3a: {  	_ = 	snop  }
0x3b: {  	_ = 	snop  }
0x3c: {  	p2 =	seq.s32 s10, $0x1;
	s10 =	sld [smem:$0x3FB8]  }
0x3d: {  	_ =	shalt  }
0x3e: {  	_ =	shalt  }
0x3f: {  	_ =	shalt  }
0x40: {  	_ =	shalt  }
0x41: {  	_ =	shalt  }
0x42: {  	_ =	shalt  }
0x43: {  	_ =	shalt  }
0x44: {  	_ =	shalt  }
0x45: {  	_ =	shalt  }
0x46: {  	_ =	shalt  }
0x47: {  	_ =	shalt  }
0x48: {  	_ =	shalt  }
0x49: {  	_ =	shalt  }
0x4a: {  	_ =	shalt  }
0x4b: {  	_ =	shalt  }
0x4c: {  	_ =	shalt  }
0x4d: {  	_ =	shalt  }
0x4e: {  	_ =	shalt  }
0x4f: {  	_ =	shalt  }
0x50: {  	_ =	shalt  }
0x51: {  	_ =	shalt  }
0x52: {  	_ =	shalt  }
0x53: {  	_ =	shalt  }
0x54: {  	_ =	shalt  }
0x55: {  	_ =	shalt  }
0x56: {  	_ =	shalt  }
0x57: {  	_ =	shalt  }
0x58: {  	_ =	shalt  }
0x59: {  	_ =	shalt  }
0x5a: {  	_ =	shalt  }
0x5b: {  	_ =	shalt  }
0x5c: {  	_ =	shalt  }
0x5d: {  	_ =	shalt  }
0x5e: {  	_ =	shalt  }
0x5f: {  	_ =	shalt  }
0x60: {  	_ =	shalt  }
0x61: {  	_ =	shalt  }
0x62: {  	_ =	shalt  }
0x63: {  	_ =	shalt  }
0x64: {  	_ =	shalt  }
0x65: {  	_ =	shalt  }
0x66: {  	_ =	shalt  }
0x67: {  	_ =	shalt  }
0x68: {  	_ =	shalt  }
0x69: {  	_ =	shalt  }
0x6a: {  	_ =	shalt  }
0x6b: {  	_ =	shalt  }
0x6c: {  	_ =	shalt  }
0x6d: {  	_ =	shalt  }
0x6e: {  	_ =	shalt  }
0x6f: {  	_ =	shalt  }
0x70: {  	_ =	shalt  }
0x71: {  	_ =	shalt  }
0x72: {  	_ =	shalt  }
0x73: {  	_ =	shalt  }
0x74: {  	_ =	shalt  }
0x75: {  	_ =	shalt  }
0x76: {  	_ =	shalt  }
0x77: {  	_ =	shalt  }
0x78: {  	_ =	shalt  }
0x79: {  	_ =	shalt  }
0x7a: {  	_ =	shalt  }
0x7b: {  	_ =	shalt  }
0x7c: {  	_ =	shalt  }
0x7d: {  	_ =	shalt  }
0x7e: {  	_ =	shalt  }
0x7f: {  	_ =	shalt  }
0x80: {  	_ =	shalt  }
0x81: {  	_ =	shalt  }
0x82: {  	_ =	shalt  }
0x83: {  	_ =	shalt  }
0x84: {  	_ =	shalt  }
0x85: {  	_ =	shalt  }
0x86: {  	_ =	shalt  }
0x87: {  	_ =	shalt  }
.Lfunc_end0:
.L_simem_size_0:
called_computation_lowered:
.L_overlay_start_0:
0x88: {  	s2 =	sld [smem:$0x3FD9]  }
0x89: {  	s3 =	sld [smem:$0x3FFE];
	_ =	sdelay $0x1  }
0x8a: {  	s1 =	srdreg.scid  }
0x8b: {  	s0 =	sand.u32 $0x1, s1  }
0x8c: {  	s17 =	sshll.u32 s0, $0xA;
	s2 =	sadd.s32 s3, s2  }
0x8d: {  	s2 =	sadd.s32 s2, s17  }
0x8e: {  	[smem:$0x3FC4] =	sst s2  }
0x8f: {  	_ = 	snop  }
0x90: {  	s2 =	sld [smem:$0x3FD0];
	(tm) =	ssettm $0x1  }
0x91: {  	s18 =	sld [smem:$0x3FFB];
	_ =	sdelay $0x3  }
0x92: {  	_ =	strace s18  }
0x93: {  	s3 =	sld [smem:$0x3FFC];
	_ =	sdelay $0x3  }
0x94: {  	_ =	strace s3  }
0x95: {  	s3 =	sld [smem:$0x3FFD];
	_ =	sdelay $0x3  }
0x96: {  	_ =	strace s3  }
0x97: {  	_ =	strace $0x8FFFFFFF  }
0x98: {  	s19 =	sld [smem:$0x3FDB];
	_ =	sdelay $0x1  }
0x99: {  	s4 =	simm.s32 $_scs_section_size  }
0x9a: {  	s5 =	simm.s32 $_size__tile_overlayer_lowered;
	s6 =	simm.s32 $_tile_overlayer_lowered  }
0x9b: {  	s22 =	simm.s32 $0x1BFF;
	s21 =	sshll.u32 s6, $0x1;
	s3 =	sadd.s32 s4, s19  }
0x9c: {  	s7 =	simm.s32 $0x0;
	s20 =	sshll.u32 s5, $0x1;
	s5 =	sadd.s32 s21, s3  }
0x9d: {  	[timem:s7], [sflag:s22] =	dma.local [hbm:s5], s20  }
0x9e: {  	_ =	swait.ge [sflag:s22], s20  }
0x9f: {  	s4 =	ssub.s32 $0x0, s20;
	[sflag:s22] =	ssyncset.done $0x0  }
0xa0: {  	[sflag:s22] =	ssyncadd.s32 s4;
	_ =	sdelay $0x1  }
0xa1: {  	s23 =	simm.s32 $0x1B8B  }
0xa2: {  	_ =	swait.ge [sflag:s23], $0x1  }
0xa3: {  	[sflag:s23] =	ssyncset.done $0x0  }
0xa4: {  	s25 =	simm.s32 $0x1B8E;
	s24 =	sld [smem:$0x3FFE];
	[sflag:s23] =	ssyncadd.s32 $0xFFFFFFFF  }
0xa5: {  	s26 =	simm.s32 $execute0_lowered;
	[smem:$0x3FD2] =	sst s25  }
0xa6: {  	s5 =	sshll.u32 s26, $0x1;
	_ =	strace $0x80000046;
	[dreg:$0x1] =	wrdreg $0xFFFFFFFF  }
0xa7: {  	s28 =	simm.s32 $_size_execute0_lowered;
	s3 =	sadd.s32 s3, s5;
	[dreg:$0x0] =	wrdreg $0x0  }
0xa8: {  	s5 =	sshll.u32 s28, $0x1;
	[dreg:$0x2] =	wrdreg s3  }
0xa9: {  	[dreg:$0x3] =	wrdreg s5  }
0xaa: {  	[dreg:$0x4] =	wrdreg $0xC0  }
0xab: {  	_ =	task [dreg:s7], $0x5FFFF  }
0xac: {  	[dreg:$0x1] =	wrdreg $0xFFFFFFFF  }
0xad: {  	[dreg:$0x0] =	wrdreg $0x60  }
0xae: {  	[dreg:$0x2] =	wrdreg s24  }
0xaf: {  	[dreg:$0x3] =	wrdreg s2  }
0xb0: {  	[dreg:$0x4] =	wrdreg $0x0  }
0xb1: {  	[dreg:$0x5] =	wrdreg $0x9  }
0xb2: {  	_ =	task.clear_ibuf [dreg:s7], $0x6FFFF;
	_ =	strace $0x90000046  }
0xb3: {  	s29 =	simm.s32 $0x9;
	_ =	strace $0x80000048  }
0xb4: {  	_ =	swait.ge [sflag:s29], $0x1  }
0xb5: {  	[sflag:s29] =	ssyncadd.s32 $0xFFFFFFFF  }
0xb6: {  	_ =	strace $0x90000048  }
0xb7: {  	_ =	sfence  }
0xb8: {  	s30 =	sld [smem:$0x0];
	_ =	sdelay $0x2  }
0xb9: {  	s31 =	sshll.u32 s1, $0xD;
	s1 =	sshrl.u32 s1, $0x2  }
0xba: {  	s3 =	sand.u32 $0x4000, s31;
	s1 =	sadd.s32 s1, s30  }
0xbb: {  	s0 =	sor.u32 s3, s0;
	s1 =	sshll.u32 s1, $0x11  }
0xbc: {  	s0 =	sor.u32 s1, s0  }
0xbd: {  	s0 =	sadd.s32 $0x8F2B, s0  }
0xbe: {  	[sflag:s0] =	ssyncadd.remote.s32 $0x1  }
0xbf: {  	_ =	sfence.sel $0xFFFF  }
0xc0: {  	[dreg:$0x0] =	wrdreg $0xFFFFFFFF;
	(pc) =	sbr.abs _section_cstart, $3  }
0xc1: {  	[dreg:$0x1] =	wrdreg $0xFFFFFFFF  }
0xc2: {  	_ =	task.clear_ibuf [dreg:s7], $0x2FFFF;
	_ =	strace $0x9FFFFFFF  }
0xc3: {  	(tm) =	ssettm $0x7FFFFFFF  }
tec
execute0_lowered:
.L_overlay_start_1:
0x0: {  	(tag) =	ssettag $0x1  }
0x1: {  	s5 =	rddreg [dreg:$0x0]  }
0x2: {  	s6 =	rddreg [dreg:$0x1]  }
0x3: {  	s0 =	srdreg.scid;
	s2 =	rddreg [dreg:$0x2]  }
0x4: {  	s3 =	simm.s32 $0x0;
	s10 =	simm.s32 $0x280;
	s11 =	simm.s32 $0x80  }
0x5: {  	s12 =	simm.s32 $0x2A80;
	s4 =	sand.u32 $0x1, s0;
	s0 =	stileid.u32  }
0x6: {  	s13 =	simm.s32 $0x0;
	s1 =	sshll.u32 s4, $0x4;
	s8 =	smul.u32 $0x280, s0  }
0x7: {  	s9 =	smul.u32 $0x2800, s4;
	s4 =	ssub.s32 $0x2, s4;
	s1 =	sor.u32 s0, s1  }
0x8: {  	[smem:$0x7FF] =	sst s3;
	s30 =	sshrl.u32 s4, $0x1;
	s7 =	smul.u32 $0x500, s1  }
0x9: {  	s1 =	rddreg [dreg:$0x3];
	_ =	strace $0x80000047;
	s9 =	sadd.s32 s8, s9  }
0xa: {  	s31 =	sshrl.u32 s9, $0x3;
	s9 =	simm.s32 $0x1;
	s5 =	sadd.s32 s7, s5  }
0xb: {  	s7 =	ssub.s32 s4, s30;
	s4 =	sadd.s32 s8, s2;
	s6 =	sadd.s32 s6, s31  }
0xc: {  	v0 =	vimm.f32 $0.0e+00;
	v1 =	vimm.f32 $1.000000000e+00;
	s8 =	simm.s32 $0x2B00;
	s5 =	sadd.s32 $0x1C00, s5;
	s7 =	smax.u32 s7, $0x1  }
.LBB2_1:
0xd: {  	[tilespmem:$0x2B00] =	vst v0  }
0xe: {  	[tilespmem:$0x2B10] =	vst v0  }
0xf: {  	[tilespmem:$0x2B20] =	vst v0  }
0x10: {  	[tilespmem:$0x2B30] =	vst v0  }
0x11: {  	[tilespmem:$0x2B40] =	vst v0  }
0x12: {  	[tilespmem:$0x2B50] =	vst v0  }
0x13: {  	[tilespmem:$0x2B60] =	vst v0  }
0x14: {  	[tilespmem:$0x2B70] =	vst v0  }
0x15: {  	[tilespmem:$0x2B80] =	vst v0  }
0x16: {  	[tilespmem:$0x2B90] =	vst v0  }
0x17: {  	[tilespmem:$0x2BA0] =	vst v0  }
0x18: {  	[tilespmem:$0x2BB0] =	vst v0  }
0x19: {  	[tilespmem:$0x2BC0] =	vst v0  }
0x1a: {  	[tilespmem:$0x2BD0] =	vst v0  }
0x1b: {  	[tilespmem:$0x2BE0] =	vst v0  }
0x1c: {  	[tilespmem:$0x2BF0] =	vst v0  }
0x1d: {  	[tilespmem:$0x2C00] =	vst v0  }
0x1e: {  	[tilespmem:$0x2C10] =	vst v0  }
0x1f: {  	[tilespmem:$0x2C20] =	vst v0  }
0x20: {  	[tilespmem:$0x2C30] =	vst v0  }
0x21: {  	[tilespmem:$0x2C40] =	vst v0  }
0x22: {  	[tilespmem:$0x2C50] =	vst v0  }
0x23: {  	[tilespmem:$0x2C60] =	vst v0  }
0x24: {  	[tilespmem:$0x2C70] =	vst v0  }
0x25: {  	[tilespmem:$0x2C80] =	vst v0  }
0x26: {  	[tilespmem:$0x2C90] =	vst v0  }
0x27: {  	[tilespmem:$0x2CA0] =	vst v0  }
0x28: {  	[tilespmem:$0x2CB0] =	vst v0  }
0x29: {  	[tilespmem:$0x2CC0] =	vst v0  }
0x2a: {  	[tilespmem:$0x2CD0] =	vst v0  }
0x2b: {  	[tilespmem:$0x2CE0] =	vst v0  }
0x2c: {  	[tilespmem:$0x2CF0] =	vst v0  }
0x2d: {  	[tilespmem:$0x2D00] =	vst v0  }
0x2e: {  	[tilespmem:$0x2D10] =	vst v0  }
0x2f: {  	[tilespmem:$0x2D20] =	vst v0  }
0x30: {  	[tilespmem:$0x2D30] =	vst v0  }
0x31: {  	[tilespmem:$0x2D40] =	vst v0  }
0x32: {  	[tilespmem:$0x2D50] =	vst v0  }
0x33: {  	[tilespmem:$0x2D60] =	vst v0  }
0x34: {  	[tilespmem:$0x2D70] =	vst v0  }
0x35: {  	[tilespmem:$0x2A80] =	vst v1  }
0x36: {  	[tilespmem:$0x2A90] =	vst v1  }
0x37: {  	[tilespmem:$0x2AA0] =	vst v1  }
0x38: {  	[tilespmem:$0x2AB0] =	vst v1  }
0x39: {  	[tilespmem:$0x2AC0] =	vst v1  }
0x3a: {  	[tilespmem:$0x2AD0] =	vst v1  }
0x3b: {  	[tilespmem:$0x2AE0] =	vst v1  }
0x3c: {  	[tilespmem:$0x2AF0] =	vst v1  }
0x3d: {  	[spmem:s4] =	stream.linear.scatter [tilespmem:s8], [sflag:$0x1], $0x280, $0x38;
	[tilespmem:$0x2D80] =	vst v63  }
0x3e: {  	_ =	swait.ge [sflag:s9], $0x280  }
0x3f: {  	[sflag:s9] =	ssyncset.done $0x0  }
0x40: {  	[sflag:s9] =	ssyncadd.s32 $0xFFFFFD80  }
0x41: {  	[tilespmem:s10], [sflag:$0x1] =	stream.linear.gather [hbm4b:s5+s3], $0x2800, $0x38;
	[tilespmem:$0x2D80] =	vst v63  }
0x42: {  	_ =	swait.ge [sflag:s9], $0x2800  }
0x43: {  	[sflag:s9] =	ssyncset.done $0x0  }
0x44: {  	[sflag:s9] =	ssyncadd.s32 $0xFFFFD800  }
0x45: {  	s14 =	simm.s32 $0x280;
	[bflag:$0x0] =	sbarrier.arrive $0xFFFF  }
0x46: {  	[spmem:s2] =	stream.indirect.scatter.add.f32 [tilespmem:s12], [sflag:$0x1], $0x1, s14, s11, $0xb8;
	[tilespmem:$0x2D80] =	vst v63  }
0x47: {  	s14 =	simm.s32 $0x200;
	_ =	swait.ge [sflag:s9], $0x80  }
.LBB2_2:
0x48: {  	s15 =	sshra.s32 s14, $0x2;
	[sflag:s9] =	ssyncset.done $0x0;
	p0 =	sne.s32 s14, $0x9E00  }
.Ltmp0:
0x49: {  	s15 =	sadd.s32 $0x280, s15;
	[sflag:s9] =	ssyncadd.s32 $0xFFFFFF80;
	(pc) =	sbr.rel @p0 .LBB2_2-.Ltmp0, $3  }
0x4a: {  	[spmem:s2] =	stream.indirect.scatter.add.f32 [tilespmem:s12], [sflag:$0x1], $0x1, s15, s11, $0xb8;
	[tilespmem:$0x2D80] =	vst v63  }
0x4b: {  	s14 =	sadd.s32 $0x200, s14;
	_ =	sdelay $0x1  }
0x4c: {  	_ =	swait.ge [sflag:s9], $0x80  }
0x4d: {  	[sflag:s9] =	ssyncset.done $0x0  }
0x4e: {  	[sflag:s9] =	ssyncadd.s32 $0xFFFFFF80  }
0x4f: {  	[bflag:$0x0] =	sbarrier.arrive $0xFFFF  }
0x50: {  	[tilespmem:s8], [sflag:$0x1] =	stream.linear.gather [spmem:s4], $0x280, $0x38;
	[tilespmem:$0x2D80] =	vst v63  }
0x51: {  	s13 =	sadd.s32 $0x1, s13;
	_ =	swait.ge [sflag:s9], $0x280  }
0x52: {  	p0 =	sne.s32 s13, s7;
	[sflag:s9] =	ssyncset.done $0x0  }
.Ltmp1:
0x53: {  	[sflag:s9] =	ssyncadd.s32 $0xFFFFFD80;
	(pc) =	sbr.rel @p0 .LBB2_1-.Ltmp1, $4  }
0x54: {  	[hbm4b:s6+s3] =	stream.linear.scatter [tilespmem:s8], [sflag:$0x1], $0x280, $0x38;
	[tilespmem:$0x2D80] =	vst v63  }
0x55: {  	_ =	swait.ge [sflag:s9], $0x280  }
0x56: {  	[sflag:s9] =	ssyncset.done $0x0  }
0x57: {  	[sflag:s9] =	ssyncadd.s32 $0xFFFFFD80  }
0x58: {  	_ =	sfence.sel $0x180000  }
0x59: {  	[bflag:$0x0] =	sbarrier.arrive $0xFFFF  }
0x5a: {  	p0 =	sne.s32 s0, $0x0;
	_ =	strace $0x90000047  }
0x5b: {  	s0 =	sadd.s32 @!p0 $0x100000, s1;
	[bflag:$0x2] =	sbarrier.arrive $0xFFFF  }
0x5c: {  	[sflag:s0] =	ssyncadd.tile.s32 @!p0 $0x1;
	_ =	shalt  }
.Lfunc_end2:
_tile_overlayer_lowered:
.L_overlay_start_2:
0x5d: {  	(tag) =	ssettag $0x2  }
0x5e: {  	s0 =	rddreg [dreg:$0x0];
	s2 =	stileid.u32  }
0x5f: {  	s1 =	rddreg [dreg:$0x1];
	p0 =	sne.s32 s2, $0x0  }
0x60: {  	s3 =	rddreg [dreg:$0x2];
	[bflag:$0x3] =	sbarrier.arrive $0xFFFF;
	s2 =	simm.s32 @!p0 $0x1C01  }
0x61: {  	[timem:s3], [sflag:s2] =	dma.local @!p0 [hbm:s0], s1  }
0x62: {  	s0 =	simm.s32 @!p0 $0x1  }
0x63: {  	_ =	swait.ge @!p0 [sflag:s0], s1  }
0x64: {  	s1 =	ssub.s32 @!p0 $0x0, s1;
	[sflag:s0] =	ssyncset.done @!p0 $0x0  }
0x65: {  	[sflag:s0] =	ssyncadd.s32 @!p0 s1  }
0x66: {  	[bflag:$0x3] =	sbarrier.arrive $0xFFFF  }
0x67: {  	_ =	shalt  }

</sc_bundles>
